<compile_context>
chip_gen: v7x
topology: tpu7x:2x2x1
jax: 0.10.2.dev20260603
libtpu: 0.0.44.dev20260713+nightly
codegen_flags: <defaults>
</compile_context>

<pallas_src>
import functools

import jax
import jax.numpy as jnp
from jax import lax
from jax.experimental import pallas as pl
from jax.experimental.pallas import tpu as pltpu
from jax.experimental.pallas import tpu_sc as plsc

N = 10000
E = 320000
D_IN = 128
D_H = 512

NCORE = 2
NSUB = 16
NSLICE = 4
FSL = D_H // NSLICE
PPC = NSLICE // NCORE

EPT = E // NSUB
CH = 128
SB = 8
MSB = 8
MNSB = 20
EPT_PAD = MNSB * MSB * CH

EPW = E // (NCORE * NSUB)
SSB = 10
SCH = SB * SSB
EPW_PAD = SCH * CH

TPT = 640
TROWS = NSUB * TPT

NB = 1000
NBLK = N // NB

_mesh = plsc.VectorSubcoreMesh(core_axis_name="c", subcore_axis_name="s")


@functools.partial(
    pl.kernel,
    out_type=jax.ShapeDtypeStruct((NCORE, NSUB, 1, TPT), jnp.float32),
    mesh=_mesh,
    scratch_types=[
        pltpu.VMEM((SB, CH), jnp.int32),
        pltpu.VMEM((CH,), jnp.float32),
        pltpu.VMEM((TPT,), jnp.float32),
        pltpu.VMEM_SHARED((TROWS,), jnp.float32),
    ],
)
def _count_kernel(dstp_hbm, cnt_hbm, idx_buf, ones_buf, zbuf, acc_sh):
    c = lax.axis_index("c")
    t = lax.axis_index("s")

    for g in range(CH // 16):
        ones_buf[pl.ds(g * 16, 16)] = jnp.full((16,), 1.0, jnp.float32)
    for g in range(TPT // 16):
        zbuf[pl.ds(g * 16, 16)] = jnp.zeros((16,), jnp.float32)

    pltpu.sync_copy(zbuf, acc_sh.at[pl.ds(t * TPT, TPT)])
    wbase = (c * NSUB + t) * SSB
    plsc.subcore_barrier()

    @pl.loop(0, SSB)
    def _(sblk):
        pltpu.sync_copy(dstp_hbm.at[wbase + sblk], idx_buf)
        for j in range(SB):
            pltpu.sync_copy(ones_buf, acc_sh.at[idx_buf.at[j]], add=True)

    plsc.subcore_barrier()
    pltpu.sync_copy(acc_sh.at[pl.ds(t * TPT, TPT)], cnt_hbm.at[c, t, 0])


def _mm_body(x_ref, w1_ref, cnt_ref, hs_ref, dinv_ref):
    deg = cnt_ref[0, 0, 0, :] + cnt_ref[1, 0, 0, :] + 1.0
    dinv = lax.rsqrt(deg)
    h = jnp.dot(x_ref[...], w1_ref[0], preferred_element_type=jnp.float32)
    hs_ref[...] = h * dinv[:, None]
    dinv_ref[0, 0, :] = dinv


def _run_mm(x, W1, cnt):
    return pl.pallas_call(
        _mm_body,
        grid=(NBLK, NSLICE),
        in_specs=[
            pl.BlockSpec((NB, D_IN), lambda i, j: (i, 0)),
            pl.BlockSpec((1, D_IN, FSL), lambda i, j: (j, 0, 0)),
            pl.BlockSpec((NCORE, 1, 1, NB), lambda i, j: (0, i, 0, 0)),
        ],
        out_specs=[
            pl.BlockSpec((NB, FSL), lambda i, j: (j * NBLK + i, 0)),
            pl.BlockSpec((1, 1, NB), lambda i, j: (i, 0, 0)),
        ],
        out_shape=[
            jax.ShapeDtypeStruct((NSLICE * N, FSL), jnp.float32),
            jax.ShapeDtypeStruct((NBLK, 1, NB), jnp.float32),
        ],
    )(x, W1, cnt)


@functools.partial(
    pl.kernel,
    out_type=[
        jax.ShapeDtypeStruct((NSLICE * TROWS, FSL), jnp.float32),
        jax.ShapeDtypeStruct((NCORE, NSUB, 1, TPT), jnp.float32),
    ],
    mesh=_mesh,
    scratch_types=[
        pltpu.VMEM((MSB, CH), jnp.int32),
        pltpu.VMEM((MSB, CH), jnp.int32),
        pltpu.VMEM((CH, FSL), jnp.float32),
        pltpu.VMEM((CH, FSL), jnp.float32),
        pltpu.VMEM((SB, CH), jnp.int32),
        pltpu.VMEM((SB, CH), jnp.int32),
        pltpu.VMEM((CH,), jnp.float32),
        pltpu.VMEM((TPT,), jnp.float32),
        pltpu.VMEM_SHARED((TROWS, FSL), jnp.float32),
        pltpu.VMEM_SHARED((TROWS,), jnp.float32),
        pltpu.SemaphoreType.DMA,
        pltpu.SemaphoreType.DMA,
    ],
)
def _agg_kernel(hs_hbm, srcp_hbm, dstp_hbm, dinv_hbm, ssrcp_hbm, sdstp_hbm,
                agg_hbm, sout_hbm,
                sbuf, dbuf, rows0, rows1, ssrc_buf, sdst_buf,
                supd_buf, zbuf, acc_sh, s_sh, g0, g1):
    c = lax.axis_index("c")
    t = lax.axis_index("s")

    for g in range(TPT // 16):
        zbuf[pl.ds(g * 16, 16)] = jnp.zeros((16,), jnp.float32)

    for it in range(PPC):
        base = (c * PPC + it) * N
        prow = (c * PPC + it) * TROWS

        @pl.loop(0, CH)
        def _(rr):
            for g in range(FSL // 16):
                rows0[rr, pl.ds(g * 16, 16)] = jnp.zeros((16,), jnp.float32)

        for z in range(TPT // CH):
            pltpu.sync_copy(
                rows0, acc_sh.at[pl.ds(t * TPT + z * CH, CH), :])
        if it == 0:
            pltpu.sync_copy(zbuf, s_sh.at[pl.ds(t * TPT, TPT)])
        plsc.subcore_barrier()

        if it == 0:
            swbase = (c * NSUB + t) * SSB

            @pl.loop(0, SSB)
            def _(sblk):
                pltpu.sync_copy(ssrcp_hbm.at[swbase + sblk], ssrc_buf)
                pltpu.sync_copy(sdstp_hbm.at[swbase + sblk], sdst_buf)
                for j in range(SB):
                    pltpu.sync_copy(dinv_hbm.at[sdst_buf.at[j]], supd_buf)
                    pltpu.sync_copy(supd_buf, s_sh.at[ssrc_buf.at[j]],
                                    add=True)

        tb = t * MNSB

        @pl.loop(0, MNSB)
        def _(sblk):
            pltpu.sync_copy(srcp_hbm.at[tb + sblk], sbuf)
            pltpu.sync_copy(dstp_hbm.at[tb + sblk], dbuf)
            for j in range(MSB):
                for g in range(CH // 16):
                    sl = pl.ds(g * 16, 16)
                    sbuf[j, sl] = sbuf[j, sl] + base

            pltpu.async_copy(hs_hbm.at[sbuf.at[0]], rows0, g0)
            pltpu.async_copy(hs_hbm.at[sbuf.at[1]], rows1, g1)
            for j in range(MSB):
                buf = rows0 if j % 2 == 0 else rows1
                sem = g0 if j % 2 == 0 else g1
                pltpu.make_async_copy(hs_hbm.at[sbuf.at[j]], buf, sem).wait()
                pltpu.sync_copy(buf, acc_sh.at[dbuf.at[j]], add=True)
                if j + 2 < MSB:
                    pltpu.async_copy(hs_hbm.at[sbuf.at[j + 2]], buf, sem)

        plsc.subcore_barrier()

        pltpu.sync_copy(
            acc_sh.at[pl.ds(t * TPT, TPT), :],
            agg_hbm.at[pl.ds(prow + t * TPT, TPT), :])
        if it == 0:
            pltpu.sync_copy(s_sh.at[pl.ds(t * TPT, TPT)],
                            sout_hbm.at[c, t, 0])

        plsc.subcore_barrier()


def _final_body(agg_ref, hs_ref, cnt_ref, s_ref, b1_ref, w2_ref, b2_ref,
                out_ref, racc):
    i = pl.program_id(0)

    @pl.when(i == 0)
    def _():
        racc[...] = jnp.zeros_like(racc)

    deg = cnt_ref[0, 0, 0, :] + cnt_ref[1, 0, 0, :] + 1.0
    dinv = lax.rsqrt(deg)
    s = s_ref[0, 0, 0, :] + s_ref[1, 0, 0, :]
    q = dinv * (s + dinv)

    for p in range(NSLICE):
        a1 = dinv[:, None] * (agg_ref[p] + hs_ref[p]) + b1_ref[p, :][None, :]
        h1 = jnp.maximum(a1, 0.0)
        racc[p, :] = racc[p, :] + jnp.sum(h1 * q[:, None], axis=0)

    @pl.when(i == NBLK - 1)
    def _():
        out = b2_ref[...]
        inv_n = 1.0 / N
        for p in range(NSLICE):
            out = out + jnp.dot(racc[p:p + 1, :] * inv_n, w2_ref[p],
                                preferred_element_type=jnp.float32)
        out_ref[...] = out


def _run_final(agg4, hs4, cnt, s_out, b1r, W2r, b2r):
    return pl.pallas_call(
        _final_body,
        grid=(NBLK,),
        in_specs=[
            pl.BlockSpec((NSLICE, NB, FSL), lambda i: (0, i, 0)),
            pl.BlockSpec((NSLICE, NB, FSL), lambda i: (0, i, 0)),
            pl.BlockSpec((NCORE, 1, 1, NB), lambda i: (0, i, 0, 0)),
            pl.BlockSpec((NCORE, 1, 1, NB), lambda i: (0, i, 0, 0)),
            pl.BlockSpec((NSLICE, FSL), lambda i: (0, 0)),
            pl.BlockSpec((NSLICE, FSL, D_H), lambda i: (0, 0, 0)),
            pl.BlockSpec((1, D_H), lambda i: (0, 0)),
        ],
        out_specs=pl.BlockSpec((1, D_H), lambda i: (0, 0)),
        out_shape=jax.ShapeDtypeStruct((1, D_H), jnp.float32),
        scratch_shapes=[pltpu.VMEM((NSLICE, FSL), jnp.float32)],
    )(agg4, hs4, cnt, s_out, b1r, W2r, b2r)


def kernel(x, edge_index, W1, b1, W2, b2):
    src = edge_index[0].astype(jnp.int32)
    dst = edge_index[1].astype(jnp.int32)

    pad_m = EPT_PAD - EPT
    trash = (N + (jnp.arange(pad_m, dtype=jnp.int32) % 8))[None, :]
    safe = (jnp.arange(pad_m, dtype=jnp.int32) % 8)[None, :]
    src_pre = jnp.concatenate(
        [src.reshape(NSUB, EPT), jnp.broadcast_to(safe, (NSUB, pad_m))],
        axis=1).reshape(NSUB * MNSB, MSB, CH)
    dst_pre = jnp.concatenate(
        [dst.reshape(NSUB, EPT), jnp.broadcast_to(trash, (NSUB, pad_m))],
        axis=1).reshape(NSUB * MNSB, MSB, CH)

    NW = NCORE * NSUB
    pad_s = EPW_PAD - EPW
    strash = (N + (jnp.arange(pad_s, dtype=jnp.int32) % 8))[None, :]
    ssafe = (jnp.arange(pad_s, dtype=jnp.int32) % 8)[None, :]
    dst_a_pre = jnp.concatenate(
        [dst.reshape(NW, EPW), jnp.broadcast_to(strash, (NW, pad_s))],
        axis=1).reshape(NW * SSB, SB, CH)
    ssrc_pre = jnp.concatenate(
        [src.reshape(NW, EPW), jnp.broadcast_to(strash, (NW, pad_s))],
        axis=1).reshape(NW * SSB, SB, CH)
    sdst_pre = jnp.concatenate(
        [dst.reshape(NW, EPW), jnp.broadcast_to(ssafe, (NW, pad_s))],
        axis=1).reshape(NW * SSB, SB, CH)

    cnt = _count_kernel(dst_a_pre)
    cnt4 = cnt.reshape(NCORE, TROWS)[:, :N].reshape(NCORE, NBLK, 1, NB)
    W1r = W1.reshape(D_IN, NSLICE, FSL).transpose(1, 0, 2)
    hs, dinv3 = _run_mm(x, W1r, cnt4)
    dinv = dinv3.reshape(N)
    agg, s_out = _agg_kernel(hs, src_pre, dst_pre, dinv, ssrc_pre, sdst_pre)

    out = _run_final(
        agg.reshape(NSLICE, TROWS, FSL), hs.reshape(NSLICE, N, FSL),
        cnt4,
        s_out.reshape(NCORE, TROWS)[:, :N].reshape(NCORE, NBLK, 1, NB),
        b1.reshape(NSLICE, FSL), W2.reshape(NSLICE, FSL, D_H),
        b2.reshape(1, D_H))
    return out

# --- scband reference (transcript-rebuilt; emitter-appended) ---
"""Pipeline reference for scband-graph-tower-66864050864806 (READ-ONLY COPY).

The authoritative reference and input builder live on the scoring server;
editing this copy changes nothing except your own understanding.
"""

import jax, jax.numpy as jnp
import numpy as np

N = 10000
E = 320000
D_IN = 128
D_H = 512


def setup_inputs(seed: int = 0) -> dict:
    key = jax.random.key(seed)
    k1, k2, k3, k4, k5, k6 = jax.random.split(key, 6)
    x = jax.random.normal(k1, (N, D_IN), dtype=jnp.float32)
    edge_index = jax.random.randint(k2, (2, E), 0, N, dtype=jnp.int32)
    # Learned parameters: two GCNConv layers (in->hidden, hidden->hidden)
    W1 = jax.random.normal(k3, (D_IN, D_H), dtype=jnp.float32) * (1.0 / np.sqrt(D_IN))
    b1 = jnp.zeros((D_H,), dtype=jnp.float32)
    W2 = jax.random.normal(k4, (D_H, D_H), dtype=jnp.float32) * (1.0 / np.sqrt(D_H))
    b2 = jnp.zeros((D_H,), dtype=jnp.float32)
    return {"x": x, "edge_index": edge_index, "W1": W1, "b1": b1, "W2": W2, "b2": b2}


def _gcn_conv(x, edge_index, W, b):
    # GCNConv with self-loops and symmetric normalization:
    # out = D^{-1/2} (A + I) D^{-1/2} (x @ W) + b
    n = x.shape[0]
    loops = jnp.arange(n, dtype=edge_index.dtype)
    src = jnp.concatenate([edge_index[0], loops])
    dst = jnp.concatenate([edge_index[1], loops])
    ones = jnp.ones(src.shape[0], dtype=x.dtype)
    deg = jax.ops.segment_sum(ones, dst, num_segments=n)
    dinv = jnp.where(deg > 0, 1.0 / jnp.sqrt(deg), 0.0)
    norm = dinv[src] * dinv[dst]
    h = x @ W
    msgs = h[src] * norm[:, None]
    out = jax.ops.segment_sum(msgs, dst, num_segments=n)
    return out + b


def reference(x, edge_index, W1, b1, W2, b2):
    h = _gcn_conv(x, edge_index, W1, b1)
    h = jax.nn.relu(h)
    # dropout is identity in eval mode
    h = _gcn_conv(h, edge_index, W2, b2)
    # global_mean_pool over a single graph (batch ids all zero), then stack -> [1, hidden]
    emb = jnp.mean(h, axis=0)
    return emb[None, :]

if __name__ == "__main__":
    import jax
    _d = setup_inputs()
    print(jax.jit(kernel)(*tuple(_d.values())))

</pallas_src>

<mosaic_0001>
#map = affine_map<(d0, d1) -> (0, 0)>
#map1 = affine_map<(d0, d1) -> (0, 0, 0)>
#map2 = affine_map<(d0, d1) -> (0)>
#map3 = affine_map<(d0, d1) -> (0, 0, 0, 0)>
module attributes {stable_mosaic.version = 14 : i64} {
  func.func @_agg_kernel(%arg0: i32, %arg1: i32, %arg2: memref<40000x128xf32, #tpu.memory_space<hbm>>, %arg3: memref<320x8x128xi32, #tpu.memory_space<hbm>>, %arg4: memref<320x8x128xi32, #tpu.memory_space<hbm>>, %arg5: memref<10000xf32, #tpu.memory_space<hbm>>, %arg6: memref<320x8x128xi32, #tpu.memory_space<hbm>>, %arg7: memref<320x8x128xi32, #tpu.memory_space<hbm>>, %arg8: memref<40960x128xf32, #tpu.memory_space<hbm>>, %arg9: memref<2x16x1x640xf32, #tpu.memory_space<hbm>>, %arg10: memref<8x128xi32, #tpu.memory_space<vmem>>, %arg11: memref<8x128xi32, #tpu.memory_space<vmem>>, %arg12: memref<128x128xf32, #tpu.memory_space<vmem>>, %arg13: memref<128x128xf32, #tpu.memory_space<vmem>>, %arg14: memref<8x128xi32, #tpu.memory_space<vmem>>, %arg15: memref<8x128xi32, #tpu.memory_space<vmem>>, %arg16: memref<128xf32, #tpu.memory_space<vmem>>, %arg17: memref<640xf32, #tpu.memory_space<vmem>>, %arg18: memref<10240x128xf32, #tpu.memory_space<vmem_shared>>, %arg19: memref<10240xf32, #tpu.memory_space<vmem_shared>>, %arg20: memref<!tpu.dma_semaphore, #tpu.memory_space<semaphore_mem>>, %arg21: memref<!tpu.dma_semaphore, #tpu.memory_space<semaphore_mem>>) attributes {dimension_semantics = [#tpu.dimension_semantics<core_parallel>, #tpu.dimension_semantics<subcore_parallel>], iteration_bounds = array<i64: 2, 16>, scalar_prefetch = 0 : i64, scratch_operands = 12 : i64, tpu.core_type = #tpu.core_type<sc_vector_subcore>, window_params = [{transform_indices = #map}, {transform_indices = #map1}, {transform_indices = #map1}, {transform_indices = #map2}, {transform_indices = #map1}, {transform_indices = #map1}, {transform_indices = #map}, {transform_indices = #map3}]} {
    %broadcast_in_dim3A = arith.constant 0.000000e+00 : f32
    %broadcast_in_dim3A_0 = vector.broadcast %broadcast_in_dim3A : f32 to vector<16xf32>
    %swap3A = arith.constant 0 : index
    %swap3A_1 = tpu.vector_load %arg17[%swap3A] {strides = array<i32>} : memref<640xf32, #tpu.memory_space<vmem>>, vector<16xf32>,
    %swap3A_2 = vector.shape_cast %swap3A_1 : vector<16xf32> to vector<16xf32>
    %swap3A_3 = vector.shape_cast %broadcast_in_dim3A_0 : vector<16xf32> to vector<16xf32>
    tpu.vector_store %arg17[%swap3A], %swap3A_3 {strides = array<i32>} : memref<640xf32, #tpu.memory_space<vmem>>, vector<16xf32>,
    %broadcast_in_dim3A_4 = arith.constant 0.000000e+00 : f32
    %broadcast_in_dim3A_5 = vector.broadcast %broadcast_in_dim3A_4 : f32 to vector<16xf32>
    %swap3A_6 = arith.constant 16 : index
    %swap3A_7 = tpu.vector_load %arg17[%swap3A_6] {strides = array<i32>} : memref<640xf32, #tpu.memory_space<vmem>>, vector<16xf32>,
    %swap3A_8 = vector.shape_cast %swap3A_7 : vector<16xf32> to vector<16xf32>
    %swap3A_9 = vector.shape_cast %broadcast_in_dim3A_5 : vector<16xf32> to vector<16xf32>
    tpu.vector_store %arg17[%swap3A_6], %swap3A_9 {strides = array<i32>} : memref<640xf32, #tpu.memory_space<vmem>>, vector<16xf32>,
    %broadcast_in_dim3A_10 = arith.constant 0.000000e+00 : f32
    %broadcast_in_dim3A_11 = vector.broadcast %broadcast_in_dim3A_10 : f32 to vector<16xf32>
    %swap3A_12 = arith.constant 32 : index
    %swap3A_13 = tpu.vector_load %arg17[%swap3A_12] {strides = array<i32>} : memref<640xf32, #tpu.memory_space<vmem>>, vector<16xf32>,
    %swap3A_14 = vector.shape_cast %swap3A_13 : vector<16xf32> to vector<16xf32>
    %swap3A_15 = vector.shape_cast %broadcast_in_dim3A_11 : vector<16xf32> to vector<16xf32>
    tpu.vector_store %arg17[%swap3A_12], %swap3A_15 {strides = array<i32>} : memref<640xf32, #tpu.memory_space<vmem>>, vector<16xf32>,
    %broadcast_in_dim3A_16 = arith.constant 0.000000e+00 : f32
    %broadcast_in_dim3A_17 = vector.broadcast %broadcast_in_dim3A_16 : f32 to vector<16xf32>
    %swap3A_18 = arith.constant 48 : index
    %swap3A_19 = tpu.vector_load %arg17[%swap3A_18] {strides = array<i32>} : memref<640xf32, #tpu.memory_space<vmem>>, vector<16xf32>,
    %swap3A_20 = vector.shape_cast %swap3A_19 : vector<16xf32> to vector<16xf32>
    %swap3A_21 = vector.shape_cast %broadcast_in_dim3A_17 : vector<16xf32> to vector<16xf32>
    tpu.vector_store %arg17[%swap3A_18], %swap3A_21 {strides = array<i32>} : memref<640xf32, #tpu.memory_space<vmem>>, vector<16xf32>,
    %broadcast_in_dim3A_22 = arith.constant 0.000000e+00 : f32
    %broadcast_in_dim3A_23 = vector.broadcast %broadcast_in_dim3A_22 : f32 to vector<16xf32>
    %swap3A_24 = arith.constant 64 : index
    %swap3A_25 = tpu.vector_load %arg17[%swap3A_24] {strides = array<i32>} : memref<640xf32, #tpu.memory_space<vmem>>, vector<16xf32>,
    %swap3A_26 = vector.shape_cast %swap3A_25 : vector<16xf32> to vector<16xf32>
    %swap3A_27 = vector.shape_cast %broadcast_in_dim3A_23 : vector<16xf32> to vector<16xf32>
    tpu.vector_store %arg17[%swap3A_24], %swap3A_27 {strides = array<i32>} : memref<640xf32, #tpu.memory_space<vmem>>, vector<16xf32>,
    %broadcast_in_dim3A_28 = arith.constant 0.000000e+00 : f32
    %broadcast_in_dim3A_29 = vector.broadcast %broadcast_in_dim3A_28 : f32 to vector<16xf32>
    %swap3A_30 = arith.constant 80 : index
    %swap3A_31 = tpu.vector_load %arg17[%swap3A_30] {strides = array<i32>} : memref<640xf32, #tpu.memory_space<vmem>>, vector<16xf32>,
    %swap3A_32 = vector.shape_cast %swap3A_31 : vector<16xf32> to vector<16xf32>
    %swap3A_33 = vector.shape_cast %broadcast_in_dim3A_29 : vector<16xf32> to vector<16xf32>
    tpu.vector_store %arg17[%swap3A_30], %swap3A_33 {strides = array<i32>} : memref<640xf32, #tpu.memory_space<vmem>>, vector<16xf32>,
    %broadcast_in_dim3A_34 = arith.constant 0.000000e+00 : f32
    %broadcast_in_dim3A_35 = vector.broadcast %broadcast_in_dim3A_34 : f32 to vector<16xf32>
    %swap3A_36 = arith.constant 96 : index
    %swap3A_37 = tpu.vector_load %arg17[%swap3A_36] {strides = array<i32>} : memref<640xf32, #tpu.memory_space<vmem>>, vector<16xf32>,
    %swap3A_38 = vector.shape_cast %swap3A_37 : vector<16xf32> to vector<16xf32>
    %swap3A_39 = vector.shape_cast %broadcast_in_dim3A_35 : vector<16xf32> to vector<16xf32>
    tpu.vector_store %arg17[%swap3A_36], %swap3A_39 {strides = array<i32>} : memref<640xf32, #tpu.memory_space<vmem>>, vector<16xf32>,
    %broadcast_in_dim3A_40 = arith.constant 0.000000e+00 : f32
    %broadcast_in_dim3A_41 = vector.broadcast %broadcast_in_dim3A_40 : f32 to vector<16xf32>
    %swap3A_42 = arith.constant 112 : index
    %swap3A_43 = tpu.vector_load %arg17[%swap3A_42] {strides = array<i32>} : memref<640xf32, #tpu.memory_space<vmem>>, vector<16xf32>,
    %swap3A_44 = vector.shape_cast %swap3A_43 : vector<16xf32> to vector<16xf32>
    %swap3A_45 = vector.shape_cast %broadcast_in_dim3A_41 : vector<16xf32> to vector<16xf32>
    tpu.vector_store %arg17[%swap3A_42], %swap3A_45 {strides = array<i32>} : memref<640xf32, #tpu.memory_space<vmem>>, vector<16xf32>,
    %broadcast_in_dim3A_46 = arith.constant 0.000000e+00 : f32
    %broadcast_in_dim3A_47 = vector.broadcast %broadcast_in_dim3A_46 : f32 to vector<16xf32>
    %swap3A_48 = arith.constant 128 : index
    %swap3A_49 = tpu.vector_load %arg17[%swap3A_48] {strides = array<i32>} : memref<640xf32, #tpu.memory_space<vmem>>, vector<16xf32>,
    %swap3A_50 = vector.shape_cast %swap3A_49 : vector<16xf32> to vector<16xf32>
    %swap3A_51 = vector.shape_cast %broadcast_in_dim3A_47 : vector<16xf32> to vector<16xf32>
    tpu.vector_store %arg17[%swap3A_48], %swap3A_51 {strides = array<i32>} : memref<640xf32, #tpu.memory_space<vmem>>, vector<16xf32>,
    %broadcast_in_dim3A_52 = arith.constant 0.000000e+00 : f32
    %broadcast_in_dim3A_53 = vector.broadcast %broadcast_in_dim3A_52 : f32 to vector<16xf32>
    %swap3A_54 = arith.constant 144 : index
    %swap3A_55 = tpu.vector_load %arg17[%swap3A_54] {strides = array<i32>} : memref<640xf32, #tpu.memory_space<vmem>>, vector<16xf32>,
    %swap3A_56 = vector.shape_cast %swap3A_55 : vector<16xf32> to vector<16xf32>
    %swap3A_57 = vector.shape_cast %broadcast_in_dim3A_53 : vector<16xf32> to vector<16xf32>
    tpu.vector_store %arg17[%swap3A_54], %swap3A_57 {strides = array<i32>} : memref<640xf32, #tpu.memory_space<vmem>>, vector<16xf32>,
    %broadcast_in_dim3A_58 = arith.constant 0.000000e+00 : f32
    %broadcast_in_dim3A_59 = vector.broadcast %broadcast_in_dim3A_58 : f32 to vector<16xf32>
    %swap3A_60 = arith.constant 160 : index
    %swap3A_61 = tpu.vector_load %arg17[%swap3A_60] {strides = array<i32>} : memref<640xf32, #tpu.memory_space<vmem>>, vector<16xf32>,
    %swap3A_62 = vector.shape_cast %swap3A_61 : vector<16xf32> to vector<16xf32>
    %swap3A_63 = vector.shape_cast %broadcast_in_dim3A_59 : vector<16xf32> to vector<16xf32>
    tpu.vector_store %arg17[%swap3A_60], %swap3A_63 {strides = array<i32>} : memref<640xf32, #tpu.memory_space<vmem>>, vector<16xf32>,
    %broadcast_in_dim3A_64 = arith.constant 0.000000e+00 : f32
    %broadcast_in_dim3A_65 = vector.broadcast %broadcast_in_dim3A_64 : f32 to vector<16xf32>
    %swap3A_66 = arith.constant 176 : index
    %swap3A_67 = tpu.vector_load %arg17[%swap3A_66] {strides = array<i32>} : memref<640xf32, #tpu.memory_space<vmem>>, vector<16xf32>,
    %swap3A_68 = vector.shape_cast %swap3A_67 : vector<16xf32> to vector<16xf32>
    %swap3A_69 = vector.shape_cast %broadcast_in_dim3A_65 : vector<16xf32> to vector<16xf32>
    tpu.vector_store %arg17[%swap3A_66], %swap3A_69 {strides = array<i32>} : memref<640xf32, #tpu.memory_space<vmem>>, vector<16xf32>,
    %broadcast_in_dim3A_70 = arith.constant 0.000000e+00 : f32
    %broadcast_in_dim3A_71 = vector.broadcast %broadcast_in_dim3A_70 : f32 to vector<16xf32>
    %swap3A_72 = arith.constant 192 : index
    %swap3A_73 = tpu.vector_load %arg17[%swap3A_72] {strides = array<i32>} : memref<640xf32, #tpu.memory_space<vmem>>, vector<16xf32>,
    %swap3A_74 = vector.shape_cast %swap3A_73 : vector<16xf32> to vector<16xf32>
    %swap3A_75 = vector.shape_cast %broadcast_in_dim3A_71 : vector<16xf32> to vector<16xf32>
    tpu.vector_store %arg17[%swap3A_72], %swap3A_75 {strides = array<i32>} : memref<640xf32, #tpu.memory_space<vmem>>, vector<16xf32>,
    %broadcast_in_dim3A_76 = arith.constant 0.000000e+00 : f32
    %broadcast_in_dim3A_77 = vector.broadcast %broadcast_in_dim3A_76 : f32 to vector<16xf32>
    %swap3A_78 = arith.constant 208 : index
    %swap3A_79 = tpu.vector_load %arg17[%swap3A_78] {strides = array<i32>} : memref<640xf32, #tpu.memory_space<vmem>>, vector<16xf32>,
    %swap3A_80 = vector.shape_cast %swap3A_79 : vector<16xf32> to vector<16xf32>
    %swap3A_81 = vector.shape_cast %broadcast_in_dim3A_77 : vector<16xf32> to vector<16xf32>
    tpu.vector_store %arg17[%swap3A_78], %swap3A_81 {strides = array<i32>} : memref<640xf32, #tpu.memory_space<vmem>>, vector<16xf32>,
    %broadcast_in_dim3A_82 = arith.constant 0.000000e+00 : f32
    %broadcast_in_dim3A_83 = vector.broadcast %broadcast_in_dim3A_82 : f32 to vector<16xf32>
    %swap3A_84 = arith.constant 224 : index
    %swap3A_85 = tpu.vector_load %arg17[%swap3A_84] {strides = array<i32>} : memref<640xf32, #tpu.memory_space<vmem>>, vector<16xf32>,
    %swap3A_86 = vector.shape_cast %swap3A_85 : vector<16xf32> to vector<16xf32>
    %swap3A_87 = vector.shape_cast %broadcast_in_dim3A_83 : vector<16xf32> to vector<16xf32>
    tpu.vector_store %arg17[%swap3A_84], %swap3A_87 {strides = array<i32>} : memref<640xf32, #tpu.memory_space<vmem>>, vector<16xf32>,
    %broadcast_in_dim3A_88 = arith.constant 0.000000e+00 : f32
    %broadcast_in_dim3A_89 = vector.broadcast %broadcast_in_dim3A_88 : f32 to vector<16xf32>
    %swap3A_90 = arith.constant 240 : index
    %swap3A_91 = tpu.vector_load %arg17[%swap3A_90] {strides = array<i32>} : memref<640xf32, #tpu.memory_space<vmem>>, vector<16xf32>,
    %swap3A_92 = vector.shape_cast %swap3A_91 : vector<16xf32> to vector<16xf32>
    %swap3A_93 = vector.shape_cast %broadcast_in_dim3A_89 : vector<16xf32> to vector<16xf32>
    tpu.vector_store %arg17[%swap3A_90], %swap3A_93 {strides = array<i32>} : memref<640xf32, #tpu.memory_space<vmem>>, vector<16xf32>,
    %broadcast_in_dim3A_94 = arith.constant 0.000000e+00 : f32
    %broadcast_in_dim3A_95 = vector.broadcast %broadcast_in_dim3A_94 : f32 to vector<16xf32>
    %swap3A_96 = arith.constant 256 : index
    %swap3A_97 = tpu.vector_load %arg17[%swap3A_96] {strides = array<i32>} : memref<640xf32, #tpu.memory_space<vmem>>, vector<16xf32>,
    %swap3A_98 = vector.shape_cast %swap3A_97 : vector<16xf32> to vector<16xf32>
    %swap3A_99 = vector.shape_cast %broadcast_in_dim3A_95 : vector<16xf32> to vector<16xf32>
    tpu.vector_store %arg17[%swap3A_96], %swap3A_99 {strides = array<i32>} : memref<640xf32, #tpu.memory_space<vmem>>, vector<16xf32>,
    %broadcast_in_dim3A_100 = arith.constant 0.000000e+00 : f32
    %broadcast_in_dim3A_101 = vector.broadcast %broadcast_in_dim3A_100 : f32 to vector<16xf32>
    %swap3A_102 = arith.constant 272 : index
    %swap3A_103 = tpu.vector_load %arg17[%swap3A_102] {strides = array<i32>} : memref<640xf32, #tpu.memory_space<vmem>>, vector<16xf32>,
    %swap3A_104 = vector.shape_cast %swap3A_103 : vector<16xf32> to vector<16xf32>
    %swap3A_105 = vector.shape_cast %broadcast_in_dim3A_101 : vector<16xf32> to vector<16xf32>
    tpu.vector_store %arg17[%swap3A_102], %swap3A_105 {strides = array<i32>} : memref<640xf32, #tpu.memory_space<vmem>>, vector<16xf32>,
    %broadcast_in_dim3A_106 = arith.constant 0.000000e+00 : f32
    %broadcast_in_dim3A_107 = vector.broadcast %broadcast_in_dim3A_106 : f32 to vector<16xf32>
    %swap3A_108 = arith.constant 288 : index
    %swap3A_109 = tpu.vector_load %arg17[%swap3A_108] {strides = array<i32>} : memref<640xf32, #tpu.memory_space<vmem>>, vector<16xf32>,
    %swap3A_110 = vector.shape_cast %swap3A_109 : vector<16xf32> to vector<16xf32>
    %swap3A_111 = vector.shape_cast %broadcast_in_dim3A_107 : vector<16xf32> to vector<16xf32>
    tpu.vector_store %arg17[%swap3A_108], %swap3A_111 {strides = array<i32>} : memref<640xf32, #tpu.memory_space<vmem>>, vector<16xf32>,
    %broadcast_in_dim3A_112 = arith.constant 0.000000e+00 : f32
    %broadcast_in_dim3A_113 = vector.broadcast %broadcast_in_dim3A_112 : f32 to vector<16xf32>
    %swap3A_114 = arith.constant 304 : index
    %swap3A_115 = tpu.vector_load %arg17[%swap3A_114] {strides = array<i32>} : memref<640xf32, #tpu.memory_space<vmem>>, vector<16xf32>,
    %swap3A_116 = vector.shape_cast %swap3A_115 : vector<16xf32> to vector<16xf32>
    %swap3A_117 = vector.shape_cast %broadcast_in_dim3A_113 : vector<16xf32> to vector<16xf32>
    tpu.vector_store %arg17[%swap3A_114], %swap3A_117 {strides = array<i32>} : memref<640xf32, #tpu.memory_space<vmem>>, vector<16xf32>,
    %broadcast_in_dim3A_118 = arith.constant 0.000000e+00 : f32
    %broadcast_in_dim3A_119 = vector.broadcast %broadcast_in_dim3A_118 : f32 to vector<16xf32>
    %swap3A_120 = arith.constant 320 : index
    %swap3A_121 = tpu.vector_load %arg17[%swap3A_120] {strides = array<i32>} : memref<640xf32, #tpu.memory_space<vmem>>, vector<16xf32>,
    %swap3A_122 = vector.shape_cast %swap3A_121 : vector<16xf32> to vector<16xf32>
    %swap3A_123 = vector.shape_cast %broadcast_in_dim3A_119 : vector<16xf32> to vector<16xf32>
    tpu.vector_store %arg17[%swap3A_120], %swap3A_123 {strides = array<i32>} : memref<640xf32, #tpu.memory_space<vmem>>, vector<16xf32>,
    %broadcast_in_dim3A_124 = arith.constant 0.000000e+00 : f32
    %broadcast_in_dim3A_125 = vector.broadcast %broadcast_in_dim3A_124 : f32 to vector<16xf32>
    %swap3A_126 = arith.constant 336 : index
    %swap3A_127 = tpu.vector_load %arg17[%swap3A_126] {strides = array<i32>} : memref<640xf32, #tpu.memory_space<vmem>>, vector<16xf32>,
    %swap3A_128 = vector.shape_cast %swap3A_127 : vector<16xf32> to vector<16xf32>
    %swap3A_129 = vector.shape_cast %broadcast_in_dim3A_125 : vector<16xf32> to vector<16xf32>
    tpu.vector_store %arg17[%swap3A_126], %swap3A_129 {strides = array<i32>} : memref<640xf32, #tpu.memory_space<vmem>>, vector<16xf32>,
    %broadcast_in_dim3A_130 = arith.constant 0.000000e+00 : f32
    %broadcast_in_dim3A_131 = vector.broadcast %broadcast_in_dim3A_130 : f32 to vector<16xf32>
    %swap3A_132 = arith.constant 352 : index
    %swap3A_133 = tpu.vector_load %arg17[%swap3A_132] {strides = array<i32>} : memref<640xf32, #tpu.memory_space<vmem>>, vector<16xf32>,
    %swap3A_134 = vector.shape_cast %swap3A_133 : vector<16xf32> to vector<16xf32>
    %swap3A_135 = vector.shape_cast %broadcast_in_dim3A_131 : vector<16xf32> to vector<16xf32>
    tpu.vector_store %arg17[%swap3A_132], %swap3A_135 {strides = array<i32>} : memref<640xf32, #tpu.memory_space<vmem>>, vector<16xf32>,
    %broadcast_in_dim3A_136 = arith.constant 0.000000e+00 : f32
    %broadcast_in_dim3A_137 = vector.broadcast %broadcast_in_dim3A_136 : f32 to vector<16xf32>
    %swap3A_138 = arith.constant 368 : index
    %swap3A_139 = tpu.vector_load %arg17[%swap3A_138] {strides = array<i32>} : memref<640xf32, #tpu.memory_space<vmem>>, vector<16xf32>,
    %swap3A_140 = vector.shape_cast %swap3A_139 : vector<16xf32> to vector<16xf32>
    %swap3A_141 = vector.shape_cast %broadcast_in_dim3A_137 : vector<16xf32> to vector<16xf32>
    tpu.vector_store %arg17[%swap3A_138], %swap3A_141 {strides = array<i32>} : memref<640xf32, #tpu.memory_space<vmem>>, vector<16xf32>,
    %broadcast_in_dim3A_142 = arith.constant 0.000000e+00 : f32
    %broadcast_in_dim3A_143 = vector.broadcast %broadcast_in_dim3A_142 : f32 to vector<16xf32>
    %swap3A_144 = arith.constant 384 : index
    %swap3A_145 = tpu.vector_load %arg17[%swap3A_144] {strides = array<i32>} : memref<640xf32, #tpu.memory_space<vmem>>, vector<16xf32>,
    %swap3A_146 = vector.shape_cast %swap3A_145 : vector<16xf32> to vector<16xf32>
    %swap3A_147 = vector.shape_cast %broadcast_in_dim3A_143 : vector<16xf32> to vector<16xf32>
    tpu.vector_store %arg17[%swap3A_144], %swap3A_147 {strides = array<i32>} : memref<640xf32, #tpu.memory_space<vmem>>, vector<16xf32>,
    %broadcast_in_dim3A_148 = arith.constant 0.000000e+00 : f32
    %broadcast_in_dim3A_149 = vector.broadcast %broadcast_in_dim3A_148 : f32 to vector<16xf32>
    %swap3A_150 = arith.constant 400 : index
    %swap3A_151 = tpu.vector_load %arg17[%swap3A_150] {strides = array<i32>} : memref<640xf32, #tpu.memory_space<vmem>>, vector<16xf32>,
    %swap3A_152 = vector.shape_cast %swap3A_151 : vector<16xf32> to vector<16xf32>
    %swap3A_153 = vector.shape_cast %broadcast_in_dim3A_149 : vector<16xf32> to vector<16xf32>
    tpu.vector_store %arg17[%swap3A_150], %swap3A_153 {strides = array<i32>} : memref<640xf32, #tpu.memory_space<vmem>>, vector<16xf32>,
    %broadcast_in_dim3A_154 = arith.constant 0.000000e+00 : f32
    %broadcast_in_dim3A_155 = vector.broadcast %broadcast_in_dim3A_154 : f32 to vector<16xf32>
    %swap3A_156 = arith.constant 416 : index
    %swap3A_157 = tpu.vector_load %arg17[%swap3A_156] {strides = array<i32>} : memref<640xf32, #tpu.memory_space<vmem>>, vector<16xf32>,
    %swap3A_158 = vector.shape_cast %swap3A_157 : vector<16xf32> to vector<16xf32>
    %swap3A_159 = vector.shape_cast %broadcast_in_dim3A_155 : vector<16xf32> to vector<16xf32>
    tpu.vector_store %arg17[%swap3A_156], %swap3A_159 {strides = array<i32>} : memref<640xf32, #tpu.memory_space<vmem>>, vector<16xf32>,
    %broadcast_in_dim3A_160 = arith.constant 0.000000e+00 : f32
    %broadcast_in_dim3A_161 = vector.broadcast %broadcast_in_dim3A_160 : f32 to vector<16xf32>
    %swap3A_162 = arith.constant 432 : index
    %swap3A_163 = tpu.vector_load %arg17[%swap3A_162] {strides = array<i32>} : memref<640xf32, #tpu.memory_space<vmem>>, vector<16xf32>,
    %swap3A_164 = vector.shape_cast %swap3A_163 : vector<16xf32> to vector<16xf32>
    %swap3A_165 = vector.shape_cast %broadcast_in_dim3A_161 : vector<16xf32> to vector<16xf32>
    tpu.vector_store %arg17[%swap3A_162], %swap3A_165 {strides = array<i32>} : memref<640xf32, #tpu.memory_space<vmem>>, vector<16xf32>,
    %broadcast_in_dim3A_166 = arith.constant 0.000000e+00 : f32
    %broadcast_in_dim3A_167 = vector.broadcast %broadcast_in_dim3A_166 : f32 to vector<16xf32>
    %swap3A_168 = arith.constant 448 : index
    %swap3A_169 = tpu.vector_load %arg17[%swap3A_168] {strides = array<i32>} : memref<640xf32, #tpu.memory_space<vmem>>, vector<16xf32>,
    %swap3A_170 = vector.shape_cast %swap3A_169 : vector<16xf32> to vector<16xf32>
    %swap3A_171 = vector.shape_cast %broadcast_in_dim3A_167 : vector<16xf32> to vector<16xf32>
    tpu.vector_store %arg17[%swap3A_168], %swap3A_171 {strides = array<i32>} : memref<640xf32, #tpu.memory_space<vmem>>, vector<16xf32>,
    %broadcast_in_dim3A_172 = arith.constant 0.000000e+00 : f32
    %broadcast_in_dim3A_173 = vector.broadcast %broadcast_in_dim3A_172 : f32 to vector<16xf32>
    %swap3A_174 = arith.constant 464 : index
    %swap3A_175 = tpu.vector_load %arg17[%swap3A_174] {strides = array<i32>} : memref<640xf32, #tpu.memory_space<vmem>>, vector<16xf32>,
    %swap3A_176 = vector.shape_cast %swap3A_175 : vector<16xf32> to vector<16xf32>
    %swap3A_177 = vector.shape_cast %broadcast_in_dim3A_173 : vector<16xf32> to vector<16xf32>
    tpu.vector_store %arg17[%swap3A_174], %swap3A_177 {strides = array<i32>} : memref<640xf32, #tpu.memory_space<vmem>>, vector<16xf32>,
    %broadcast_in_dim3A_178 = arith.constant 0.000000e+00 : f32
    %broadcast_in_dim3A_179 = vector.broadcast %broadcast_in_dim3A_178 : f32 to vector<16xf32>
    %swap3A_180 = arith.constant 480 : index
    %swap3A_181 = tpu.vector_load %arg17[%swap3A_180] {strides = array<i32>} : memref<640xf32, #tpu.memory_space<vmem>>, vector<16xf32>,
    %swap3A_182 = vector.shape_cast %swap3A_181 : vector<16xf32> to vector<16xf32>
    %swap3A_183 = vector.shape_cast %broadcast_in_dim3A_179 : vector<16xf32> to vector<16xf32>
    tpu.vector_store %arg17[%swap3A_180], %swap3A_183 {strides = array<i32>} : memref<640xf32, #tpu.memory_space<vmem>>, vector<16xf32>,
    %broadcast_in_dim3A_184 = arith.constant 0.000000e+00 : f32
    %broadcast_in_dim3A_185 = vector.broadcast %broadcast_in_dim3A_184 : f32 to vector<16xf32>
    %swap3A_186 = arith.constant 496 : index
    %swap3A_187 = tpu.vector_load %arg17[%swap3A_186] {strides = array<i32>} : memref<640xf32, #tpu.memory_space<vmem>>, vector<16xf32>,
    %swap3A_188 = vector.shape_cast %swap3A_187 : vector<16xf32> to vector<16xf32>
    %swap3A_189 = vector.shape_cast %broadcast_in_dim3A_185 : vector<16xf32> to vector<16xf32>
    tpu.vector_store %arg17[%swap3A_186], %swap3A_189 {strides = array<i32>} : memref<640xf32, #tpu.memory_space<vmem>>, vector<16xf32>,
    %broadcast_in_dim3A_190 = arith.constant 0.000000e+00 : f32
    %broadcast_in_dim3A_191 = vector.broadcast %broadcast_in_dim3A_190 : f32 to vector<16xf32>
    %swap3A_192 = arith.constant 512 : index
    %swap3A_193 = tpu.vector_load %arg17[%swap3A_192] {strides = array<i32>} : memref<640xf32, #tpu.memory_space<vmem>>, vector<16xf32>,
    %swap3A_194 = vector.shape_cast %swap3A_193 : vector<16xf32> to vector<16xf32>
    %swap3A_195 = vector.shape_cast %broadcast_in_dim3A_191 : vector<16xf32> to vector<16xf32>
    tpu.vector_store %arg17[%swap3A_192], %swap3A_195 {strides = array<i32>} : memref<640xf32, #tpu.memory_space<vmem>>, vector<16xf32>,
    %broadcast_in_dim3A_196 = arith.constant 0.000000e+00 : f32
    %broadcast_in_dim3A_197 = vector.broadcast %broadcast_in_dim3A_196 : f32 to vector<16xf32>
    %swap3A_198 = arith.constant 528 : index
    %swap3A_199 = tpu.vector_load %arg17[%swap3A_198] {strides = array<i32>} : memref<640xf32, #tpu.memory_space<vmem>>, vector<16xf32>,
    %swap3A_200 = vector.shape_cast %swap3A_199 : vector<16xf32> to vector<16xf32>
    %swap3A_201 = vector.shape_cast %broadcast_in_dim3A_197 : vector<16xf32> to vector<16xf32>
    tpu.vector_store %arg17[%swap3A_198], %swap3A_201 {strides = array<i32>} : memref<640xf32, #tpu.memory_space<vmem>>, vector<16xf32>,
    %broadcast_in_dim3A_202 = arith.constant 0.000000e+00 : f32
    %broadcast_in_dim3A_203 = vector.broadcast %broadcast_in_dim3A_202 : f32 to vector<16xf32>
    %swap3A_204 = arith.constant 544 : index
    %swap3A_205 = tpu.vector_load %arg17[%swap3A_204] {strides = array<i32>} : memref<640xf32, #tpu.memory_space<vmem>>, vector<16xf32>,
    %swap3A_206 = vector.shape_cast %swap3A_205 : vector<16xf32> to vector<16xf32>
    %swap3A_207 = vector.shape_cast %broadcast_in_dim3A_203 : vector<16xf32> to vector<16xf32>
    tpu.vector_store %arg17[%swap3A_204], %swap3A_207 {strides = array<i32>} : memref<640xf32, #tpu.memory_space<vmem>>, vector<16xf32>,
    %broadcast_in_dim3A_208 = arith.constant 0.000000e+00 : f32
    %broadcast_in_dim3A_209 = vector.broadcast %broadcast_in_dim3A_208 : f32 to vector<16xf32>
    %swap3A_210 = arith.constant 560 : index
    %swap3A_211 = tpu.vector_load %arg17[%swap3A_210] {strides = array<i32>} : memref<640xf32, #tpu.memory_space<vmem>>, vector<16xf32>,
    %swap3A_212 = vector.shape_cast %swap3A_211 : vector<16xf32> to vector<16xf32>
    %swap3A_213 = vector.shape_cast %broadcast_in_dim3A_209 : vector<16xf32> to vector<16xf32>
    tpu.vector_store %arg17[%swap3A_210], %swap3A_213 {strides = array<i32>} : memref<640xf32, #tpu.memory_space<vmem>>, vector<16xf32>,
    %broadcast_in_dim3A_214 = arith.constant 0.000000e+00 : f32
    %broadcast_in_dim3A_215 = vector.broadcast %broadcast_in_dim3A_214 : f32 to vector<16xf32>
    %swap3A_216 = arith.constant 576 : index
    %swap3A_217 = tpu.vector_load %arg17[%swap3A_216] {strides = array<i32>} : memref<640xf32, #tpu.memory_space<vmem>>, vector<16xf32>,
    %swap3A_218 = vector.shape_cast %swap3A_217 : vector<16xf32> to vector<16xf32>
    %swap3A_219 = vector.shape_cast %broadcast_in_dim3A_215 : vector<16xf32> to vector<16xf32>
    tpu.vector_store %arg17[%swap3A_216], %swap3A_219 {strides = array<i32>} : memref<640xf32, #tpu.memory_space<vmem>>, vector<16xf32>,
    %broadcast_in_dim3A_220 = arith.constant 0.000000e+00 : f32
    %broadcast_in_dim3A_221 = vector.broadcast %broadcast_in_dim3A_220 : f32 to vector<16xf32>
    %swap3A_222 = arith.constant 592 : index
    %swap3A_223 = tpu.vector_load %arg17[%swap3A_222] {strides = array<i32>} : memref<640xf32, #tpu.memory_space<vmem>>, vector<16xf32>,
    %swap3A_224 = vector.shape_cast %swap3A_223 : vector<16xf32> to vector<16xf32>
    %swap3A_225 = vector.shape_cast %broadcast_in_dim3A_221 : vector<16xf32> to vector<16xf32>
    tpu.vector_store %arg17[%swap3A_222], %swap3A_225 {strides = array<i32>} : memref<640xf32, #tpu.memory_space<vmem>>, vector<16xf32>,
    %broadcast_in_dim3A_226 = arith.constant 0.000000e+00 : f32
    %broadcast_in_dim3A_227 = vector.broadcast %broadcast_in_dim3A_226 : f32 to vector<16xf32>
    %swap3A_228 = arith.constant 608 : index
    %swap3A_229 = tpu.vector_load %arg17[%swap3A_228] {strides = array<i32>} : memref<640xf32, #tpu.memory_space<vmem>>, vector<16xf32>,
    %swap3A_230 = vector.shape_cast %swap3A_229 : vector<16xf32> to vector<16xf32>
    %swap3A_231 = vector.shape_cast %broadcast_in_dim3A_227 : vector<16xf32> to vector<16xf32>
    tpu.vector_store %arg17[%swap3A_228], %swap3A_231 {strides = array<i32>} : memref<640xf32, #tpu.memory_space<vmem>>, vector<16xf32>,
    %broadcast_in_dim3A_232 = arith.constant 0.000000e+00 : f32
    %broadcast_in_dim3A_233 = vector.broadcast %broadcast_in_dim3A_232 : f32 to vector<16xf32>
    %swap3A_234 = arith.constant 624 : index
    %swap3A_235 = tpu.vector_load %arg17[%swap3A_234] {strides = array<i32>} : memref<640xf32, #tpu.memory_space<vmem>>, vector<16xf32>,
    %swap3A_236 = vector.shape_cast %swap3A_235 : vector<16xf32> to vector<16xf32>
    %swap3A_237 = vector.shape_cast %broadcast_in_dim3A_233 : vector<16xf32> to vector<16xf32>
    tpu.vector_store %arg17[%swap3A_234], %swap3A_237 {strides = array<i32>} : memref<640xf32, #tpu.memory_space<vmem>>, vector<16xf32>,
    %mul3A = arith.constant 2 : i32
    %mul3A_238 = arith.muli %arg0, %mul3A : i32
    %add3A = arith.constant 0 : i32
    %add3A_239 = arith.addi %mul3A_238, %add3A : i32
    %mul3A_240 = arith.constant 10000 : i32
    %mul3A_241 = arith.muli %add3A_239, %mul3A_240 : i32
    %mul3A_242 = arith.constant 2 : i32
    %mul3A_243 = arith.muli %arg0, %mul3A_242 : i32
    %add3A_244 = arith.constant 0 : i32
    %add3A_245 = arith.addi %mul3A_243, %add3A_244 : i32
    %mul3A_246 = arith.constant 10240 : i32
    %mul3A_247 = arith.muli %add3A_245, %mul3A_246 : i32
    %scan3A = arith.constant 0 : i32
    %scan3A_248 = arith.constant 128 : i32
    %scan3A_249 = arith.addi %scan3A, %scan3A_248 : i32
    %scan3A_250 = arith.constant 1 : i32
    scf.for %scan3A_352 = %scan3A to %scan3A_249 step %scan3A_250  : i32 {
      %mul3A_353 = arith.constant 1 : i32
      %mul3A_354 = arith.muli %scan3A_352, %mul3A_353 : i32
      %add3A_355 = arith.constant 0 : i32
      %add3A_356 = arith.addi %add3A_355, %mul3A_354 : i32
      %broadcast_in_dim3A_357 = arith.constant 0.000000e+00 : f32
      %broadcast_in_dim3A_358 = vector.broadcast %broadcast_in_dim3A_357 : f32 to vector<16xf32>
      %swap3A_359 = arith.index_cast %add3A_356 : i32 to index
      %swap3A_360 = arith.constant 0 : index
      %swap3A_361 = tpu.vector_load %arg12[%swap3A_359, %swap3A_360] {strides = array<i32>} : memref<128x128xf32, #tpu.memory_space<vmem>>, vector<1x16xf32>,
      %swap3A_362 = vector.shape_cast %swap3A_361 : vector<1x16xf32> to vector<16xf32>
      %swap3A_363 = vector.shape_cast %broadcast_in_dim3A_358 : vector<16xf32> to vector<1x16xf32>
      tpu.vector_store %arg12[%swap3A_359, %swap3A_360], %swap3A_363 {strides = array<i32>} : memref<128x128xf32, #tpu.memory_space<vmem>>, vector<1x16xf32>,
      %broadcast_in_dim3A_364 = arith.constant 0.000000e+00 : f32
      %broadcast_in_dim3A_365 = vector.broadcast %broadcast_in_dim3A_364 : f32 to vector<16xf32>
      %swap3A_366 = arith.index_cast %add3A_356 : i32 to index
      %swap3A_367 = arith.constant 16 : index
      %swap3A_368 = tpu.vector_load %arg12[%swap3A_366, %swap3A_367] {strides = array<i32>} : memref<128x128xf32, #tpu.memory_space<vmem>>, vector<1x16xf32>,
      %swap3A_369 = vector.shape_cast %swap3A_368 : vector<1x16xf32> to vector<16xf32>
      %swap3A_370 = vector.shape_cast %broadcast_in_dim3A_365 : vector<16xf32> to vector<1x16xf32>
      tpu.vector_store %arg12[%swap3A_366, %swap3A_367], %swap3A_370 {strides = array<i32>} : memref<128x128xf32, #tpu.memory_space<vmem>>, vector<1x16xf32>,
      %broadcast_in_dim3A_371 = arith.constant 0.000000e+00 : f32
      %broadcast_in_dim3A_372 = vector.broadcast %broadcast_in_dim3A_371 : f32 to vector<16xf32>
      %swap3A_373 = arith.index_cast %add3A_356 : i32 to index
      %swap3A_374 = arith.constant 32 : index
      %swap3A_375 = tpu.vector_load %arg12[%swap3A_373, %swap3A_374] {strides = array<i32>} : memref<128x128xf32, #tpu.memory_space<vmem>>, vector<1x16xf32>,
      %swap3A_376 = vector.shape_cast %swap3A_375 : vector<1x16xf32> to vector<16xf32>
      %swap3A_377 = vector.shape_cast %broadcast_in_dim3A_372 : vector<16xf32> to vector<1x16xf32>
      tpu.vector_store %arg12[%swap3A_373, %swap3A_374], %swap3A_377 {strides = array<i32>} : memref<128x128xf32, #tpu.memory_space<vmem>>, vector<1x16xf32>,
      %broadcast_in_dim3A_378 = arith.constant 0.000000e+00 : f32
      %broadcast_in_dim3A_379 = vector.broadcast %broadcast_in_dim3A_378 : f32 to vector<16xf32>
      %swap3A_380 = arith.index_cast %add3A_356 : i32 to index
      %swap3A_381 = arith.constant 48 : index
      %swap3A_382 = tpu.vector_load %arg12[%swap3A_380, %swap3A_381] {strides = array<i32>} : memref<128x128xf32, #tpu.memory_space<vmem>>, vector<1x16xf32>,
      %swap3A_383 = vector.shape_cast %swap3A_382 : vector<1x16xf32> to vector<16xf32>
      %swap3A_384 = vector.shape_cast %broadcast_in_dim3A_379 : vector<16xf32> to vector<1x16xf32>
      tpu.vector_store %arg12[%swap3A_380, %swap3A_381], %swap3A_384 {strides = array<i32>} : memref<128x128xf32, #tpu.memory_space<vmem>>, vector<1x16xf32>,
      %broadcast_in_dim3A_385 = arith.constant 0.000000e+00 : f32
      %broadcast_in_dim3A_386 = vector.broadcast %broadcast_in_dim3A_385 : f32 to vector<16xf32>
      %swap3A_387 = arith.index_cast %add3A_356 : i32 to index
      %swap3A_388 = arith.constant 64 : index
      %swap3A_389 = tpu.vector_load %arg12[%swap3A_387, %swap3A_388] {strides = array<i32>} : memref<128x128xf32, #tpu.memory_space<vmem>>, vector<1x16xf32>,
      %swap3A_390 = vector.shape_cast %swap3A_389 : vector<1x16xf32> to vector<16xf32>
      %swap3A_391 = vector.shape_cast %broadcast_in_dim3A_386 : vector<16xf32> to vector<1x16xf32>
      tpu.vector_store %arg12[%swap3A_387, %swap3A_388], %swap3A_391 {strides = array<i32>} : memref<128x128xf32, #tpu.memory_space<vmem>>, vector<1x16xf32>,
      %broadcast_in_dim3A_392 = arith.constant 0.000000e+00 : f32
      %broadcast_in_dim3A_393 = vector.broadcast %broadcast_in_dim3A_392 : f32 to vector<16xf32>
      %swap3A_394 = arith.index_cast %add3A_356 : i32 to index
      %swap3A_395 = arith.constant 80 : index
      %swap3A_396 = tpu.vector_load %arg12[%swap3A_394, %swap3A_395] {strides = array<i32>} : memref<128x128xf32, #tpu.memory_space<vmem>>, vector<1x16xf32>,
      %swap3A_397 = vector.shape_cast %swap3A_396 : vector<1x16xf32> to vector<16xf32>
      %swap3A_398 = vector.shape_cast %broadcast_in_dim3A_393 : vector<16xf32> to vector<1x16xf32>
      tpu.vector_store %arg12[%swap3A_394, %swap3A_395], %swap3A_398 {strides = array<i32>} : memref<128x128xf32, #tpu.memory_space<vmem>>, vector<1x16xf32>,
      %broadcast_in_dim3A_399 = arith.constant 0.000000e+00 : f32
      %broadcast_in_dim3A_400 = vector.broadcast %broadcast_in_dim3A_399 : f32 to vector<16xf32>
      %swap3A_401 = arith.index_cast %add3A_356 : i32 to index
      %swap3A_402 = arith.constant 96 : index
      %swap3A_403 = tpu.vector_load %arg12[%swap3A_401, %swap3A_402] {strides = array<i32>} : memref<128x128xf32, #tpu.memory_space<vmem>>, vector<1x16xf32>,
      %swap3A_404 = vector.shape_cast %swap3A_403 : vector<1x16xf32> to vector<16xf32>
      %swap3A_405 = vector.shape_cast %broadcast_in_dim3A_400 : vector<16xf32> to vector<1x16xf32>
      tpu.vector_store %arg12[%swap3A_401, %swap3A_402], %swap3A_405 {strides = array<i32>} : memref<128x128xf32, #tpu.memory_space<vmem>>, vector<1x16xf32>,
      %broadcast_in_dim3A_406 = arith.constant 0.000000e+00 : f32
      %broadcast_in_dim3A_407 = vector.broadcast %broadcast_in_dim3A_406 : f32 to vector<16xf32>
      %swap3A_408 = arith.index_cast %add3A_356 : i32 to index
      %swap3A_409 = arith.constant 112 : index
      %swap3A_410 = tpu.vector_load %arg12[%swap3A_408, %swap3A_409] {strides = array<i32>} : memref<128x128xf32, #tpu.memory_space<vmem>>, vector<1x16xf32>,
      %swap3A_411 = vector.shape_cast %swap3A_410 : vector<1x16xf32> to vector<16xf32>
      %swap3A_412 = vector.shape_cast %broadcast_in_dim3A_407 : vector<16xf32> to vector<1x16xf32>
      tpu.vector_store %arg12[%swap3A_408, %swap3A_409], %swap3A_412 {strides = array<i32>} : memref<128x128xf32, #tpu.memory_space<vmem>>, vector<1x16xf32>,
    }
    %scan3A_251 = arith.constant 128 : i32
    %mul3A_252 = arith.constant 640 : i32
    %mul3A_253 = arith.muli %arg1, %mul3A_252 : i32
    %add3A_254 = arith.constant 0 : i32
    %add3A_255 = arith.addi %mul3A_253, %add3A_254 : i32
    "tpu.region"() ({
      %run_scoped3A_352 = tpu.sem_alloc : memref<!tpu.dma_semaphore, #tpu.memory_space<semaphore_mem>>
      %dma_start3A = arith.constant 0 : i32
      %dma_start3A_353 = tpu.memref_slice %arg18[%add3A_255, %dma_start3A] : memref<10240x128xf32, #tpu.memory_space<vmem_shared>> -> memref<128x128xf32, #tpu.memory_space<vmem_shared>>
      %dma_start3A_354 = arith.constant 0 : i32
      %dma_start3A_355 = tpu.memref_slice %arg18[%add3A_255, %dma_start3A_354] : memref<10240x128xf32, #tpu.memory_space<vmem_shared>> -> memref<128x128xf32, #tpu.memory_space<vmem_shared>>
      tpu.enqueue_dma source(%arg12 : memref<128x128xf32, #tpu.memory_space<vmem>>) target(%dma_start3A_355 : memref<128x128xf32, #tpu.memory_space<vmem_shared>>) target_semaphore(%run_scoped3A_352 : memref<!tpu.dma_semaphore, #tpu.memory_space<semaphore_mem>>)
      %dma_wait3A = arith.constant 0 : i32
      %dma_wait3A_356 = tpu.memref_slice %arg18[%add3A_255, %dma_wait3A] : memref<10240x128xf32, #tpu.memory_space<vmem_shared>> -> memref<128x128xf32, #tpu.memory_space<vmem_shared>>
      %dma_wait3A_357 = arith.constant 0 : i32
      %dma_wait3A_358 = tpu.memref_slice %arg18[%add3A_255, %dma_wait3A_357] : memref<10240x128xf32, #tpu.memory_space<vmem_shared>> -> memref<128x128xf32, #tpu.memory_space<vmem_shared>>
      tpu.wait_dma2 semaphore(%run_scoped3A_352 : memref<!tpu.dma_semaphore, #tpu.memory_space<semaphore_mem>>) src(%arg12 : memref<128x128xf32, #tpu.memory_space<vmem>>) dst(%dma_wait3A_358 : memref<128x128xf32, #tpu.memory_space<vmem_shared>>)
      tpu.yield
    }) : () -> ()
    %mul3A_256 = arith.constant 640 : i32
    %mul3A_257 = arith.muli %arg1, %mul3A_256 : i32
    %add3A_258 = arith.constant 128 : i32
    %add3A_259 = arith.addi %mul3A_257, %add3A_258 : i32
    "tpu.region"() ({
      %run_scoped3A_352 = tpu.sem_alloc : memref<!tpu.dma_semaphore, #tpu.memory_space<semaphore_mem>>
      %dma_start3A = arith.constant 0 : i32
      %dma_start3A_353 = tpu.memref_slice %arg18[%add3A_259, %dma_start3A] : memref<10240x128xf32, #tpu.memory_space<vmem_shared>> -> memref<128x128xf32, #tpu.memory_space<vmem_shared>>
      %dma_start3A_354 = arith.constant 0 : i32
      %dma_start3A_355 = tpu.memref_slice %arg18[%add3A_259, %dma_start3A_354] : memref<10240x128xf32, #tpu.memory_space<vmem_shared>> -> memref<128x128xf32, #tpu.memory_space<vmem_shared>>
      tpu.enqueue_dma source(%arg12 : memref<128x128xf32, #tpu.memory_space<vmem>>) target(%dma_start3A_355 : memref<128x128xf32, #tpu.memory_space<vmem_shared>>) target_semaphore(%run_scoped3A_352 : memref<!tpu.dma_semaphore, #tpu.memory_space<semaphore_mem>>)
      %dma_wait3A = arith.constant 0 : i32
      %dma_wait3A_356 = tpu.memref_slice %arg18[%add3A_259, %dma_wait3A] : memref<10240x128xf32, #tpu.memory_space<vmem_shared>> -> memref<128x128xf32, #tpu.memory_space<vmem_shared>>
      %dma_wait3A_357 = arith.constant 0 : i32
      %dma_wait3A_358 = tpu.memref_slice %arg18[%add3A_259, %dma_wait3A_357] : memref<10240x128xf32, #tpu.memory_space<vmem_shared>> -> memref<128x128xf32, #tpu.memory_space<vmem_shared>>
      tpu.wait_dma2 semaphore(%run_scoped3A_352 : memref<!tpu.dma_semaphore, #tpu.memory_space<semaphore_mem>>) src(%arg12 : memref<128x128xf32, #tpu.memory_space<vmem>>) dst(%dma_wait3A_358 : memref<128x128xf32, #tpu.memory_space<vmem_shared>>)
      tpu.yield
    }) : () -> ()
    %mul3A_260 = arith.constant 640 : i32
    %mul3A_261 = arith.muli %arg1, %mul3A_260 : i32
    %add3A_262 = arith.constant 256 : i32
    %add3A_263 = arith.addi %mul3A_261, %add3A_262 : i32
    "tpu.region"() ({
      %run_scoped3A_352 = tpu.sem_alloc : memref<!tpu.dma_semaphore, #tpu.memory_space<semaphore_mem>>
      %dma_start3A = arith.constant 0 : i32
      %dma_start3A_353 = tpu.memref_slice %arg18[%add3A_263, %dma_start3A] : memref<10240x128xf32, #tpu.memory_space<vmem_shared>> -> memref<128x128xf32, #tpu.memory_space<vmem_shared>>
      %dma_start3A_354 = arith.constant 0 : i32
      %dma_start3A_355 = tpu.memref_slice %arg18[%add3A_263, %dma_start3A_354] : memref<10240x128xf32, #tpu.memory_space<vmem_shared>> -> memref<128x128xf32, #tpu.memory_space<vmem_shared>>
      tpu.enqueue_dma source(%arg12 : memref<128x128xf32, #tpu.memory_space<vmem>>) target(%dma_start3A_355 : memref<128x128xf32, #tpu.memory_space<vmem_shared>>) target_semaphore(%run_scoped3A_352 : memref<!tpu.dma_semaphore, #tpu.memory_space<semaphore_mem>>)
      %dma_wait3A = arith.constant 0 : i32
      %dma_wait3A_356 = tpu.memref_slice %arg18[%add3A_263, %dma_wait3A] : memref<10240x128xf32, #tpu.memory_space<vmem_shared>> -> memref<128x128xf32, #tpu.memory_space<vmem_shared>>
      %dma_wait3A_357 = arith.constant 0 : i32
      %dma_wait3A_358 = tpu.memref_slice %arg18[%add3A_263, %dma_wait3A_357] : memref<10240x128xf32, #tpu.memory_space<vmem_shared>> -> memref<128x128xf32, #tpu.memory_space<vmem_shared>>
      tpu.wait_dma2 semaphore(%run_scoped3A_352 : memref<!tpu.dma_semaphore, #tpu.memory_space<semaphore_mem>>) src(%arg12 : memref<128x128xf32, #tpu.memory_space<vmem>>) dst(%dma_wait3A_358 : memref<128x128xf32, #tpu.memory_space<vmem_shared>>)
      tpu.yield
    }) : () -> ()
    %mul3A_264 = arith.constant 640 : i32
    %mul3A_265 = arith.muli %arg1, %mul3A_264 : i32
    %add3A_266 = arith.constant 384 : i32
    %add3A_267 = arith.addi %mul3A_265, %add3A_266 : i32
    "tpu.region"() ({
      %run_scoped3A_352 = tpu.sem_alloc : memref<!tpu.dma_semaphore, #tpu.memory_space<semaphore_mem>>
      %dma_start3A = arith.constant 0 : i32
      %dma_start3A_353 = tpu.memref_slice %arg18[%add3A_267, %dma_start3A] : memref<10240x128xf32, #tpu.memory_space<vmem_shared>> -> memref<128x128xf32, #tpu.memory_space<vmem_shared>>
      %dma_start3A_354 = arith.constant 0 : i32
      %dma_start3A_355 = tpu.memref_slice %arg18[%add3A_267, %dma_start3A_354] : memref<10240x128xf32, #tpu.memory_space<vmem_shared>> -> memref<128x128xf32, #tpu.memory_space<vmem_shared>>
      tpu.enqueue_dma source(%arg12 : memref<128x128xf32, #tpu.memory_space<vmem>>) target(%dma_start3A_355 : memref<128x128xf32, #tpu.memory_space<vmem_shared>>) target_semaphore(%run_scoped3A_352 : memref<!tpu.dma_semaphore, #tpu.memory_space<semaphore_mem>>)
      %dma_wait3A = arith.constant 0 : i32
      %dma_wait3A_356 = tpu.memref_slice %arg18[%add3A_267, %dma_wait3A] : memref<10240x128xf32, #tpu.memory_space<vmem_shared>> -> memref<128x128xf32, #tpu.memory_space<vmem_shared>>
      %dma_wait3A_357 = arith.constant 0 : i32
      %dma_wait3A_358 = tpu.memref_slice %arg18[%add3A_267, %dma_wait3A_357] : memref<10240x128xf32, #tpu.memory_space<vmem_shared>> -> memref<128x128xf32, #tpu.memory_space<vmem_shared>>
      tpu.wait_dma2 semaphore(%run_scoped3A_352 : memref<!tpu.dma_semaphore, #tpu.memory_space<semaphore_mem>>) src(%arg12 : memref<128x128xf32, #tpu.memory_space<vmem>>) dst(%dma_wait3A_358 : memref<128x128xf32, #tpu.memory_space<vmem_shared>>)
      tpu.yield
    }) : () -> ()
    %mul3A_268 = arith.constant 640 : i32
    %mul3A_269 = arith.muli %arg1, %mul3A_268 : i32
    %add3A_270 = arith.constant 512 : i32
    %add3A_271 = arith.addi %mul3A_269, %add3A_270 : i32
    "tpu.region"() ({
      %run_scoped3A_352 = tpu.sem_alloc : memref<!tpu.dma_semaphore, #tpu.memory_space<semaphore_mem>>
      %dma_start3A = arith.constant 0 : i32
      %dma_start3A_353 = tpu.memref_slice %arg18[%add3A_271, %dma_start3A] : memref<10240x128xf32, #tpu.memory_space<vmem_shared>> -> memref<128x128xf32, #tpu.memory_space<vmem_shared>>
      %dma_start3A_354 = arith.constant 0 : i32
      %dma_start3A_355 = tpu.memref_slice %arg18[%add3A_271, %dma_start3A_354] : memref<10240x128xf32, #tpu.memory_space<vmem_shared>> -> memref<128x128xf32, #tpu.memory_space<vmem_shared>>
      tpu.enqueue_dma source(%arg12 : memref<128x128xf32, #tpu.memory_space<vmem>>) target(%dma_start3A_355 : memref<128x128xf32, #tpu.memory_space<vmem_shared>>) target_semaphore(%run_scoped3A_352 : memref<!tpu.dma_semaphore, #tpu.memory_space<semaphore_mem>>)
      %dma_wait3A = arith.constant 0 : i32
      %dma_wait3A_356 = tpu.memref_slice %arg18[%add3A_271, %dma_wait3A] : memref<10240x128xf32, #tpu.memory_space<vmem_shared>> -> memref<128x128xf32, #tpu.memory_space<vmem_shared>>
      %dma_wait3A_357 = arith.constant 0 : i32
      %dma_wait3A_358 = tpu.memref_slice %arg18[%add3A_271, %dma_wait3A_357] : memref<10240x128xf32, #tpu.memory_space<vmem_shared>> -> memref<128x128xf32, #tpu.memory_space<vmem_shared>>
      tpu.wait_dma2 semaphore(%run_scoped3A_352 : memref<!tpu.dma_semaphore, #tpu.memory_space<semaphore_mem>>) src(%arg12 : memref<128x128xf32, #tpu.memory_space<vmem>>) dst(%dma_wait3A_358 : memref<128x128xf32, #tpu.memory_space<vmem_shared>>)
      tpu.yield
    }) : () -> ()
    %mul3A_272 = arith.constant 640 : i32
    %mul3A_273 = arith.muli %arg1, %mul3A_272 : i32
    "tpu.region"() ({
      %run_scoped3A_352 = tpu.sem_alloc : memref<!tpu.dma_semaphore, #tpu.memory_space<semaphore_mem>>
      %dma_start3A = tpu.memref_slice %arg19[%mul3A_273] : memref<10240xf32, #tpu.memory_space<vmem_shared>> -> memref<640xf32, #tpu.memory_space<vmem_shared>>
      %dma_start3A_353 = tpu.memref_slice %arg19[%mul3A_273] : memref<10240xf32, #tpu.memory_space<vmem_shared>> -> memref<640xf32, #tpu.memory_space<vmem_shared>>
      tpu.enqueue_dma source(%arg17 : memref<640xf32, #tpu.memory_space<vmem>>) target(%dma_start3A_353 : memref<640xf32, #tpu.memory_space<vmem_shared>>) target_semaphore(%run_scoped3A_352 : memref<!tpu.dma_semaphore, #tpu.memory_space<semaphore_mem>>)
      %dma_wait3A = tpu.memref_slice %arg19[%mul3A_273] : memref<10240xf32, #tpu.memory_space<vmem_shared>> -> memref<640xf32, #tpu.memory_space<vmem_shared>>
      %dma_wait3A_354 = tpu.memref_slice %arg19[%mul3A_273] : memref<10240xf32, #tpu.memory_space<vmem_shared>> -> memref<640xf32, #tpu.memory_space<vmem_shared>>
      tpu.wait_dma2 semaphore(%run_scoped3A_352 : memref<!tpu.dma_semaphore, #tpu.memory_space<semaphore_mem>>) src(%arg17 : memref<640xf32, #tpu.memory_space<vmem>>) dst(%dma_wait3A_354 : memref<640xf32, #tpu.memory_space<vmem_shared>>)
      tpu.yield
    }) : () -> ()
    %barrier3A = arith.constant 0 : index
    tpu.barrier barrier_id(%barrier3A)
    %mul3A_274 = arith.constant 16 : i32
    %mul3A_275 = arith.muli %arg0, %mul3A_274 : i32
    %add3A_276 = arith.addi %mul3A_275, %arg1 : i32
    %mul3A_277 = arith.constant 10 : i32
    %mul3A_278 = arith.muli %add3A_276, %mul3A_277 : i32
    %scan3A_279 = arith.constant 0 : i32
    %scan3A_280 = arith.constant 10 : i32
    %scan3A_281 = arith.addi %scan3A_279, %scan3A_280 : i32
    %scan3A_282 = arith.constant 1 : i32
    scf.for %scan3A_352 = %scan3A_279 to %scan3A_281 step %scan3A_282  : i32 {
      %mul3A_353 = arith.constant 1 : i32
      %mul3A_354 = arith.muli %scan3A_352, %mul3A_353 : i32
      %add3A_355 = arith.constant 0 : i32
      %add3A_356 = arith.addi %add3A_355, %mul3A_354 : i32
      %add3A_357 = arith.addi %mul3A_278, %add3A_356 : i32
      "tpu.region"() ({
        %run_scoped3A_375 = tpu.sem_alloc : memref<!tpu.dma_semaphore, #tpu.memory_space<semaphore_mem>>
        %dma_start3A = arith.constant 0 : i32
        %dma_start3A_376 = arith.constant 0 : i32
        %dma_start3A_377 = tpu.memref_slice %arg6[%add3A_357, %dma_start3A, %dma_start3A_376] : memref<320x8x128xi32, #tpu.memory_space<hbm>> -> memref<1x8x128xi32, #tpu.memory_space<hbm>>
        %dma_start3A_378 = tpu.memref_squeeze %dma_start3A_377 : memref<1x8x128xi32, #tpu.memory_space<hbm>> -> memref<8x128xi32, #tpu.memory_space<hbm>>
        %dma_start3A_379 = arith.constant 0 : i32
        %dma_start3A_380 = arith.constant 0 : i32
        %dma_start3A_381 = tpu.memref_slice %arg6[%add3A_357, %dma_start3A_379, %dma_start3A_380] : memref<320x8x128xi32, #tpu.memory_space<hbm>> -> memref<1x8x128xi32, #tpu.memory_space<hbm>>
        %dma_start3A_382 = tpu.memref_squeeze %dma_start3A_381 : memref<1x8x128xi32, #tpu.memory_space<hbm>> -> memref<8x128xi32, #tpu.memory_space<hbm>>
        tpu.enqueue_dma source(%dma_start3A_382 : memref<8x128xi32, #tpu.memory_space<hbm>>) target(%arg14 : memref<8x128xi32, #tpu.memory_space<vmem>>) target_semaphore(%run_scoped3A_375 : memref<!tpu.dma_semaphore, #tpu.memory_space<semaphore_mem>>)
        %dma_wait3A = arith.constant 0 : i32
        %dma_wait3A_383 = arith.constant 0 : i32
        %dma_wait3A_384 = tpu.memref_slice %arg6[%add3A_357, %dma_wait3A, %dma_wait3A_383] : memref<320x8x128xi32, #tpu.memory_space<hbm>> -> memref<1x8x128xi32, #tpu.memory_space<hbm>>
        %dma_wait3A_385 = tpu.memref_squeeze %dma_wait3A_384 : memref<1x8x128xi32, #tpu.memory_space<hbm>> -> memref<8x128xi32, #tpu.memory_space<hbm>>
        %dma_wait3A_386 = arith.constant 0 : i32
        %dma_wait3A_387 = arith.constant 0 : i32
        %dma_wait3A_388 = tpu.memref_slice %arg6[%add3A_357, %dma_wait3A_386, %dma_wait3A_387] : memref<320x8x128xi32, #tpu.memory_space<hbm>> -> memref<1x8x128xi32, #tpu.memory_space<hbm>>
        %dma_wait3A_389 = tpu.memref_squeeze %dma_wait3A_388 : memref<1x8x128xi32, #tpu.memory_space<hbm>> -> memref<8x128xi32, #tpu.memory_space<hbm>>
        tpu.wait_dma2 semaphore(%run_scoped3A_375 : memref<!tpu.dma_semaphore, #tpu.memory_space<semaphore_mem>>) src(%dma_wait3A_389 : memref<8x128xi32, #tpu.memory_space<hbm>>) dst(%arg14 : memref<8x128xi32, #tpu.memory_space<vmem>>)
        tpu.yield
      }) : () -> ()
      %add3A_358 = arith.addi %mul3A_278, %add3A_356 : i32
      "tpu.region"() ({
        %run_scoped3A_375 = tpu.sem_alloc : memref<!tpu.dma_semaphore, #tpu.memory_space<semaphore_mem>>
        %dma_start3A = arith.constant 0 : i32
        %dma_start3A_376 = arith.constant 0 : i32
        %dma_start3A_377 = tpu.memref_slice %arg7[%add3A_358, %dma_start3A, %dma_start3A_376] : memref<320x8x128xi32, #tpu.memory_space<hbm>> -> memref<1x8x128xi32, #tpu.memory_space<hbm>>
        %dma_start3A_378 = tpu.memref_squeeze %dma_start3A_377 : memref<1x8x128xi32, #tpu.memory_space<hbm>> -> memref<8x128xi32, #tpu.memory_space<hbm>>
        %dma_start3A_379 = arith.constant 0 : i32
        %dma_start3A_380 = arith.constant 0 : i32
        %dma_start3A_381 = tpu.memref_slice %arg7[%add3A_358, %dma_start3A_379, %dma_start3A_380] : memref<320x8x128xi32, #tpu.memory_space<hbm>> -> memref<1x8x128xi32, #tpu.memory_space<hbm>>
        %dma_start3A_382 = tpu.memref_squeeze %dma_start3A_381 : memref<1x8x128xi32, #tpu.memory_space<hbm>> -> memref<8x128xi32, #tpu.memory_space<hbm>>
        tpu.enqueue_dma source(%dma_start3A_382 : memref<8x128xi32, #tpu.memory_space<hbm>>) target(%arg15 : memref<8x128xi32, #tpu.memory_space<vmem>>) target_semaphore(%run_scoped3A_375 : memref<!tpu.dma_semaphore, #tpu.memory_space<semaphore_mem>>)
        %dma_wait3A = arith.constant 0 : i32
        %dma_wait3A_383 = arith.constant 0 : i32
        %dma_wait3A_384 = tpu.memref_slice %arg7[%add3A_358, %dma_wait3A, %dma_wait3A_383] : memref<320x8x128xi32, #tpu.memory_space<hbm>> -> memref<1x8x128xi32, #tpu.memory_space<hbm>>
        %dma_wait3A_385 = tpu.memref_squeeze %dma_wait3A_384 : memref<1x8x128xi32, #tpu.memory_space<hbm>> -> memref<8x128xi32, #tpu.memory_space<hbm>>
        %dma_wait3A_386 = arith.constant 0 : i32
        %dma_wait3A_387 = arith.constant 0 : i32
        %dma_wait3A_388 = tpu.memref_slice %arg7[%add3A_358, %dma_wait3A_386, %dma_wait3A_387] : memref<320x8x128xi32, #tpu.memory_space<hbm>> -> memref<1x8x128xi32, #tpu.memory_space<hbm>>
        %dma_wait3A_389 = tpu.memref_squeeze %dma_wait3A_388 : memref<1x8x128xi32, #tpu.memory_space<hbm>> -> memref<8x128xi32, #tpu.memory_space<hbm>>
        tpu.wait_dma2 semaphore(%run_scoped3A_375 : memref<!tpu.dma_semaphore, #tpu.memory_space<semaphore_mem>>) src(%dma_wait3A_389 : memref<8x128xi32, #tpu.memory_space<hbm>>) dst(%arg15 : memref<8x128xi32, #tpu.memory_space<vmem>>)
        tpu.yield
      }) : () -> ()
      %run_scoped3A_359 = arith.constant 0 : i32
      "tpu.region"() ({
        %run_scoped3A_375 = tpu.sem_alloc : memref<!tpu.dma_semaphore, #tpu.memory_space<semaphore_mem>>
        %dma_start3A = arith.constant 0 : i32
        %dma_start3A_376 = tpu.memref_slice %arg15[%run_scoped3A_359, %dma_start3A] : memref<8x128xi32, #tpu.memory_space<vmem>> -> memref<1x128xi32, #tpu.memory_space<vmem>>
        %dma_start3A_377 = tpu.memref_squeeze %dma_start3A_376 : memref<1x128xi32, #tpu.memory_space<vmem>> -> memref<128xi32, #tpu.memory_space<vmem>>
        %dma_start3A_378 = arith.constant 0 : i32
        %dma_start3A_379 = tpu.memref_slice %arg5[%dma_start3A_378] : memref<10000xf32, #tpu.memory_space<hbm>> -> memref<10000xf32, #tpu.memory_space<hbm>>
        tpu.enqueue_indirect_dma source(%dma_start3A_379 : memref<10000xf32, #tpu.memory_space<hbm>>) target(%arg16 : memref<128xf32, #tpu.memory_space<vmem>>) offsets(%dma_start3A_377 : memref<128xi32, #tpu.memory_space<vmem>>) semaphore(%run_scoped3A_375 : memref<!tpu.dma_semaphore, #tpu.memory_space<semaphore_mem>>)
        %dma_wait3A = arith.constant 0 : i32
        %dma_wait3A_380 = tpu.memref_slice %arg15[%run_scoped3A_359, %dma_wait3A] : memref<8x128xi32, #tpu.memory_space<vmem>> -> memref<1x128xi32, #tpu.memory_space<vmem>>
        %dma_wait3A_381 = tpu.memref_squeeze %dma_wait3A_380 : memref<1x128xi32, #tpu.memory_space<vmem>> -> memref<128xi32, #tpu.memory_space<vmem>>
        %dma_wait3A_382 = arith.constant 0 : i32
        %dma_wait3A_383 = tpu.memref_slice %arg5[%dma_wait3A_382] : memref<10000xf32, #tpu.memory_space<hbm>> -> memref<10000xf32, #tpu.memory_space<hbm>>
        tpu.wait_indirect_dma semaphore(%run_scoped3A_375 : memref<!tpu.dma_semaphore, #tpu.memory_space<semaphore_mem>>) src(%dma_wait3A_383 : memref<10000xf32, #tpu.memory_space<hbm>>) dst(%arg16 : memref<128xf32, #tpu.memory_space<vmem>>)
        tpu.yield
      }) : () -> ()
      %run_scoped3A_360 = arith.constant 0 : i32
      "tpu.region"() ({
        %run_scoped3A_375 = tpu.sem_alloc : memref<!tpu.dma_semaphore, #tpu.memory_space<semaphore_mem>>
        %dma_start3A = arith.constant 0 : i32
        %dma_start3A_376 = tpu.memref_slice %arg14[%run_scoped3A_360, %dma_start3A] : memref<8x128xi32, #tpu.memory_space<vmem>> -> memref<1x128xi32, #tpu.memory_space<vmem>>
        %dma_start3A_377 = tpu.memref_squeeze %dma_start3A_376 : memref<1x128xi32, #tpu.memory_space<vmem>> -> memref<128xi32, #tpu.memory_space<vmem>>
        %dma_start3A_378 = arith.constant 0 : i32
        %dma_start3A_379 = tpu.memref_slice %arg19[%dma_start3A_378] : memref<10240xf32, #tpu.memory_space<vmem_shared>> -> memref<10240xf32, #tpu.memory_space<vmem_shared>>
        tpu.enqueue_indirect_dma source(%arg16 : memref<128xf32, #tpu.memory_space<vmem>>) target(%dma_start3A_379 : memref<10240xf32, #tpu.memory_space<vmem_shared>>) offsets(%dma_start3A_377 : memref<128xi32, #tpu.memory_space<vmem>>) semaphore(%run_scoped3A_375 : memref<!tpu.dma_semaphore, #tpu.memory_space<semaphore_mem>>) {add = true}
        %dma_wait3A = arith.constant 0 : i32
        %dma_wait3A_380 = tpu.memref_slice %arg14[%run_scoped3A_360, %dma_wait3A] : memref<8x128xi32, #tpu.memory_space<vmem>> -> memref<1x128xi32, #tpu.memory_space<vmem>>
        %dma_wait3A_381 = tpu.memref_squeeze %dma_wait3A_380 : memref<1x128xi32, #tpu.memory_space<vmem>> -> memref<128xi32, #tpu.memory_space<vmem>>
        %dma_wait3A_382 = arith.constant 0 : i32
        %dma_wait3A_383 = tpu.memref_slice %arg19[%dma_wait3A_382] : memref<10240xf32, #tpu.memory_space<vmem_shared>> -> memref<10240xf32, #tpu.memory_space<vmem_shared>>
        tpu.wait_indirect_dma semaphore(%run_scoped3A_375 : memref<!tpu.dma_semaphore, #tpu.memory_space<semaphore_mem>>) src(%arg16 : memref<128xf32, #tpu.memory_space<vmem>>) dst(%dma_wait3A_383 : memref<10240xf32, #tpu.memory_space<vmem_shared>>)
        tpu.yield
      }) : () -> ()
      %run_scoped3A_361 = arith.constant 1 : i32
      "tpu.region"() ({
        %run_scoped3A_375 = tpu.sem_alloc : memref<!tpu.dma_semaphore, #tpu.memory_space<semaphore_mem>>
        %dma_start3A = arith.constant 0 : i32
        %dma_start3A_376 = tpu.memref_slice %arg15[%run_scoped3A_361, %dma_start3A] : memref<8x128xi32, #tpu.memory_space<vmem>> -> memref<1x128xi32, #tpu.memory_space<vmem>>
        %dma_start3A_377 = tpu.memref_squeeze %dma_start3A_376 : memref<1x128xi32, #tpu.memory_space<vmem>> -> memref<128xi32, #tpu.memory_space<vmem>>
        %dma_start3A_378 = arith.constant 0 : i32
        %dma_start3A_379 = tpu.memref_slice %arg5[%dma_start3A_378] : memref<10000xf32, #tpu.memory_space<hbm>> -> memref<10000xf32, #tpu.memory_space<hbm>>
        tpu.enqueue_indirect_dma source(%dma_start3A_379 : memref<10000xf32, #tpu.memory_space<hbm>>) target(%arg16 : memref<128xf32, #tpu.memory_space<vmem>>) offsets(%dma_start3A_377 : memref<128xi32, #tpu.memory_space<vmem>>) semaphore(%run_scoped3A_375 : memref<!tpu.dma_semaphore, #tpu.memory_space<semaphore_mem>>)
        %dma_wait3A = arith.constant 0 : i32
        %dma_wait3A_380 = tpu.memref_slice %arg15[%run_scoped3A_361, %dma_wait3A] : memref<8x128xi32, #tpu.memory_space<vmem>> -> memref<1x128xi32, #tpu.memory_space<vmem>>
        %dma_wait3A_381 = tpu.memref_squeeze %dma_wait3A_380 : memref<1x128xi32, #tpu.memory_space<vmem>> -> memref<128xi32, #tpu.memory_space<vmem>>
        %dma_wait3A_382 = arith.constant 0 : i32
        %dma_wait3A_383 = tpu.memref_slice %arg5[%dma_wait3A_382] : memref<10000xf32, #tpu.memory_space<hbm>> -> memref<10000xf32, #tpu.memory_space<hbm>>
        tpu.wait_indirect_dma semaphore(%run_scoped3A_375 : memref<!tpu.dma_semaphore, #tpu.memory_space<semaphore_mem>>) src(%dma_wait3A_383 : memref<10000xf32, #tpu.memory_space<hbm>>) dst(%arg16 : memref<128xf32, #tpu.memory_space<vmem>>)
        tpu.yield
      }) : () -> ()
      %run_scoped3A_362 = arith.constant 1 : i32
      "tpu.region"() ({
        %run_scoped3A_375 = tpu.sem_alloc : memref<!tpu.dma_semaphore, #tpu.memory_space<semaphore_mem>>
        %dma_start3A = arith.constant 0 : i32
        %dma_start3A_376 = tpu.memref_slice %arg14[%run_scoped3A_362, %dma_start3A] : memref<8x128xi32, #tpu.memory_space<vmem>> -> memref<1x128xi32, #tpu.memory_space<vmem>>
        %dma_start3A_377 = tpu.memref_squeeze %dma_start3A_376 : memref<1x128xi32, #tpu.memory_space<vmem>> -> memref<128xi32, #tpu.memory_space<vmem>>
        %dma_start3A_378 = arith.constant 0 : i32
        %dma_start3A_379 = tpu.memref_slice %arg19[%dma_start3A_378] : memref<10240xf32, #tpu.memory_space<vmem_shared>> -> memref<10240xf32, #tpu.memory_space<vmem_shared>>
        tpu.enqueue_indirect_dma source(%arg16 : memref<128xf32, #tpu.memory_space<vmem>>) target(%dma_start3A_379 : memref<10240xf32, #tpu.memory_space<vmem_shared>>) offsets(%dma_start3A_377 : memref<128xi32, #tpu.memory_space<vmem>>) semaphore(%run_scoped3A_375 : memref<!tpu.dma_semaphore, #tpu.memory_space<semaphore_mem>>) {add = true}
        %dma_wait3A = arith.constant 0 : i32
        %dma_wait3A_380 = tpu.memref_slice %arg14[%run_scoped3A_362, %dma_wait3A] : memref<8x128xi32, #tpu.memory_space<vmem>> -> memref<1x128xi32, #tpu.memory_space<vmem>>
        %dma_wait3A_381 = tpu.memref_squeeze %dma_wait3A_380 : memref<1x128xi32, #tpu.memory_space<vmem>> -> memref<128xi32, #tpu.memory_space<vmem>>
        %dma_wait3A_382 = arith.constant 0 : i32
        %dma_wait3A_383 = tpu.memref_slice %arg19[%dma_wait3A_382] : memref<10240xf32, #tpu.memory_space<vmem_shared>> -> memref<10240xf32, #tpu.memory_space<vmem_shared>>
        tpu.wait_indirect_dma semaphore(%run_scoped3A_375 : memref<!tpu.dma_semaphore, #tpu.memory_space<semaphore_mem>>) src(%arg16 : memref<128xf32, #tpu.memory_space<vmem>>) dst(%dma_wait3A_383 : memref<10240xf32, #tpu.memory_space<vmem_shared>>)
        tpu.yield
      }) : () -> ()
      %run_scoped3A_363 = arith.constant 2 : i32
      "tpu.region"() ({
        %run_scoped3A_375 = tpu.sem_alloc : memref<!tpu.dma_semaphore, #tpu.memory_space<semaphore_mem>>
        %dma_start3A = arith.constant 0 : i32
        %dma_start3A_376 = tpu.memref_slice %arg15[%run_scoped3A_363, %dma_start3A] : memref<8x128xi32, #tpu.memory_space<vmem>> -> memref<1x128xi32, #tpu.memory_space<vmem>>
        %dma_start3A_377 = tpu.memref_squeeze %dma_start3A_376 : memref<1x128xi32, #tpu.memory_space<vmem>> -> memref<128xi32, #tpu.memory_space<vmem>>
        %dma_start3A_378 = arith.constant 0 : i32
        %dma_start3A_379 = tpu.memref_slice %arg5[%dma_start3A_378] : memref<10000xf32, #tpu.memory_space<hbm>> -> memref<10000xf32, #tpu.memory_space<hbm>>
        tpu.enqueue_indirect_dma source(%dma_start3A_379 : memref<10000xf32, #tpu.memory_space<hbm>>) target(%arg16 : memref<128xf32, #tpu.memory_space<vmem>>) offsets(%dma_start3A_377 : memref<128xi32, #tpu.memory_space<vmem>>) semaphore(%run_scoped3A_375 : memref<!tpu.dma_semaphore, #tpu.memory_space<semaphore_mem>>)
        %dma_wait3A = arith.constant 0 : i32
        %dma_wait3A_380 = tpu.memref_slice %arg15[%run_scoped3A_363, %dma_wait3A] : memref<8x128xi32, #tpu.memory_space<vmem>> -> memref<1x128xi32, #tpu.memory_space<vmem>>
        %dma_wait3A_381 = tpu.memref_squeeze %dma_wait3A_380 : memref<1x128xi32, #tpu.memory_space<vmem>> -> memref<128xi32, #tpu.memory_space<vmem>>
        %dma_wait3A_382 = arith.constant 0 : i32
        %dma_wait3A_383 = tpu.memref_slice %arg5[%dma_wait3A_382] : memref<10000xf32, #tpu.memory_space<hbm>> -> memref<10000xf32, #tpu.memory_space<hbm>>
        tpu.wait_indirect_dma semaphore(%run_scoped3A_375 : memref<!tpu.dma_semaphore, #tpu.memory_space<semaphore_mem>>) src(%dma_wait3A_383 : memref<10000xf32, #tpu.memory_space<hbm>>) dst(%arg16 : memref<128xf32, #tpu.memory_space<vmem>>)
        tpu.yield
      }) : () -> ()
      %run_scoped3A_364 = arith.constant 2 : i32
      "tpu.region"() ({
        %run_scoped3A_375 = tpu.sem_alloc : memref<!tpu.dma_semaphore, #tpu.memory_space<semaphore_mem>>
        %dma_start3A = arith.constant 0 : i32
        %dma_start3A_376 = tpu.memref_slice %arg14[%run_scoped3A_364, %dma_start3A] : memref<8x128xi32, #tpu.memory_space<vmem>> -> memref<1x128xi32, #tpu.memory_space<vmem>>
        %dma_start3A_377 = tpu.memref_squeeze %dma_start3A_376 : memref<1x128xi32, #tpu.memory_space<vmem>> -> memref<128xi32, #tpu.memory_space<vmem>>
        %dma_start3A_378 = arith.constant 0 : i32
        %dma_start3A_379 = tpu.memref_slice %arg19[%dma_start3A_378] : memref<10240xf32, #tpu.memory_space<vmem_shared>> -> memref<10240xf32, #tpu.memory_space<vmem_shared>>
        tpu.enqueue_indirect_dma source(%arg16 : memref<128xf32, #tpu.memory_space<vmem>>) target(%dma_start3A_379 : memref<10240xf32, #tpu.memory_space<vmem_shared>>) offsets(%dma_start3A_377 : memref<128xi32, #tpu.memory_space<vmem>>) semaphore(%run_scoped3A_375 : memref<!tpu.dma_semaphore, #tpu.memory_space<semaphore_mem>>) {add = true}
        %dma_wait3A = arith.constant 0 : i32
        %dma_wait3A_380 = tpu.memref_slice %arg14[%run_scoped3A_364, %dma_wait3A] : memref<8x128xi32, #tpu.memory_space<vmem>> -> memref<1x128xi32, #tpu.memory_space<vmem>>
        %dma_wait3A_381 = tpu.memref_squeeze %dma_wait3A_380 : memref<1x128xi32, #tpu.memory_space<vmem>> -> memref<128xi32, #tpu.memory_space<vmem>>
        %dma_wait3A_382 = arith.constant 0 : i32
        %dma_wait3A_383 = tpu.memref_slice %arg19[%dma_wait3A_382] : memref<10240xf32, #tpu.memory_space<vmem_shared>> -> memref<10240xf32, #tpu.memory_space<vmem_shared>>
        tpu.wait_indirect_dma semaphore(%run_scoped3A_375 : memref<!tpu.dma_semaphore, #tpu.memory_space<semaphore_mem>>) src(%arg16 : memref<128xf32, #tpu.memory_space<vmem>>) dst(%dma_wait3A_383 : memref<10240xf32, #tpu.memory_space<vmem_shared>>)
        tpu.yield
      }) : () -> ()
      %run_scoped3A_365 = arith.constant 3 : i32
      "tpu.region"() ({
        %run_scoped3A_375 = tpu.sem_alloc : memref<!tpu.dma_semaphore, #tpu.memory_space<semaphore_mem>>
        %dma_start3A = arith.constant 0 : i32
        %dma_start3A_376 = tpu.memref_slice %arg15[%run_scoped3A_365, %dma_start3A] : memref<8x128xi32, #tpu.memory_space<vmem>> -> memref<1x128xi32, #tpu.memory_space<vmem>>
        %dma_start3A_377 = tpu.memref_squeeze %dma_start3A_376 : memref<1x128xi32, #tpu.memory_space<vmem>> -> memref<128xi32, #tpu.memory_space<vmem>>
        %dma_start3A_378 = arith.constant 0 : i32
        %dma_start3A_379 = tpu.memref_slice %arg5[%dma_start3A_378] : memref<10000xf32, #tpu.memory_space<hbm>> -> memref<10000xf32, #tpu.memory_space<hbm>>
        tpu.enqueue_indirect_dma source(%dma_start3A_379 : memref<10000xf32, #tpu.memory_space<hbm>>) target(%arg16 : memref<128xf32, #tpu.memory_space<vmem>>) offsets(%dma_start3A_377 : memref<128xi32, #tpu.memory_space<vmem>>) semaphore(%run_scoped3A_375 : memref<!tpu.dma_semaphore, #tpu.memory_space<semaphore_mem>>)
        %dma_wait3A = arith.constant 0 : i32
        %dma_wait3A_380 = tpu.memref_slice %arg15[%run_scoped3A_365, %dma_wait3A] : memref<8x128xi32, #tpu.memory_space<vmem>> -> memref<1x128xi32, #tpu.memory_space<vmem>>
        %dma_wait3A_381 = tpu.memref_squeeze %dma_wait3A_380 : memref<1x128xi32, #tpu.memory_space<vmem>> -> memref<128xi32, #tpu.memory_space<vmem>>
        %dma_wait3A_382 = arith.constant 0 : i32
        %dma_wait3A_383 = tpu.memref_slice %arg5[%dma_wait3A_382] : memref<10000xf32, #tpu.memory_space<hbm>> -> memref<10000xf32, #tpu.memory_space<hbm>>
        tpu.wait_indirect_dma semaphore(%run_scoped3A_375 : memref<!tpu.dma_semaphore, #tpu.memory_space<semaphore_mem>>) src(%dma_wait3A_383 : memref<10000xf32, #tpu.memory_space<hbm>>) dst(%arg16 : memref<128xf32, #tpu.memory_space<vmem>>)
        tpu.yield
      }) : () -> ()
      %run_scoped3A_366 = arith.constant 3 : i32
      "tpu.region"() ({
        %run_scoped3A_375 = tpu.sem_alloc : memref<!tpu.dma_semaphore, #tpu.memory_space<semaphore_mem>>
        %dma_start3A = arith.constant 0 : i32
        %dma_start3A_376 = tpu.memref_slice %arg14[%run_scoped3A_366, %dma_start3A] : memref<8x128xi32, #tpu.memory_space<vmem>> -> memref<1x128xi32, #tpu.memory_space<vmem>>
        %dma_start3A_377 = tpu.memref_squeeze %dma_start3A_376 : memref<1x128xi32, #tpu.memory_space<vmem>> -> memref<128xi32, #tpu.memory_space<vmem>>
        %dma_start3A_378 = arith.constant 0 : i32
        %dma_start3A_379 = tpu.memref_slice %arg19[%dma_start3A_378] : memref<10240xf32, #tpu.memory_space<vmem_shared>> -> memref<10240xf32, #tpu.memory_space<vmem_shared>>
        tpu.enqueue_indirect_dma source(%arg16 : memref<128xf32, #tpu.memory_space<vmem>>) target(%dma_start3A_379 : memref<10240xf32, #tpu.memory_space<vmem_shared>>) offsets(%dma_start3A_377 : memref<128xi32, #tpu.memory_space<vmem>>) semaphore(%run_scoped3A_375 : memref<!tpu.dma_semaphore, #tpu.memory_space<semaphore_mem>>) {add = true}
        %dma_wait3A = arith.constant 0 : i32
        %dma_wait3A_380 = tpu.memref_slice %arg14[%run_scoped3A_366, %dma_wait3A] : memref<8x128xi32, #tpu.memory_space<vmem>> -> memref<1x128xi32, #tpu.memory_space<vmem>>
        %dma_wait3A_381 = tpu.memref_squeeze %dma_wait3A_380 : memref<1x128xi32, #tpu.memory_space<vmem>> -> memref<128xi32, #tpu.memory_space<vmem>>
        %dma_wait3A_382 = arith.constant 0 : i32
        %dma_wait3A_383 = tpu.memref_slice %arg19[%dma_wait3A_382] : memref<10240xf32, #tpu.memory_space<vmem_shared>> -> memref<10240xf32, #tpu.memory_space<vmem_shared>>
        tpu.wait_indirect_dma semaphore(%run_scoped3A_375 : memref<!tpu.dma_semaphore, #tpu.memory_space<semaphore_mem>>) src(%arg16 : memref<128xf32, #tpu.memory_space<vmem>>) dst(%dma_wait3A_383 : memref<10240xf32, #tpu.memory_space<vmem_shared>>)
        tpu.yield
      }) : () -> ()
      %run_scoped3A_367 = arith.constant 4 : i32
      "tpu.region"() ({
        %run_scoped3A_375 = tpu.sem_alloc : memref<!tpu.dma_semaphore, #tpu.memory_space<semaphore_mem>>
        %dma_start3A = arith.constant 0 : i32
        %dma_start3A_376 = tpu.memref_slice %arg15[%run_scoped3A_367, %dma_start3A] : memref<8x128xi32, #tpu.memory_space<vmem>> -> memref<1x128xi32, #tpu.memory_space<vmem>>
        %dma_start3A_377 = tpu.memref_squeeze %dma_start3A_376 : memref<1x128xi32, #tpu.memory_space<vmem>> -> memref<128xi32, #tpu.memory_space<vmem>>
        %dma_start3A_378 = arith.constant 0 : i32
        %dma_start3A_379 = tpu.memref_slice %arg5[%dma_start3A_378] : memref<10000xf32, #tpu.memory_space<hbm>> -> memref<10000xf32, #tpu.memory_space<hbm>>
        tpu.enqueue_indirect_dma source(%dma_start3A_379 : memref<10000xf32, #tpu.memory_space<hbm>>) target(%arg16 : memref<128xf32, #tpu.memory_space<vmem>>) offsets(%dma_start3A_377 : memref<128xi32, #tpu.memory_space<vmem>>) semaphore(%run_scoped3A_375 : memref<!tpu.dma_semaphore, #tpu.memory_space<semaphore_mem>>)
        %dma_wait3A = arith.constant 0 : i32
        %dma_wait3A_380 = tpu.memref_slice %arg15[%run_scoped3A_367, %dma_wait3A] : memref<8x128xi32, #tpu.memory_space<vmem>> -> memref<1x128xi32, #tpu.memory_space<vmem>>
        %dma_wait3A_381 = tpu.memref_squeeze %dma_wait3A_380 : memref<1x128xi32, #tpu.memory_space<vmem>> -> memref<128xi32, #tpu.memory_space<vmem>>
        %dma_wait3A_382 = arith.constant 0 : i32
        %dma_wait3A_383 = tpu.memref_slice %arg5[%dma_wait3A_382] : memref<10000xf32, #tpu.memory_space<hbm>> -> memref<10000xf32, #tpu.memory_space<hbm>>
        tpu.wait_indirect_dma semaphore(%run_scoped3A_375 : memref<!tpu.dma_semaphore, #tpu.memory_space<semaphore_mem>>) src(%dma_wait3A_383 : memref<10000xf32, #tpu.memory_space<hbm>>) dst(%arg16 : memref<128xf32, #tpu.memory_space<vmem>>)
        tpu.yield
      }) : () -> ()
      %run_scoped3A_368 = arith.constant 4 : i32
      "tpu.region"() ({
        %run_scoped3A_375 = tpu.sem_alloc : memref<!tpu.dma_semaphore, #tpu.memory_space<semaphore_mem>>
        %dma_start3A = arith.constant 0 : i32
        %dma_start3A_376 = tpu.memref_slice %arg14[%run_scoped3A_368, %dma_start3A] : memref<8x128xi32, #tpu.memory_space<vmem>> -> memref<1x128xi32, #tpu.memory_space<vmem>>
        %dma_start3A_377 = tpu.memref_squeeze %dma_start3A_376 : memref<1x128xi32, #tpu.memory_space<vmem>> -> memref<128xi32, #tpu.memory_space<vmem>>
        %dma_start3A_378 = arith.constant 0 : i32
        %dma_start3A_379 = tpu.memref_slice %arg19[%dma_start3A_378] : memref<10240xf32, #tpu.memory_space<vmem_shared>> -> memref<10240xf32, #tpu.memory_space<vmem_shared>>
        tpu.enqueue_indirect_dma source(%arg16 : memref<128xf32, #tpu.memory_space<vmem>>) target(%dma_start3A_379 : memref<10240xf32, #tpu.memory_space<vmem_shared>>) offsets(%dma_start3A_377 : memref<128xi32, #tpu.memory_space<vmem>>) semaphore(%run_scoped3A_375 : memref<!tpu.dma_semaphore, #tpu.memory_space<semaphore_mem>>) {add = true}
        %dma_wait3A = arith.constant 0 : i32
        %dma_wait3A_380 = tpu.memref_slice %arg14[%run_scoped3A_368, %dma_wait3A] : memref<8x128xi32, #tpu.memory_space<vmem>> -> memref<1x128xi32, #tpu.memory_space<vmem>>
        %dma_wait3A_381 = tpu.memref_squeeze %dma_wait3A_380 : memref<1x128xi32, #tpu.memory_space<vmem>> -> memref<128xi32, #tpu.memory_space<vmem>>
        %dma_wait3A_382 = arith.constant 0 : i32
        %dma_wait3A_383 = tpu.memref_slice %arg19[%dma_wait3A_382] : memref<10240xf32, #tpu.memory_space<vmem_shared>> -> memref<10240xf32, #tpu.memory_space<vmem_shared>>
        tpu.wait_indirect_dma semaphore(%run_scoped3A_375 : memref<!tpu.dma_semaphore, #tpu.memory_space<semaphore_mem>>) src(%arg16 : memref<128xf32, #tpu.memory_space<vmem>>) dst(%dma_wait3A_383 : memref<10240xf32, #tpu.memory_space<vmem_shared>>)
        tpu.yield
      }) : () -> ()
      %run_scoped3A_369 = arith.constant 5 : i32
      "tpu.region"() ({
        %run_scoped3A_375 = tpu.sem_alloc : memref<!tpu.dma_semaphore, #tpu.memory_space<semaphore_mem>>
        %dma_start3A = arith.constant 0 : i32
        %dma_start3A_376 = tpu.memref_slice %arg15[%run_scoped3A_369, %dma_start3A] : memref<8x128xi32, #tpu.memory_space<vmem>> -> memref<1x128xi32, #tpu.memory_space<vmem>>
        %dma_start3A_377 = tpu.memref_squeeze %dma_start3A_376 : memref<1x128xi32, #tpu.memory_space<vmem>> -> memref<128xi32, #tpu.memory_space<vmem>>
        %dma_start3A_378 = arith.constant 0 : i32
        %dma_start3A_379 = tpu.memref_slice %arg5[%dma_start3A_378] : memref<10000xf32, #tpu.memory_space<hbm>> -> memref<10000xf32, #tpu.memory_space<hbm>>
        tpu.enqueue_indirect_dma source(%dma_start3A_379 : memref<10000xf32, #tpu.memory_space<hbm>>) target(%arg16 : memref<128xf32, #tpu.memory_space<vmem>>) offsets(%dma_start3A_377 : memref<128xi32, #tpu.memory_space<vmem>>) semaphore(%run_scoped3A_375 : memref<!tpu.dma_semaphore, #tpu.memory_space<semaphore_mem>>)
        %dma_wait3A = arith.constant 0 : i32
        %dma_wait3A_380 = tpu.memref_slice %arg15[%run_scoped3A_369, %dma_wait3A] : memref<8x128xi32, #tpu.memory_space<vmem>> -> memref<1x128xi32, #tpu.memory_space<vmem>>
        %dma_wait3A_381 = tpu.memref_squeeze %dma_wait3A_380 : memref<1x128xi32, #tpu.memory_space<vmem>> -> memref<128xi32, #tpu.memory_space<vmem>>
        %dma_wait3A_382 = arith.constant 0 : i32
        %dma_wait3A_383 = tpu.memref_slice %arg5[%dma_wait3A_382] : memref<10000xf32, #tpu.memory_space<hbm>> -> memref<10000xf32, #tpu.memory_space<hbm>>
        tpu.wait_indirect_dma semaphore(%run_scoped3A_375 : memref<!tpu.dma_semaphore, #tpu.memory_space<semaphore_mem>>) src(%dma_wait3A_383 : memref<10000xf32, #tpu.memory_space<hbm>>) dst(%arg16 : memref<128xf32, #tpu.memory_space<vmem>>)
        tpu.yield
      }) : () -> ()
      %run_scoped3A_370 = arith.constant 5 : i32
      "tpu.region"() ({
        %run_scoped3A_375 = tpu.sem_alloc : memref<!tpu.dma_semaphore, #tpu.memory_space<semaphore_mem>>
        %dma_start3A = arith.constant 0 : i32
        %dma_start3A_376 = tpu.memref_slice %arg14[%run_scoped3A_370, %dma_start3A] : memref<8x128xi32, #tpu.memory_space<vmem>> -> memref<1x128xi32, #tpu.memory_space<vmem>>
        %dma_start3A_377 = tpu.memref_squeeze %dma_start3A_376 : memref<1x128xi32, #tpu.memory_space<vmem>> -> memref<128xi32, #tpu.memory_space<vmem>>
        %dma_start3A_378 = arith.constant 0 : i32
        %dma_start3A_379 = tpu.memref_slice %arg19[%dma_start3A_378] : memref<10240xf32, #tpu.memory_space<vmem_shared>> -> memref<10240xf32, #tpu.memory_space<vmem_shared>>
        tpu.enqueue_indirect_dma source(%arg16 : memref<128xf32, #tpu.memory_space<vmem>>) target(%dma_start3A_379 : memref<10240xf32, #tpu.memory_space<vmem_shared>>) offsets(%dma_start3A_377 : memref<128xi32, #tpu.memory_space<vmem>>) semaphore(%run_scoped3A_375 : memref<!tpu.dma_semaphore, #tpu.memory_space<semaphore_mem>>) {add = true}
        %dma_wait3A = arith.constant 0 : i32
        %dma_wait3A_380 = tpu.memref_slice %arg14[%run_scoped3A_370, %dma_wait3A] : memref<8x128xi32, #tpu.memory_space<vmem>> -> memref<1x128xi32, #tpu.memory_space<vmem>>
        %dma_wait3A_381 = tpu.memref_squeeze %dma_wait3A_380 : memref<1x128xi32, #tpu.memory_space<vmem>> -> memref<128xi32, #tpu.memory_space<vmem>>
        %dma_wait3A_382 = arith.constant 0 : i32
        %dma_wait3A_383 = tpu.memref_slice %arg19[%dma_wait3A_382] : memref<10240xf32, #tpu.memory_space<vmem_shared>> -> memref<10240xf32, #tpu.memory_space<vmem_shared>>
        tpu.wait_indirect_dma semaphore(%run_scoped3A_375 : memref<!tpu.dma_semaphore, #tpu.memory_space<semaphore_mem>>) src(%arg16 : memref<128xf32, #tpu.memory_space<vmem>>) dst(%dma_wait3A_383 : memref<10240xf32, #tpu.memory_space<vmem_shared>>)
        tpu.yield
      }) : () -> ()
      %run_scoped3A_371 = arith.constant 6 : i32
      "tpu.region"() ({
        %run_scoped3A_375 = tpu.sem_alloc : memref<!tpu.dma_semaphore, #tpu.memory_space<semaphore_mem>>
        %dma_start3A = arith.constant 0 : i32
        %dma_start3A_376 = tpu.memref_slice %arg15[%run_scoped3A_371, %dma_start3A] : memref<8x128xi32, #tpu.memory_space<vmem>> -> memref<1x128xi32, #tpu.memory_space<vmem>>
        %dma_start3A_377 = tpu.memref_squeeze %dma_start3A_376 : memref<1x128xi32, #tpu.memory_space<vmem>> -> memref<128xi32, #tpu.memory_space<vmem>>
        %dma_start3A_378 = arith.constant 0 : i32
        %dma_start3A_379 = tpu.memref_slice %arg5[%dma_start3A_378] : memref<10000xf32, #tpu.memory_space<hbm>> -> memref<10000xf32, #tpu.memory_space<hbm>>
        tpu.enqueue_indirect_dma source(%dma_start3A_379 : memref<10000xf32, #tpu.memory_space<hbm>>) target(%arg16 : memref<128xf32, #tpu.memory_space<vmem>>) offsets(%dma_start3A_377 : memref<128xi32, #tpu.memory_space<vmem>>) semaphore(%run_scoped3A_375 : memref<!tpu.dma_semaphore, #tpu.memory_space<semaphore_mem>>)
        %dma_wait3A = arith.constant 0 : i32
        %dma_wait3A_380 = tpu.memref_slice %arg15[%run_scoped3A_371, %dma_wait3A] : memref<8x128xi32, #tpu.memory_space<vmem>> -> memref<1x128xi32, #tpu.memory_space<vmem>>
        %dma_wait3A_381 = tpu.memref_squeeze %dma_wait3A_380 : memref<1x128xi32, #tpu.memory_space<vmem>> -> memref<128xi32, #tpu.memory_space<vmem>>
        %dma_wait3A_382 = arith.constant 0 : i32
        %dma_wait3A_383 = tpu.memref_slice %arg5[%dma_wait3A_382] : memref<10000xf32, #tpu.memory_space<hbm>> -> memref<10000xf32, #tpu.memory_space<hbm>>
        tpu.wait_indirect_dma semaphore(%run_scoped3A_375 : memref<!tpu.dma_semaphore, #tpu.memory_space<semaphore_mem>>) src(%dma_wait3A_383 : memref<10000xf32, #tpu.memory_space<hbm>>) dst(%arg16 : memref<128xf32, #tpu.memory_space<vmem>>)
        tpu.yield
      }) : () -> ()
      %run_scoped3A_372 = arith.constant 6 : i32
      "tpu.region"() ({
        %run_scoped3A_375 = tpu.sem_alloc : memref<!tpu.dma_semaphore, #tpu.memory_space<semaphore_mem>>
        %dma_start3A = arith.constant 0 : i32
        %dma_start3A_376 = tpu.memref_slice %arg14[%run_scoped3A_372, %dma_start3A] : memref<8x128xi32, #tpu.memory_space<vmem>> -> memref<1x128xi32, #tpu.memory_space<vmem>>
        %dma_start3A_377 = tpu.memref_squeeze %dma_start3A_376 : memref<1x128xi32, #tpu.memory_space<vmem>> -> memref<128xi32, #tpu.memory_space<vmem>>
        %dma_start3A_378 = arith.constant 0 : i32
        %dma_start3A_379 = tpu.memref_slice %arg19[%dma_start3A_378] : memref<10240xf32, #tpu.memory_space<vmem_shared>> -> memref<10240xf32, #tpu.memory_space<vmem_shared>>
        tpu.enqueue_indirect_dma source(%arg16 : memref<128xf32, #tpu.memory_space<vmem>>) target(%dma_start3A_379 : memref<10240xf32, #tpu.memory_space<vmem_shared>>) offsets(%dma_start3A_377 : memref<128xi32, #tpu.memory_space<vmem>>) semaphore(%run_scoped3A_375 : memref<!tpu.dma_semaphore, #tpu.memory_space<semaphore_mem>>) {add = true}
        %dma_wait3A = arith.constant 0 : i32
        %dma_wait3A_380 = tpu.memref_slice %arg14[%run_scoped3A_372, %dma_wait3A] : memref<8x128xi32, #tpu.memory_space<vmem>> -> memref<1x128xi32, #tpu.memory_space<vmem>>
        %dma_wait3A_381 = tpu.memref_squeeze %dma_wait3A_380 : memref<1x128xi32, #tpu.memory_space<vmem>> -> memref<128xi32, #tpu.memory_space<vmem>>
        %dma_wait3A_382 = arith.constant 0 : i32
        %dma_wait3A_383 = tpu.memref_slice %arg19[%dma_wait3A_382] : memref<10240xf32, #tpu.memory_space<vmem_shared>> -> memref<10240xf32, #tpu.memory_space<vmem_shared>>
        tpu.wait_indirect_dma semaphore(%run_scoped3A_375 : memref<!tpu.dma_semaphore, #tpu.memory_space<semaphore_mem>>) src(%arg16 : memref<128xf32, #tpu.memory_space<vmem>>) dst(%dma_wait3A_383 : memref<10240xf32, #tpu.memory_space<vmem_shared>>)
        tpu.yield
      }) : () -> ()
      %run_scoped3A_373 = arith.constant 7 : i32
      "tpu.region"() ({
        %run_scoped3A_375 = tpu.sem_alloc : memref<!tpu.dma_semaphore, #tpu.memory_space<semaphore_mem>>
        %dma_start3A = arith.constant 0 : i32
        %dma_start3A_376 = tpu.memref_slice %arg15[%run_scoped3A_373, %dma_start3A] : memref<8x128xi32, #tpu.memory_space<vmem>> -> memref<1x128xi32, #tpu.memory_space<vmem>>
        %dma_start3A_377 = tpu.memref_squeeze %dma_start3A_376 : memref<1x128xi32, #tpu.memory_space<vmem>> -> memref<128xi32, #tpu.memory_space<vmem>>
        %dma_start3A_378 = arith.constant 0 : i32
        %dma_start3A_379 = tpu.memref_slice %arg5[%dma_start3A_378] : memref<10000xf32, #tpu.memory_space<hbm>> -> memref<10000xf32, #tpu.memory_space<hbm>>
        tpu.enqueue_indirect_dma source(%dma_start3A_379 : memref<10000xf32, #tpu.memory_space<hbm>>) target(%arg16 : memref<128xf32, #tpu.memory_space<vmem>>) offsets(%dma_start3A_377 : memref<128xi32, #tpu.memory_space<vmem>>) semaphore(%run_scoped3A_375 : memref<!tpu.dma_semaphore, #tpu.memory_space<semaphore_mem>>)
        %dma_wait3A = arith.constant 0 : i32
        %dma_wait3A_380 = tpu.memref_slice %arg15[%run_scoped3A_373, %dma_wait3A] : memref<8x128xi32, #tpu.memory_space<vmem>> -> memref<1x128xi32, #tpu.memory_space<vmem>>
        %dma_wait3A_381 = tpu.memref_squeeze %dma_wait3A_380 : memref<1x128xi32, #tpu.memory_space<vmem>> -> memref<128xi32, #tpu.memory_space<vmem>>
        %dma_wait3A_382 = arith.constant 0 : i32
        %dma_wait3A_383 = tpu.memref_slice %arg5[%dma_wait3A_382] : memref<10000xf32, #tpu.memory_space<hbm>> -> memref<10000xf32, #tpu.memory_space<hbm>>
        tpu.wait_indirect_dma semaphore(%run_scoped3A_375 : memref<!tpu.dma_semaphore, #tpu.memory_space<semaphore_mem>>) src(%dma_wait3A_383 : memref<10000xf32, #tpu.memory_space<hbm>>) dst(%arg16 : memref<128xf32, #tpu.memory_space<vmem>>)
        tpu.yield
      }) : () -> ()
      %run_scoped3A_374 = arith.constant 7 : i32
      "tpu.region"() ({
        %run_scoped3A_375 = tpu.sem_alloc : memref<!tpu.dma_semaphore, #tpu.memory_space<semaphore_mem>>
        %dma_start3A = arith.constant 0 : i32
        %dma_start3A_376 = tpu.memref_slice %arg14[%run_scoped3A_374, %dma_start3A] : memref<8x128xi32, #tpu.memory_space<vmem>> -> memref<1x128xi32, #tpu.memory_space<vmem>>
        %dma_start3A_377 = tpu.memref_squeeze %dma_start3A_376 : memref<1x128xi32, #tpu.memory_space<vmem>> -> memref<128xi32, #tpu.memory_space<vmem>>
        %dma_start3A_378 = arith.constant 0 : i32
        %dma_start3A_379 = tpu.memref_slice %arg19[%dma_start3A_378] : memref<10240xf32, #tpu.memory_space<vmem_shared>> -> memref<10240xf32, #tpu.memory_space<vmem_shared>>
        tpu.enqueue_indirect_dma source(%arg16 : memref<128xf32, #tpu.memory_space<vmem>>) target(%dma_start3A_379 : memref<10240xf32, #tpu.memory_space<vmem_shared>>) offsets(%dma_start3A_377 : memref<128xi32, #tpu.memory_space<vmem>>) semaphore(%run_scoped3A_375 : memref<!tpu.dma_semaphore, #tpu.memory_space<semaphore_mem>>) {add = true}
        %dma_wait3A = arith.constant 0 : i32
        %dma_wait3A_380 = tpu.memref_slice %arg14[%run_scoped3A_374, %dma_wait3A] : memref<8x128xi32, #tpu.memory_space<vmem>> -> memref<1x128xi32, #tpu.memory_space<vmem>>
        %dma_wait3A_381 = tpu.memref_squeeze %dma_wait3A_380 : memref<1x128xi32, #tpu.memory_space<vmem>> -> memref<128xi32, #tpu.memory_space<vmem>>
        %dma_wait3A_382 = arith.constant 0 : i32
        %dma_wait3A_383 = tpu.memref_slice %arg19[%dma_wait3A_382] : memref<10240xf32, #tpu.memory_space<vmem_shared>> -> memref<10240xf32, #tpu.memory_space<vmem_shared>>
        tpu.wait_indirect_dma semaphore(%run_scoped3A_375 : memref<!tpu.dma_semaphore, #tpu.memory_space<semaphore_mem>>) src(%arg16 : memref<128xf32, #tpu.memory_space<vmem>>) dst(%dma_wait3A_383 : memref<10240xf32, #tpu.memory_space<vmem_shared>>)
        tpu.yield
      }) : () -> ()
    }
    %scan3A_283 = arith.constant 10 : i32
    %mul3A_284 = arith.constant 20 : i32
    %mul3A_285 = arith.muli %arg1, %mul3A_284 : i32
    %scan3A_286 = arith.constant 0 : i32
    %scan3A_287 = arith.constant 20 : i32
    %scan3A_288 = arith.addi %scan3A_286, %scan3A_287 : i32
    %scan3A_289 = arith.constant 1 : i32
    scf.for %scan3A_352 = %scan3A_286 to %scan3A_288 step %scan3A_289  : i32 {
      %mul3A_353 = arith.constant 1 : i32
      %mul3A_354 = arith.muli %scan3A_352, %mul3A_353 : i32
      %add3A_355 = arith.constant 0 : i32
      %add3A_356 = arith.addi %add3A_355, %mul3A_354 : i32
      %add3A_357 = arith.addi %mul3A_285, %add3A_356 : i32
      "tpu.region"() ({
        %run_scoped3A_1308 = tpu.sem_alloc : memref<!tpu.dma_semaphore, #tpu.memory_space<semaphore_mem>>
        %dma_start3A_1309 = arith.constant 0 : i32
        %dma_start3A_1310 = arith.constant 0 : i32
        %dma_start3A_1311 = tpu.memref_slice %arg3[%add3A_357, %dma_start3A_1309, %dma_start3A_1310] : memref<320x8x128xi32, #tpu.memory_space<hbm>> -> memref<1x8x128xi32, #tpu.memory_space<hbm>>
        %dma_start3A_1312 = tpu.memref_squeeze %dma_start3A_1311 : memref<1x8x128xi32, #tpu.memory_space<hbm>> -> memref<8x128xi32, #tpu.memory_space<hbm>>
        %dma_start3A_1313 = arith.constant 0 : i32
        %dma_start3A_1314 = arith.constant 0 : i32
        %dma_start3A_1315 = tpu.memref_slice %arg3[%add3A_357, %dma_start3A_1313, %dma_start3A_1314] : memref<320x8x128xi32, #tpu.memory_space<hbm>> -> memref<1x8x128xi32, #tpu.memory_space<hbm>>
        %dma_start3A_1316 = tpu.memref_squeeze %dma_start3A_1315 : memref<1x8x128xi32, #tpu.memory_space<hbm>> -> memref<8x128xi32, #tpu.memory_space<hbm>>
        tpu.enqueue_dma source(%dma_start3A_1316 : memref<8x128xi32, #tpu.memory_space<hbm>>) target(%arg10 : memref<8x128xi32, #tpu.memory_space<vmem>>) target_semaphore(%run_scoped3A_1308 : memref<!tpu.dma_semaphore, #tpu.memory_space<semaphore_mem>>)
        %dma_wait3A_1317 = arith.constant 0 : i32
        %dma_wait3A_1318 = arith.constant 0 : i32
        %dma_wait3A_1319 = tpu.memref_slice %arg3[%add3A_357, %dma_wait3A_1317, %dma_wait3A_1318] : memref<320x8x128xi32, #tpu.memory_space<hbm>> -> memref<1x8x128xi32, #tpu.memory_space<hbm>>
        %dma_wait3A_1320 = tpu.memref_squeeze %dma_wait3A_1319 : memref<1x8x128xi32, #tpu.memory_space<hbm>> -> memref<8x128xi32, #tpu.memory_space<hbm>>
        %dma_wait3A_1321 = arith.constant 0 : i32
        %dma_wait3A_1322 = arith.constant 0 : i32
        %dma_wait3A_1323 = tpu.memref_slice %arg3[%add3A_357, %dma_wait3A_1321, %dma_wait3A_1322] : memref<320x8x128xi32, #tpu.memory_space<hbm>> -> memref<1x8x128xi32, #tpu.memory_space<hbm>>
        %dma_wait3A_1324 = tpu.memref_squeeze %dma_wait3A_1323 : memref<1x8x128xi32, #tpu.memory_space<hbm>> -> memref<8x128xi32, #tpu.memory_space<hbm>>
        tpu.wait_dma2 semaphore(%run_scoped3A_1308 : memref<!tpu.dma_semaphore, #tpu.memory_space<semaphore_mem>>) src(%dma_wait3A_1324 : memref<8x128xi32, #tpu.memory_space<hbm>>) dst(%arg10 : memref<8x128xi32, #tpu.memory_space<vmem>>)
        tpu.yield
      }) : () -> ()
      %add3A_358 = arith.addi %mul3A_285, %add3A_356 : i32
      "tpu.region"() ({
        %run_scoped3A_1308 = tpu.sem_alloc : memref<!tpu.dma_semaphore, #tpu.memory_space<semaphore_mem>>
        %dma_start3A_1309 = arith.constant 0 : i32
        %dma_start3A_1310 = arith.constant 0 : i32
        %dma_start3A_1311 = tpu.memref_slice %arg4[%add3A_358, %dma_start3A_1309, %dma_start3A_1310] : memref<320x8x128xi32, #tpu.memory_space<hbm>> -> memref<1x8x128xi32, #tpu.memory_space<hbm>>
        %dma_start3A_1312 = tpu.memref_squeeze %dma_start3A_1311 : memref<1x8x128xi32, #tpu.memory_space<hbm>> -> memref<8x128xi32, #tpu.memory_space<hbm>>
        %dma_start3A_1313 = arith.constant 0 : i32
        %dma_start3A_1314 = arith.constant 0 : i32
        %dma_start3A_1315 = tpu.memref_slice %arg4[%add3A_358, %dma_start3A_1313, %dma_start3A_1314] : memref<320x8x128xi32, #tpu.memory_space<hbm>> -> memref<1x8x128xi32, #tpu.memory_space<hbm>>
        %dma_start3A_1316 = tpu.memref_squeeze %dma_start3A_1315 : memref<1x8x128xi32, #tpu.memory_space<hbm>> -> memref<8x128xi32, #tpu.memory_space<hbm>>
        tpu.enqueue_dma source(%dma_start3A_1316 : memref<8x128xi32, #tpu.memory_space<hbm>>) target(%arg11 : memref<8x128xi32, #tpu.memory_space<vmem>>) target_semaphore(%run_scoped3A_1308 : memref<!tpu.dma_semaphore, #tpu.memory_space<semaphore_mem>>)
        %dma_wait3A_1317 = arith.constant 0 : i32
        %dma_wait3A_1318 = arith.constant 0 : i32
        %dma_wait3A_1319 = tpu.memref_slice %arg4[%add3A_358, %dma_wait3A_1317, %dma_wait3A_1318] : memref<320x8x128xi32, #tpu.memory_space<hbm>> -> memref<1x8x128xi32, #tpu.memory_space<hbm>>
        %dma_wait3A_1320 = tpu.memref_squeeze %dma_wait3A_1319 : memref<1x8x128xi32, #tpu.memory_space<hbm>> -> memref<8x128xi32, #tpu.memory_space<hbm>>
        %dma_wait3A_1321 = arith.constant 0 : i32
        %dma_wait3A_1322 = arith.constant 0 : i32
        %dma_wait3A_1323 = tpu.memref_slice %arg4[%add3A_358, %dma_wait3A_1321, %dma_wait3A_1322] : memref<320x8x128xi32, #tpu.memory_space<hbm>> -> memref<1x8x128xi32, #tpu.memory_space<hbm>>
        %dma_wait3A_1324 = tpu.memref_squeeze %dma_wait3A_1323 : memref<1x8x128xi32, #tpu.memory_space<hbm>> -> memref<8x128xi32, #tpu.memory_space<hbm>>
        tpu.wait_dma2 semaphore(%run_scoped3A_1308 : memref<!tpu.dma_semaphore, #tpu.memory_space<semaphore_mem>>) src(%dma_wait3A_1324 : memref<8x128xi32, #tpu.memory_space<hbm>>) dst(%arg11 : memref<8x128xi32, #tpu.memory_space<vmem>>)
        tpu.yield
      }) : () -> ()
      %get3A = arith.constant 0 : i32
      %get3A_359 = arith.index_cast %get3A : i32 to index
      %get3A_360 = arith.constant 0 : index
      %get3A_361 = tpu.vector_load %arg10[%get3A_359, %get3A_360] {strides = array<i32>} : memref<8x128xi32, #tpu.memory_space<vmem>>, vector<1x16xi32>,
      %get3A_362 = vector.shape_cast %get3A_361 : vector<1x16xi32> to vector<16xi32>
      %add3A_363 = vector.broadcast %mul3A_241 : i32 to vector<16xi32>
      %add3A_364 = arith.addi %get3A_362, %add3A_363 : vector<16xi32>
      %swap3A_365 = arith.constant 0 : i32
      %swap3A_366 = arith.index_cast %swap3A_365 : i32 to index
      %swap3A_367 = arith.constant 0 : index
      %swap3A_368 = tpu.vector_load %arg10[%swap3A_366, %swap3A_367] {strides = array<i32>} : memref<8x128xi32, #tpu.memory_space<vmem>>, vector<1x16xi32>,
      %swap3A_369 = vector.shape_cast %swap3A_368 : vector<1x16xi32> to vector<16xi32>
      %swap3A_370 = vector.shape_cast %add3A_364 : vector<16xi32> to vector<1x16xi32>
      tpu.vector_store %arg10[%swap3A_366, %swap3A_367], %swap3A_370 {strides = array<i32>} : memref<8x128xi32, #tpu.memory_space<vmem>>, vector<1x16xi32>,
      %get3A_371 = arith.constant 0 : i32
      %get3A_372 = arith.index_cast %get3A_371 : i32 to index
      %get3A_373 = arith.constant 16 : index
      %get3A_374 = tpu.vector_load %arg10[%get3A_372, %get3A_373] {strides = array<i32>} : memref<8x128xi32, #tpu.memory_space<vmem>>, vector<1x16xi32>,
      %get3A_375 = vector.shape_cast %get3A_374 : vector<1x16xi32> to vector<16xi32>
      %add3A_376 = vector.broadcast %mul3A_241 : i32 to vector<16xi32>
      %add3A_377 = arith.addi %get3A_375, %add3A_376 : vector<16xi32>
      %swap3A_378 = arith.constant 0 : i32
      %swap3A_379 = arith.index_cast %swap3A_378 : i32 to index
      %swap3A_380 = arith.constant 16 : index
      %swap3A_381 = tpu.vector_load %arg10[%swap3A_379, %swap3A_380] {strides = array<i32>} : memref<8x128xi32, #tpu.memory_space<vmem>>, vector<1x16xi32>,
      %swap3A_382 = vector.shape_cast %swap3A_381 : vector<1x16xi32> to vector<16xi32>
      %swap3A_383 = vector.shape_cast %add3A_377 : vector<16xi32> to vector<1x16xi32>
      tpu.vector_store %arg10[%swap3A_379, %swap3A_380], %swap3A_383 {strides = array<i32>} : memref<8x128xi32, #tpu.memory_space<vmem>>, vector<1x16xi32>,
      %get3A_384 = arith.constant 0 : i32
      %get3A_385 = arith.index_cast %get3A_384 : i32 to index
      %get3A_386 = arith.constant 32 : index
      %get3A_387 = tpu.vector_load %arg10[%get3A_385, %get3A_386] {strides = array<i32>} : memref<8x128xi32, #tpu.memory_space<vmem>>, vector<1x16xi32>,
      %get3A_388 = vector.shape_cast %get3A_387 : vector<1x16xi32> to vector<16xi32>
      %add3A_389 = vector.broadcast %mul3A_241 : i32 to vector<16xi32>
      %add3A_390 = arith.addi %get3A_388, %add3A_389 : vector<16xi32>
      %swap3A_391 = arith.constant 0 : i32
      %swap3A_392 = arith.index_cast %swap3A_391 : i32 to index
      %swap3A_393 = arith.constant 32 : index
      %swap3A_394 = tpu.vector_load %arg10[%swap3A_392, %swap3A_393] {strides = array<i32>} : memref<8x128xi32, #tpu.memory_space<vmem>>, vector<1x16xi32>,
      %swap3A_395 = vector.shape_cast %swap3A_394 : vector<1x16xi32> to vector<16xi32>
      %swap3A_396 = vector.shape_cast %add3A_390 : vector<16xi32> to vector<1x16xi32>
      tpu.vector_store %arg10[%swap3A_392, %swap3A_393], %swap3A_396 {strides = array<i32>} : memref<8x128xi32, #tpu.memory_space<vmem>>, vector<1x16xi32>,
      %get3A_397 = arith.constant 0 : i32
      %get3A_398 = arith.index_cast %get3A_397 : i32 to index
      %get3A_399 = arith.constant 48 : index
      %get3A_400 = tpu.vector_load %arg10[%get3A_398, %get3A_399] {strides = array<i32>} : memref<8x128xi32, #tpu.memory_space<vmem>>, vector<1x16xi32>,
      %get3A_401 = vector.shape_cast %get3A_400 : vector<1x16xi32> to vector<16xi32>
      %add3A_402 = vector.broadcast %mul3A_241 : i32 to vector<16xi32>
      %add3A_403 = arith.addi %get3A_401, %add3A_402 : vector<16xi32>
      %swap3A_404 = arith.constant 0 : i32
      %swap3A_405 = arith.index_cast %swap3A_404 : i32 to index
      %swap3A_406 = arith.constant 48 : index
      %swap3A_407 = tpu.vector_load %arg10[%swap3A_405, %swap3A_406] {strides = array<i32>} : memref<8x128xi32, #tpu.memory_space<vmem>>, vector<1x16xi32>,
      %swap3A_408 = vector.shape_cast %swap3A_407 : vector<1x16xi32> to vector<16xi32>
      %swap3A_409 = vector.shape_cast %add3A_403 : vector<16xi32> to vector<1x16xi32>
      tpu.vector_store %arg10[%swap3A_405, %swap3A_406], %swap3A_409 {strides = array<i32>} : memref<8x128xi32, #tpu.memory_space<vmem>>, vector<1x16xi32>,
      %get3A_410 = arith.constant 0 : i32
      %get3A_411 = arith.index_cast %get3A_410 : i32 to index
      %get3A_412 = arith.constant 64 : index
      %get3A_413 = tpu.vector_load %arg10[%get3A_411, %get3A_412] {strides = array<i32>} : memref<8x128xi32, #tpu.memory_space<vmem>>, vector<1x16xi32>,
      %get3A_414 = vector.shape_cast %get3A_413 : vector<1x16xi32> to vector<16xi32>
      %add3A_415 = vector.broadcast %mul3A_241 : i32 to vector<16xi32>
      %add3A_416 = arith.addi %get3A_414, %add3A_415 : vector<16xi32>
      %swap3A_417 = arith.constant 0 : i32
      %swap3A_418 = arith.index_cast %swap3A_417 : i32 to index
      %swap3A_419 = arith.constant 64 : index
      %swap3A_420 = tpu.vector_load %arg10[%swap3A_418, %swap3A_419] {strides = array<i32>} : memref<8x128xi32, #tpu.memory_space<vmem>>, vector<1x16xi32>,
      %swap3A_421 = vector.shape_cast %swap3A_420 : vector<1x16xi32> to vector<16xi32>
      %swap3A_422 = vector.shape_cast %add3A_416 : vector<16xi32> to vector<1x16xi32>
      tpu.vector_store %arg10[%swap3A_418, %swap3A_419], %swap3A_422 {strides = array<i32>} : memref<8x128xi32, #tpu.memory_space<vmem>>, vector<1x16xi32>,
      %get3A_423 = arith.constant 0 : i32
      %get3A_424 = arith.index_cast %get3A_423 : i32 to index
      %get3A_425 = arith.constant 80 : index
      %get3A_426 = tpu.vector_load %arg10[%get3A_424, %get3A_425] {strides = array<i32>} : memref<8x128xi32, #tpu.memory_space<vmem>>, vector<1x16xi32>,
      %get3A_427 = vector.shape_cast %get3A_426 : vector<1x16xi32> to vector<16xi32>
      %add3A_428 = vector.broadcast %mul3A_241 : i32 to vector<16xi32>
      %add3A_429 = arith.addi %get3A_427, %add3A_428 : vector<16xi32>
      %swap3A_430 = arith.constant 0 : i32
      %swap3A_431 = arith.index_cast %swap3A_430 : i32 to index
      %swap3A_432 = arith.constant 80 : index
      %swap3A_433 = tpu.vector_load %arg10[%swap3A_431, %swap3A_432] {strides = array<i32>} : memref<8x128xi32, #tpu.memory_space<vmem>>, vector<1x16xi32>,
      %swap3A_434 = vector.shape_cast %swap3A_433 : vector<1x16xi32> to vector<16xi32>
      %swap3A_435 = vector.shape_cast %add3A_429 : vector<16xi32> to vector<1x16xi32>
      tpu.vector_store %arg10[%swap3A_431, %swap3A_432], %swap3A_435 {strides = array<i32>} : memref<8x128xi32, #tpu.memory_space<vmem>>, vector<1x16xi32>,
      %get3A_436 = arith.constant 0 : i32
      %get3A_437 = arith.index_cast %get3A_436 : i32 to index
      %get3A_438 = arith.constant 96 : index
      %get3A_439 = tpu.vector_load %arg10[%get3A_437, %get3A_438] {strides = array<i32>} : memref<8x128xi32, #tpu.memory_space<vmem>>, vector<1x16xi32>,
      %get3A_440 = vector.shape_cast %get3A_439 : vector<1x16xi32> to vector<16xi32>
      %add3A_441 = vector.broadcast %mul3A_241 : i32 to vector<16xi32>
      %add3A_442 = arith.addi %get3A_440, %add3A_441 : vector<16xi32>
      %swap3A_443 = arith.constant 0 : i32
      %swap3A_444 = arith.index_cast %swap3A_443 : i32 to index
      %swap3A_445 = arith.constant 96 : index
      %swap3A_446 = tpu.vector_load %arg10[%swap3A_444, %swap3A_445] {strides = array<i32>} : memref<8x128xi32, #tpu.memory_space<vmem>>, vector<1x16xi32>,
      %swap3A_447 = vector.shape_cast %swap3A_446 : vector<1x16xi32> to vector<16xi32>
      %swap3A_448 = vector.shape_cast %add3A_442 : vector<16xi32> to vector<1x16xi32>
      tpu.vector_store %arg10[%swap3A_444, %swap3A_445], %swap3A_448 {strides = array<i32>} : memref<8x128xi32, #tpu.memory_space<vmem>>, vector<1x16xi32>,
      %get3A_449 = arith.constant 0 : i32
      %get3A_450 = arith.index_cast %get3A_449 : i32 to index
      %get3A_451 = arith.constant 112 : index
      %get3A_452 = tpu.vector_load %arg10[%get3A_450, %get3A_451] {strides = array<i32>} : memref<8x128xi32, #tpu.memory_space<vmem>>, vector<1x16xi32>,
      %get3A_453 = vector.shape_cast %get3A_452 : vector<1x16xi32> to vector<16xi32>
      %add3A_454 = vector.broadcast %mul3A_241 : i32 to vector<16xi32>
      %add3A_455 = arith.addi %get3A_453, %add3A_454 : vector<16xi32>
      %swap3A_456 = arith.constant 0 : i32
      %swap3A_457 = arith.index_cast %swap3A_456 : i32 to index
      %swap3A_458 = arith.constant 112 : index
      %swap3A_459 = tpu.vector_load %arg10[%swap3A_457, %swap3A_458] {strides = array<i32>} : memref<8x128xi32, #tpu.memory_space<vmem>>, vector<1x16xi32>,
      %swap3A_460 = vector.shape_cast %swap3A_459 : vector<1x16xi32> to vector<16xi32>
      %swap3A_461 = vector.shape_cast %add3A_455 : vector<16xi32> to vector<1x16xi32>
      tpu.vector_store %arg10[%swap3A_457, %swap3A_458], %swap3A_461 {strides = array<i32>} : memref<8x128xi32, #tpu.memory_space<vmem>>, vector<1x16xi32>,
      %get3A_462 = arith.constant 1 : i32
      %get3A_463 = arith.index_cast %get3A_462 : i32 to index
      %get3A_464 = arith.constant 0 : index
      %get3A_465 = tpu.vector_load %arg10[%get3A_463, %get3A_464] {strides = array<i32>} : memref<8x128xi32, #tpu.memory_space<vmem>>, vector<1x16xi32>,
      %get3A_466 = vector.shape_cast %get3A_465 : vector<1x16xi32> to vector<16xi32>
      %add3A_467 = vector.broadcast %mul3A_241 : i32 to vector<16xi32>
      %add3A_468 = arith.addi %get3A_466, %add3A_467 : vector<16xi32>
      %swap3A_469 = arith.constant 1 : i32
      %swap3A_470 = arith.index_cast %swap3A_469 : i32 to index
      %swap3A_471 = arith.constant 0 : index
      %swap3A_472 = tpu.vector_load %arg10[%swap3A_470, %swap3A_471] {strides = array<i32>} : memref<8x128xi32, #tpu.memory_space<vmem>>, vector<1x16xi32>,
      %swap3A_473 = vector.shape_cast %swap3A_472 : vector<1x16xi32> to vector<16xi32>
      %swap3A_474 = vector.shape_cast %add3A_468 : vector<16xi32> to vector<1x16xi32>
      tpu.vector_store %arg10[%swap3A_470, %swap3A_471], %swap3A_474 {strides = array<i32>} : memref<8x128xi32, #tpu.memory_space<vmem>>, vector<1x16xi32>,
      %get3A_475 = arith.constant 1 : i32
      %get3A_476 = arith.index_cast %get3A_475 : i32 to index
      %get3A_477 = arith.constant 16 : index
      %get3A_478 = tpu.vector_load %arg10[%get3A_476, %get3A_477] {strides = array<i32>} : memref<8x128xi32, #tpu.memory_space<vmem>>, vector<1x16xi32>,
      %get3A_479 = vector.shape_cast %get3A_478 : vector<1x16xi32> to vector<16xi32>
      %add3A_480 = vector.broadcast %mul3A_241 : i32 to vector<16xi32>
      %add3A_481 = arith.addi %get3A_479, %add3A_480 : vector<16xi32>
      %swap3A_482 = arith.constant 1 : i32
      %swap3A_483 = arith.index_cast %swap3A_482 : i32 to index
      %swap3A_484 = arith.constant 16 : index
      %swap3A_485 = tpu.vector_load %arg10[%swap3A_483, %swap3A_484] {strides = array<i32>} : memref<8x128xi32, #tpu.memory_space<vmem>>, vector<1x16xi32>,
      %swap3A_486 = vector.shape_cast %swap3A_485 : vector<1x16xi32> to vector<16xi32>
      %swap3A_487 = vector.shape_cast %add3A_481 : vector<16xi32> to vector<1x16xi32>
      tpu.vector_store %arg10[%swap3A_483, %swap3A_484], %swap3A_487 {strides = array<i32>} : memref<8x128xi32, #tpu.memory_space<vmem>>, vector<1x16xi32>,
      %get3A_488 = arith.constant 1 : i32
      %get3A_489 = arith.index_cast %get3A_488 : i32 to index
      %get3A_490 = arith.constant 32 : index
      %get3A_491 = tpu.vector_load %arg10[%get3A_489, %get3A_490] {strides = array<i32>} : memref<8x128xi32, #tpu.memory_space<vmem>>, vector<1x16xi32>,
      %get3A_492 = vector.shape_cast %get3A_491 : vector<1x16xi32> to vector<16xi32>
      %add3A_493 = vector.broadcast %mul3A_241 : i32 to vector<16xi32>
      %add3A_494 = arith.addi %get3A_492, %add3A_493 : vector<16xi32>
      %swap3A_495 = arith.constant 1 : i32
      %swap3A_496 = arith.index_cast %swap3A_495 : i32 to index
      %swap3A_497 = arith.constant 32 : index
      %swap3A_498 = tpu.vector_load %arg10[%swap3A_496, %swap3A_497] {strides = array<i32>} : memref<8x128xi32, #tpu.memory_space<vmem>>, vector<1x16xi32>,
      %swap3A_499 = vector.shape_cast %swap3A_498 : vector<1x16xi32> to vector<16xi32>
      %swap3A_500 = vector.shape_cast %add3A_494 : vector<16xi32> to vector<1x16xi32>
      tpu.vector_store %arg10[%swap3A_496, %swap3A_497], %swap3A_500 {strides = array<i32>} : memref<8x128xi32, #tpu.memory_space<vmem>>, vector<1x16xi32>,
      %get3A_501 = arith.constant 1 : i32
      %get3A_502 = arith.index_cast %get3A_501 : i32 to index
      %get3A_503 = arith.constant 48 : index
      %get3A_504 = tpu.vector_load %arg10[%get3A_502, %get3A_503] {strides = array<i32>} : memref<8x128xi32, #tpu.memory_space<vmem>>, vector<1x16xi32>,
      %get3A_505 = vector.shape_cast %get3A_504 : vector<1x16xi32> to vector<16xi32>
      %add3A_506 = vector.broadcast %mul3A_241 : i32 to vector<16xi32>
      %add3A_507 = arith.addi %get3A_505, %add3A_506 : vector<16xi32>
      %swap3A_508 = arith.constant 1 : i32
      %swap3A_509 = arith.index_cast %swap3A_508 : i32 to index
      %swap3A_510 = arith.constant 48 : index
      %swap3A_511 = tpu.vector_load %arg10[%swap3A_509, %swap3A_510] {strides = array<i32>} : memref<8x128xi32, #tpu.memory_space<vmem>>, vector<1x16xi32>,
      %swap3A_512 = vector.shape_cast %swap3A_511 : vector<1x16xi32> to vector<16xi32>
      %swap3A_513 = vector.shape_cast %add3A_507 : vector<16xi32> to vector<1x16xi32>
      tpu.vector_store %arg10[%swap3A_509, %swap3A_510], %swap3A_513 {strides = array<i32>} : memref<8x128xi32, #tpu.memory_space<vmem>>, vector<1x16xi32>,
      %get3A_514 = arith.constant 1 : i32
      %get3A_515 = arith.index_cast %get3A_514 : i32 to index
      %get3A_516 = arith.constant 64 : index
      %get3A_517 = tpu.vector_load %arg10[%get3A_515, %get3A_516] {strides = array<i32>} : memref<8x128xi32, #tpu.memory_space<vmem>>, vector<1x16xi32>,
      %get3A_518 = vector.shape_cast %get3A_517 : vector<1x16xi32> to vector<16xi32>
      %add3A_519 = vector.broadcast %mul3A_241 : i32 to vector<16xi32>
      %add3A_520 = arith.addi %get3A_518, %add3A_519 : vector<16xi32>
      %swap3A_521 = arith.constant 1 : i32
      %swap3A_522 = arith.index_cast %swap3A_521 : i32 to index
      %swap3A_523 = arith.constant 64 : index
      %swap3A_524 = tpu.vector_load %arg10[%swap3A_522, %swap3A_523] {strides = array<i32>} : memref<8x128xi32, #tpu.memory_space<vmem>>, vector<1x16xi32>,
      %swap3A_525 = vector.shape_cast %swap3A_524 : vector<1x16xi32> to vector<16xi32>
      %swap3A_526 = vector.shape_cast %add3A_520 : vector<16xi32> to vector<1x16xi32>
      tpu.vector_store %arg10[%swap3A_522, %swap3A_523], %swap3A_526 {strides = array<i32>} : memref<8x128xi32, #tpu.memory_space<vmem>>, vector<1x16xi32>,
      %get3A_527 = arith.constant 1 : i32
      %get3A_528 = arith.index_cast %get3A_527 : i32 to index
      %get3A_529 = arith.constant 80 : index
      %get3A_530 = tpu.vector_load %arg10[%get3A_528, %get3A_529] {strides = array<i32>} : memref<8x128xi32, #tpu.memory_space<vmem>>, vector<1x16xi32>,
      %get3A_531 = vector.shape_cast %get3A_530 : vector<1x16xi32> to vector<16xi32>
      %add3A_532 = vector.broadcast %mul3A_241 : i32 to vector<16xi32>
      %add3A_533 = arith.addi %get3A_531, %add3A_532 : vector<16xi32>
      %swap3A_534 = arith.constant 1 : i32
      %swap3A_535 = arith.index_cast %swap3A_534 : i32 to index
      %swap3A_536 = arith.constant 80 : index
      %swap3A_537 = tpu.vector_load %arg10[%swap3A_535, %swap3A_536] {strides = array<i32>} : memref<8x128xi32, #tpu.memory_space<vmem>>, vector<1x16xi32>,
      %swap3A_538 = vector.shape_cast %swap3A_537 : vector<1x16xi32> to vector<16xi32>
      %swap3A_539 = vector.shape_cast %add3A_533 : vector<16xi32> to vector<1x16xi32>
      tpu.vector_store %arg10[%swap3A_535, %swap3A_536], %swap3A_539 {strides = array<i32>} : memref<8x128xi32, #tpu.memory_space<vmem>>, vector<1x16xi32>,
      %get3A_540 = arith.constant 1 : i32
      %get3A_541 = arith.index_cast %get3A_540 : i32 to index
      %get3A_542 = arith.constant 96 : index
      %get3A_543 = tpu.vector_load %arg10[%get3A_541, %get3A_542] {strides = array<i32>} : memref<8x128xi32, #tpu.memory_space<vmem>>, vector<1x16xi32>,
      %get3A_544 = vector.shape_cast %get3A_543 : vector<1x16xi32> to vector<16xi32>
      %add3A_545 = vector.broadcast %mul3A_241 : i32 to vector<16xi32>
      %add3A_546 = arith.addi %get3A_544, %add3A_545 : vector<16xi32>
      %swap3A_547 = arith.constant 1 : i32
      %swap3A_548 = arith.index_cast %swap3A_547 : i32 to index
      %swap3A_549 = arith.constant 96 : index
      %swap3A_550 = tpu.vector_load %arg10[%swap3A_548, %swap3A_549] {strides = array<i32>} : memref<8x128xi32, #tpu.memory_space<vmem>>, vector<1x16xi32>,
      %swap3A_551 = vector.shape_cast %swap3A_550 : vector<1x16xi32> to vector<16xi32>
      %swap3A_552 = vector.shape_cast %add3A_546 : vector<16xi32> to vector<1x16xi32>
      tpu.vector_store %arg10[%swap3A_548, %swap3A_549], %swap3A_552 {strides = array<i32>} : memref<8x128xi32, #tpu.memory_space<vmem>>, vector<1x16xi32>,
      %get3A_553 = arith.constant 1 : i32
      %get3A_554 = arith.index_cast %get3A_553 : i32 to index
      %get3A_555 = arith.constant 112 : index
      %get3A_556 = tpu.vector_load %arg10[%get3A_554, %get3A_555] {strides = array<i32>} : memref<8x128xi32, #tpu.memory_space<vmem>>, vector<1x16xi32>,
      %get3A_557 = vector.shape_cast %get3A_556 : vector<1x16xi32> to vector<16xi32>
      %add3A_558 = vector.broadcast %mul3A_241 : i32 to vector<16xi32>
      %add3A_559 = arith.addi %get3A_557, %add3A_558 : vector<16xi32>
      %swap3A_560 = arith.constant 1 : i32
      %swap3A_561 = arith.index_cast %swap3A_560 : i32 to index
      %swap3A_562 = arith.constant 112 : index
      %swap3A_563 = tpu.vector_load %arg10[%swap3A_561, %swap3A_562] {strides = array<i32>} : memref<8x128xi32, #tpu.memory_space<vmem>>, vector<1x16xi32>,
      %swap3A_564 = vector.shape_cast %swap3A_563 : vector<1x16xi32> to vector<16xi32>
      %swap3A_565 = vector.shape_cast %add3A_559 : vector<16xi32> to vector<1x16xi32>
      tpu.vector_store %arg10[%swap3A_561, %swap3A_562], %swap3A_565 {strides = array<i32>} : memref<8x128xi32, #tpu.memory_space<vmem>>, vector<1x16xi32>,
      %get3A_566 = arith.constant 2 : i32
      %get3A_567 = arith.index_cast %get3A_566 : i32 to index
      %get3A_568 = arith.constant 0 : index
      %get3A_569 = tpu.vector_load %arg10[%get3A_567, %get3A_568] {strides = array<i32>} : memref<8x128xi32, #tpu.memory_space<vmem>>, vector<1x16xi32>,
      %get3A_570 = vector.shape_cast %get3A_569 : vector<1x16xi32> to vector<16xi32>
      %add3A_571 = vector.broadcast %mul3A_241 : i32 to vector<16xi32>
      %add3A_572 = arith.addi %get3A_570, %add3A_571 : vector<16xi32>
      %swap3A_573 = arith.constant 2 : i32
      %swap3A_574 = arith.index_cast %swap3A_573 : i32 to index
      %swap3A_575 = arith.constant 0 : index
      %swap3A_576 = tpu.vector_load %arg10[%swap3A_574, %swap3A_575] {strides = array<i32>} : memref<8x128xi32, #tpu.memory_space<vmem>>, vector<1x16xi32>,
      %swap3A_577 = vector.shape_cast %swap3A_576 : vector<1x16xi32> to vector<16xi32>
      %swap3A_578 = vector.shape_cast %add3A_572 : vector<16xi32> to vector<1x16xi32>
      tpu.vector_store %arg10[%swap3A_574, %swap3A_575], %swap3A_578 {strides = array<i32>} : memref<8x128xi32, #tpu.memory_space<vmem>>, vector<1x16xi32>,
      %get3A_579 = arith.constant 2 : i32
      %get3A_580 = arith.index_cast %get3A_579 : i32 to index
      %get3A_581 = arith.constant 16 : index
      %get3A_582 = tpu.vector_load %arg10[%get3A_580, %get3A_581] {strides = array<i32>} : memref<8x128xi32, #tpu.memory_space<vmem>>, vector<1x16xi32>,
      %get3A_583 = vector.shape_cast %get3A_582 : vector<1x16xi32> to vector<16xi32>
      %add3A_584 = vector.broadcast %mul3A_241 : i32 to vector<16xi32>
      %add3A_585 = arith.addi %get3A_583, %add3A_584 : vector<16xi32>
      %swap3A_586 = arith.constant 2 : i32
      %swap3A_587 = arith.index_cast %swap3A_586 : i32 to index
      %swap3A_588 = arith.constant 16 : index
      %swap3A_589 = tpu.vector_load %arg10[%swap3A_587, %swap3A_588] {strides = array<i32>} : memref<8x128xi32, #tpu.memory_space<vmem>>, vector<1x16xi32>,
      %swap3A_590 = vector.shape_cast %swap3A_589 : vector<1x16xi32> to vector<16xi32>
      %swap3A_591 = vector.shape_cast %add3A_585 : vector<16xi32> to vector<1x16xi32>
      tpu.vector_store %arg10[%swap3A_587, %swap3A_588], %swap3A_591 {strides = array<i32>} : memref<8x128xi32, #tpu.memory_space<vmem>>, vector<1x16xi32>,
      %get3A_592 = arith.constant 2 : i32
      %get3A_593 = arith.index_cast %get3A_592 : i32 to index
      %get3A_594 = arith.constant 32 : index
      %get3A_595 = tpu.vector_load %arg10[%get3A_593, %get3A_594] {strides = array<i32>} : memref<8x128xi32, #tpu.memory_space<vmem>>, vector<1x16xi32>,
      %get3A_596 = vector.shape_cast %get3A_595 : vector<1x16xi32> to vector<16xi32>
      %add3A_597 = vector.broadcast %mul3A_241 : i32 to vector<16xi32>
      %add3A_598 = arith.addi %get3A_596, %add3A_597 : vector<16xi32>
      %swap3A_599 = arith.constant 2 : i32
      %swap3A_600 = arith.index_cast %swap3A_599 : i32 to index
      %swap3A_601 = arith.constant 32 : index
      %swap3A_602 = tpu.vector_load %arg10[%swap3A_600, %swap3A_601] {strides = array<i32>} : memref<8x128xi32, #tpu.memory_space<vmem>>, vector<1x16xi32>,
      %swap3A_603 = vector.shape_cast %swap3A_602 : vector<1x16xi32> to vector<16xi32>
      %swap3A_604 = vector.shape_cast %add3A_598 : vector<16xi32> to vector<1x16xi32>
      tpu.vector_store %arg10[%swap3A_600, %swap3A_601], %swap3A_604 {strides = array<i32>} : memref<8x128xi32, #tpu.memory_space<vmem>>, vector<1x16xi32>,
      %get3A_605 = arith.constant 2 : i32
      %get3A_606 = arith.index_cast %get3A_605 : i32 to index
      %get3A_607 = arith.constant 48 : index
      %get3A_608 = tpu.vector_load %arg10[%get3A_606, %get3A_607] {strides = array<i32>} : memref<8x128xi32, #tpu.memory_space<vmem>>, vector<1x16xi32>,
      %get3A_609 = vector.shape_cast %get3A_608 : vector<1x16xi32> to vector<16xi32>
      %add3A_610 = vector.broadcast %mul3A_241 : i32 to vector<16xi32>
      %add3A_611 = arith.addi %get3A_609, %add3A_610 : vector<16xi32>
      %swap3A_612 = arith.constant 2 : i32
      %swap3A_613 = arith.index_cast %swap3A_612 : i32 to index
      %swap3A_614 = arith.constant 48 : index
      %swap3A_615 = tpu.vector_load %arg10[%swap3A_613, %swap3A_614] {strides = array<i32>} : memref<8x128xi32, #tpu.memory_space<vmem>>, vector<1x16xi32>,
      %swap3A_616 = vector.shape_cast %swap3A_615 : vector<1x16xi32> to vector<16xi32>
      %swap3A_617 = vector.shape_cast %add3A_611 : vector<16xi32> to vector<1x16xi32>
      tpu.vector_store %arg10[%swap3A_613, %swap3A_614], %swap3A_617 {strides = array<i32>} : memref<8x128xi32, #tpu.memory_space<vmem>>, vector<1x16xi32>,
      %get3A_618 = arith.constant 2 : i32
      %get3A_619 = arith.index_cast %get3A_618 : i32 to index
      %get3A_620 = arith.constant 64 : index
      %get3A_621 = tpu.vector_load %arg10[%get3A_619, %get3A_620] {strides = array<i32>} : memref<8x128xi32, #tpu.memory_space<vmem>>, vector<1x16xi32>,
      %get3A_622 = vector.shape_cast %get3A_621 : vector<1x16xi32> to vector<16xi32>
      %add3A_623 = vector.broadcast %mul3A_241 : i32 to vector<16xi32>
      %add3A_624 = arith.addi %get3A_622, %add3A_623 : vector<16xi32>
      %swap3A_625 = arith.constant 2 : i32
      %swap3A_626 = arith.index_cast %swap3A_625 : i32 to index
      %swap3A_627 = arith.constant 64 : index
      %swap3A_628 = tpu.vector_load %arg10[%swap3A_626, %swap3A_627] {strides = array<i32>} : memref<8x128xi32, #tpu.memory_space<vmem>>, vector<1x16xi32>,
      %swap3A_629 = vector.shape_cast %swap3A_628 : vector<1x16xi32> to vector<16xi32>
      %swap3A_630 = vector.shape_cast %add3A_624 : vector<16xi32> to vector<1x16xi32>
      tpu.vector_store %arg10[%swap3A_626, %swap3A_627], %swap3A_630 {strides = array<i32>} : memref<8x128xi32, #tpu.memory_space<vmem>>, vector<1x16xi32>,
      %get3A_631 = arith.constant 2 : i32
      %get3A_632 = arith.index_cast %get3A_631 : i32 to index
      %get3A_633 = arith.constant 80 : index
      %get3A_634 = tpu.vector_load %arg10[%get3A_632, %get3A_633] {strides = array<i32>} : memref<8x128xi32, #tpu.memory_space<vmem>>, vector<1x16xi32>,
      %get3A_635 = vector.shape_cast %get3A_634 : vector<1x16xi32> to vector<16xi32>
      %add3A_636 = vector.broadcast %mul3A_241 : i32 to vector<16xi32>
      %add3A_637 = arith.addi %get3A_635, %add3A_636 : vector<16xi32>
      %swap3A_638 = arith.constant 2 : i32
      %swap3A_639 = arith.index_cast %swap3A_638 : i32 to index
      %swap3A_640 = arith.constant 80 : index
      %swap3A_641 = tpu.vector_load %arg10[%swap3A_639, %swap3A_640] {strides = array<i32>} : memref<8x128xi32, #tpu.memory_space<vmem>>, vector<1x16xi32>,
      %swap3A_642 = vector.shape_cast %swap3A_641 : vector<1x16xi32> to vector<16xi32>
      %swap3A_643 = vector.shape_cast %add3A_637 : vector<16xi32> to vector<1x16xi32>
      tpu.vector_store %arg10[%swap3A_639, %swap3A_640], %swap3A_643 {strides = array<i32>} : memref<8x128xi32, #tpu.memory_space<vmem>>, vector<1x16xi32>,
      %get3A_644 = arith.constant 2 : i32
      %get3A_645 = arith.index_cast %get3A_644 : i32 to index
      %get3A_646 = arith.constant 96 : index
      %get3A_647 = tpu.vector_load %arg10[%get3A_645, %get3A_646] {strides = array<i32>} : memref<8x128xi32, #tpu.memory_space<vmem>>, vector<1x16xi32>,
      %get3A_648 = vector.shape_cast %get3A_647 : vector<1x16xi32> to vector<16xi32>
      %add3A_649 = vector.broadcast %mul3A_241 : i32 to vector<16xi32>
      %add3A_650 = arith.addi %get3A_648, %add3A_649 : vector<16xi32>
      %swap3A_651 = arith.constant 2 : i32
      %swap3A_652 = arith.index_cast %swap3A_651 : i32 to index
      %swap3A_653 = arith.constant 96 : index
      %swap3A_654 = tpu.vector_load %arg10[%swap3A_652, %swap3A_653] {strides = array<i32>} : memref<8x128xi32, #tpu.memory_space<vmem>>, vector<1x16xi32>,
      %swap3A_655 = vector.shape_cast %swap3A_654 : vector<1x16xi32> to vector<16xi32>
      %swap3A_656 = vector.shape_cast %add3A_650 : vector<16xi32> to vector<1x16xi32>
      tpu.vector_store %arg10[%swap3A_652, %swap3A_653], %swap3A_656 {strides = array<i32>} : memref<8x128xi32, #tpu.memory_space<vmem>>, vector<1x16xi32>,
      %get3A_657 = arith.constant 2 : i32
      %get3A_658 = arith.index_cast %get3A_657 : i32 to index
      %get3A_659 = arith.constant 112 : index
      %get3A_660 = tpu.vector_load %arg10[%get3A_658, %get3A_659] {strides = array<i32>} : memref<8x128xi32, #tpu.memory_space<vmem>>, vector<1x16xi32>,
      %get3A_661 = vector.shape_cast %get3A_660 : vector<1x16xi32> to vector<16xi32>
      %add3A_662 = vector.broadcast %mul3A_241 : i32 to vector<16xi32>
      %add3A_663 = arith.addi %get3A_661, %add3A_662 : vector<16xi32>
      %swap3A_664 = arith.constant 2 : i32
      %swap3A_665 = arith.index_cast %swap3A_664 : i32 to index
      %swap3A_666 = arith.constant 112 : index
      %swap3A_667 = tpu.vector_load %arg10[%swap3A_665, %swap3A_666] {strides = array<i32>} : memref<8x128xi32, #tpu.memory_space<vmem>>, vector<1x16xi32>,
      %swap3A_668 = vector.shape_cast %swap3A_667 : vector<1x16xi32> to vector<16xi32>
      %swap3A_669 = vector.shape_cast %add3A_663 : vector<16xi32> to vector<1x16xi32>
      tpu.vector_store %arg10[%swap3A_665, %swap3A_666], %swap3A_669 {strides = array<i32>} : memref<8x128xi32, #tpu.memory_space<vmem>>, vector<1x16xi32>,
      %get3A_670 = arith.constant 3 : i32
      %get3A_671 = arith.index_cast %get3A_670 : i32 to index
      %get3A_672 = arith.constant 0 : index
      %get3A_673 = tpu.vector_load %arg10[%get3A_671, %get3A_672] {strides = array<i32>} : memref<8x128xi32, #tpu.memory_space<vmem>>, vector<1x16xi32>,
      %get3A_674 = vector.shape_cast %get3A_673 : vector<1x16xi32> to vector<16xi32>
      %add3A_675 = vector.broadcast %mul3A_241 : i32 to vector<16xi32>
      %add3A_676 = arith.addi %get3A_674, %add3A_675 : vector<16xi32>
      %swap3A_677 = arith.constant 3 : i32
      %swap3A_678 = arith.index_cast %swap3A_677 : i32 to index
      %swap3A_679 = arith.constant 0 : index
      %swap3A_680 = tpu.vector_load %arg10[%swap3A_678, %swap3A_679] {strides = array<i32>} : memref<8x128xi32, #tpu.memory_space<vmem>>, vector<1x16xi32>,
      %swap3A_681 = vector.shape_cast %swap3A_680 : vector<1x16xi32> to vector<16xi32>
      %swap3A_682 = vector.shape_cast %add3A_676 : vector<16xi32> to vector<1x16xi32>
      tpu.vector_store %arg10[%swap3A_678, %swap3A_679], %swap3A_682 {strides = array<i32>} : memref<8x128xi32, #tpu.memory_space<vmem>>, vector<1x16xi32>,
      %get3A_683 = arith.constant 3 : i32
      %get3A_684 = arith.index_cast %get3A_683 : i32 to index
      %get3A_685 = arith.constant 16 : index
      %get3A_686 = tpu.vector_load %arg10[%get3A_684, %get3A_685] {strides = array<i32>} : memref<8x128xi32, #tpu.memory_space<vmem>>, vector<1x16xi32>,
      %get3A_687 = vector.shape_cast %get3A_686 : vector<1x16xi32> to vector<16xi32>
      %add3A_688 = vector.broadcast %mul3A_241 : i32 to vector<16xi32>
      %add3A_689 = arith.addi %get3A_687, %add3A_688 : vector<16xi32>
      %swap3A_690 = arith.constant 3 : i32
      %swap3A_691 = arith.index_cast %swap3A_690 : i32 to index
      %swap3A_692 = arith.constant 16 : index
      %swap3A_693 = tpu.vector_load %arg10[%swap3A_691, %swap3A_692] {strides = array<i32>} : memref<8x128xi32, #tpu.memory_space<vmem>>, vector<1x16xi32>,
      %swap3A_694 = vector.shape_cast %swap3A_693 : vector<1x16xi32> to vector<16xi32>
      %swap3A_695 = vector.shape_cast %add3A_689 : vector<16xi32> to vector<1x16xi32>
      tpu.vector_store %arg10[%swap3A_691, %swap3A_692], %swap3A_695 {strides = array<i32>} : memref<8x128xi32, #tpu.memory_space<vmem>>, vector<1x16xi32>,
      %get3A_696 = arith.constant 3 : i32
      %get3A_697 = arith.index_cast %get3A_696 : i32 to index
      %get3A_698 = arith.constant 32 : index
      %get3A_699 = tpu.vector_load %arg10[%get3A_697, %get3A_698] {strides = array<i32>} : memref<8x128xi32, #tpu.memory_space<vmem>>, vector<1x16xi32>,
      %get3A_700 = vector.shape_cast %get3A_699 : vector<1x16xi32> to vector<16xi32>
      %add3A_701 = vector.broadcast %mul3A_241 : i32 to vector<16xi32>
      %add3A_702 = arith.addi %get3A_700, %add3A_701 : vector<16xi32>
      %swap3A_703 = arith.constant 3 : i32
      %swap3A_704 = arith.index_cast %swap3A_703 : i32 to index
      %swap3A_705 = arith.constant 32 : index
      %swap3A_706 = tpu.vector_load %arg10[%swap3A_704, %swap3A_705] {strides = array<i32>} : memref<8x128xi32, #tpu.memory_space<vmem>>, vector<1x16xi32>,
      %swap3A_707 = vector.shape_cast %swap3A_706 : vector<1x16xi32> to vector<16xi32>
      %swap3A_708 = vector.shape_cast %add3A_702 : vector<16xi32> to vector<1x16xi32>
      tpu.vector_store %arg10[%swap3A_704, %swap3A_705], %swap3A_708 {strides = array<i32>} : memref<8x128xi32, #tpu.memory_space<vmem>>, vector<1x16xi32>,
      %get3A_709 = arith.constant 3 : i32
      %get3A_710 = arith.index_cast %get3A_709 : i32 to index
      %get3A_711 = arith.constant 48 : index
      %get3A_712 = tpu.vector_load %arg10[%get3A_710, %get3A_711] {strides = array<i32>} : memref<8x128xi32, #tpu.memory_space<vmem>>, vector<1x16xi32>,
      %get3A_713 = vector.shape_cast %get3A_712 : vector<1x16xi32> to vector<16xi32>
      %add3A_714 = vector.broadcast %mul3A_241 : i32 to vector<16xi32>
      %add3A_715 = arith.addi %get3A_713, %add3A_714 : vector<16xi32>
      %swap3A_716 = arith.constant 3 : i32
      %swap3A_717 = arith.index_cast %swap3A_716 : i32 to index
      %swap3A_718 = arith.constant 48 : index
      %swap3A_719 = tpu.vector_load %arg10[%swap3A_717, %swap3A_718] {strides = array<i32>} : memref<8x128xi32, #tpu.memory_space<vmem>>, vector<1x16xi32>,
      %swap3A_720 = vector.shape_cast %swap3A_719 : vector<1x16xi32> to vector<16xi32>
      %swap3A_721 = vector.shape_cast %add3A_715 : vector<16xi32> to vector<1x16xi32>
      tpu.vector_store %arg10[%swap3A_717, %swap3A_718], %swap3A_721 {strides = array<i32>} : memref<8x128xi32, #tpu.memory_space<vmem>>, vector<1x16xi32>,
      %get3A_722 = arith.constant 3 : i32
      %get3A_723 = arith.index_cast %get3A_722 : i32 to index
      %get3A_724 = arith.constant 64 : index
      %get3A_725 = tpu.vector_load %arg10[%get3A_723, %get3A_724] {strides = array<i32>} : memref<8x128xi32, #tpu.memory_space<vmem>>, vector<1x16xi32>,
      %get3A_726 = vector.shape_cast %get3A_725 : vector<1x16xi32> to vector<16xi32>
      %add3A_727 = vector.broadcast %mul3A_241 : i32 to vector<16xi32>
      %add3A_728 = arith.addi %get3A_726, %add3A_727 : vector<16xi32>
      %swap3A_729 = arith.constant 3 : i32
      %swap3A_730 = arith.index_cast %swap3A_729 : i32 to index
      %swap3A_731 = arith.constant 64 : index
      %swap3A_732 = tpu.vector_load %arg10[%swap3A_730, %swap3A_731] {strides = array<i32>} : memref<8x128xi32, #tpu.memory_space<vmem>>, vector<1x16xi32>,
      %swap3A_733 = vector.shape_cast %swap3A_732 : vector<1x16xi32> to vector<16xi32>
      %swap3A_734 = vector.shape_cast %add3A_728 : vector<16xi32> to vector<1x16xi32>
      tpu.vector_store %arg10[%swap3A_730, %swap3A_731], %swap3A_734 {strides = array<i32>} : memref<8x128xi32, #tpu.memory_space<vmem>>, vector<1x16xi32>,
      %get3A_735 = arith.constant 3 : i32
      %get3A_736 = arith.index_cast %get3A_735 : i32 to index
      %get3A_737 = arith.constant 80 : index
      %get3A_738 = tpu.vector_load %arg10[%get3A_736, %get3A_737] {strides = array<i32>} : memref<8x128xi32, #tpu.memory_space<vmem>>, vector<1x16xi32>,
      %get3A_739 = vector.shape_cast %get3A_738 : vector<1x16xi32> to vector<16xi32>
      %add3A_740 = vector.broadcast %mul3A_241 : i32 to vector<16xi32>
      %add3A_741 = arith.addi %get3A_739, %add3A_740 : vector<16xi32>
      %swap3A_742 = arith.constant 3 : i32
      %swap3A_743 = arith.index_cast %swap3A_742 : i32 to index
      %swap3A_744 = arith.constant 80 : index
      %swap3A_745 = tpu.vector_load %arg10[%swap3A_743, %swap3A_744] {strides = array<i32>} : memref<8x128xi32, #tpu.memory_space<vmem>>, vector<1x16xi32>,
      %swap3A_746 = vector.shape_cast %swap3A_745 : vector<1x16xi32> to vector<16xi32>
      %swap3A_747 = vector.shape_cast %add3A_741 : vector<16xi32> to vector<1x16xi32>
      tpu.vector_store %arg10[%swap3A_743, %swap3A_744], %swap3A_747 {strides = array<i32>} : memref<8x128xi32, #tpu.memory_space<vmem>>, vector<1x16xi32>,
      %get3A_748 = arith.constant 3 : i32
      %get3A_749 = arith.index_cast %get3A_748 : i32 to index
      %get3A_750 = arith.constant 96 : index
      %get3A_751 = tpu.vector_load %arg10[%get3A_749, %get3A_750] {strides = array<i32>} : memref<8x128xi32, #tpu.memory_space<vmem>>, vector<1x16xi32>,
      %get3A_752 = vector.shape_cast %get3A_751 : vector<1x16xi32> to vector<16xi32>
      %add3A_753 = vector.broadcast %mul3A_241 : i32 to vector<16xi32>
      %add3A_754 = arith.addi %get3A_752, %add3A_753 : vector<16xi32>
      %swap3A_755 = arith.constant 3 : i32
      %swap3A_756 = arith.index_cast %swap3A_755 : i32 to index
      %swap3A_757 = arith.constant 96 : index
      %swap3A_758 = tpu.vector_load %arg10[%swap3A_756, %swap3A_757] {strides = array<i32>} : memref<8x128xi32, #tpu.memory_space<vmem>>, vector<1x16xi32>,
      %swap3A_759 = vector.shape_cast %swap3A_758 : vector<1x16xi32> to vector<16xi32>
      %swap3A_760 = vector.shape_cast %add3A_754 : vector<16xi32> to vector<1x16xi32>
      tpu.vector_store %arg10[%swap3A_756, %swap3A_757], %swap3A_760 {strides = array<i32>} : memref<8x128xi32, #tpu.memory_space<vmem>>, vector<1x16xi32>,
      %get3A_761 = arith.constant 3 : i32
      %get3A_762 = arith.index_cast %get3A_761 : i32 to index
      %get3A_763 = arith.constant 112 : index
      %get3A_764 = tpu.vector_load %arg10[%get3A_762, %get3A_763] {strides = array<i32>} : memref<8x128xi32, #tpu.memory_space<vmem>>, vector<1x16xi32>,
      %get3A_765 = vector.shape_cast %get3A_764 : vector<1x16xi32> to vector<16xi32>
      %add3A_766 = vector.broadcast %mul3A_241 : i32 to vector<16xi32>
      %add3A_767 = arith.addi %get3A_765, %add3A_766 : vector<16xi32>
      %swap3A_768 = arith.constant 3 : i32
      %swap3A_769 = arith.index_cast %swap3A_768 : i32 to index
      %swap3A_770 = arith.constant 112 : index
      %swap3A_771 = tpu.vector_load %arg10[%swap3A_769, %swap3A_770] {strides = array<i32>} : memref<8x128xi32, #tpu.memory_space<vmem>>, vector<1x16xi32>,
      %swap3A_772 = vector.shape_cast %swap3A_771 : vector<1x16xi32> to vector<16xi32>
      %swap3A_773 = vector.shape_cast %add3A_767 : vector<16xi32> to vector<1x16xi32>
      tpu.vector_store %arg10[%swap3A_769, %swap3A_770], %swap3A_773 {strides = array<i32>} : memref<8x128xi32, #tpu.memory_space<vmem>>, vector<1x16xi32>,
      %get3A_774 = arith.constant 4 : i32
      %get3A_775 = arith.index_cast %get3A_774 : i32 to index
      %get3A_776 = arith.constant 0 : index
      %get3A_777 = tpu.vector_load %arg10[%get3A_775, %get3A_776] {strides = array<i32>} : memref<8x128xi32, #tpu.memory_space<vmem>>, vector<1x16xi32>,
      %get3A_778 = vector.shape_cast %get3A_777 : vector<1x16xi32> to vector<16xi32>
      %add3A_779 = vector.broadcast %mul3A_241 : i32 to vector<16xi32>
      %add3A_780 = arith.addi %get3A_778, %add3A_779 : vector<16xi32>
      %swap3A_781 = arith.constant 4 : i32
      %swap3A_782 = arith.index_cast %swap3A_781 : i32 to index
      %swap3A_783 = arith.constant 0 : index
      %swap3A_784 = tpu.vector_load %arg10[%swap3A_782, %swap3A_783] {strides = array<i32>} : memref<8x128xi32, #tpu.memory_space<vmem>>, vector<1x16xi32>,
      %swap3A_785 = vector.shape_cast %swap3A_784 : vector<1x16xi32> to vector<16xi32>
      %swap3A_786 = vector.shape_cast %add3A_780 : vector<16xi32> to vector<1x16xi32>
      tpu.vector_store %arg10[%swap3A_782, %swap3A_783], %swap3A_786 {strides = array<i32>} : memref<8x128xi32, #tpu.memory_space<vmem>>, vector<1x16xi32>,
      %get3A_787 = arith.constant 4 : i32
      %get3A_788 = arith.index_cast %get3A_787 : i32 to index
      %get3A_789 = arith.constant 16 : index
      %get3A_790 = tpu.vector_load %arg10[%get3A_788, %get3A_789] {strides = array<i32>} : memref<8x128xi32, #tpu.memory_space<vmem>>, vector<1x16xi32>,
      %get3A_791 = vector.shape_cast %get3A_790 : vector<1x16xi32> to vector<16xi32>
      %add3A_792 = vector.broadcast %mul3A_241 : i32 to vector<16xi32>
      %add3A_793 = arith.addi %get3A_791, %add3A_792 : vector<16xi32>
      %swap3A_794 = arith.constant 4 : i32
      %swap3A_795 = arith.index_cast %swap3A_794 : i32 to index
      %swap3A_796 = arith.constant 16 : index
      %swap3A_797 = tpu.vector_load %arg10[%swap3A_795, %swap3A_796] {strides = array<i32>} : memref<8x128xi32, #tpu.memory_space<vmem>>, vector<1x16xi32>,
      %swap3A_798 = vector.shape_cast %swap3A_797 : vector<1x16xi32> to vector<16xi32>
      %swap3A_799 = vector.shape_cast %add3A_793 : vector<16xi32> to vector<1x16xi32>
      tpu.vector_store %arg10[%swap3A_795, %swap3A_796], %swap3A_799 {strides = array<i32>} : memref<8x128xi32, #tpu.memory_space<vmem>>, vector<1x16xi32>,
      %get3A_800 = arith.constant 4 : i32
      %get3A_801 = arith.index_cast %get3A_800 : i32 to index
      %get3A_802 = arith.constant 32 : index
      %get3A_803 = tpu.vector_load %arg10[%get3A_801, %get3A_802] {strides = array<i32>} : memref<8x128xi32, #tpu.memory_space<vmem>>, vector<1x16xi32>,
      %get3A_804 = vector.shape_cast %get3A_803 : vector<1x16xi32> to vector<16xi32>
      %add3A_805 = vector.broadcast %mul3A_241 : i32 to vector<16xi32>
      %add3A_806 = arith.addi %get3A_804, %add3A_805 : vector<16xi32>
      %swap3A_807 = arith.constant 4 : i32
      %swap3A_808 = arith.index_cast %swap3A_807 : i32 to index
      %swap3A_809 = arith.constant 32 : index
      %swap3A_810 = tpu.vector_load %arg10[%swap3A_808, %swap3A_809] {strides = array<i32>} : memref<8x128xi32, #tpu.memory_space<vmem>>, vector<1x16xi32>,
      %swap3A_811 = vector.shape_cast %swap3A_810 : vector<1x16xi32> to vector<16xi32>
      %swap3A_812 = vector.shape_cast %add3A_806 : vector<16xi32> to vector<1x16xi32>
      tpu.vector_store %arg10[%swap3A_808, %swap3A_809], %swap3A_812 {strides = array<i32>} : memref<8x128xi32, #tpu.memory_space<vmem>>, vector<1x16xi32>,
      %get3A_813 = arith.constant 4 : i32
      %get3A_814 = arith.index_cast %get3A_813 : i32 to index
      %get3A_815 = arith.constant 48 : index
      %get3A_816 = tpu.vector_load %arg10[%get3A_814, %get3A_815] {strides = array<i32>} : memref<8x128xi32, #tpu.memory_space<vmem>>, vector<1x16xi32>,
      %get3A_817 = vector.shape_cast %get3A_816 : vector<1x16xi32> to vector<16xi32>
      %add3A_818 = vector.broadcast %mul3A_241 : i32 to vector<16xi32>
      %add3A_819 = arith.addi %get3A_817, %add3A_818 : vector<16xi32>
      %swap3A_820 = arith.constant 4 : i32
      %swap3A_821 = arith.index_cast %swap3A_820 : i32 to index
      %swap3A_822 = arith.constant 48 : index
      %swap3A_823 = tpu.vector_load %arg10[%swap3A_821, %swap3A_822] {strides = array<i32>} : memref<8x128xi32, #tpu.memory_space<vmem>>, vector<1x16xi32>,
      %swap3A_824 = vector.shape_cast %swap3A_823 : vector<1x16xi32> to vector<16xi32>
      %swap3A_825 = vector.shape_cast %add3A_819 : vector<16xi32> to vector<1x16xi32>
      tpu.vector_store %arg10[%swap3A_821, %swap3A_822], %swap3A_825 {strides = array<i32>} : memref<8x128xi32, #tpu.memory_space<vmem>>, vector<1x16xi32>,
      %get3A_826 = arith.constant 4 : i32
      %get3A_827 = arith.index_cast %get3A_826 : i32 to index
      %get3A_828 = arith.constant 64 : index
      %get3A_829 = tpu.vector_load %arg10[%get3A_827, %get3A_828] {strides = array<i32>} : memref<8x128xi32, #tpu.memory_space<vmem>>, vector<1x16xi32>,
      %get3A_830 = vector.shape_cast %get3A_829 : vector<1x16xi32> to vector<16xi32>
      %add3A_831 = vector.broadcast %mul3A_241 : i32 to vector<16xi32>
      %add3A_832 = arith.addi %get3A_830, %add3A_831 : vector<16xi32>
      %swap3A_833 = arith.constant 4 : i32
      %swap3A_834 = arith.index_cast %swap3A_833 : i32 to index
      %swap3A_835 = arith.constant 64 : index
      %swap3A_836 = tpu.vector_load %arg10[%swap3A_834, %swap3A_835] {strides = array<i32>} : memref<8x128xi32, #tpu.memory_space<vmem>>, vector<1x16xi32>,
      %swap3A_837 = vector.shape_cast %swap3A_836 : vector<1x16xi32> to vector<16xi32>
      %swap3A_838 = vector.shape_cast %add3A_832 : vector<16xi32> to vector<1x16xi32>
      tpu.vector_store %arg10[%swap3A_834, %swap3A_835], %swap3A_838 {strides = array<i32>} : memref<8x128xi32, #tpu.memory_space<vmem>>, vector<1x16xi32>,
      %get3A_839 = arith.constant 4 : i32
      %get3A_840 = arith.index_cast %get3A_839 : i32 to index
      %get3A_841 = arith.constant 80 : index
      %get3A_842 = tpu.vector_load %arg10[%get3A_840, %get3A_841] {strides = array<i32>} : memref<8x128xi32, #tpu.memory_space<vmem>>, vector<1x16xi32>,
      %get3A_843 = vector.shape_cast %get3A_842 : vector<1x16xi32> to vector<16xi32>
      %add3A_844 = vector.broadcast %mul3A_241 : i32 to vector<16xi32>
      %add3A_845 = arith.addi %get3A_843, %add3A_844 : vector<16xi32>
      %swap3A_846 = arith.constant 4 : i32
      %swap3A_847 = arith.index_cast %swap3A_846 : i32 to index
      %swap3A_848 = arith.constant 80 : index
      %swap3A_849 = tpu.vector_load %arg10[%swap3A_847, %swap3A_848] {strides = array<i32>} : memref<8x128xi32, #tpu.memory_space<vmem>>, vector<1x16xi32>,
      %swap3A_850 = vector.shape_cast %swap3A_849 : vector<1x16xi32> to vector<16xi32>
      %swap3A_851 = vector.shape_cast %add3A_845 : vector<16xi32> to vector<1x16xi32>
      tpu.vector_store %arg10[%swap3A_847, %swap3A_848], %swap3A_851 {strides = array<i32>} : memref<8x128xi32, #tpu.memory_space<vmem>>, vector<1x16xi32>,
      %get3A_852 = arith.constant 4 : i32
      %get3A_853 = arith.index_cast %get3A_852 : i32 to index
      %get3A_854 = arith.constant 96 : index
      %get3A_855 = tpu.vector_load %arg10[%get3A_853, %get3A_854] {strides = array<i32>} : memref<8x128xi32, #tpu.memory_space<vmem>>, vector<1x16xi32>,
      %get3A_856 = vector.shape_cast %get3A_855 : vector<1x16xi32> to vector<16xi32>
      %add3A_857 = vector.broadcast %mul3A_241 : i32 to vector<16xi32>
      %add3A_858 = arith.addi %get3A_856, %add3A_857 : vector<16xi32>
      %swap3A_859 = arith.constant 4 : i32
      %swap3A_860 = arith.index_cast %swap3A_859 : i32 to index
      %swap3A_861 = arith.constant 96 : index
      %swap3A_862 = tpu.vector_load %arg10[%swap3A_860, %swap3A_861] {strides = array<i32>} : memref<8x128xi32, #tpu.memory_space<vmem>>, vector<1x16xi32>,
      %swap3A_863 = vector.shape_cast %swap3A_862 : vector<1x16xi32> to vector<16xi32>
      %swap3A_864 = vector.shape_cast %add3A_858 : vector<16xi32> to vector<1x16xi32>
      tpu.vector_store %arg10[%swap3A_860, %swap3A_861], %swap3A_864 {strides = array<i32>} : memref<8x128xi32, #tpu.memory_space<vmem>>, vector<1x16xi32>,
      %get3A_865 = arith.constant 4 : i32
      %get3A_866 = arith.index_cast %get3A_865 : i32 to index
      %get3A_867 = arith.constant 112 : index
      %get3A_868 = tpu.vector_load %arg10[%get3A_866, %get3A_867] {strides = array<i32>} : memref<8x128xi32, #tpu.memory_space<vmem>>, vector<1x16xi32>,
      %get3A_869 = vector.shape_cast %get3A_868 : vector<1x16xi32> to vector<16xi32>
      %add3A_870 = vector.broadcast %mul3A_241 : i32 to vector<16xi32>
      %add3A_871 = arith.addi %get3A_869, %add3A_870 : vector<16xi32>
      %swap3A_872 = arith.constant 4 : i32
      %swap3A_873 = arith.index_cast %swap3A_872 : i32 to index
      %swap3A_874 = arith.constant 112 : index
      %swap3A_875 = tpu.vector_load %arg10[%swap3A_873, %swap3A_874] {strides = array<i32>} : memref<8x128xi32, #tpu.memory_space<vmem>>, vector<1x16xi32>,
      %swap3A_876 = vector.shape_cast %swap3A_875 : vector<1x16xi32> to vector<16xi32>
      %swap3A_877 = vector.shape_cast %add3A_871 : vector<16xi32> to vector<1x16xi32>
      tpu.vector_store %arg10[%swap3A_873, %swap3A_874], %swap3A_877 {strides = array<i32>} : memref<8x128xi32, #tpu.memory_space<vmem>>, vector<1x16xi32>,
      %get3A_878 = arith.constant 5 : i32
      %get3A_879 = arith.index_cast %get3A_878 : i32 to index
      %get3A_880 = arith.constant 0 : index
      %get3A_881 = tpu.vector_load %arg10[%get3A_879, %get3A_880] {strides = array<i32>} : memref<8x128xi32, #tpu.memory_space<vmem>>, vector<1x16xi32>,
      %get3A_882 = vector.shape_cast %get3A_881 : vector<1x16xi32> to vector<16xi32>
      %add3A_883 = vector.broadcast %mul3A_241 : i32 to vector<16xi32>
      %add3A_884 = arith.addi %get3A_882, %add3A_883 : vector<16xi32>
      %swap3A_885 = arith.constant 5 : i32
      %swap3A_886 = arith.index_cast %swap3A_885 : i32 to index
      %swap3A_887 = arith.constant 0 : index
      %swap3A_888 = tpu.vector_load %arg10[%swap3A_886, %swap3A_887] {strides = array<i32>} : memref<8x128xi32, #tpu.memory_space<vmem>>, vector<1x16xi32>,
      %swap3A_889 = vector.shape_cast %swap3A_888 : vector<1x16xi32> to vector<16xi32>
      %swap3A_890 = vector.shape_cast %add3A_884 : vector<16xi32> to vector<1x16xi32>
      tpu.vector_store %arg10[%swap3A_886, %swap3A_887], %swap3A_890 {strides = array<i32>} : memref<8x128xi32, #tpu.memory_space<vmem>>, vector<1x16xi32>,
      %get3A_891 = arith.constant 5 : i32
      %get3A_892 = arith.index_cast %get3A_891 : i32 to index
      %get3A_893 = arith.constant 16 : index
      %get3A_894 = tpu.vector_load %arg10[%get3A_892, %get3A_893] {strides = array<i32>} : memref<8x128xi32, #tpu.memory_space<vmem>>, vector<1x16xi32>,
      %get3A_895 = vector.shape_cast %get3A_894 : vector<1x16xi32> to vector<16xi32>
      %add3A_896 = vector.broadcast %mul3A_241 : i32 to vector<16xi32>
      %add3A_897 = arith.addi %get3A_895, %add3A_896 : vector<16xi32>
      %swap3A_898 = arith.constant 5 : i32
      %swap3A_899 = arith.index_cast %swap3A_898 : i32 to index
      %swap3A_900 = arith.constant 16 : index
      %swap3A_901 = tpu.vector_load %arg10[%swap3A_899, %swap3A_900] {strides = array<i32>} : memref<8x128xi32, #tpu.memory_space<vmem>>, vector<1x16xi32>,
      %swap3A_902 = vector.shape_cast %swap3A_901 : vector<1x16xi32> to vector<16xi32>
      %swap3A_903 = vector.shape_cast %add3A_897 : vector<16xi32> to vector<1x16xi32>
      tpu.vector_store %arg10[%swap3A_899, %swap3A_900], %swap3A_903 {strides = array<i32>} : memref<8x128xi32, #tpu.memory_space<vmem>>, vector<1x16xi32>,
      %get3A_904 = arith.constant 5 : i32
      %get3A_905 = arith.index_cast %get3A_904 : i32 to index
      %get3A_906 = arith.constant 32 : index
      %get3A_907 = tpu.vector_load %arg10[%get3A_905, %get3A_906] {strides = array<i32>} : memref<8x128xi32, #tpu.memory_space<vmem>>, vector<1x16xi32>,
      %get3A_908 = vector.shape_cast %get3A_907 : vector<1x16xi32> to vector<16xi32>
      %add3A_909 = vector.broadcast %mul3A_241 : i32 to vector<16xi32>
      %add3A_910 = arith.addi %get3A_908, %add3A_909 : vector<16xi32>
      %swap3A_911 = arith.constant 5 : i32
      %swap3A_912 = arith.index_cast %swap3A_911 : i32 to index
      %swap3A_913 = arith.constant 32 : index
      %swap3A_914 = tpu.vector_load %arg10[%swap3A_912, %swap3A_913] {strides = array<i32>} : memref<8x128xi32, #tpu.memory_space<vmem>>, vector<1x16xi32>,
      %swap3A_915 = vector.shape_cast %swap3A_914 : vector<1x16xi32> to vector<16xi32>
      %swap3A_916 = vector.shape_cast %add3A_910 : vector<16xi32> to vector<1x16xi32>
      tpu.vector_store %arg10[%swap3A_912, %swap3A_913], %swap3A_916 {strides = array<i32>} : memref<8x128xi32, #tpu.memory_space<vmem>>, vector<1x16xi32>,
      %get3A_917 = arith.constant 5 : i32
      %get3A_918 = arith.index_cast %get3A_917 : i32 to index
      %get3A_919 = arith.constant 48 : index
      %get3A_920 = tpu.vector_load %arg10[%get3A_918, %get3A_919] {strides = array<i32>} : memref<8x128xi32, #tpu.memory_space<vmem>>, vector<1x16xi32>,
      %get3A_921 = vector.shape_cast %get3A_920 : vector<1x16xi32> to vector<16xi32>
      %add3A_922 = vector.broadcast %mul3A_241 : i32 to vector<16xi32>
      %add3A_923 = arith.addi %get3A_921, %add3A_922 : vector<16xi32>
      %swap3A_924 = arith.constant 5 : i32
      %swap3A_925 = arith.index_cast %swap3A_924 : i32 to index
      %swap3A_926 = arith.constant 48 : index
      %swap3A_927 = tpu.vector_load %arg10[%swap3A_925, %swap3A_926] {strides = array<i32>} : memref<8x128xi32, #tpu.memory_space<vmem>>, vector<1x16xi32>,
      %swap3A_928 = vector.shape_cast %swap3A_927 : vector<1x16xi32> to vector<16xi32>
      %swap3A_929 = vector.shape_cast %add3A_923 : vector<16xi32> to vector<1x16xi32>
      tpu.vector_store %arg10[%swap3A_925, %swap3A_926], %swap3A_929 {strides = array<i32>} : memref<8x128xi32, #tpu.memory_space<vmem>>, vector<1x16xi32>,
      %get3A_930 = arith.constant 5 : i32
      %get3A_931 = arith.index_cast %get3A_930 : i32 to index
      %get3A_932 = arith.constant 64 : index
      %get3A_933 = tpu.vector_load %arg10[%get3A_931, %get3A_932] {strides = array<i32>} : memref<8x128xi32, #tpu.memory_space<vmem>>, vector<1x16xi32>,
      %get3A_934 = vector.shape_cast %get3A_933 : vector<1x16xi32> to vector<16xi32>
      %add3A_935 = vector.broadcast %mul3A_241 : i32 to vector<16xi32>
      %add3A_936 = arith.addi %get3A_934, %add3A_935 : vector<16xi32>
      %swap3A_937 = arith.constant 5 : i32
      %swap3A_938 = arith.index_cast %swap3A_937 : i32 to index
      %swap3A_939 = arith.constant 64 : index
      %swap3A_940 = tpu.vector_load %arg10[%swap3A_938, %swap3A_939] {strides = array<i32>} : memref<8x128xi32, #tpu.memory_space<vmem>>, vector<1x16xi32>,
      %swap3A_941 = vector.shape_cast %swap3A_940 : vector<1x16xi32> to vector<16xi32>
      %swap3A_942 = vector.shape_cast %add3A_936 : vector<16xi32> to vector<1x16xi32>
      tpu.vector_store %arg10[%swap3A_938, %swap3A_939], %swap3A_942 {strides = array<i32>} : memref<8x128xi32, #tpu.memory_space<vmem>>, vector<1x16xi32>,
      %get3A_943 = arith.constant 5 : i32
      %get3A_944 = arith.index_cast %get3A_943 : i32 to index
      %get3A_945 = arith.constant 80 : index
      %get3A_946 = tpu.vector_load %arg10[%get3A_944, %get3A_945] {strides = array<i32>} : memref<8x128xi32, #tpu.memory_space<vmem>>, vector<1x16xi32>,
      %get3A_947 = vector.shape_cast %get3A_946 : vector<1x16xi32> to vector<16xi32>
      %add3A_948 = vector.broadcast %mul3A_241 : i32 to vector<16xi32>
      %add3A_949 = arith.addi %get3A_947, %add3A_948 : vector<16xi32>
      %swap3A_950 = arith.constant 5 : i32
      %swap3A_951 = arith.index_cast %swap3A_950 : i32 to index
      %swap3A_952 = arith.constant 80 : index
      %swap3A_953 = tpu.vector_load %arg10[%swap3A_951, %swap3A_952] {strides = array<i32>} : memref<8x128xi32, #tpu.memory_space<vmem>>, vector<1x16xi32>,
      %swap3A_954 = vector.shape_cast %swap3A_953 : vector<1x16xi32> to vector<16xi32>
      %swap3A_955 = vector.shape_cast %add3A_949 : vector<16xi32> to vector<1x16xi32>
      tpu.vector_store %arg10[%swap3A_951, %swap3A_952], %swap3A_955 {strides = array<i32>} : memref<8x128xi32, #tpu.memory_space<vmem>>, vector<1x16xi32>,
      %get3A_956 = arith.constant 5 : i32
      %get3A_957 = arith.index_cast %get3A_956 : i32 to index
      %get3A_958 = arith.constant 96 : index
      %get3A_959 = tpu.vector_load %arg10[%get3A_957, %get3A_958] {strides = array<i32>} : memref<8x128xi32, #tpu.memory_space<vmem>>, vector<1x16xi32>,
      %get3A_960 = vector.shape_cast %get3A_959 : vector<1x16xi32> to vector<16xi32>
      %add3A_961 = vector.broadcast %mul3A_241 : i32 to vector<16xi32>
      %add3A_962 = arith.addi %get3A_960, %add3A_961 : vector<16xi32>
      %swap3A_963 = arith.constant 5 : i32
      %swap3A_964 = arith.index_cast %swap3A_963 : i32 to index
      %swap3A_965 = arith.constant 96 : index
      %swap3A_966 = tpu.vector_load %arg10[%swap3A_964, %swap3A_965] {strides = array<i32>} : memref<8x128xi32, #tpu.memory_space<vmem>>, vector<1x16xi32>,
      %swap3A_967 = vector.shape_cast %swap3A_966 : vector<1x16xi32> to vector<16xi32>
      %swap3A_968 = vector.shape_cast %add3A_962 : vector<16xi32> to vector<1x16xi32>
      tpu.vector_store %arg10[%swap3A_964, %swap3A_965], %swap3A_968 {strides = array<i32>} : memref<8x128xi32, #tpu.memory_space<vmem>>, vector<1x16xi32>,
      %get3A_969 = arith.constant 5 : i32
      %get3A_970 = arith.index_cast %get3A_969 : i32 to index
      %get3A_971 = arith.constant 112 : index
      %get3A_972 = tpu.vector_load %arg10[%get3A_970, %get3A_971] {strides = array<i32>} : memref<8x128xi32, #tpu.memory_space<vmem>>, vector<1x16xi32>,
      %get3A_973 = vector.shape_cast %get3A_972 : vector<1x16xi32> to vector<16xi32>
      %add3A_974 = vector.broadcast %mul3A_241 : i32 to vector<16xi32>
      %add3A_975 = arith.addi %get3A_973, %add3A_974 : vector<16xi32>
      %swap3A_976 = arith.constant 5 : i32
      %swap3A_977 = arith.index_cast %swap3A_976 : i32 to index
      %swap3A_978 = arith.constant 112 : index
      %swap3A_979 = tpu.vector_load %arg10[%swap3A_977, %swap3A_978] {strides = array<i32>} : memref<8x128xi32, #tpu.memory_space<vmem>>, vector<1x16xi32>,
      %swap3A_980 = vector.shape_cast %swap3A_979 : vector<1x16xi32> to vector<16xi32>
      %swap3A_981 = vector.shape_cast %add3A_975 : vector<16xi32> to vector<1x16xi32>
      tpu.vector_store %arg10[%swap3A_977, %swap3A_978], %swap3A_981 {strides = array<i32>} : memref<8x128xi32, #tpu.memory_space<vmem>>, vector<1x16xi32>,
      %get3A_982 = arith.constant 6 : i32
      %get3A_983 = arith.index_cast %get3A_982 : i32 to index
      %get3A_984 = arith.constant 0 : index
      %get3A_985 = tpu.vector_load %arg10[%get3A_983, %get3A_984] {strides = array<i32>} : memref<8x128xi32, #tpu.memory_space<vmem>>, vector<1x16xi32>,
      %get3A_986 = vector.shape_cast %get3A_985 : vector<1x16xi32> to vector<16xi32>
      %add3A_987 = vector.broadcast %mul3A_241 : i32 to vector<16xi32>
      %add3A_988 = arith.addi %get3A_986, %add3A_987 : vector<16xi32>
      %swap3A_989 = arith.constant 6 : i32
      %swap3A_990 = arith.index_cast %swap3A_989 : i32 to index
      %swap3A_991 = arith.constant 0 : index
      %swap3A_992 = tpu.vector_load %arg10[%swap3A_990, %swap3A_991] {strides = array<i32>} : memref<8x128xi32, #tpu.memory_space<vmem>>, vector<1x16xi32>,
      %swap3A_993 = vector.shape_cast %swap3A_992 : vector<1x16xi32> to vector<16xi32>
      %swap3A_994 = vector.shape_cast %add3A_988 : vector<16xi32> to vector<1x16xi32>
      tpu.vector_store %arg10[%swap3A_990, %swap3A_991], %swap3A_994 {strides = array<i32>} : memref<8x128xi32, #tpu.memory_space<vmem>>, vector<1x16xi32>,
      %get3A_995 = arith.constant 6 : i32
      %get3A_996 = arith.index_cast %get3A_995 : i32 to index
      %get3A_997 = arith.constant 16 : index
      %get3A_998 = tpu.vector_load %arg10[%get3A_996, %get3A_997] {strides = array<i32>} : memref<8x128xi32, #tpu.memory_space<vmem>>, vector<1x16xi32>,
      %get3A_999 = vector.shape_cast %get3A_998 : vector<1x16xi32> to vector<16xi32>
      %add3A_1000 = vector.broadcast %mul3A_241 : i32 to vector<16xi32>
      %add3A_1001 = arith.addi %get3A_999, %add3A_1000 : vector<16xi32>
      %swap3A_1002 = arith.constant 6 : i32
      %swap3A_1003 = arith.index_cast %swap3A_1002 : i32 to index
      %swap3A_1004 = arith.constant 16 : index
      %swap3A_1005 = tpu.vector_load %arg10[%swap3A_1003, %swap3A_1004] {strides = array<i32>} : memref<8x128xi32, #tpu.memory_space<vmem>>, vector<1x16xi32>,
      %swap3A_1006 = vector.shape_cast %swap3A_1005 : vector<1x16xi32> to vector<16xi32>
      %swap3A_1007 = vector.shape_cast %add3A_1001 : vector<16xi32> to vector<1x16xi32>
      tpu.vector_store %arg10[%swap3A_1003, %swap3A_1004], %swap3A_1007 {strides = array<i32>} : memref<8x128xi32, #tpu.memory_space<vmem>>, vector<1x16xi32>,
      %get3A_1008 = arith.constant 6 : i32
      %get3A_1009 = arith.index_cast %get3A_1008 : i32 to index
      %get3A_1010 = arith.constant 32 : index
      %get3A_1011 = tpu.vector_load %arg10[%get3A_1009, %get3A_1010] {strides = array<i32>} : memref<8x128xi32, #tpu.memory_space<vmem>>, vector<1x16xi32>,
      %get3A_1012 = vector.shape_cast %get3A_1011 : vector<1x16xi32> to vector<16xi32>
      %add3A_1013 = vector.broadcast %mul3A_241 : i32 to vector<16xi32>
      %add3A_1014 = arith.addi %get3A_1012, %add3A_1013 : vector<16xi32>
      %swap3A_1015 = arith.constant 6 : i32
      %swap3A_1016 = arith.index_cast %swap3A_1015 : i32 to index
      %swap3A_1017 = arith.constant 32 : index
      %swap3A_1018 = tpu.vector_load %arg10[%swap3A_1016, %swap3A_1017] {strides = array<i32>} : memref<8x128xi32, #tpu.memory_space<vmem>>, vector<1x16xi32>,
      %swap3A_1019 = vector.shape_cast %swap3A_1018 : vector<1x16xi32> to vector<16xi32>
      %swap3A_1020 = vector.shape_cast %add3A_1014 : vector<16xi32> to vector<1x16xi32>
      tpu.vector_store %arg10[%swap3A_1016, %swap3A_1017], %swap3A_1020 {strides = array<i32>} : memref<8x128xi32, #tpu.memory_space<vmem>>, vector<1x16xi32>,
      %get3A_1021 = arith.constant 6 : i32
      %get3A_1022 = arith.index_cast %get3A_1021 : i32 to index
      %get3A_1023 = arith.constant 48 : index
      %get3A_1024 = tpu.vector_load %arg10[%get3A_1022, %get3A_1023] {strides = array<i32>} : memref<8x128xi32, #tpu.memory_space<vmem>>, vector<1x16xi32>,
      %get3A_1025 = vector.shape_cast %get3A_1024 : vector<1x16xi32> to vector<16xi32>
      %add3A_1026 = vector.broadcast %mul3A_241 : i32 to vector<16xi32>
      %add3A_1027 = arith.addi %get3A_1025, %add3A_1026 : vector<16xi32>
      %swap3A_1028 = arith.constant 6 : i32
      %swap3A_1029 = arith.index_cast %swap3A_1028 : i32 to index
      %swap3A_1030 = arith.constant 48 : index
      %swap3A_1031 = tpu.vector_load %arg10[%swap3A_1029, %swap3A_1030] {strides = array<i32>} : memref<8x128xi32, #tpu.memory_space<vmem>>, vector<1x16xi32>,
      %swap3A_1032 = vector.shape_cast %swap3A_1031 : vector<1x16xi32> to vector<16xi32>
      %swap3A_1033 = vector.shape_cast %add3A_1027 : vector<16xi32> to vector<1x16xi32>
      tpu.vector_store %arg10[%swap3A_1029, %swap3A_1030], %swap3A_1033 {strides = array<i32>} : memref<8x128xi32, #tpu.memory_space<vmem>>, vector<1x16xi32>,
      %get3A_1034 = arith.constant 6 : i32
      %get3A_1035 = arith.index_cast %get3A_1034 : i32 to index
      %get3A_1036 = arith.constant 64 : index
      %get3A_1037 = tpu.vector_load %arg10[%get3A_1035, %get3A_1036] {strides = array<i32>} : memref<8x128xi32, #tpu.memory_space<vmem>>, vector<1x16xi32>,
      %get3A_1038 = vector.shape_cast %get3A_1037 : vector<1x16xi32> to vector<16xi32>
      %add3A_1039 = vector.broadcast %mul3A_241 : i32 to vector<16xi32>
      %add3A_1040 = arith.addi %get3A_1038, %add3A_1039 : vector<16xi32>
      %swap3A_1041 = arith.constant 6 : i32
      %swap3A_1042 = arith.index_cast %swap3A_1041 : i32 to index
      %swap3A_1043 = arith.constant 64 : index
      %swap3A_1044 = tpu.vector_load %arg10[%swap3A_1042, %swap3A_1043] {strides = array<i32>} : memref<8x128xi32, #tpu.memory_space<vmem>>, vector<1x16xi32>,
      %swap3A_1045 = vector.shape_cast %swap3A_1044 : vector<1x16xi32> to vector<16xi32>
      %swap3A_1046 = vector.shape_cast %add3A_1040 : vector<16xi32> to vector<1x16xi32>
      tpu.vector_store %arg10[%swap3A_1042, %swap3A_1043], %swap3A_1046 {strides = array<i32>} : memref<8x128xi32, #tpu.memory_space<vmem>>, vector<1x16xi32>,
      %get3A_1047 = arith.constant 6 : i32
      %get3A_1048 = arith.index_cast %get3A_1047 : i32 to index
      %get3A_1049 = arith.constant 80 : index
      %get3A_1050 = tpu.vector_load %arg10[%get3A_1048, %get3A_1049] {strides = array<i32>} : memref<8x128xi32, #tpu.memory_space<vmem>>, vector<1x16xi32>,
      %get3A_1051 = vector.shape_cast %get3A_1050 : vector<1x16xi32> to vector<16xi32>
      %add3A_1052 = vector.broadcast %mul3A_241 : i32 to vector<16xi32>
      %add3A_1053 = arith.addi %get3A_1051, %add3A_1052 : vector<16xi32>
      %swap3A_1054 = arith.constant 6 : i32
      %swap3A_1055 = arith.index_cast %swap3A_1054 : i32 to index
      %swap3A_1056 = arith.constant 80 : index
      %swap3A_1057 = tpu.vector_load %arg10[%swap3A_1055, %swap3A_1056] {strides = array<i32>} : memref<8x128xi32, #tpu.memory_space<vmem>>, vector<1x16xi32>,
      %swap3A_1058 = vector.shape_cast %swap3A_1057 : vector<1x16xi32> to vector<16xi32>
      %swap3A_1059 = vector.shape_cast %add3A_1053 : vector<16xi32> to vector<1x16xi32>
      tpu.vector_store %arg10[%swap3A_1055, %swap3A_1056], %swap3A_1059 {strides = array<i32>} : memref<8x128xi32, #tpu.memory_space<vmem>>, vector<1x16xi32>,
      %get3A_1060 = arith.constant 6 : i32
      %get3A_1061 = arith.index_cast %get3A_1060 : i32 to index
      %get3A_1062 = arith.constant 96 : index
      %get3A_1063 = tpu.vector_load %arg10[%get3A_1061, %get3A_1062] {strides = array<i32>} : memref<8x128xi32, #tpu.memory_space<vmem>>, vector<1x16xi32>,
      %get3A_1064 = vector.shape_cast %get3A_1063 : vector<1x16xi32> to vector<16xi32>
      %add3A_1065 = vector.broadcast %mul3A_241 : i32 to vector<16xi32>
      %add3A_1066 = arith.addi %get3A_1064, %add3A_1065 : vector<16xi32>
      %swap3A_1067 = arith.constant 6 : i32
      %swap3A_1068 = arith.index_cast %swap3A_1067 : i32 to index
      %swap3A_1069 = arith.constant 96 : index
      %swap3A_1070 = tpu.vector_load %arg10[%swap3A_1068, %swap3A_1069] {strides = array<i32>} : memref<8x128xi32, #tpu.memory_space<vmem>>, vector<1x16xi32>,
      %swap3A_1071 = vector.shape_cast %swap3A_1070 : vector<1x16xi32> to vector<16xi32>
      %swap3A_1072 = vector.shape_cast %add3A_1066 : vector<16xi32> to vector<1x16xi32>
      tpu.vector_store %arg10[%swap3A_1068, %swap3A_1069], %swap3A_1072 {strides = array<i32>} : memref<8x128xi32, #tpu.memory_space<vmem>>, vector<1x16xi32>,
      %get3A_1073 = arith.constant 6 : i32
      %get3A_1074 = arith.index_cast %get3A_1073 : i32 to index
      %get3A_1075 = arith.constant 112 : index
      %get3A_1076 = tpu.vector_load %arg10[%get3A_1074, %get3A_1075] {strides = array<i32>} : memref<8x128xi32, #tpu.memory_space<vmem>>, vector<1x16xi32>,
      %get3A_1077 = vector.shape_cast %get3A_1076 : vector<1x16xi32> to vector<16xi32>
      %add3A_1078 = vector.broadcast %mul3A_241 : i32 to vector<16xi32>
      %add3A_1079 = arith.addi %get3A_1077, %add3A_1078 : vector<16xi32>
      %swap3A_1080 = arith.constant 6 : i32
      %swap3A_1081 = arith.index_cast %swap3A_1080 : i32 to index
      %swap3A_1082 = arith.constant 112 : index
      %swap3A_1083 = tpu.vector_load %arg10[%swap3A_1081, %swap3A_1082] {strides = array<i32>} : memref<8x128xi32, #tpu.memory_space<vmem>>, vector<1x16xi32>,
      %swap3A_1084 = vector.shape_cast %swap3A_1083 : vector<1x16xi32> to vector<16xi32>
      %swap3A_1085 = vector.shape_cast %add3A_1079 : vector<16xi32> to vector<1x16xi32>
      tpu.vector_store %arg10[%swap3A_1081, %swap3A_1082], %swap3A_1085 {strides = array<i32>} : memref<8x128xi32, #tpu.memory_space<vmem>>, vector<1x16xi32>,
      %get3A_1086 = arith.constant 7 : i32
      %get3A_1087 = arith.index_cast %get3A_1086 : i32 to index
      %get3A_1088 = arith.constant 0 : index
      %get3A_1089 = tpu.vector_load %arg10[%get3A_1087, %get3A_1088] {strides = array<i32>} : memref<8x128xi32, #tpu.memory_space<vmem>>, vector<1x16xi32>,
      %get3A_1090 = vector.shape_cast %get3A_1089 : vector<1x16xi32> to vector<16xi32>
      %add3A_1091 = vector.broadcast %mul3A_241 : i32 to vector<16xi32>
      %add3A_1092 = arith.addi %get3A_1090, %add3A_1091 : vector<16xi32>
      %swap3A_1093 = arith.constant 7 : i32
      %swap3A_1094 = arith.index_cast %swap3A_1093 : i32 to index
      %swap3A_1095 = arith.constant 0 : index
      %swap3A_1096 = tpu.vector_load %arg10[%swap3A_1094, %swap3A_1095] {strides = array<i32>} : memref<8x128xi32, #tpu.memory_space<vmem>>, vector<1x16xi32>,
      %swap3A_1097 = vector.shape_cast %swap3A_1096 : vector<1x16xi32> to vector<16xi32>
      %swap3A_1098 = vector.shape_cast %add3A_1092 : vector<16xi32> to vector<1x16xi32>
      tpu.vector_store %arg10[%swap3A_1094, %swap3A_1095], %swap3A_1098 {strides = array<i32>} : memref<8x128xi32, #tpu.memory_space<vmem>>, vector<1x16xi32>,
      %get3A_1099 = arith.constant 7 : i32
      %get3A_1100 = arith.index_cast %get3A_1099 : i32 to index
      %get3A_1101 = arith.constant 16 : index
      %get3A_1102 = tpu.vector_load %arg10[%get3A_1100, %get3A_1101] {strides = array<i32>} : memref<8x128xi32, #tpu.memory_space<vmem>>, vector<1x16xi32>,
      %get3A_1103 = vector.shape_cast %get3A_1102 : vector<1x16xi32> to vector<16xi32>
      %add3A_1104 = vector.broadcast %mul3A_241 : i32 to vector<16xi32>
      %add3A_1105 = arith.addi %get3A_1103, %add3A_1104 : vector<16xi32>
      %swap3A_1106 = arith.constant 7 : i32
      %swap3A_1107 = arith.index_cast %swap3A_1106 : i32 to index
      %swap3A_1108 = arith.constant 16 : index
      %swap3A_1109 = tpu.vector_load %arg10[%swap3A_1107, %swap3A_1108] {strides = array<i32>} : memref<8x128xi32, #tpu.memory_space<vmem>>, vector<1x16xi32>,
      %swap3A_1110 = vector.shape_cast %swap3A_1109 : vector<1x16xi32> to vector<16xi32>
      %swap3A_1111 = vector.shape_cast %add3A_1105 : vector<16xi32> to vector<1x16xi32>
      tpu.vector_store %arg10[%swap3A_1107, %swap3A_1108], %swap3A_1111 {strides = array<i32>} : memref<8x128xi32, #tpu.memory_space<vmem>>, vector<1x16xi32>,
      %get3A_1112 = arith.constant 7 : i32
      %get3A_1113 = arith.index_cast %get3A_1112 : i32 to index
      %get3A_1114 = arith.constant 32 : index
      %get3A_1115 = tpu.vector_load %arg10[%get3A_1113, %get3A_1114] {strides = array<i32>} : memref<8x128xi32, #tpu.memory_space<vmem>>, vector<1x16xi32>,
      %get3A_1116 = vector.shape_cast %get3A_1115 : vector<1x16xi32> to vector<16xi32>
      %add3A_1117 = vector.broadcast %mul3A_241 : i32 to vector<16xi32>
      %add3A_1118 = arith.addi %get3A_1116, %add3A_1117 : vector<16xi32>
      %swap3A_1119 = arith.constant 7 : i32
      %swap3A_1120 = arith.index_cast %swap3A_1119 : i32 to index
      %swap3A_1121 = arith.constant 32 : index
      %swap3A_1122 = tpu.vector_load %arg10[%swap3A_1120, %swap3A_1121] {strides = array<i32>} : memref<8x128xi32, #tpu.memory_space<vmem>>, vector<1x16xi32>,
      %swap3A_1123 = vector.shape_cast %swap3A_1122 : vector<1x16xi32> to vector<16xi32>
      %swap3A_1124 = vector.shape_cast %add3A_1118 : vector<16xi32> to vector<1x16xi32>
      tpu.vector_store %arg10[%swap3A_1120, %swap3A_1121], %swap3A_1124 {strides = array<i32>} : memref<8x128xi32, #tpu.memory_space<vmem>>, vector<1x16xi32>,
      %get3A_1125 = arith.constant 7 : i32
      %get3A_1126 = arith.index_cast %get3A_1125 : i32 to index
      %get3A_1127 = arith.constant 48 : index
      %get3A_1128 = tpu.vector_load %arg10[%get3A_1126, %get3A_1127] {strides = array<i32>} : memref<8x128xi32, #tpu.memory_space<vmem>>, vector<1x16xi32>,
      %get3A_1129 = vector.shape_cast %get3A_1128 : vector<1x16xi32> to vector<16xi32>
      %add3A_1130 = vector.broadcast %mul3A_241 : i32 to vector<16xi32>
      %add3A_1131 = arith.addi %get3A_1129, %add3A_1130 : vector<16xi32>
      %swap3A_1132 = arith.constant 7 : i32
      %swap3A_1133 = arith.index_cast %swap3A_1132 : i32 to index
      %swap3A_1134 = arith.constant 48 : index
      %swap3A_1135 = tpu.vector_load %arg10[%swap3A_1133, %swap3A_1134] {strides = array<i32>} : memref<8x128xi32, #tpu.memory_space<vmem>>, vector<1x16xi32>,
      %swap3A_1136 = vector.shape_cast %swap3A_1135 : vector<1x16xi32> to vector<16xi32>
      %swap3A_1137 = vector.shape_cast %add3A_1131 : vector<16xi32> to vector<1x16xi32>
      tpu.vector_store %arg10[%swap3A_1133, %swap3A_1134], %swap3A_1137 {strides = array<i32>} : memref<8x128xi32, #tpu.memory_space<vmem>>, vector<1x16xi32>,
      %get3A_1138 = arith.constant 7 : i32
      %get3A_1139 = arith.index_cast %get3A_1138 : i32 to index
      %get3A_1140 = arith.constant 64 : index
      %get3A_1141 = tpu.vector_load %arg10[%get3A_1139, %get3A_1140] {strides = array<i32>} : memref<8x128xi32, #tpu.memory_space<vmem>>, vector<1x16xi32>,
      %get3A_1142 = vector.shape_cast %get3A_1141 : vector<1x16xi32> to vector<16xi32>
      %add3A_1143 = vector.broadcast %mul3A_241 : i32 to vector<16xi32>
      %add3A_1144 = arith.addi %get3A_1142, %add3A_1143 : vector<16xi32>
      %swap3A_1145 = arith.constant 7 : i32
      %swap3A_1146 = arith.index_cast %swap3A_1145 : i32 to index
      %swap3A_1147 = arith.constant 64 : index
      %swap3A_1148 = tpu.vector_load %arg10[%swap3A_1146, %swap3A_1147] {strides = array<i32>} : memref<8x128xi32, #tpu.memory_space<vmem>>, vector<1x16xi32>,
      %swap3A_1149 = vector.shape_cast %swap3A_1148 : vector<1x16xi32> to vector<16xi32>
      %swap3A_1150 = vector.shape_cast %add3A_1144 : vector<16xi32> to vector<1x16xi32>
      tpu.vector_store %arg10[%swap3A_1146, %swap3A_1147], %swap3A_1150 {strides = array<i32>} : memref<8x128xi32, #tpu.memory_space<vmem>>, vector<1x16xi32>,
      %get3A_1151 = arith.constant 7 : i32
      %get3A_1152 = arith.index_cast %get3A_1151 : i32 to index
      %get3A_1153 = arith.constant 80 : index
      %get3A_1154 = tpu.vector_load %arg10[%get3A_1152, %get3A_1153] {strides = array<i32>} : memref<8x128xi32, #tpu.memory_space<vmem>>, vector<1x16xi32>,
      %get3A_1155 = vector.shape_cast %get3A_1154 : vector<1x16xi32> to vector<16xi32>
      %add3A_1156 = vector.broadcast %mul3A_241 : i32 to vector<16xi32>
      %add3A_1157 = arith.addi %get3A_1155, %add3A_1156 : vector<16xi32>
      %swap3A_1158 = arith.constant 7 : i32
      %swap3A_1159 = arith.index_cast %swap3A_1158 : i32 to index
      %swap3A_1160 = arith.constant 80 : index
      %swap3A_1161 = tpu.vector_load %arg10[%swap3A_1159, %swap3A_1160] {strides = array<i32>} : memref<8x128xi32, #tpu.memory_space<vmem>>, vector<1x16xi32>,
      %swap3A_1162 = vector.shape_cast %swap3A_1161 : vector<1x16xi32> to vector<16xi32>
      %swap3A_1163 = vector.shape_cast %add3A_1157 : vector<16xi32> to vector<1x16xi32>
      tpu.vector_store %arg10[%swap3A_1159, %swap3A_1160], %swap3A_1163 {strides = array<i32>} : memref<8x128xi32, #tpu.memory_space<vmem>>, vector<1x16xi32>,
      %get3A_1164 = arith.constant 7 : i32
      %get3A_1165 = arith.index_cast %get3A_1164 : i32 to index
      %get3A_1166 = arith.constant 96 : index
      %get3A_1167 = tpu.vector_load %arg10[%get3A_1165, %get3A_1166] {strides = array<i32>} : memref<8x128xi32, #tpu.memory_space<vmem>>, vector<1x16xi32>,
      %get3A_1168 = vector.shape_cast %get3A_1167 : vector<1x16xi32> to vector<16xi32>
      %add3A_1169 = vector.broadcast %mul3A_241 : i32 to vector<16xi32>
      %add3A_1170 = arith.addi %get3A_1168, %add3A_1169 : vector<16xi32>
      %swap3A_1171 = arith.constant 7 : i32
      %swap3A_1172 = arith.index_cast %swap3A_1171 : i32 to index
      %swap3A_1173 = arith.constant 96 : index
      %swap3A_1174 = tpu.vector_load %arg10[%swap3A_1172, %swap3A_1173] {strides = array<i32>} : memref<8x128xi32, #tpu.memory_space<vmem>>, vector<1x16xi32>,
      %swap3A_1175 = vector.shape_cast %swap3A_1174 : vector<1x16xi32> to vector<16xi32>
      %swap3A_1176 = vector.shape_cast %add3A_1170 : vector<16xi32> to vector<1x16xi32>
      tpu.vector_store %arg10[%swap3A_1172, %swap3A_1173], %swap3A_1176 {strides = array<i32>} : memref<8x128xi32, #tpu.memory_space<vmem>>, vector<1x16xi32>,
      %get3A_1177 = arith.constant 7 : i32
      %get3A_1178 = arith.index_cast %get3A_1177 : i32 to index
      %get3A_1179 = arith.constant 112 : index
      %get3A_1180 = tpu.vector_load %arg10[%get3A_1178, %get3A_1179] {strides = array<i32>} : memref<8x128xi32, #tpu.memory_space<vmem>>, vector<1x16xi32>,
      %get3A_1181 = vector.shape_cast %get3A_1180 : vector<1x16xi32> to vector<16xi32>
      %add3A_1182 = vector.broadcast %mul3A_241 : i32 to vector<16xi32>
      %add3A_1183 = arith.addi %get3A_1181, %add3A_1182 : vector<16xi32>
      %swap3A_1184 = arith.constant 7 : i32
      %swap3A_1185 = arith.index_cast %swap3A_1184 : i32 to index
      %swap3A_1186 = arith.constant 112 : index
      %swap3A_1187 = tpu.vector_load %arg10[%swap3A_1185, %swap3A_1186] {strides = array<i32>} : memref<8x128xi32, #tpu.memory_space<vmem>>, vector<1x16xi32>,
      %swap3A_1188 = vector.shape_cast %swap3A_1187 : vector<1x16xi32> to vector<16xi32>
      %swap3A_1189 = vector.shape_cast %add3A_1183 : vector<16xi32> to vector<1x16xi32>
      tpu.vector_store %arg10[%swap3A_1185, %swap3A_1186], %swap3A_1189 {strides = array<i32>} : memref<8x128xi32, #tpu.memory_space<vmem>>, vector<1x16xi32>,
      %dma_start3A = arith.constant 0 : i32
      %dma_start3A_1190 = arith.constant 0 : i32
      %dma_start3A_1191 = tpu.memref_slice %arg10[%dma_start3A, %dma_start3A_1190] : memref<8x128xi32, #tpu.memory_space<vmem>> -> memref<1x128xi32, #tpu.memory_space<vmem>>
      %dma_start3A_1192 = tpu.memref_squeeze %dma_start3A_1191 : memref<1x128xi32, #tpu.memory_space<vmem>> -> memref<128xi32, #tpu.memory_space<vmem>>
      %dma_start3A_1193 = arith.constant 0 : i32
      %dma_start3A_1194 = arith.constant 0 : i32
      %dma_start3A_1195 = tpu.memref_slice %arg2[%dma_start3A_1193, %dma_start3A_1194] : memref<40000x128xf32, #tpu.memory_space<hbm>> -> memref<40000x128xf32, #tpu.memory_space<hbm>>
      tpu.enqueue_indirect_dma source(%dma_start3A_1195 : memref<40000x128xf32, #tpu.memory_space<hbm>>) target(%arg12 : memref<128x128xf32, #tpu.memory_space<vmem>>) offsets(%dma_start3A_1192 : memref<128xi32, #tpu.memory_space<vmem>>) semaphore(%arg20 : memref<!tpu.dma_semaphore, #tpu.memory_space<semaphore_mem>>)
      %dma_start3A_1196 = arith.constant 1 : i32
      %dma_start3A_1197 = arith.constant 0 : i32
      %dma_start3A_1198 = tpu.memref_slice %arg10[%dma_start3A_1196, %dma_start3A_1197] : memref<8x128xi32, #tpu.memory_space<vmem>> -> memref<1x128xi32, #tpu.memory_space<vmem>>
      %dma_start3A_1199 = tpu.memref_squeeze %dma_start3A_1198 : memref<1x128xi32, #tpu.memory_space<vmem>> -> memref<128xi32, #tpu.memory_space<vmem>>
      %dma_start3A_1200 = arith.constant 0 : i32
      %dma_start3A_1201 = arith.constant 0 : i32
      %dma_start3A_1202 = tpu.memref_slice %arg2[%dma_start3A_1200, %dma_start3A_1201] : memref<40000x128xf32, #tpu.memory_space<hbm>> -> memref<40000x128xf32, #tpu.memory_space<hbm>>
      tpu.enqueue_indirect_dma source(%dma_start3A_1202 : memref<40000x128xf32, #tpu.memory_space<hbm>>) target(%arg13 : memref<128x128xf32, #tpu.memory_space<vmem>>) offsets(%dma_start3A_1199 : memref<128xi32, #tpu.memory_space<vmem>>) semaphore(%arg21 : memref<!tpu.dma_semaphore, #tpu.memory_space<semaphore_mem>>)
      %dma_wait3A = arith.constant 0 : i32
      %dma_wait3A_1203 = arith.constant 0 : i32
      %dma_wait3A_1204 = tpu.memref_slice %arg10[%dma_wait3A, %dma_wait3A_1203] : memref<8x128xi32, #tpu.memory_space<vmem>> -> memref<1x128xi32, #tpu.memory_space<vmem>>
      %dma_wait3A_1205 = tpu.memref_squeeze %dma_wait3A_1204 : memref<1x128xi32, #tpu.memory_space<vmem>> -> memref<128xi32, #tpu.memory_space<vmem>>
      %dma_wait3A_1206 = arith.constant 0 : i32
      %dma_wait3A_1207 = arith.constant 0 : i32
      %dma_wait3A_1208 = tpu.memref_slice %arg2[%dma_wait3A_1206, %dma_wait3A_1207] : memref<40000x128xf32, #tpu.memory_space<hbm>> -> memref<40000x128xf32, #tpu.memory_space<hbm>>
      tpu.wait_indirect_dma semaphore(%arg20 : memref<!tpu.dma_semaphore, #tpu.memory_space<semaphore_mem>>) src(%dma_wait3A_1208 : memref<40000x128xf32, #tpu.memory_space<hbm>>) dst(%arg12 : memref<128x128xf32, #tpu.memory_space<vmem>>)
      %run_scoped3A_1209 = arith.constant 0 : i32
      "tpu.region"() ({
        %run_scoped3A_1308 = tpu.sem_alloc : memref<!tpu.dma_semaphore, #tpu.memory_space<semaphore_mem>>
        %dma_start3A_1309 = arith.constant 0 : i32
        %dma_start3A_1310 = tpu.memref_slice %arg11[%run_scoped3A_1209, %dma_start3A_1309] : memref<8x128xi32, #tpu.memory_space<vmem>> -> memref<1x128xi32, #tpu.memory_space<vmem>>
        %dma_start3A_1311 = tpu.memref_squeeze %dma_start3A_1310 : memref<1x128xi32, #tpu.memory_space<vmem>> -> memref<128xi32, #tpu.memory_space<vmem>>
        %dma_start3A_1312 = arith.constant 0 : i32
        %dma_start3A_1313 = arith.constant 0 : i32
        %dma_start3A_1314 = tpu.memref_slice %arg18[%dma_start3A_1312, %dma_start3A_1313] : memref<10240x128xf32, #tpu.memory_space<vmem_shared>> -> memref<10240x128xf32, #tpu.memory_space<vmem_shared>>
        tpu.enqueue_indirect_dma source(%arg12 : memref<128x128xf32, #tpu.memory_space<vmem>>) target(%dma_start3A_1314 : memref<10240x128xf32, #tpu.memory_space<vmem_shared>>) offsets(%dma_start3A_1311 : memref<128xi32, #tpu.memory_space<vmem>>) semaphore(%run_scoped3A_1308 : memref<!tpu.dma_semaphore, #tpu.memory_space<semaphore_mem>>) {add = true}
        %dma_wait3A_1315 = arith.constant 0 : i32
        %dma_wait3A_1316 = tpu.memref_slice %arg11[%run_scoped3A_1209, %dma_wait3A_1315] : memref<8x128xi32, #tpu.memory_space<vmem>> -> memref<1x128xi32, #tpu.memory_space<vmem>>
        %dma_wait3A_1317 = tpu.memref_squeeze %dma_wait3A_1316 : memref<1x128xi32, #tpu.memory_space<vmem>> -> memref<128xi32, #tpu.memory_space<vmem>>
        %dma_wait3A_1318 = arith.constant 0 : i32
        %dma_wait3A_1319 = arith.constant 0 : i32
        %dma_wait3A_1320 = tpu.memref_slice %arg18[%dma_wait3A_1318, %dma_wait3A_1319] : memref<10240x128xf32, #tpu.memory_space<vmem_shared>> -> memref<10240x128xf32, #tpu.memory_space<vmem_shared>>
        tpu.wait_indirect_dma semaphore(%run_scoped3A_1308 : memref<!tpu.dma_semaphore, #tpu.memory_space<semaphore_mem>>) src(%arg12 : memref<128x128xf32, #tpu.memory_space<vmem>>) dst(%dma_wait3A_1320 : memref<10240x128xf32, #tpu.memory_space<vmem_shared>>)
        tpu.yield
      }) : () -> ()
      %dma_start3A_1210 = arith.constant 2 : i32
      %dma_start3A_1211 = arith.constant 0 : i32
      %dma_start3A_1212 = tpu.memref_slice %arg10[%dma_start3A_1210, %dma_start3A_1211] : memref<8x128xi32, #tpu.memory_space<vmem>> -> memref<1x128xi32, #tpu.memory_space<vmem>>
      %dma_start3A_1213 = tpu.memref_squeeze %dma_start3A_1212 : memref<1x128xi32, #tpu.memory_space<vmem>> -> memref<128xi32, #tpu.memory_space<vmem>>
      %dma_start3A_1214 = arith.constant 0 : i32
      %dma_start3A_1215 = arith.constant 0 : i32
      %dma_start3A_1216 = tpu.memref_slice %arg2[%dma_start3A_1214, %dma_start3A_1215] : memref<40000x128xf32, #tpu.memory_space<hbm>> -> memref<40000x128xf32, #tpu.memory_space<hbm>>
      tpu.enqueue_indirect_dma source(%dma_start3A_1216 : memref<40000x128xf32, #tpu.memory_space<hbm>>) target(%arg12 : memref<128x128xf32, #tpu.memory_space<vmem>>) offsets(%dma_start3A_1213 : memref<128xi32, #tpu.memory_space<vmem>>) semaphore(%arg20 : memref<!tpu.dma_semaphore, #tpu.memory_space<semaphore_mem>>)
      %dma_wait3A_1217 = arith.constant 1 : i32
      %dma_wait3A_1218 = arith.constant 0 : i32
      %dma_wait3A_1219 = tpu.memref_slice %arg10[%dma_wait3A_1217, %dma_wait3A_1218] : memref<8x128xi32, #tpu.memory_space<vmem>> -> memref<1x128xi32, #tpu.memory_space<vmem>>
      %dma_wait3A_1220 = tpu.memref_squeeze %dma_wait3A_1219 : memref<1x128xi32, #tpu.memory_space<vmem>> -> memref<128xi32, #tpu.memory_space<vmem>>
      %dma_wait3A_1221 = arith.constant 0 : i32
      %dma_wait3A_1222 = arith.constant 0 : i32
      %dma_wait3A_1223 = tpu.memref_slice %arg2[%dma_wait3A_1221, %dma_wait3A_1222] : memref<40000x128xf32, #tpu.memory_space<hbm>> -> memref<40000x128xf32, #tpu.memory_space<hbm>>
      tpu.wait_indirect_dma semaphore(%arg21 : memref<!tpu.dma_semaphore, #tpu.memory_space<semaphore_mem>>) src(%dma_wait3A_1223 : memref<40000x128xf32, #tpu.memory_space<hbm>>) dst(%arg13 : memref<128x128xf32, #tpu.memory_space<vmem>>)
      %run_scoped3A_1224 = arith.constant 1 : i32
      "tpu.region"() ({
        %run_scoped3A_1308 = tpu.sem_alloc : memref<!tpu.dma_semaphore, #tpu.memory_space<semaphore_mem>>
        %dma_start3A_1309 = arith.constant 0 : i32
        %dma_start3A_1310 = tpu.memref_slice %arg11[%run_scoped3A_1224, %dma_start3A_1309] : memref<8x128xi32, #tpu.memory_space<vmem>> -> memref<1x128xi32, #tpu.memory_space<vmem>>
        %dma_start3A_1311 = tpu.memref_squeeze %dma_start3A_1310 : memref<1x128xi32, #tpu.memory_space<vmem>> -> memref<128xi32, #tpu.memory_space<vmem>>
        %dma_start3A_1312 = arith.constant 0 : i32
        %dma_start3A_1313 = arith.constant 0 : i32
        %dma_start3A_1314 = tpu.memref_slice %arg18[%dma_start3A_1312, %dma_start3A_1313] : memref<10240x128xf32, #tpu.memory_space<vmem_shared>> -> memref<10240x128xf32, #tpu.memory_space<vmem_shared>>
        tpu.enqueue_indirect_dma source(%arg13 : memref<128x128xf32, #tpu.memory_space<vmem>>) target(%dma_start3A_1314 : memref<10240x128xf32, #tpu.memory_space<vmem_shared>>) offsets(%dma_start3A_1311 : memref<128xi32, #tpu.memory_space<vmem>>) semaphore(%run_scoped3A_1308 : memref<!tpu.dma_semaphore, #tpu.memory_space<semaphore_mem>>) {add = true}
        %dma_wait3A_1315 = arith.constant 0 : i32
        %dma_wait3A_1316 = tpu.memref_slice %arg11[%run_scoped3A_1224, %dma_wait3A_1315] : memref<8x128xi32, #tpu.memory_space<vmem>> -> memref<1x128xi32, #tpu.memory_space<vmem>>
        %dma_wait3A_1317 = tpu.memref_squeeze %dma_wait3A_1316 : memref<1x128xi32, #tpu.memory_space<vmem>> -> memref<128xi32, #tpu.memory_space<vmem>>
        %dma_wait3A_1318 = arith.constant 0 : i32
        %dma_wait3A_1319 = arith.constant 0 : i32
        %dma_wait3A_1320 = tpu.memref_slice %arg18[%dma_wait3A_1318, %dma_wait3A_1319] : memref<10240x128xf32, #tpu.memory_space<vmem_shared>> -> memref<10240x128xf32, #tpu.memory_space<vmem_shared>>
        tpu.wait_indirect_dma semaphore(%run_scoped3A_1308 : memref<!tpu.dma_semaphore, #tpu.memory_space<semaphore_mem>>) src(%arg13 : memref<128x128xf32, #tpu.memory_space<vmem>>) dst(%dma_wait3A_1320 : memref<10240x128xf32, #tpu.memory_space<vmem_shared>>)
        tpu.yield
      }) : () -> ()
      %dma_start3A_1225 = arith.constant 3 : i32
      %dma_start3A_1226 = arith.constant 0 : i32
      %dma_start3A_1227 = tpu.memref_slice %arg10[%dma_start3A_1225, %dma_start3A_1226] : memref<8x128xi32, #tpu.memory_space<vmem>> -> memref<1x128xi32, #tpu.memory_space<vmem>>
      %dma_start3A_1228 = tpu.memref_squeeze %dma_start3A_1227 : memref<1x128xi32, #tpu.memory_space<vmem>> -> memref<128xi32, #tpu.memory_space<vmem>>
      %dma_start3A_1229 = arith.constant 0 : i32
      %dma_start3A_1230 = arith.constant 0 : i32
      %dma_start3A_1231 = tpu.memref_slice %arg2[%dma_start3A_1229, %dma_start3A_1230] : memref<40000x128xf32, #tpu.memory_space<hbm>> -> memref<40000x128xf32, #tpu.memory_space<hbm>>
      tpu.enqueue_indirect_dma source(%dma_start3A_1231 : memref<40000x128xf32, #tpu.memory_space<hbm>>) target(%arg13 : memref<128x128xf32, #tpu.memory_space<vmem>>) offsets(%dma_start3A_1228 : memref<128xi32, #tpu.memory_space<vmem>>) semaphore(%arg21 : memref<!tpu.dma_semaphore, #tpu.memory_space<semaphore_mem>>)
      %dma_wait3A_1232 = arith.constant 2 : i32
      %dma_wait3A_1233 = arith.constant 0 : i32
      %dma_wait3A_1234 = tpu.memref_slice %arg10[%dma_wait3A_1232, %dma_wait3A_1233] : memref<8x128xi32, #tpu.memory_space<vmem>> -> memref<1x128xi32, #tpu.memory_space<vmem>>
      %dma_wait3A_1235 = tpu.memref_squeeze %dma_wait3A_1234 : memref<1x128xi32, #tpu.memory_space<vmem>> -> memref<128xi32, #tpu.memory_space<vmem>>
      %dma_wait3A_1236 = arith.constant 0 : i32
      %dma_wait3A_1237 = arith.constant 0 : i32
      %dma_wait3A_1238 = tpu.memref_slice %arg2[%dma_wait3A_1236, %dma_wait3A_1237] : memref<40000x128xf32, #tpu.memory_space<hbm>> -> memref<40000x128xf32, #tpu.memory_space<hbm>>
      tpu.wait_indirect_dma semaphore(%arg20 : memref<!tpu.dma_semaphore, #tpu.memory_space<semaphore_mem>>) src(%dma_wait3A_1238 : memref<40000x128xf32, #tpu.memory_space<hbm>>) dst(%arg12 : memref<128x128xf32, #tpu.memory_space<vmem>>)
      %run_scoped3A_1239 = arith.constant 2 : i32
      "tpu.region"() ({
        %run_scoped3A_1308 = tpu.sem_alloc : memref<!tpu.dma_semaphore, #tpu.memory_space<semaphore_mem>>
        %dma_start3A_1309 = arith.constant 0 : i32
        %dma_start3A_1310 = tpu.memref_slice %arg11[%run_scoped3A_1239, %dma_start3A_1309] : memref<8x128xi32, #tpu.memory_space<vmem>> -> memref<1x128xi32, #tpu.memory_space<vmem>>
        %dma_start3A_1311 = tpu.memref_squeeze %dma_start3A_1310 : memref<1x128xi32, #tpu.memory_space<vmem>> -> memref<128xi32, #tpu.memory_space<vmem>>
        %dma_start3A_1312 = arith.constant 0 : i32
        %dma_start3A_1313 = arith.constant 0 : i32
        %dma_start3A_1314 = tpu.memref_slice %arg18[%dma_start3A_1312, %dma_start3A_1313] : memref<10240x128xf32, #tpu.memory_space<vmem_shared>> -> memref<10240x128xf32, #tpu.memory_space<vmem_shared>>
        tpu.enqueue_indirect_dma source(%arg12 : memref<128x128xf32, #tpu.memory_space<vmem>>) target(%dma_start3A_1314 : memref<10240x128xf32, #tpu.memory_space<vmem_shared>>) offsets(%dma_start3A_1311 : memref<128xi32, #tpu.memory_space<vmem>>) semaphore(%run_scoped3A_1308 : memref<!tpu.dma_semaphore, #tpu.memory_space<semaphore_mem>>) {add = true}
        %dma_wait3A_1315 = arith.constant 0 : i32
        %dma_wait3A_1316 = tpu.memref_slice %arg11[%run_scoped3A_1239, %dma_wait3A_1315] : memref<8x128xi32, #tpu.memory_space<vmem>> -> memref<1x128xi32, #tpu.memory_space<vmem>>
        %dma_wait3A_1317 = tpu.memref_squeeze %dma_wait3A_1316 : memref<1x128xi32, #tpu.memory_space<vmem>> -> memref<128xi32, #tpu.memory_space<vmem>>
        %dma_wait3A_1318 = arith.constant 0 : i32
        %dma_wait3A_1319 = arith.constant 0 : i32
        %dma_wait3A_1320 = tpu.memref_slice %arg18[%dma_wait3A_1318, %dma_wait3A_1319] : memref<10240x128xf32, #tpu.memory_space<vmem_shared>> -> memref<10240x128xf32, #tpu.memory_space<vmem_shared>>
        tpu.wait_indirect_dma semaphore(%run_scoped3A_1308 : memref<!tpu.dma_semaphore, #tpu.memory_space<semaphore_mem>>) src(%arg12 : memref<128x128xf32, #tpu.memory_space<vmem>>) dst(%dma_wait3A_1320 : memref<10240x128xf32, #tpu.memory_space<vmem_shared>>)
        tpu.yield
      }) : () -> ()
      %dma_start3A_1240 = arith.constant 4 : i32
      %dma_start3A_1241 = arith.constant 0 : i32
      %dma_start3A_1242 = tpu.memref_slice %arg10[%dma_start3A_1240, %dma_start3A_1241] : memref<8x128xi32, #tpu.memory_space<vmem>> -> memref<1x128xi32, #tpu.memory_space<vmem>>
      %dma_start3A_1243 = tpu.memref_squeeze %dma_start3A_1242 : memref<1x128xi32, #tpu.memory_space<vmem>> -> memref<128xi32, #tpu.memory_space<vmem>>
      %dma_start3A_1244 = arith.constant 0 : i32
      %dma_start3A_1245 = arith.constant 0 : i32
      %dma_start3A_1246 = tpu.memref_slice %arg2[%dma_start3A_1244, %dma_start3A_1245] : memref<40000x128xf32, #tpu.memory_space<hbm>> -> memref<40000x128xf32, #tpu.memory_space<hbm>>
      tpu.enqueue_indirect_dma source(%dma_start3A_1246 : memref<40000x128xf32, #tpu.memory_space<hbm>>) target(%arg12 : memref<128x128xf32, #tpu.memory_space<vmem>>) offsets(%dma_start3A_1243 : memref<128xi32, #tpu.memory_space<vmem>>) semaphore(%arg20 : memref<!tpu.dma_semaphore, #tpu.memory_space<semaphore_mem>>)
      %dma_wait3A_1247 = arith.constant 3 : i32
      %dma_wait3A_1248 = arith.constant 0 : i32
      %dma_wait3A_1249 = tpu.memref_slice %arg10[%dma_wait3A_1247, %dma_wait3A_1248] : memref<8x128xi32, #tpu.memory_space<vmem>> -> memref<1x128xi32, #tpu.memory_space<vmem>>
      %dma_wait3A_1250 = tpu.memref_squeeze %dma_wait3A_1249 : memref<1x128xi32, #tpu.memory_space<vmem>> -> memref<128xi32, #tpu.memory_space<vmem>>
      %dma_wait3A_1251 = arith.constant 0 : i32
      %dma_wait3A_1252 = arith.constant 0 : i32
      %dma_wait3A_1253 = tpu.memref_slice %arg2[%dma_wait3A_1251, %dma_wait3A_1252] : memref<40000x128xf32, #tpu.memory_space<hbm>> -> memref<40000x128xf32, #tpu.memory_space<hbm>>
      tpu.wait_indirect_dma semaphore(%arg21 : memref<!tpu.dma_semaphore, #tpu.memory_space<semaphore_mem>>) src(%dma_wait3A_1253 : memref<40000x128xf32, #tpu.memory_space<hbm>>) dst(%arg13 : memref<128x128xf32, #tpu.memory_space<vmem>>)
      %run_scoped3A_1254 = arith.constant 3 : i32
      "tpu.region"() ({
        %run_scoped3A_1308 = tpu.sem_alloc : memref<!tpu.dma_semaphore, #tpu.memory_space<semaphore_mem>>
        %dma_start3A_1309 = arith.constant 0 : i32
        %dma_start3A_1310 = tpu.memref_slice %arg11[%run_scoped3A_1254, %dma_start3A_1309] : memref<8x128xi32, #tpu.memory_space<vmem>> -> memref<1x128xi32, #tpu.memory_space<vmem>>
        %dma_start3A_1311 = tpu.memref_squeeze %dma_start3A_1310 : memref<1x128xi32, #tpu.memory_space<vmem>> -> memref<128xi32, #tpu.memory_space<vmem>>
        %dma_start3A_1312 = arith.constant 0 : i32
        %dma_start3A_1313 = arith.constant 0 : i32
        %dma_start3A_1314 = tpu.memref_slice %arg18[%dma_start3A_1312, %dma_start3A_1313] : memref<10240x128xf32, #tpu.memory_space<vmem_shared>> -> memref<10240x128xf32, #tpu.memory_space<vmem_shared>>
        tpu.enqueue_indirect_dma source(%arg13 : memref<128x128xf32, #tpu.memory_space<vmem>>) target(%dma_start3A_1314 : memref<10240x128xf32, #tpu.memory_space<vmem_shared>>) offsets(%dma_start3A_1311 : memref<128xi32, #tpu.memory_space<vmem>>) semaphore(%run_scoped3A_1308 : memref<!tpu.dma_semaphore, #tpu.memory_space<semaphore_mem>>) {add = true}
        %dma_wait3A_1315 = arith.constant 0 : i32
        %dma_wait3A_1316 = tpu.memref_slice %arg11[%run_scoped3A_1254, %dma_wait3A_1315] : memref<8x128xi32, #tpu.memory_space<vmem>> -> memref<1x128xi32, #tpu.memory_space<vmem>>
        %dma_wait3A_1317 = tpu.memref_squeeze %dma_wait3A_1316 : memref<1x128xi32, #tpu.memory_space<vmem>> -> memref<128xi32, #tpu.memory_space<vmem>>
        %dma_wait3A_1318 = arith.constant 0 : i32
        %dma_wait3A_1319 = arith.constant 0 : i32
        %dma_wait3A_1320 = tpu.memref_slice %arg18[%dma_wait3A_1318, %dma_wait3A_1319] : memref<10240x128xf32, #tpu.memory_space<vmem_shared>> -> memref<10240x128xf32, #tpu.memory_space<vmem_shared>>
        tpu.wait_indirect_dma semaphore(%run_scoped3A_1308 : memref<!tpu.dma_semaphore, #tpu.memory_space<semaphore_mem>>) src(%arg13 : memref<128x128xf32, #tpu.memory_space<vmem>>) dst(%dma_wait3A_1320 : memref<10240x128xf32, #tpu.memory_space<vmem_shared>>)
        tpu.yield
      }) : () -> ()
      %dma_start3A_1255 = arith.constant 5 : i32
      %dma_start3A_1256 = arith.constant 0 : i32
      %dma_start3A_1257 = tpu.memref_slice %arg10[%dma_start3A_1255, %dma_start3A_1256] : memref<8x128xi32, #tpu.memory_space<vmem>> -> memref<1x128xi32, #tpu.memory_space<vmem>>
      %dma_start3A_1258 = tpu.memref_squeeze %dma_start3A_1257 : memref<1x128xi32, #tpu.memory_space<vmem>> -> memref<128xi32, #tpu.memory_space<vmem>>
      %dma_start3A_1259 = arith.constant 0 : i32
      %dma_start3A_1260 = arith.constant 0 : i32
      %dma_start3A_1261 = tpu.memref_slice %arg2[%dma_start3A_1259, %dma_start3A_1260] : memref<40000x128xf32, #tpu.memory_space<hbm>> -> memref<40000x128xf32, #tpu.memory_space<hbm>>
      tpu.enqueue_indirect_dma source(%dma_start3A_1261 : memref<40000x128xf32, #tpu.memory_space<hbm>>) target(%arg13 : memref<128x128xf32, #tpu.memory_space<vmem>>) offsets(%dma_start3A_1258 : memref<128xi32, #tpu.memory_space<vmem>>) semaphore(%arg21 : memref<!tpu.dma_semaphore, #tpu.memory_space<semaphore_mem>>)
      %dma_wait3A_1262 = arith.constant 4 : i32
      %dma_wait3A_1263 = arith.constant 0 : i32
      %dma_wait3A_1264 = tpu.memref_slice %arg10[%dma_wait3A_1262, %dma_wait3A_1263] : memref<8x128xi32, #tpu.memory_space<vmem>> -> memref<1x128xi32, #tpu.memory_space<vmem>>
      %dma_wait3A_1265 = tpu.memref_squeeze %dma_wait3A_1264 : memref<1x128xi32, #tpu.memory_space<vmem>> -> memref<128xi32, #tpu.memory_space<vmem>>
      %dma_wait3A_1266 = arith.constant 0 : i32
      %dma_wait3A_1267 = arith.constant 0 : i32
      %dma_wait3A_1268 = tpu.memref_slice %arg2[%dma_wait3A_1266, %dma_wait3A_1267] : memref<40000x128xf32, #tpu.memory_space<hbm>> -> memref<40000x128xf32, #tpu.memory_space<hbm>>
      tpu.wait_indirect_dma semaphore(%arg20 : memref<!tpu.dma_semaphore, #tpu.memory_space<semaphore_mem>>) src(%dma_wait3A_1268 : memref<40000x128xf32, #tpu.memory_space<hbm>>) dst(%arg12 : memref<128x128xf32, #tpu.memory_space<vmem>>)
      %run_scoped3A_1269 = arith.constant 4 : i32
      "tpu.region"() ({
        %run_scoped3A_1308 = tpu.sem_alloc : memref<!tpu.dma_semaphore, #tpu.memory_space<semaphore_mem>>
        %dma_start3A_1309 = arith.constant 0 : i32
        %dma_start3A_1310 = tpu.memref_slice %arg11[%run_scoped3A_1269, %dma_start3A_1309] : memref<8x128xi32, #tpu.memory_space<vmem>> -> memref<1x128xi32, #tpu.memory_space<vmem>>
        %dma_start3A_1311 = tpu.memref_squeeze %dma_start3A_1310 : memref<1x128xi32, #tpu.memory_space<vmem>> -> memref<128xi32, #tpu.memory_space<vmem>>
        %dma_start3A_1312 = arith.constant 0 : i32
        %dma_start3A_1313 = arith.constant 0 : i32
        %dma_start3A_1314 = tpu.memref_slice %arg18[%dma_start3A_1312, %dma_start3A_1313] : memref<10240x128xf32, #tpu.memory_space<vmem_shared>> -> memref<10240x128xf32, #tpu.memory_space<vmem_shared>>
        tpu.enqueue_indirect_dma source(%arg12 : memref<128x128xf32, #tpu.memory_space<vmem>>) target(%dma_start3A_1314 : memref<10240x128xf32, #tpu.memory_space<vmem_shared>>) offsets(%dma_start3A_1311 : memref<128xi32, #tpu.memory_space<vmem>>) semaphore(%run_scoped3A_1308 : memref<!tpu.dma_semaphore, #tpu.memory_space<semaphore_mem>>) {add = true}
        %dma_wait3A_1315 = arith.constant 0 : i32
        %dma_wait3A_1316 = tpu.memref_slice %arg11[%run_scoped3A_1269, %dma_wait3A_1315] : memref<8x128xi32, #tpu.memory_space<vmem>> -> memref<1x128xi32, #tpu.memory_space<vmem>>
        %dma_wait3A_1317 = tpu.memref_squeeze %dma_wait3A_1316 : memref<1x128xi32, #tpu.memory_space<vmem>> -> memref<128xi32, #tpu.memory_space<vmem>>
        %dma_wait3A_1318 = arith.constant 0 : i32
        %dma_wait3A_1319 = arith.constant 0 : i32
        %dma_wait3A_1320 = tpu.memref_slice %arg18[%dma_wait3A_1318, %dma_wait3A_1319] : memref<10240x128xf32, #tpu.memory_space<vmem_shared>> -> memref<10240x128xf32, #tpu.memory_space<vmem_shared>>
        tpu.wait_indirect_dma semaphore(%run_scoped3A_1308 : memref<!tpu.dma_semaphore, #tpu.memory_space<semaphore_mem>>) src(%arg12 : memref<128x128xf32, #tpu.memory_space<vmem>>) dst(%dma_wait3A_1320 : memref<10240x128xf32, #tpu.memory_space<vmem_shared>>)
        tpu.yield
      }) : () -> ()
      %dma_start3A_1270 = arith.constant 6 : i32
      %dma_start3A_1271 = arith.constant 0 : i32
      %dma_start3A_1272 = tpu.memref_slice %arg10[%dma_start3A_1270, %dma_start3A_1271] : memref<8x128xi32, #tpu.memory_space<vmem>> -> memref<1x128xi32, #tpu.memory_space<vmem>>
      %dma_start3A_1273 = tpu.memref_squeeze %dma_start3A_1272 : memref<1x128xi32, #tpu.memory_space<vmem>> -> memref<128xi32, #tpu.memory_space<vmem>>
      %dma_start3A_1274 = arith.constant 0 : i32
      %dma_start3A_1275 = arith.constant 0 : i32
      %dma_start3A_1276 = tpu.memref_slice %arg2[%dma_start3A_1274, %dma_start3A_1275] : memref<40000x128xf32, #tpu.memory_space<hbm>> -> memref<40000x128xf32, #tpu.memory_space<hbm>>
      tpu.enqueue_indirect_dma source(%dma_start3A_1276 : memref<40000x128xf32, #tpu.memory_space<hbm>>) target(%arg12 : memref<128x128xf32, #tpu.memory_space<vmem>>) offsets(%dma_start3A_1273 : memref<128xi32, #tpu.memory_space<vmem>>) semaphore(%arg20 : memref<!tpu.dma_semaphore, #tpu.memory_space<semaphore_mem>>)
      %dma_wait3A_1277 = arith.constant 5 : i32
      %dma_wait3A_1278 = arith.constant 0 : i32
      %dma_wait3A_1279 = tpu.memref_slice %arg10[%dma_wait3A_1277, %dma_wait3A_1278] : memref<8x128xi32, #tpu.memory_space<vmem>> -> memref<1x128xi32, #tpu.memory_space<vmem>>
      %dma_wait3A_1280 = tpu.memref_squeeze %dma_wait3A_1279 : memref<1x128xi32, #tpu.memory_space<vmem>> -> memref<128xi32, #tpu.memory_space<vmem>>
      %dma_wait3A_1281 = arith.constant 0 : i32
      %dma_wait3A_1282 = arith.constant 0 : i32
      %dma_wait3A_1283 = tpu.memref_slice %arg2[%dma_wait3A_1281, %dma_wait3A_1282] : memref<40000x128xf32, #tpu.memory_space<hbm>> -> memref<40000x128xf32, #tpu.memory_space<hbm>>
      tpu.wait_indirect_dma semaphore(%arg21 : memref<!tpu.dma_semaphore, #tpu.memory_space<semaphore_mem>>) src(%dma_wait3A_1283 : memref<40000x128xf32, #tpu.memory_space<hbm>>) dst(%arg13 : memref<128x128xf32, #tpu.memory_space<vmem>>)
      %run_scoped3A_1284 = arith.constant 5 : i32
      "tpu.region"() ({
        %run_scoped3A_1308 = tpu.sem_alloc : memref<!tpu.dma_semaphore, #tpu.memory_space<semaphore_mem>>
        %dma_start3A_1309 = arith.constant 0 : i32
        %dma_start3A_1310 = tpu.memref_slice %arg11[%run_scoped3A_1284, %dma_start3A_1309] : memref<8x128xi32, #tpu.memory_space<vmem>> -> memref<1x128xi32, #tpu.memory_space<vmem>>
        %dma_start3A_1311 = tpu.memref_squeeze %dma_start3A_1310 : memref<1x128xi32, #tpu.memory_space<vmem>> -> memref<128xi32, #tpu.memory_space<vmem>>
        %dma_start3A_1312 = arith.constant 0 : i32
        %dma_start3A_1313 = arith.constant 0 : i32
        %dma_start3A_1314 = tpu.memref_slice %arg18[%dma_start3A_1312, %dma_start3A_1313] : memref<10240x128xf32, #tpu.memory_space<vmem_shared>> -> memref<10240x128xf32, #tpu.memory_space<vmem_shared>>
        tpu.enqueue_indirect_dma source(%arg13 : memref<128x128xf32, #tpu.memory_space<vmem>>) target(%dma_start3A_1314 : memref<10240x128xf32, #tpu.memory_space<vmem_shared>>) offsets(%dma_start3A_1311 : memref<128xi32, #tpu.memory_space<vmem>>) semaphore(%run_scoped3A_1308 : memref<!tpu.dma_semaphore, #tpu.memory_space<semaphore_mem>>) {add = true}
        %dma_wait3A_1315 = arith.constant 0 : i32
        %dma_wait3A_1316 = tpu.memref_slice %arg11[%run_scoped3A_1284, %dma_wait3A_1315] : memref<8x128xi32, #tpu.memory_space<vmem>> -> memref<1x128xi32, #tpu.memory_space<vmem>>
        %dma_wait3A_1317 = tpu.memref_squeeze %dma_wait3A_1316 : memref<1x128xi32, #tpu.memory_space<vmem>> -> memref<128xi32, #tpu.memory_space<vmem>>
        %dma_wait3A_1318 = arith.constant 0 : i32
        %dma_wait3A_1319 = arith.constant 0 : i32
        %dma_wait3A_1320 = tpu.memref_slice %arg18[%dma_wait3A_1318, %dma_wait3A_1319] : memref<10240x128xf32, #tpu.memory_space<vmem_shared>> -> memref<10240x128xf32, #tpu.memory_space<vmem_shared>>
        tpu.wait_indirect_dma semaphore(%run_scoped3A_1308 : memref<!tpu.dma_semaphore, #tpu.memory_space<semaphore_mem>>) src(%arg13 : memref<128x128xf32, #tpu.memory_space<vmem>>) dst(%dma_wait3A_1320 : memref<10240x128xf32, #tpu.memory_space<vmem_shared>>)
        tpu.yield
      }) : () -> ()
      %dma_start3A_1285 = arith.constant 7 : i32
      %dma_start3A_1286 = arith.constant 0 : i32
      %dma_start3A_1287 = tpu.memref_slice %arg10[%dma_start3A_1285, %dma_start3A_1286] : memref<8x128xi32, #tpu.memory_space<vmem>> -> memref<1x128xi32, #tpu.memory_space<vmem>>
      %dma_start3A_1288 = tpu.memref_squeeze %dma_start3A_1287 : memref<1x128xi32, #tpu.memory_space<vmem>> -> memref<128xi32, #tpu.memory_space<vmem>>
      %dma_start3A_1289 = arith.constant 0 : i32
      %dma_start3A_1290 = arith.constant 0 : i32
      %dma_start3A_1291 = tpu.memref_slice %arg2[%dma_start3A_1289, %dma_start3A_1290] : memref<40000x128xf32, #tpu.memory_space<hbm>> -> memref<40000x128xf32, #tpu.memory_space<hbm>>
      tpu.enqueue_indirect_dma source(%dma_start3A_1291 : memref<40000x128xf32, #tpu.memory_space<hbm>>) target(%arg13 : memref<128x128xf32, #tpu.memory_space<vmem>>) offsets(%dma_start3A_1288 : memref<128xi32, #tpu.memory_space<vmem>>) semaphore(%arg21 : memref<!tpu.dma_semaphore, #tpu.memory_space<semaphore_mem>>)
      %dma_wait3A_1292 = arith.constant 6 : i32
      %dma_wait3A_1293 = arith.constant 0 : i32
      %dma_wait3A_1294 = tpu.memref_slice %arg10[%dma_wait3A_1292, %dma_wait3A_1293] : memref<8x128xi32, #tpu.memory_space<vmem>> -> memref<1x128xi32, #tpu.memory_space<vmem>>
      %dma_wait3A_1295 = tpu.memref_squeeze %dma_wait3A_1294 : memref<1x128xi32, #tpu.memory_space<vmem>> -> memref<128xi32, #tpu.memory_space<vmem>>
      %dma_wait3A_1296 = arith.constant 0 : i32
      %dma_wait3A_1297 = arith.constant 0 : i32
      %dma_wait3A_1298 = tpu.memref_slice %arg2[%dma_wait3A_1296, %dma_wait3A_1297] : memref<40000x128xf32, #tpu.memory_space<hbm>> -> memref<40000x128xf32, #tpu.memory_space<hbm>>
      tpu.wait_indirect_dma semaphore(%arg20 : memref<!tpu.dma_semaphore, #tpu.memory_space<semaphore_mem>>) src(%dma_wait3A_1298 : memref<40000x128xf32, #tpu.memory_space<hbm>>) dst(%arg12 : memref<128x128xf32, #tpu.memory_space<vmem>>)
      %run_scoped3A_1299 = arith.constant 6 : i32
      "tpu.region"() ({
        %run_scoped3A_1308 = tpu.sem_alloc : memref<!tpu.dma_semaphore, #tpu.memory_space<semaphore_mem>>
        %dma_start3A_1309 = arith.constant 0 : i32
        %dma_start3A_1310 = tpu.memref_slice %arg11[%run_scoped3A_1299, %dma_start3A_1309] : memref<8x128xi32, #tpu.memory_space<vmem>> -> memref<1x128xi32, #tpu.memory_space<vmem>>
        %dma_start3A_1311 = tpu.memref_squeeze %dma_start3A_1310 : memref<1x128xi32, #tpu.memory_space<vmem>> -> memref<128xi32, #tpu.memory_space<vmem>>
        %dma_start3A_1312 = arith.constant 0 : i32
        %dma_start3A_1313 = arith.constant 0 : i32
        %dma_start3A_1314 = tpu.memref_slice %arg18[%dma_start3A_1312, %dma_start3A_1313] : memref<10240x128xf32, #tpu.memory_space<vmem_shared>> -> memref<10240x128xf32, #tpu.memory_space<vmem_shared>>
        tpu.enqueue_indirect_dma source(%arg12 : memref<128x128xf32, #tpu.memory_space<vmem>>) target(%dma_start3A_1314 : memref<10240x128xf32, #tpu.memory_space<vmem_shared>>) offsets(%dma_start3A_1311 : memref<128xi32, #tpu.memory_space<vmem>>) semaphore(%run_scoped3A_1308 : memref<!tpu.dma_semaphore, #tpu.memory_space<semaphore_mem>>) {add = true}
        %dma_wait3A_1315 = arith.constant 0 : i32
        %dma_wait3A_1316 = tpu.memref_slice %arg11[%run_scoped3A_1299, %dma_wait3A_1315] : memref<8x128xi32, #tpu.memory_space<vmem>> -> memref<1x128xi32, #tpu.memory_space<vmem>>
        %dma_wait3A_1317 = tpu.memref_squeeze %dma_wait3A_1316 : memref<1x128xi32, #tpu.memory_space<vmem>> -> memref<128xi32, #tpu.memory_space<vmem>>
        %dma_wait3A_1318 = arith.constant 0 : i32
        %dma_wait3A_1319 = arith.constant 0 : i32
        %dma_wait3A_1320 = tpu.memref_slice %arg18[%dma_wait3A_1318, %dma_wait3A_1319] : memref<10240x128xf32, #tpu.memory_space<vmem_shared>> -> memref<10240x128xf32, #tpu.memory_space<vmem_shared>>
        tpu.wait_indirect_dma semaphore(%run_scoped3A_1308 : memref<!tpu.dma_semaphore, #tpu.memory_space<semaphore_mem>>) src(%arg12 : memref<128x128xf32, #tpu.memory_space<vmem>>) dst(%dma_wait3A_1320 : memref<10240x128xf32, #tpu.memory_space<vmem_shared>>)
        tpu.yield
      }) : () -> ()
      %dma_wait3A_1300 = arith.constant 7 : i32
      %dma_wait3A_1301 = arith.constant 0 : i32
      %dma_wait3A_1302 = tpu.memref_slice %arg10[%dma_wait3A_1300, %dma_wait3A_1301] : memref<8x128xi32, #tpu.memory_space<vmem>> -> memref<1x128xi32, #tpu.memory_space<vmem>>
      %dma_wait3A_1303 = tpu.memref_squeeze %dma_wait3A_1302 : memref<1x128xi32, #tpu.memory_space<vmem>> -> memref<128xi32, #tpu.memory_space<vmem>>
      %dma_wait3A_1304 = arith.constant 0 : i32
      %dma_wait3A_1305 = arith.constant 0 : i32
      %dma_wait3A_1306 = tpu.memref_slice %arg2[%dma_wait3A_1304, %dma_wait3A_1305] : memref<40000x128xf32, #tpu.memory_space<hbm>> -> memref<40000x128xf32, #tpu.memory_space<hbm>>
      tpu.wait_indirect_dma semaphore(%arg21 : memref<!tpu.dma_semaphore, #tpu.memory_space<semaphore_mem>>) src(%dma_wait3A_1306 : memref<40000x128xf32, #tpu.memory_space<hbm>>) dst(%arg13 : memref<128x128xf32, #tpu.memory_space<vmem>>)
      %run_scoped3A_1307 = arith.constant 7 : i32
      "tpu.region"() ({
        %run_scoped3A_1308 = tpu.sem_alloc : memref<!tpu.dma_semaphore, #tpu.memory_space<semaphore_mem>>
        %dma_start3A_1309 = arith.constant 0 : i32
        %dma_start3A_1310 = tpu.memref_slice %arg11[%run_scoped3A_1307, %dma_start3A_1309] : memref<8x128xi32, #tpu.memory_space<vmem>> -> memref<1x128xi32, #tpu.memory_space<vmem>>
        %dma_start3A_1311 = tpu.memref_squeeze %dma_start3A_1310 : memref<1x128xi32, #tpu.memory_space<vmem>> -> memref<128xi32, #tpu.memory_space<vmem>>
        %dma_start3A_1312 = arith.constant 0 : i32
        %dma_start3A_1313 = arith.constant 0 : i32
        %dma_start3A_1314 = tpu.memref_slice %arg18[%dma_start3A_1312, %dma_start3A_1313] : memref<10240x128xf32, #tpu.memory_space<vmem_shared>> -> memref<10240x128xf32, #tpu.memory_space<vmem_shared>>
        tpu.enqueue_indirect_dma source(%arg13 : memref<128x128xf32, #tpu.memory_space<vmem>>) target(%dma_start3A_1314 : memref<10240x128xf32, #tpu.memory_space<vmem_shared>>) offsets(%dma_start3A_1311 : memref<128xi32, #tpu.memory_space<vmem>>) semaphore(%run_scoped3A_1308 : memref<!tpu.dma_semaphore, #tpu.memory_space<semaphore_mem>>) {add = true}
        %dma_wait3A_1315 = arith.constant 0 : i32
        %dma_wait3A_1316 = tpu.memref_slice %arg11[%run_scoped3A_1307, %dma_wait3A_1315] : memref<8x128xi32, #tpu.memory_space<vmem>> -> memref<1x128xi32, #tpu.memory_space<vmem>>
        %dma_wait3A_1317 = tpu.memref_squeeze %dma_wait3A_1316 : memref<1x128xi32, #tpu.memory_space<vmem>> -> memref<128xi32, #tpu.memory_space<vmem>>
        %dma_wait3A_1318 = arith.constant 0 : i32
        %dma_wait3A_1319 = arith.constant 0 : i32
        %dma_wait3A_1320 = tpu.memref_slice %arg18[%dma_wait3A_1318, %dma_wait3A_1319] : memref<10240x128xf32, #tpu.memory_space<vmem_shared>> -> memref<10240x128xf32, #tpu.memory_space<vmem_shared>>
        tpu.wait_indirect_dma semaphore(%run_scoped3A_1308 : memref<!tpu.dma_semaphore, #tpu.memory_space<semaphore_mem>>) src(%arg13 : memref<128x128xf32, #tpu.memory_space<vmem>>) dst(%dma_wait3A_1320 : memref<10240x128xf32, #tpu.memory_space<vmem_shared>>)
        tpu.yield
      }) : () -> ()
    }
    %scan3A_290 = arith.constant 20 : i32
    %barrier3A_291 = arith.constant 0 : index
    tpu.barrier barrier_id(%barrier3A_291)
    %mul3A_292 = arith.constant 640 : i32
    %mul3A_293 = arith.muli %arg1, %mul3A_292 : i32
    %mul3A_294 = arith.constant 640 : i32
    %mul3A_295 = arith.muli %arg1, %mul3A_294 : i32
    %add3A_296 = arith.addi %mul3A_247, %mul3A_295 : i32
    "tpu.region"() ({
      %run_scoped3A_352 = tpu.sem_alloc : memref<!tpu.dma_semaphore, #tpu.memory_space<semaphore_mem>>
      %dma_start3A = arith.constant 0 : i32
      %dma_start3A_353 = tpu.memref_slice %arg8[%add3A_296, %dma_start3A] : memref<40960x128xf32, #tpu.memory_space<hbm>> -> memref<640x128xf32, #tpu.memory_space<hbm>>
      %dma_start3A_354 = arith.constant 0 : i32
      %dma_start3A_355 = tpu.memref_slice %arg18[%mul3A_293, %dma_start3A_354] : memref<10240x128xf32, #tpu.memory_space<vmem_shared>> -> memref<640x128xf32, #tpu.memory_space<vmem_shared>>
      tpu.enqueue_dma source(%dma_start3A_355 : memref<640x128xf32, #tpu.memory_space<vmem_shared>>) target(%dma_start3A_353 : memref<640x128xf32, #tpu.memory_space<hbm>>) target_semaphore(%run_scoped3A_352 : memref<!tpu.dma_semaphore, #tpu.memory_space<semaphore_mem>>)
      %dma_wait3A = arith.constant 0 : i32
      %dma_wait3A_356 = tpu.memref_slice %arg8[%add3A_296, %dma_wait3A] : memref<40960x128xf32, #tpu.memory_space<hbm>> -> memref<640x128xf32, #tpu.memory_space<hbm>>
      %dma_wait3A_357 = arith.constant 0 : i32
      %dma_wait3A_358 = tpu.memref_slice %arg18[%mul3A_293, %dma_wait3A_357] : memref<10240x128xf32, #tpu.memory_space<vmem_shared>> -> memref<640x128xf32, #tpu.memory_space<vmem_shared>>
      tpu.wait_dma2 semaphore(%run_scoped3A_352 : memref<!tpu.dma_semaphore, #tpu.memory_space<semaphore_mem>>) src(%dma_wait3A_358 : memref<640x128xf32, #tpu.memory_space<vmem_shared>>) dst(%dma_wait3A_356 : memref<640x128xf32, #tpu.memory_space<hbm>>)
      tpu.yield
    }) : () -> ()
    %mul3A_297 = arith.constant 640 : i32
    %mul3A_298 = arith.muli %arg1, %mul3A_297 : i32
    %run_scoped3A = arith.constant 0 : i32
    "tpu.region"() ({
      %run_scoped3A_352 = tpu.sem_alloc : memref<!tpu.dma_semaphore, #tpu.memory_space<semaphore_mem>>
      %dma_start3A = arith.constant 0 : i32
      %dma_start3A_353 = tpu.memref_slice %arg9[%arg0, %arg1, %run_scoped3A, %dma_start3A] : memref<2x16x1x640xf32, #tpu.memory_space<hbm>> -> memref<1x1x1x640xf32, #tpu.memory_space<hbm>>
      %dma_start3A_354 = tpu.memref_squeeze %dma_start3A_353 : memref<1x1x1x640xf32, #tpu.memory_space<hbm>> -> memref<640xf32, #tpu.memory_space<hbm>>
      %dma_start3A_355 = tpu.memref_slice %arg19[%mul3A_298] : memref<10240xf32, #tpu.memory_space<vmem_shared>> -> memref<640xf32, #tpu.memory_space<vmem_shared>>
      tpu.enqueue_dma source(%dma_start3A_355 : memref<640xf32, #tpu.memory_space<vmem_shared>>) target(%dma_start3A_354 : memref<640xf32, #tpu.memory_space<hbm>>) target_semaphore(%run_scoped3A_352 : memref<!tpu.dma_semaphore, #tpu.memory_space<semaphore_mem>>)
      %dma_wait3A = arith.constant 0 : i32
      %dma_wait3A_356 = tpu.memref_slice %arg9[%arg0, %arg1, %run_scoped3A, %dma_wait3A] : memref<2x16x1x640xf32, #tpu.memory_space<hbm>> -> memref<1x1x1x640xf32, #tpu.memory_space<hbm>>
      %dma_wait3A_357 = tpu.memref_squeeze %dma_wait3A_356 : memref<1x1x1x640xf32, #tpu.memory_space<hbm>> -> memref<640xf32, #tpu.memory_space<hbm>>
      %dma_wait3A_358 = tpu.memref_slice %arg19[%mul3A_298] : memref<10240xf32, #tpu.memory_space<vmem_shared>> -> memref<640xf32, #tpu.memory_space<vmem_shared>>
      tpu.wait_dma2 semaphore(%run_scoped3A_352 : memref<!tpu.dma_semaphore, #tpu.memory_space<semaphore_mem>>) src(%dma_wait3A_358 : memref<640xf32, #tpu.memory_space<vmem_shared>>) dst(%dma_wait3A_357 : memref<640xf32, #tpu.memory_space<hbm>>)
      tpu.yield
    }) : () -> ()
    %barrier3A_299 = arith.constant 0 : index
    tpu.barrier barrier_id(%barrier3A_299)
    %mul3A_300 = arith.constant 2 : i32
    %mul3A_301 = arith.muli %arg0, %mul3A_300 : i32
    %add3A_302 = arith.constant 1 : i32
    %add3A_303 = arith.addi %mul3A_301, %add3A_302 : i32
    %mul3A_304 = arith.constant 10000 : i32
    %mul3A_305 = arith.muli %add3A_303, %mul3A_304 : i32
    %mul3A_306 = arith.constant 2 : i32
    %mul3A_307 = arith.muli %arg0, %mul3A_306 : i32
    %add3A_308 = arith.constant 1 : i32
    %add3A_309 = arith.addi %mul3A_307, %add3A_308 : i32
    %mul3A_310 = arith.constant 10240 : i32
    %mul3A_311 = arith.muli %add3A_309, %mul3A_310 : i32
    %scan3A_312 = arith.constant 0 : i32
    %scan3A_313 = arith.constant 128 : i32
    %scan3A_314 = arith.addi %scan3A_312, %scan3A_313 : i32
    %scan3A_315 = arith.constant 1 : i32
    scf.for %scan3A_352 = %scan3A_312 to %scan3A_314 step %scan3A_315  : i32 {
      %mul3A_353 = arith.constant 1 : i32
      %mul3A_354 = arith.muli %scan3A_352, %mul3A_353 : i32
      %add3A_355 = arith.constant 0 : i32
      %add3A_356 = arith.addi %add3A_355, %mul3A_354 : i32
      %broadcast_in_dim3A_357 = arith.constant 0.000000e+00 : f32
      %broadcast_in_dim3A_358 = vector.broadcast %broadcast_in_dim3A_357 : f32 to vector<16xf32>
      %swap3A_359 = arith.index_cast %add3A_356 : i32 to index
      %swap3A_360 = arith.constant 0 : index
      %swap3A_361 = tpu.vector_load %arg12[%swap3A_359, %swap3A_360] {strides = array<i32>} : memref<128x128xf32, #tpu.memory_space<vmem>>, vector<1x16xf32>,
      %swap3A_362 = vector.shape_cast %swap3A_361 : vector<1x16xf32> to vector<16xf32>
      %swap3A_363 = vector.shape_cast %broadcast_in_dim3A_358 : vector<16xf32> to vector<1x16xf32>
      tpu.vector_store %arg12[%swap3A_359, %swap3A_360], %swap3A_363 {strides = array<i32>} : memref<128x128xf32, #tpu.memory_space<vmem>>, vector<1x16xf32>,
      %broadcast_in_dim3A_364 = arith.constant 0.000000e+00 : f32
      %broadcast_in_dim3A_365 = vector.broadcast %broadcast_in_dim3A_364 : f32 to vector<16xf32>
      %swap3A_366 = arith.index_cast %add3A_356 : i32 to index
      %swap3A_367 = arith.constant 16 : index
      %swap3A_368 = tpu.vector_load %arg12[%swap3A_366, %swap3A_367] {strides = array<i32>} : memref<128x128xf32, #tpu.memory_space<vmem>>, vector<1x16xf32>,
      %swap3A_369 = vector.shape_cast %swap3A_368 : vector<1x16xf32> to vector<16xf32>
      %swap3A_370 = vector.shape_cast %broadcast_in_dim3A_365 : vector<16xf32> to vector<1x16xf32>
      tpu.vector_store %arg12[%swap3A_366, %swap3A_367], %swap3A_370 {strides = array<i32>} : memref<128x128xf32, #tpu.memory_space<vmem>>, vector<1x16xf32>,
      %broadcast_in_dim3A_371 = arith.constant 0.000000e+00 : f32
      %broadcast_in_dim3A_372 = vector.broadcast %broadcast_in_dim3A_371 : f32 to vector<16xf32>
      %swap3A_373 = arith.index_cast %add3A_356 : i32 to index
      %swap3A_374 = arith.constant 32 : index
      %swap3A_375 = tpu.vector_load %arg12[%swap3A_373, %swap3A_374] {strides = array<i32>} : memref<128x128xf32, #tpu.memory_space<vmem>>, vector<1x16xf32>,
      %swap3A_376 = vector.shape_cast %swap3A_375 : vector<1x16xf32> to vector<16xf32>
      %swap3A_377 = vector.shape_cast %broadcast_in_dim3A_372 : vector<16xf32> to vector<1x16xf32>
      tpu.vector_store %arg12[%swap3A_373, %swap3A_374], %swap3A_377 {strides = array<i32>} : memref<128x128xf32, #tpu.memory_space<vmem>>, vector<1x16xf32>,
      %broadcast_in_dim3A_378 = arith.constant 0.000000e+00 : f32
      %broadcast_in_dim3A_379 = vector.broadcast %broadcast_in_dim3A_378 : f32 to vector<16xf32>
      %swap3A_380 = arith.index_cast %add3A_356 : i32 to index
      %swap3A_381 = arith.constant 48 : index
      %swap3A_382 = tpu.vector_load %arg12[%swap3A_380, %swap3A_381] {strides = array<i32>} : memref<128x128xf32, #tpu.memory_space<vmem>>, vector<1x16xf32>,
      %swap3A_383 = vector.shape_cast %swap3A_382 : vector<1x16xf32> to vector<16xf32>
      %swap3A_384 = vector.shape_cast %broadcast_in_dim3A_379 : vector<16xf32> to vector<1x16xf32>
      tpu.vector_store %arg12[%swap3A_380, %swap3A_381], %swap3A_384 {strides = array<i32>} : memref<128x128xf32, #tpu.memory_space<vmem>>, vector<1x16xf32>,
      %broadcast_in_dim3A_385 = arith.constant 0.000000e+00 : f32
      %broadcast_in_dim3A_386 = vector.broadcast %broadcast_in_dim3A_385 : f32 to vector<16xf32>
      %swap3A_387 = arith.index_cast %add3A_356 : i32 to index
      %swap3A_388 = arith.constant 64 : index
      %swap3A_389 = tpu.vector_load %arg12[%swap3A_387, %swap3A_388] {strides = array<i32>} : memref<128x128xf32, #tpu.memory_space<vmem>>, vector<1x16xf32>,
      %swap3A_390 = vector.shape_cast %swap3A_389 : vector<1x16xf32> to vector<16xf32>
      %swap3A_391 = vector.shape_cast %broadcast_in_dim3A_386 : vector<16xf32> to vector<1x16xf32>
      tpu.vector_store %arg12[%swap3A_387, %swap3A_388], %swap3A_391 {strides = array<i32>} : memref<128x128xf32, #tpu.memory_space<vmem>>, vector<1x16xf32>,
      %broadcast_in_dim3A_392 = arith.constant 0.000000e+00 : f32
      %broadcast_in_dim3A_393 = vector.broadcast %broadcast_in_dim3A_392 : f32 to vector<16xf32>
      %swap3A_394 = arith.index_cast %add3A_356 : i32 to index
      %swap3A_395 = arith.constant 80 : index
      %swap3A_396 = tpu.vector_load %arg12[%swap3A_394, %swap3A_395] {strides = array<i32>} : memref<128x128xf32, #tpu.memory_space<vmem>>, vector<1x16xf32>,
      %swap3A_397 = vector.shape_cast %swap3A_396 : vector<1x16xf32> to vector<16xf32>
      %swap3A_398 = vector.shape_cast %broadcast_in_dim3A_393 : vector<16xf32> to vector<1x16xf32>
      tpu.vector_store %arg12[%swap3A_394, %swap3A_395], %swap3A_398 {strides = array<i32>} : memref<128x128xf32, #tpu.memory_space<vmem>>, vector<1x16xf32>,
      %broadcast_in_dim3A_399 = arith.constant 0.000000e+00 : f32
      %broadcast_in_dim3A_400 = vector.broadcast %broadcast_in_dim3A_399 : f32 to vector<16xf32>
      %swap3A_401 = arith.index_cast %add3A_356 : i32 to index
      %swap3A_402 = arith.constant 96 : index
      %swap3A_403 = tpu.vector_load %arg12[%swap3A_401, %swap3A_402] {strides = array<i32>} : memref<128x128xf32, #tpu.memory_space<vmem>>, vector<1x16xf32>,
      %swap3A_404 = vector.shape_cast %swap3A_403 : vector<1x16xf32> to vector<16xf32>
      %swap3A_405 = vector.shape_cast %broadcast_in_dim3A_400 : vector<16xf32> to vector<1x16xf32>
      tpu.vector_store %arg12[%swap3A_401, %swap3A_402], %swap3A_405 {strides = array<i32>} : memref<128x128xf32, #tpu.memory_space<vmem>>, vector<1x16xf32>,
      %broadcast_in_dim3A_406 = arith.constant 0.000000e+00 : f32
      %broadcast_in_dim3A_407 = vector.broadcast %broadcast_in_dim3A_406 : f32 to vector<16xf32>
      %swap3A_408 = arith.index_cast %add3A_356 : i32 to index
      %swap3A_409 = arith.constant 112 : index
      %swap3A_410 = tpu.vector_load %arg12[%swap3A_408, %swap3A_409] {strides = array<i32>} : memref<128x128xf32, #tpu.memory_space<vmem>>, vector<1x16xf32>,
      %swap3A_411 = vector.shape_cast %swap3A_410 : vector<1x16xf32> to vector<16xf32>
      %swap3A_412 = vector.shape_cast %broadcast_in_dim3A_407 : vector<16xf32> to vector<1x16xf32>
      tpu.vector_store %arg12[%swap3A_408, %swap3A_409], %swap3A_412 {strides = array<i32>} : memref<128x128xf32, #tpu.memory_space<vmem>>, vector<1x16xf32>,
    }
    %scan3A_316 = arith.constant 128 : i32
    %mul3A_317 = arith.constant 640 : i32
    %mul3A_318 = arith.muli %arg1, %mul3A_317 : i32
    %add3A_319 = arith.constant 0 : i32
    %add3A_320 = arith.addi %mul3A_318, %add3A_319 : i32
    "tpu.region"() ({
      %run_scoped3A_352 = tpu.sem_alloc : memref<!tpu.dma_semaphore, #tpu.memory_space<semaphore_mem>>
      %dma_start3A = arith.constant 0 : i32
      %dma_start3A_353 = tpu.memref_slice %arg18[%add3A_320, %dma_start3A] : memref<10240x128xf32, #tpu.memory_space<vmem_shared>> -> memref<128x128xf32, #tpu.memory_space<vmem_shared>>
      %dma_start3A_354 = arith.constant 0 : i32
      %dma_start3A_355 = tpu.memref_slice %arg18[%add3A_320, %dma_start3A_354] : memref<10240x128xf32, #tpu.memory_space<vmem_shared>> -> memref<128x128xf32, #tpu.memory_space<vmem_shared>>
      tpu.enqueue_dma source(%arg12 : memref<128x128xf32, #tpu.memory_space<vmem>>) target(%dma_start3A_355 : memref<128x128xf32, #tpu.memory_space<vmem_shared>>) target_semaphore(%run_scoped3A_352 : memref<!tpu.dma_semaphore, #tpu.memory_space<semaphore_mem>>)
      %dma_wait3A = arith.constant 0 : i32
      %dma_wait3A_356 = tpu.memref_slice %arg18[%add3A_320, %dma_wait3A] : memref<10240x128xf32, #tpu.memory_space<vmem_shared>> -> memref<128x128xf32, #tpu.memory_space<vmem_shared>>
      %dma_wait3A_357 = arith.constant 0 : i32
      %dma_wait3A_358 = tpu.memref_slice %arg18[%add3A_320, %dma_wait3A_357] : memref<10240x128xf32, #tpu.memory_space<vmem_shared>> -> memref<128x128xf32, #tpu.memory_space<vmem_shared>>
      tpu.wait_dma2 semaphore(%run_scoped3A_352 : memref<!tpu.dma_semaphore, #tpu.memory_space<semaphore_mem>>) src(%arg12 : memref<128x128xf32, #tpu.memory_space<vmem>>) dst(%dma_wait3A_358 : memref<128x128xf32, #tpu.memory_space<vmem_shared>>)
      tpu.yield
    }) : () -> ()
    %mul3A_321 = arith.constant 640 : i32
    %mul3A_322 = arith.muli %arg1, %mul3A_321 : i32
    %add3A_323 = arith.constant 128 : i32
    %add3A_324 = arith.addi %mul3A_322, %add3A_323 : i32
    "tpu.region"() ({
      %run_scoped3A_352 = tpu.sem_alloc : memref<!tpu.dma_semaphore, #tpu.memory_space<semaphore_mem>>
      %dma_start3A = arith.constant 0 : i32
      %dma_start3A_353 = tpu.memref_slice %arg18[%add3A_324, %dma_start3A] : memref<10240x128xf32, #tpu.memory_space<vmem_shared>> -> memref<128x128xf32, #tpu.memory_space<vmem_shared>>
      %dma_start3A_354 = arith.constant 0 : i32
      %dma_start3A_355 = tpu.memref_slice %arg18[%add3A_324, %dma_start3A_354] : memref<10240x128xf32, #tpu.memory_space<vmem_shared>> -> memref<128x128xf32, #tpu.memory_space<vmem_shared>>
      tpu.enqueue_dma source(%arg12 : memref<128x128xf32, #tpu.memory_space<vmem>>) target(%dma_start3A_355 : memref<128x128xf32, #tpu.memory_space<vmem_shared>>) target_semaphore(%run_scoped3A_352 : memref<!tpu.dma_semaphore, #tpu.memory_space<semaphore_mem>>)
      %dma_wait3A = arith.constant 0 : i32
      %dma_wait3A_356 = tpu.memref_slice %arg18[%add3A_324, %dma_wait3A] : memref<10240x128xf32, #tpu.memory_space<vmem_shared>> -> memref<128x128xf32, #tpu.memory_space<vmem_shared>>
      %dma_wait3A_357 = arith.constant 0 : i32
      %dma_wait3A_358 = tpu.memref_slice %arg18[%add3A_324, %dma_wait3A_357] : memref<10240x128xf32, #tpu.memory_space<vmem_shared>> -> memref<128x128xf32, #tpu.memory_space<vmem_shared>>
      tpu.wait_dma2 semaphore(%run_scoped3A_352 : memref<!tpu.dma_semaphore, #tpu.memory_space<semaphore_mem>>) src(%arg12 : memref<128x128xf32, #tpu.memory_space<vmem>>) dst(%dma_wait3A_358 : memref<128x128xf32, #tpu.memory_space<vmem_shared>>)
      tpu.yield
    }) : () -> ()
    %mul3A_325 = arith.constant 640 : i32
    %mul3A_326 = arith.muli %arg1, %mul3A_325 : i32
    %add3A_327 = arith.constant 256 : i32
    %add3A_328 = arith.addi %mul3A_326, %add3A_327 : i32
    "tpu.region"() ({
      %run_scoped3A_352 = tpu.sem_alloc : memref<!tpu.dma_semaphore, #tpu.memory_space<semaphore_mem>>
      %dma_start3A = arith.constant 0 : i32
      %dma_start3A_353 = tpu.memref_slice %arg18[%add3A_328, %dma_start3A] : memref<10240x128xf32, #tpu.memory_space<vmem_shared>> -> memref<128x128xf32, #tpu.memory_space<vmem_shared>>
      %dma_start3A_354 = arith.constant 0 : i32
      %dma_start3A_355 = tpu.memref_slice %arg18[%add3A_328, %dma_start3A_354] : memref<10240x128xf32, #tpu.memory_space<vmem_shared>> -> memref<128x128xf32, #tpu.memory_space<vmem_shared>>
      tpu.enqueue_dma source(%arg12 : memref<128x128xf32, #tpu.memory_space<vmem>>) target(%dma_start3A_355 : memref<128x128xf32, #tpu.memory_space<vmem_shared>>) target_semaphore(%run_scoped3A_352 : memref<!tpu.dma_semaphore, #tpu.memory_space<semaphore_mem>>)
      %dma_wait3A = arith.constant 0 : i32
      %dma_wait3A_356 = tpu.memref_slice %arg18[%add3A_328, %dma_wait3A] : memref<10240x128xf32, #tpu.memory_space<vmem_shared>> -> memref<128x128xf32, #tpu.memory_space<vmem_shared>>
      %dma_wait3A_357 = arith.constant 0 : i32
      %dma_wait3A_358 = tpu.memref_slice %arg18[%add3A_328, %dma_wait3A_357] : memref<10240x128xf32, #tpu.memory_space<vmem_shared>> -> memref<128x128xf32, #tpu.memory_space<vmem_shared>>
      tpu.wait_dma2 semaphore(%run_scoped3A_352 : memref<!tpu.dma_semaphore, #tpu.memory_space<semaphore_mem>>) src(%arg12 : memref<128x128xf32, #tpu.memory_space<vmem>>) dst(%dma_wait3A_358 : memref<128x128xf32, #tpu.memory_space<vmem_shared>>)
      tpu.yield
    }) : () -> ()
    %mul3A_329 = arith.constant 640 : i32
    %mul3A_330 = arith.muli %arg1, %mul3A_329 : i32
    %add3A_331 = arith.constant 384 : i32
    %add3A_332 = arith.addi %mul3A_330, %add3A_331 : i32
    "tpu.region"() ({
      %run_scoped3A_352 = tpu.sem_alloc : memref<!tpu.dma_semaphore, #tpu.memory_space<semaphore_mem>>
      %dma_start3A = arith.constant 0 : i32
      %dma_start3A_353 = tpu.memref_slice %arg18[%add3A_332, %dma_start3A] : memref<10240x128xf32, #tpu.memory_space<vmem_shared>> -> memref<128x128xf32, #tpu.memory_space<vmem_shared>>
      %dma_start3A_354 = arith.constant 0 : i32
      %dma_start3A_355 = tpu.memref_slice %arg18[%add3A_332, %dma_start3A_354] : memref<10240x128xf32, #tpu.memory_space<vmem_shared>> -> memref<128x128xf32, #tpu.memory_space<vmem_shared>>
      tpu.enqueue_dma source(%arg12 : memref<128x128xf32, #tpu.memory_space<vmem>>) target(%dma_start3A_355 : memref<128x128xf32, #tpu.memory_space<vmem_shared>>) target_semaphore(%run_scoped3A_352 : memref<!tpu.dma_semaphore, #tpu.memory_space<semaphore_mem>>)
      %dma_wait3A = arith.constant 0 : i32
      %dma_wait3A_356 = tpu.memref_slice %arg18[%add3A_332, %dma_wait3A] : memref<10240x128xf32, #tpu.memory_space<vmem_shared>> -> memref<128x128xf32, #tpu.memory_space<vmem_shared>>
      %dma_wait3A_357 = arith.constant 0 : i32
      %dma_wait3A_358 = tpu.memref_slice %arg18[%add3A_332, %dma_wait3A_357] : memref<10240x128xf32, #tpu.memory_space<vmem_shared>> -> memref<128x128xf32, #tpu.memory_space<vmem_shared>>
      tpu.wait_dma2 semaphore(%run_scoped3A_352 : memref<!tpu.dma_semaphore, #tpu.memory_space<semaphore_mem>>) src(%arg12 : memref<128x128xf32, #tpu.memory_space<vmem>>) dst(%dma_wait3A_358 : memref<128x128xf32, #tpu.memory_space<vmem_shared>>)
      tpu.yield
    }) : () -> ()
    %mul3A_333 = arith.constant 640 : i32
    %mul3A_334 = arith.muli %arg1, %mul3A_333 : i32
    %add3A_335 = arith.constant 512 : i32
    %add3A_336 = arith.addi %mul3A_334, %add3A_335 : i32
    "tpu.region"() ({
      %run_scoped3A_352 = tpu.sem_alloc : memref<!tpu.dma_semaphore, #tpu.memory_space<semaphore_mem>>
      %dma_start3A = arith.constant 0 : i32
      %dma_start3A_353 = tpu.memref_slice %arg18[%add3A_336, %dma_start3A] : memref<10240x128xf32, #tpu.memory_space<vmem_shared>> -> memref<128x128xf32, #tpu.memory_space<vmem_shared>>
      %dma_start3A_354 = arith.constant 0 : i32
      %dma_start3A_355 = tpu.memref_slice %arg18[%add3A_336, %dma_start3A_354] : memref<10240x128xf32, #tpu.memory_space<vmem_shared>> -> memref<128x128xf32, #tpu.memory_space<vmem_shared>>
      tpu.enqueue_dma source(%arg12 : memref<128x128xf32, #tpu.memory_space<vmem>>) target(%dma_start3A_355 : memref<128x128xf32, #tpu.memory_space<vmem_shared>>) target_semaphore(%run_scoped3A_352 : memref<!tpu.dma_semaphore, #tpu.memory_space<semaphore_mem>>)
      %dma_wait3A = arith.constant 0 : i32
      %dma_wait3A_356 = tpu.memref_slice %arg18[%add3A_336, %dma_wait3A] : memref<10240x128xf32, #tpu.memory_space<vmem_shared>> -> memref<128x128xf32, #tpu.memory_space<vmem_shared>>
      %dma_wait3A_357 = arith.constant 0 : i32
      %dma_wait3A_358 = tpu.memref_slice %arg18[%add3A_336, %dma_wait3A_357] : memref<10240x128xf32, #tpu.memory_space<vmem_shared>> -> memref<128x128xf32, #tpu.memory_space<vmem_shared>>
      tpu.wait_dma2 semaphore(%run_scoped3A_352 : memref<!tpu.dma_semaphore, #tpu.memory_space<semaphore_mem>>) src(%arg12 : memref<128x128xf32, #tpu.memory_space<vmem>>) dst(%dma_wait3A_358 : memref<128x128xf32, #tpu.memory_space<vmem_shared>>)
      tpu.yield
    }) : () -> ()
    %barrier3A_337 = arith.constant 0 : index
    tpu.barrier barrier_id(%barrier3A_337)
    %mul3A_338 = arith.constant 20 : i32
    %mul3A_339 = arith.muli %arg1, %mul3A_338 : i32
    %scan3A_340 = arith.constant 0 : i32
    %scan3A_341 = arith.constant 20 : i32
    %scan3A_342 = arith.addi %scan3A_340, %scan3A_341 : i32
    %scan3A_343 = arith.constant 1 : i32
    scf.for %scan3A_352 = %scan3A_340 to %scan3A_342 step %scan3A_343  : i32 {
      %mul3A_353 = arith.constant 1 : i32
      %mul3A_354 = arith.muli %scan3A_352, %mul3A_353 : i32
      %add3A_355 = arith.constant 0 : i32
      %add3A_356 = arith.addi %add3A_355, %mul3A_354 : i32
      %add3A_357 = arith.addi %mul3A_339, %add3A_356 : i32
      "tpu.region"() ({
        %run_scoped3A_1308 = tpu.sem_alloc : memref<!tpu.dma_semaphore, #tpu.memory_space<semaphore_mem>>
        %dma_start3A_1309 = arith.constant 0 : i32
        %dma_start3A_1310 = arith.constant 0 : i32
        %dma_start3A_1311 = tpu.memref_slice %arg3[%add3A_357, %dma_start3A_1309, %dma_start3A_1310] : memref<320x8x128xi32, #tpu.memory_space<hbm>> -> memref<1x8x128xi32, #tpu.memory_space<hbm>>
        %dma_start3A_1312 = tpu.memref_squeeze %dma_start3A_1311 : memref<1x8x128xi32, #tpu.memory_space<hbm>> -> memref<8x128xi32, #tpu.memory_space<hbm>>
        %dma_start3A_1313 = arith.constant 0 : i32
        %dma_start3A_1314 = arith.constant 0 : i32
        %dma_start3A_1315 = tpu.memref_slice %arg3[%add3A_357, %dma_start3A_1313, %dma_start3A_1314] : memref<320x8x128xi32, #tpu.memory_space<hbm>> -> memref<1x8x128xi32, #tpu.memory_space<hbm>>
        %dma_start3A_1316 = tpu.memref_squeeze %dma_start3A_1315 : memref<1x8x128xi32, #tpu.memory_space<hbm>> -> memref<8x128xi32, #tpu.memory_space<hbm>>
        tpu.enqueue_dma source(%dma_start3A_1316 : memref<8x128xi32, #tpu.memory_space<hbm>>) target(%arg10 : memref<8x128xi32, #tpu.memory_space<vmem>>) target_semaphore(%run_scoped3A_1308 : memref<!tpu.dma_semaphore, #tpu.memory_space<semaphore_mem>>)
        %dma_wait3A_1317 = arith.constant 0 : i32
        %dma_wait3A_1318 = arith.constant 0 : i32
        %dma_wait3A_1319 = tpu.memref_slice %arg3[%add3A_357, %dma_wait3A_1317, %dma_wait3A_1318] : memref<320x8x128xi32, #tpu.memory_space<hbm>> -> memref<1x8x128xi32, #tpu.memory_space<hbm>>
        %dma_wait3A_1320 = tpu.memref_squeeze %dma_wait3A_1319 : memref<1x8x128xi32, #tpu.memory_space<hbm>> -> memref<8x128xi32, #tpu.memory_space<hbm>>
        %dma_wait3A_1321 = arith.constant 0 : i32
        %dma_wait3A_1322 = arith.constant 0 : i32
        %dma_wait3A_1323 = tpu.memref_slice %arg3[%add3A_357, %dma_wait3A_1321, %dma_wait3A_1322] : memref<320x8x128xi32, #tpu.memory_space<hbm>> -> memref<1x8x128xi32, #tpu.memory_space<hbm>>
        %dma_wait3A_1324 = tpu.memref_squeeze %dma_wait3A_1323 : memref<1x8x128xi32, #tpu.memory_space<hbm>> -> memref<8x128xi32, #tpu.memory_space<hbm>>
        tpu.wait_dma2 semaphore(%run_scoped3A_1308 : memref<!tpu.dma_semaphore, #tpu.memory_space<semaphore_mem>>) src(%dma_wait3A_1324 : memref<8x128xi32, #tpu.memory_space<hbm>>) dst(%arg10 : memref<8x128xi32, #tpu.memory_space<vmem>>)
        tpu.yield
      }) : () -> ()
      %add3A_358 = arith.addi %mul3A_339, %add3A_356 : i32
      "tpu.region"() ({
        %run_scoped3A_1308 = tpu.sem_alloc : memref<!tpu.dma_semaphore, #tpu.memory_space<semaphore_mem>>
        %dma_start3A_1309 = arith.constant 0 : i32
        %dma_start3A_1310 = arith.constant 0 : i32
        %dma_start3A_1311 = tpu.memref_slice %arg4[%add3A_358, %dma_start3A_1309, %dma_start3A_1310] : memref<320x8x128xi32, #tpu.memory_space<hbm>> -> memref<1x8x128xi32, #tpu.memory_space<hbm>>
        %dma_start3A_1312 = tpu.memref_squeeze %dma_start3A_1311 : memref<1x8x128xi32, #tpu.memory_space<hbm>> -> memref<8x128xi32, #tpu.memory_space<hbm>>
        %dma_start3A_1313 = arith.constant 0 : i32
        %dma_start3A_1314 = arith.constant 0 : i32
        %dma_start3A_1315 = tpu.memref_slice %arg4[%add3A_358, %dma_start3A_1313, %dma_start3A_1314] : memref<320x8x128xi32, #tpu.memory_space<hbm>> -> memref<1x8x128xi32, #tpu.memory_space<hbm>>
        %dma_start3A_1316 = tpu.memref_squeeze %dma_start3A_1315 : memref<1x8x128xi32, #tpu.memory_space<hbm>> -> memref<8x128xi32, #tpu.memory_space<hbm>>
        tpu.enqueue_dma source(%dma_start3A_1316 : memref<8x128xi32, #tpu.memory_space<hbm>>) target(%arg11 : memref<8x128xi32, #tpu.memory_space<vmem>>) target_semaphore(%run_scoped3A_1308 : memref<!tpu.dma_semaphore, #tpu.memory_space<semaphore_mem>>)
        %dma_wait3A_1317 = arith.constant 0 : i32
        %dma_wait3A_1318 = arith.constant 0 : i32
        %dma_wait3A_1319 = tpu.memref_slice %arg4[%add3A_358, %dma_wait3A_1317, %dma_wait3A_1318] : memref<320x8x128xi32, #tpu.memory_space<hbm>> -> memref<1x8x128xi32, #tpu.memory_space<hbm>>
        %dma_wait3A_1320 = tpu.memref_squeeze %dma_wait3A_1319 : memref<1x8x128xi32, #tpu.memory_space<hbm>> -> memref<8x128xi32, #tpu.memory_space<hbm>>
        %dma_wait3A_1321 = arith.constant 0 : i32
        %dma_wait3A_1322 = arith.constant 0 : i32
        %dma_wait3A_1323 = tpu.memref_slice %arg4[%add3A_358, %dma_wait3A_1321, %dma_wait3A_1322] : memref<320x8x128xi32, #tpu.memory_space<hbm>> -> memref<1x8x128xi32, #tpu.memory_space<hbm>>
        %dma_wait3A_1324 = tpu.memref_squeeze %dma_wait3A_1323 : memref<1x8x128xi32, #tpu.memory_space<hbm>> -> memref<8x128xi32, #tpu.memory_space<hbm>>
        tpu.wait_dma2 semaphore(%run_scoped3A_1308 : memref<!tpu.dma_semaphore, #tpu.memory_space<semaphore_mem>>) src(%dma_wait3A_1324 : memref<8x128xi32, #tpu.memory_space<hbm>>) dst(%arg11 : memref<8x128xi32, #tpu.memory_space<vmem>>)
        tpu.yield
      }) : () -> ()
      %get3A = arith.constant 0 : i32
      %get3A_359 = arith.index_cast %get3A : i32 to index
      %get3A_360 = arith.constant 0 : index
      %get3A_361 = tpu.vector_load %arg10[%get3A_359, %get3A_360] {strides = array<i32>} : memref<8x128xi32, #tpu.memory_space<vmem>>, vector<1x16xi32>,
      %get3A_362 = vector.shape_cast %get3A_361 : vector<1x16xi32> to vector<16xi32>
      %add3A_363 = vector.broadcast %mul3A_305 : i32 to vector<16xi32>
      %add3A_364 = arith.addi %get3A_362, %add3A_363 : vector<16xi32>
      %swap3A_365 = arith.constant 0 : i32
      %swap3A_366 = arith.index_cast %swap3A_365 : i32 to index
      %swap3A_367 = arith.constant 0 : index
      %swap3A_368 = tpu.vector_load %arg10[%swap3A_366, %swap3A_367] {strides = array<i32>} : memref<8x128xi32, #tpu.memory_space<vmem>>, vector<1x16xi32>,
      %swap3A_369 = vector.shape_cast %swap3A_368 : vector<1x16xi32> to vector<16xi32>
      %swap3A_370 = vector.shape_cast %add3A_364 : vector<16xi32> to vector<1x16xi32>
      tpu.vector_store %arg10[%swap3A_366, %swap3A_367], %swap3A_370 {strides = array<i32>} : memref<8x128xi32, #tpu.memory_space<vmem>>, vector<1x16xi32>,
      %get3A_371 = arith.constant 0 : i32
      %get3A_372 = arith.index_cast %get3A_371 : i32 to index
      %get3A_373 = arith.constant 16 : index
      %get3A_374 = tpu.vector_load %arg10[%get3A_372, %get3A_373] {strides = array<i32>} : memref<8x128xi32, #tpu.memory_space<vmem>>, vector<1x16xi32>,
      %get3A_375 = vector.shape_cast %get3A_374 : vector<1x16xi32> to vector<16xi32>
      %add3A_376 = vector.broadcast %mul3A_305 : i32 to vector<16xi32>
      %add3A_377 = arith.addi %get3A_375, %add3A_376 : vector<16xi32>
      %swap3A_378 = arith.constant 0 : i32
      %swap3A_379 = arith.index_cast %swap3A_378 : i32 to index
      %swap3A_380 = arith.constant 16 : index
      %swap3A_381 = tpu.vector_load %arg10[%swap3A_379, %swap3A_380] {strides = array<i32>} : memref<8x128xi32, #tpu.memory_space<vmem>>, vector<1x16xi32>,
      %swap3A_382 = vector.shape_cast %swap3A_381 : vector<1x16xi32> to vector<16xi32>
      %swap3A_383 = vector.shape_cast %add3A_377 : vector<16xi32> to vector<1x16xi32>
      tpu.vector_store %arg10[%swap3A_379, %swap3A_380], %swap3A_383 {strides = array<i32>} : memref<8x128xi32, #tpu.memory_space<vmem>>, vector<1x16xi32>,
      %get3A_384 = arith.constant 0 : i32
      %get3A_385 = arith.index_cast %get3A_384 : i32 to index
      %get3A_386 = arith.constant 32 : index
      %get3A_387 = tpu.vector_load %arg10[%get3A_385, %get3A_386] {strides = array<i32>} : memref<8x128xi32, #tpu.memory_space<vmem>>, vector<1x16xi32>,
      %get3A_388 = vector.shape_cast %get3A_387 : vector<1x16xi32> to vector<16xi32>
      %add3A_389 = vector.broadcast %mul3A_305 : i32 to vector<16xi32>
      %add3A_390 = arith.addi %get3A_388, %add3A_389 : vector<16xi32>
      %swap3A_391 = arith.constant 0 : i32
      %swap3A_392 = arith.index_cast %swap3A_391 : i32 to index
      %swap3A_393 = arith.constant 32 : index
      %swap3A_394 = tpu.vector_load %arg10[%swap3A_392, %swap3A_393] {strides = array<i32>} : memref<8x128xi32, #tpu.memory_space<vmem>>, vector<1x16xi32>,
      %swap3A_395 = vector.shape_cast %swap3A_394 : vector<1x16xi32> to vector<16xi32>
      %swap3A_396 = vector.shape_cast %add3A_390 : vector<16xi32> to vector<1x16xi32>
      tpu.vector_store %arg10[%swap3A_392, %swap3A_393], %swap3A_396 {strides = array<i32>} : memref<8x128xi32, #tpu.memory_space<vmem>>, vector<1x16xi32>,
      %get3A_397 = arith.constant 0 : i32
      %get3A_398 = arith.index_cast %get3A_397 : i32 to index
      %get3A_399 = arith.constant 48 : index
      %get3A_400 = tpu.vector_load %arg10[%get3A_398, %get3A_399] {strides = array<i32>} : memref<8x128xi32, #tpu.memory_space<vmem>>, vector<1x16xi32>,
      %get3A_401 = vector.shape_cast %get3A_400 : vector<1x16xi32> to vector<16xi32>
      %add3A_402 = vector.broadcast %mul3A_305 : i32 to vector<16xi32>
      %add3A_403 = arith.addi %get3A_401, %add3A_402 : vector<16xi32>
      %swap3A_404 = arith.constant 0 : i32
      %swap3A_405 = arith.index_cast %swap3A_404 : i32 to index
      %swap3A_406 = arith.constant 48 : index
      %swap3A_407 = tpu.vector_load %arg10[%swap3A_405, %swap3A_406] {strides = array<i32>} : memref<8x128xi32, #tpu.memory_space<vmem>>, vector<1x16xi32>,
      %swap3A_408 = vector.shape_cast %swap3A_407 : vector<1x16xi32> to vector<16xi32>
      %swap3A_409 = vector.shape_cast %add3A_403 : vector<16xi32> to vector<1x16xi32>
      tpu.vector_store %arg10[%swap3A_405, %swap3A_406], %swap3A_409 {strides = array<i32>} : memref<8x128xi32, #tpu.memory_space<vmem>>, vector<1x16xi32>,
      %get3A_410 = arith.constant 0 : i32
      %get3A_411 = arith.index_cast %get3A_410 : i32 to index
      %get3A_412 = arith.constant 64 : index
      %get3A_413 = tpu.vector_load %arg10[%get3A_411, %get3A_412] {strides = array<i32>} : memref<8x128xi32, #tpu.memory_space<vmem>>, vector<1x16xi32>,
      %get3A_414 = vector.shape_cast %get3A_413 : vector<1x16xi32> to vector<16xi32>
      %add3A_415 = vector.broadcast %mul3A_305 : i32 to vector<16xi32>
      %add3A_416 = arith.addi %get3A_414, %add3A_415 : vector<16xi32>
      %swap3A_417 = arith.constant 0 : i32
      %swap3A_418 = arith.index_cast %swap3A_417 : i32 to index
      %swap3A_419 = arith.constant 64 : index
      %swap3A_420 = tpu.vector_load %arg10[%swap3A_418, %swap3A_419] {strides = array<i32>} : memref<8x128xi32, #tpu.memory_space<vmem>>, vector<1x16xi32>,
      %swap3A_421 = vector.shape_cast %swap3A_420 : vector<1x16xi32> to vector<16xi32>
      %swap3A_422 = vector.shape_cast %add3A_416 : vector<16xi32> to vector<1x16xi32>
      tpu.vector_store %arg10[%swap3A_418, %swap3A_419], %swap3A_422 {strides = array<i32>} : memref<8x128xi32, #tpu.memory_space<vmem>>, vector<1x16xi32>,
      %get3A_423 = arith.constant 0 : i32
      %get3A_424 = arith.index_cast %get3A_423 : i32 to index
      %get3A_425 = arith.constant 80 : index
      %get3A_426 = tpu.vector_load %arg10[%get3A_424, %get3A_425] {strides = array<i32>} : memref<8x128xi32, #tpu.memory_space<vmem>>, vector<1x16xi32>,
      %get3A_427 = vector.shape_cast %get3A_426 : vector<1x16xi32> to vector<16xi32>
      %add3A_428 = vector.broadcast %mul3A_305 : i32 to vector<16xi32>
      %add3A_429 = arith.addi %get3A_427, %add3A_428 : vector<16xi32>
      %swap3A_430 = arith.constant 0 : i32
      %swap3A_431 = arith.index_cast %swap3A_430 : i32 to index
      %swap3A_432 = arith.constant 80 : index
      %swap3A_433 = tpu.vector_load %arg10[%swap3A_431, %swap3A_432] {strides = array<i32>} : memref<8x128xi32, #tpu.memory_space<vmem>>, vector<1x16xi32>,
      %swap3A_434 = vector.shape_cast %swap3A_433 : vector<1x16xi32> to vector<16xi32>
      %swap3A_435 = vector.shape_cast %add3A_429 : vector<16xi32> to vector<1x16xi32>
      tpu.vector_store %arg10[%swap3A_431, %swap3A_432], %swap3A_435 {strides = array<i32>} : memref<8x128xi32, #tpu.memory_space<vmem>>, vector<1x16xi32>,
      %get3A_436 = arith.constant 0 : i32
      %get3A_437 = arith.index_cast %get3A_436 : i32 to index
      %get3A_438 = arith.constant 96 : index
      %get3A_439 = tpu.vector_load %arg10[%get3A_437, %get3A_438] {strides = array<i32>} : memref<8x128xi32, #tpu.memory_space<vmem>>, vector<1x16xi32>,
      %get3A_440 = vector.shape_cast %get3A_439 : vector<1x16xi32> to vector<16xi32>
      %add3A_441 = vector.broadcast %mul3A_305 : i32 to vector<16xi32>
      %add3A_442 = arith.addi %get3A_440, %add3A_441 : vector<16xi32>
      %swap3A_443 = arith.constant 0 : i32
      %swap3A_444 = arith.index_cast %swap3A_443 : i32 to index
      %swap3A_445 = arith.constant 96 : index
      %swap3A_446 = tpu.vector_load %arg10[%swap3A_444, %swap3A_445] {strides = array<i32>} : memref<8x128xi32, #tpu.memory_space<vmem>>, vector<1x16xi32>,
      %swap3A_447 = vector.shape_cast %swap3A_446 : vector<1x16xi32> to vector<16xi32>
      %swap3A_448 = vector.shape_cast %add3A_442 : vector<16xi32> to vector<1x16xi32>
      tpu.vector_store %arg10[%swap3A_444, %swap3A_445], %swap3A_448 {strides = array<i32>} : memref<8x128xi32, #tpu.memory_space<vmem>>, vector<1x16xi32>,
      %get3A_449 = arith.constant 0 : i32
      %get3A_450 = arith.index_cast %get3A_449 : i32 to index
      %get3A_451 = arith.constant 112 : index
      %get3A_452 = tpu.vector_load %arg10[%get3A_450, %get3A_451] {strides = array<i32>} : memref<8x128xi32, #tpu.memory_space<vmem>>, vector<1x16xi32>,
      %get3A_453 = vector.shape_cast %get3A_452 : vector<1x16xi32> to vector<16xi32>
      %add3A_454 = vector.broadcast %mul3A_305 : i32 to vector<16xi32>
      %add3A_455 = arith.addi %get3A_453, %add3A_454 : vector<16xi32>
      %swap3A_456 = arith.constant 0 : i32
      %swap3A_457 = arith.index_cast %swap3A_456 : i32 to index
      %swap3A_458 = arith.constant 112 : index
      %swap3A_459 = tpu.vector_load %arg10[%swap3A_457, %swap3A_458] {strides = array<i32>} : memref<8x128xi32, #tpu.memory_space<vmem>>, vector<1x16xi32>,
      %swap3A_460 = vector.shape_cast %swap3A_459 : vector<1x16xi32> to vector<16xi32>
      %swap3A_461 = vector.shape_cast %add3A_455 : vector<16xi32> to vector<1x16xi32>
      tpu.vector_store %arg10[%swap3A_457, %swap3A_458], %swap3A_461 {strides = array<i32>} : memref<8x128xi32, #tpu.memory_space<vmem>>, vector<1x16xi32>,
      %get3A_462 = arith.constant 1 : i32
      %get3A_463 = arith.index_cast %get3A_462 : i32 to index
      %get3A_464 = arith.constant 0 : index
      %get3A_465 = tpu.vector_load %arg10[%get3A_463, %get3A_464] {strides = array<i32>} : memref<8x128xi32, #tpu.memory_space<vmem>>, vector<1x16xi32>,
      %get3A_466 = vector.shape_cast %get3A_465 : vector<1x16xi32> to vector<16xi32>
      %add3A_467 = vector.broadcast %mul3A_305 : i32 to vector<16xi32>
      %add3A_468 = arith.addi %get3A_466, %add3A_467 : vector<16xi32>
      %swap3A_469 = arith.constant 1 : i32
      %swap3A_470 = arith.index_cast %swap3A_469 : i32 to index
      %swap3A_471 = arith.constant 0 : index
      %swap3A_472 = tpu.vector_load %arg10[%swap3A_470, %swap3A_471] {strides = array<i32>} : memref<8x128xi32, #tpu.memory_space<vmem>>, vector<1x16xi32>,
      %swap3A_473 = vector.shape_cast %swap3A_472 : vector<1x16xi32> to vector<16xi32>
      %swap3A_474 = vector.shape_cast %add3A_468 : vector<16xi32> to vector<1x16xi32>
      tpu.vector_store %arg10[%swap3A_470, %swap3A_471], %swap3A_474 {strides = array<i32>} : memref<8x128xi32, #tpu.memory_space<vmem>>, vector<1x16xi32>,
      %get3A_475 = arith.constant 1 : i32
      %get3A_476 = arith.index_cast %get3A_475 : i32 to index
      %get3A_477 = arith.constant 16 : index
      %get3A_478 = tpu.vector_load %arg10[%get3A_476, %get3A_477] {strides = array<i32>} : memref<8x128xi32, #tpu.memory_space<vmem>>, vector<1x16xi32>,
      %get3A_479 = vector.shape_cast %get3A_478 : vector<1x16xi32> to vector<16xi32>
      %add3A_480 = vector.broadcast %mul3A_305 : i32 to vector<16xi32>
      %add3A_481 = arith.addi %get3A_479, %add3A_480 : vector<16xi32>
      %swap3A_482 = arith.constant 1 : i32
      %swap3A_483 = arith.index_cast %swap3A_482 : i32 to index
      %swap3A_484 = arith.constant 16 : index
      %swap3A_485 = tpu.vector_load %arg10[%swap3A_483, %swap3A_484] {strides = array<i32>} : memref<8x128xi32, #tpu.memory_space<vmem>>, vector<1x16xi32>,
      %swap3A_486 = vector.shape_cast %swap3A_485 : vector<1x16xi32> to vector<16xi32>
      %swap3A_487 = vector.shape_cast %add3A_481 : vector<16xi32> to vector<1x16xi32>
      tpu.vector_store %arg10[%swap3A_483, %swap3A_484], %swap3A_487 {strides = array<i32>} : memref<8x128xi32, #tpu.memory_space<vmem>>, vector<1x16xi32>,
      %get3A_488 = arith.constant 1 : i32
      %get3A_489 = arith.index_cast %get3A_488 : i32 to index
      %get3A_490 = arith.constant 32 : index
      %get3A_491 = tpu.vector_load %arg10[%get3A_489, %get3A_490] {strides = array<i32>} : memref<8x128xi32, #tpu.memory_space<vmem>>, vector<1x16xi32>,
      %get3A_492 = vector.shape_cast %get3A_491 : vector<1x16xi32> to vector<16xi32>
      %add3A_493 = vector.broadcast %mul3A_305 : i32 to vector<16xi32>
      %add3A_494 = arith.addi %get3A_492, %add3A_493 : vector<16xi32>
      %swap3A_495 = arith.constant 1 : i32
      %swap3A_496 = arith.index_cast %swap3A_495 : i32 to index
      %swap3A_497 = arith.constant 32 : index
      %swap3A_498 = tpu.vector_load %arg10[%swap3A_496, %swap3A_497] {strides = array<i32>} : memref<8x128xi32, #tpu.memory_space<vmem>>, vector<1x16xi32>,
      %swap3A_499 = vector.shape_cast %swap3A_498 : vector<1x16xi32> to vector<16xi32>
      %swap3A_500 = vector.shape_cast %add3A_494 : vector<16xi32> to vector<1x16xi32>
      tpu.vector_store %arg10[%swap3A_496, %swap3A_497], %swap3A_500 {strides = array<i32>} : memref<8x128xi32, #tpu.memory_space<vmem>>, vector<1x16xi32>,
      %get3A_501 = arith.constant 1 : i32
      %get3A_502 = arith.index_cast %get3A_501 : i32 to index
      %get3A_503 = arith.constant 48 : index
      %get3A_504 = tpu.vector_load %arg10[%get3A_502, %get3A_503] {strides = array<i32>} : memref<8x128xi32, #tpu.memory_space<vmem>>, vector<1x16xi32>,
      %get3A_505 = vector.shape_cast %get3A_504 : vector<1x16xi32> to vector<16xi32>
      %add3A_506 = vector.broadcast %mul3A_305 : i32 to vector<16xi32>
      %add3A_507 = arith.addi %get3A_505, %add3A_506 : vector<16xi32>
      %swap3A_508 = arith.constant 1 : i32
      %swap3A_509 = arith.index_cast %swap3A_508 : i32 to index
      %swap3A_510 = arith.constant 48 : index
      %swap3A_511 = tpu.vector_load %arg10[%swap3A_509, %swap3A_510] {strides = array<i32>} : memref<8x128xi32, #tpu.memory_space<vmem>>, vector<1x16xi32>,
      %swap3A_512 = vector.shape_cast %swap3A_511 : vector<1x16xi32> to vector<16xi32>
      %swap3A_513 = vector.shape_cast %add3A_507 : vector<16xi32> to vector<1x16xi32>
      tpu.vector_store %arg10[%swap3A_509, %swap3A_510], %swap3A_513 {strides = array<i32>} : memref<8x128xi32, #tpu.memory_space<vmem>>, vector<1x16xi32>,
      %get3A_514 = arith.constant 1 : i32
      %get3A_515 = arith.index_cast %get3A_514 : i32 to index
      %get3A_516 = arith.constant 64 : index
      %get3A_517 = tpu.vector_load %arg10[%get3A_515, %get3A_516] {strides = array<i32>} : memref<8x128xi32, #tpu.memory_space<vmem>>, vector<1x16xi32>,
      %get3A_518 = vector.shape_cast %get3A_517 : vector<1x16xi32> to vector<16xi32>
      %add3A_519 = vector.broadcast %mul3A_305 : i32 to vector<16xi32>
      %add3A_520 = arith.addi %get3A_518, %add3A_519 : vector<16xi32>
      %swap3A_521 = arith.constant 1 : i32
      %swap3A_522 = arith.index_cast %swap3A_521 : i32 to index
      %swap3A_523 = arith.constant 64 : index
      %swap3A_524 = tpu.vector_load %arg10[%swap3A_522, %swap3A_523] {strides = array<i32>} : memref<8x128xi32, #tpu.memory_space<vmem>>, vector<1x16xi32>,
      %swap3A_525 = vector.shape_cast %swap3A_524 : vector<1x16xi32> to vector<16xi32>
      %swap3A_526 = vector.shape_cast %add3A_520 : vector<16xi32> to vector<1x16xi32>
      tpu.vector_store %arg10[%swap3A_522, %swap3A_523], %swap3A_526 {strides = array<i32>} : memref<8x128xi32, #tpu.memory_space<vmem>>, vector<1x16xi32>,
      %get3A_527 = arith.constant 1 : i32
      %get3A_528 = arith.index_cast %get3A_527 : i32 to index
      %get3A_529 = arith.constant 80 : index
      %get3A_530 = tpu.vector_load %arg10[%get3A_528, %get3A_529] {strides = array<i32>} : memref<8x128xi32, #tpu.memory_space<vmem>>, vector<1x16xi32>,
      %get3A_531 = vector.shape_cast %get3A_530 : vector<1x16xi32> to vector<16xi32>
      %add3A_532 = vector.broadcast %mul3A_305 : i32 to vector<16xi32>
      %add3A_533 = arith.addi %get3A_531, %add3A_532 : vector<16xi32>
      %swap3A_534 = arith.constant 1 : i32
      %swap3A_535 = arith.index_cast %swap3A_534 : i32 to index
      %swap3A_536 = arith.constant 80 : index
      %swap3A_537 = tpu.vector_load %arg10[%swap3A_535, %swap3A_536] {strides = array<i32>} : memref<8x128xi32, #tpu.memory_space<vmem>>, vector<1x16xi32>,
      %swap3A_538 = vector.shape_cast %swap3A_537 : vector<1x16xi32> to vector<16xi32>
      %swap3A_539 = vector.shape_cast %add3A_533 : vector<16xi32> to vector<1x16xi32>
      tpu.vector_store %arg10[%swap3A_535, %swap3A_536], %swap3A_539 {strides = array<i32>} : memref<8x128xi32, #tpu.memory_space<vmem>>, vector<1x16xi32>,
      %get3A_540 = arith.constant 1 : i32
      %get3A_541 = arith.index_cast %get3A_540 : i32 to index
      %get3A_542 = arith.constant 96 : index
      %get3A_543 = tpu.vector_load %arg10[%get3A_541, %get3A_542] {strides = array<i32>} : memref<8x128xi32, #tpu.memory_space<vmem>>, vector<1x16xi32>,
      %get3A_544 = vector.shape_cast %get3A_543 : vector<1x16xi32> to vector<16xi32>
      %add3A_545 = vector.broadcast %mul3A_305 : i32 to vector<16xi32>
      %add3A_546 = arith.addi %get3A_544, %add3A_545 : vector<16xi32>
      %swap3A_547 = arith.constant 1 : i32
      %swap3A_548 = arith.index_cast %swap3A_547 : i32 to index
      %swap3A_549 = arith.constant 96 : index
      %swap3A_550 = tpu.vector_load %arg10[%swap3A_548, %swap3A_549] {strides = array<i32>} : memref<8x128xi32, #tpu.memory_space<vmem>>, vector<1x16xi32>,
      %swap3A_551 = vector.shape_cast %swap3A_550 : vector<1x16xi32> to vector<16xi32>
      %swap3A_552 = vector.shape_cast %add3A_546 : vector<16xi32> to vector<1x16xi32>
      tpu.vector_store %arg10[%swap3A_548, %swap3A_549], %swap3A_552 {strides = array<i32>} : memref<8x128xi32, #tpu.memory_space<vmem>>, vector<1x16xi32>,
      %get3A_553 = arith.constant 1 : i32
      %get3A_554 = arith.index_cast %get3A_553 : i32 to index
      %get3A_555 = arith.constant 112 : index
      %get3A_556 = tpu.vector_load %arg10[%get3A_554, %get3A_555] {strides = array<i32>} : memref<8x128xi32, #tpu.memory_space<vmem>>, vector<1x16xi32>,
      %get3A_557 = vector.shape_cast %get3A_556 : vector<1x16xi32> to vector<16xi32>
      %add3A_558 = vector.broadcast %mul3A_305 : i32 to vector<16xi32>
      %add3A_559 = arith.addi %get3A_557, %add3A_558 : vector<16xi32>
      %swap3A_560 = arith.constant 1 : i32
      %swap3A_561 = arith.index_cast %swap3A_560 : i32 to index
      %swap3A_562 = arith.constant 112 : index
      %swap3A_563 = tpu.vector_load %arg10[%swap3A_561, %swap3A_562] {strides = array<i32>} : memref<8x128xi32, #tpu.memory_space<vmem>>, vector<1x16xi32>,
      %swap3A_564 = vector.shape_cast %swap3A_563 : vector<1x16xi32> to vector<16xi32>
      %swap3A_565 = vector.shape_cast %add3A_559 : vector<16xi32> to vector<1x16xi32>
      tpu.vector_store %arg10[%swap3A_561, %swap3A_562], %swap3A_565 {strides = array<i32>} : memref<8x128xi32, #tpu.memory_space<vmem>>, vector<1x16xi32>,
      %get3A_566 = arith.constant 2 : i32
      %get3A_567 = arith.index_cast %get3A_566 : i32 to index
      %get3A_568 = arith.constant 0 : index
      %get3A_569 = tpu.vector_load %arg10[%get3A_567, %get3A_568] {strides = array<i32>} : memref<8x128xi32, #tpu.memory_space<vmem>>, vector<1x16xi32>,
      %get3A_570 = vector.shape_cast %get3A_569 : vector<1x16xi32> to vector<16xi32>
      %add3A_571 = vector.broadcast %mul3A_305 : i32 to vector<16xi32>
      %add3A_572 = arith.addi %get3A_570, %add3A_571 : vector<16xi32>
      %swap3A_573 = arith.constant 2 : i32
      %swap3A_574 = arith.index_cast %swap3A_573 : i32 to index
      %swap3A_575 = arith.constant 0 : index
      %swap3A_576 = tpu.vector_load %arg10[%swap3A_574, %swap3A_575] {strides = array<i32>} : memref<8x128xi32, #tpu.memory_space<vmem>>, vector<1x16xi32>,
      %swap3A_577 = vector.shape_cast %swap3A_576 : vector<1x16xi32> to vector<16xi32>
      %swap3A_578 = vector.shape_cast %add3A_572 : vector<16xi32> to vector<1x16xi32>
      tpu.vector_store %arg10[%swap3A_574, %swap3A_575], %swap3A_578 {strides = array<i32>} : memref<8x128xi32, #tpu.memory_space<vmem>>, vector<1x16xi32>,
      %get3A_579 = arith.constant 2 : i32
      %get3A_580 = arith.index_cast %get3A_579 : i32 to index
      %get3A_581 = arith.constant 16 : index
      %get3A_582 = tpu.vector_load %arg10[%get3A_580, %get3A_581] {strides = array<i32>} : memref<8x128xi32, #tpu.memory_space<vmem>>, vector<1x16xi32>,
      %get3A_583 = vector.shape_cast %get3A_582 : vector<1x16xi32> to vector<16xi32>
      %add3A_584 = vector.broadcast %mul3A_305 : i32 to vector<16xi32>
      %add3A_585 = arith.addi %get3A_583, %add3A_584 : vector<16xi32>
      %swap3A_586 = arith.constant 2 : i32
      %swap3A_587 = arith.index_cast %swap3A_586 : i32 to index
      %swap3A_588 = arith.constant 16 : index
      %swap3A_589 = tpu.vector_load %arg10[%swap3A_587, %swap3A_588] {strides = array<i32>} : memref<8x128xi32, #tpu.memory_space<vmem>>, vector<1x16xi32>,
      %swap3A_590 = vector.shape_cast %swap3A_589 : vector<1x16xi32> to vector<16xi32>
      %swap3A_591 = vector.shape_cast %add3A_585 : vector<16xi32> to vector<1x16xi32>
      tpu.vector_store %arg10[%swap3A_587, %swap3A_588], %swap3A_591 {strides = array<i32>} : memref<8x128xi32, #tpu.memory_space<vmem>>, vector<1x16xi32>,
      %get3A_592 = arith.constant 2 : i32
      %get3A_593 = arith.index_cast %get3A_592 : i32 to index
      %get3A_594 = arith.constant 32 : index
      %get3A_595 = tpu.vector_load %arg10[%get3A_593, %get3A_594] {strides = array<i32>} : memref<8x128xi32, #tpu.memory_space<vmem>>, vector<1x16xi32>,
      %get3A_596 = vector.shape_cast %get3A_595 : vector<1x16xi32> to vector<16xi32>
      %add3A_597 = vector.broadcast %mul3A_305 : i32 to vector<16xi32>
      %add3A_598 = arith.addi %get3A_596, %add3A_597 : vector<16xi32>
      %swap3A_599 = arith.constant 2 : i32
      %swap3A_600 = arith.index_cast %swap3A_599 : i32 to index
      %swap3A_601 = arith.constant 32 : index
      %swap3A_602 = tpu.vector_load %arg10[%swap3A_600, %swap3A_601] {strides = array<i32>} : memref<8x128xi32, #tpu.memory_space<vmem>>, vector<1x16xi32>,
      %swap3A_603 = vector.shape_cast %swap3A_602 : vector<1x16xi32> to vector<16xi32>
      %swap3A_604 = vector.shape_cast %add3A_598 : vector<16xi32> to vector<1x16xi32>
      tpu.vector_store %arg10[%swap3A_600, %swap3A_601], %swap3A_604 {strides = array<i32>} : memref<8x128xi32, #tpu.memory_space<vmem>>, vector<1x16xi32>,
      %get3A_605 = arith.constant 2 : i32
      %get3A_606 = arith.index_cast %get3A_605 : i32 to index
      %get3A_607 = arith.constant 48 : index
      %get3A_608 = tpu.vector_load %arg10[%get3A_606, %get3A_607] {strides = array<i32>} : memref<8x128xi32, #tpu.memory_space<vmem>>, vector<1x16xi32>,
      %get3A_609 = vector.shape_cast %get3A_608 : vector<1x16xi32> to vector<16xi32>
      %add3A_610 = vector.broadcast %mul3A_305 : i32 to vector<16xi32>
      %add3A_611 = arith.addi %get3A_609, %add3A_610 : vector<16xi32>
      %swap3A_612 = arith.constant 2 : i32
      %swap3A_613 = arith.index_cast %swap3A_612 : i32 to index
      %swap3A_614 = arith.constant 48 : index
      %swap3A_615 = tpu.vector_load %arg10[%swap3A_613, %swap3A_614] {strides = array<i32>} : memref<8x128xi32, #tpu.memory_space<vmem>>, vector<1x16xi32>,
      %swap3A_616 = vector.shape_cast %swap3A_615 : vector<1x16xi32> to vector<16xi32>
      %swap3A_617 = vector.shape_cast %add3A_611 : vector<16xi32> to vector<1x16xi32>
      tpu.vector_store %arg10[%swap3A_613, %swap3A_614], %swap3A_617 {strides = array<i32>} : memref<8x128xi32, #tpu.memory_space<vmem>>, vector<1x16xi32>,
      %get3A_618 = arith.constant 2 : i32
      %get3A_619 = arith.index_cast %get3A_618 : i32 to index
      %get3A_620 = arith.constant 64 : index
      %get3A_621 = tpu.vector_load %arg10[%get3A_619, %get3A_620] {strides = array<i32>} : memref<8x128xi32, #tpu.memory_space<vmem>>, vector<1x16xi32>,
      %get3A_622 = vector.shape_cast %get3A_621 : vector<1x16xi32> to vector<16xi32>
      %add3A_623 = vector.broadcast %mul3A_305 : i32 to vector<16xi32>
      %add3A_624 = arith.addi %get3A_622, %add3A_623 : vector<16xi32>
      %swap3A_625 = arith.constant 2 : i32
      %swap3A_626 = arith.index_cast %swap3A_625 : i32 to index
      %swap3A_627 = arith.constant 64 : index
      %swap3A_628 = tpu.vector_load %arg10[%swap3A_626, %swap3A_627] {strides = array<i32>} : memref<8x128xi32, #tpu.memory_space<vmem>>, vector<1x16xi32>,
      %swap3A_629 = vector.shape_cast %swap3A_628 : vector<1x16xi32> to vector<16xi32>
      %swap3A_630 = vector.shape_cast %add3A_624 : vector<16xi32> to vector<1x16xi32>
      tpu.vector_store %arg10[%swap3A_626, %swap3A_627], %swap3A_630 {strides = array<i32>} : memref<8x128xi32, #tpu.memory_space<vmem>>, vector<1x16xi32>,
      %get3A_631 = arith.constant 2 : i32
      %get3A_632 = arith.index_cast %get3A_631 : i32 to index
      %get3A_633 = arith.constant 80 : index
      %get3A_634 = tpu.vector_load %arg10[%get3A_632, %get3A_633] {strides = array<i32>} : memref<8x128xi32, #tpu.memory_space<vmem>>, vector<1x16xi32>,
      %get3A_635 = vector.shape_cast %get3A_634 : vector<1x16xi32> to vector<16xi32>
      %add3A_636 = vector.broadcast %mul3A_305 : i32 to vector<16xi32>
      %add3A_637 = arith.addi %get3A_635, %add3A_636 : vector<16xi32>
      %swap3A_638 = arith.constant 2 : i32
      %swap3A_639 = arith.index_cast %swap3A_638 : i32 to index
      %swap3A_640 = arith.constant 80 : index
      %swap3A_641 = tpu.vector_load %arg10[%swap3A_639, %swap3A_640] {strides = array<i32>} : memref<8x128xi32, #tpu.memory_space<vmem>>, vector<1x16xi32>,
      %swap3A_642 = vector.shape_cast %swap3A_641 : vector<1x16xi32> to vector<16xi32>
      %swap3A_643 = vector.shape_cast %add3A_637 : vector<16xi32> to vector<1x16xi32>
      tpu.vector_store %arg10[%swap3A_639, %swap3A_640], %swap3A_643 {strides = array<i32>} : memref<8x128xi32, #tpu.memory_space<vmem>>, vector<1x16xi32>,
      %get3A_644 = arith.constant 2 : i32
      %get3A_645 = arith.index_cast %get3A_644 : i32 to index
      %get3A_646 = arith.constant 96 : index
      %get3A_647 = tpu.vector_load %arg10[%get3A_645, %get3A_646] {strides = array<i32>} : memref<8x128xi32, #tpu.memory_space<vmem>>, vector<1x16xi32>,
      %get3A_648 = vector.shape_cast %get3A_647 : vector<1x16xi32> to vector<16xi32>
      %add3A_649 = vector.broadcast %mul3A_305 : i32 to vector<16xi32>
      %add3A_650 = arith.addi %get3A_648, %add3A_649 : vector<16xi32>
      %swap3A_651 = arith.constant 2 : i32
      %swap3A_652 = arith.index_cast %swap3A_651 : i32 to index
      %swap3A_653 = arith.constant 96 : index
      %swap3A_654 = tpu.vector_load %arg10[%swap3A_652, %swap3A_653] {strides = array<i32>} : memref<8x128xi32, #tpu.memory_space<vmem>>, vector<1x16xi32>,
      %swap3A_655 = vector.shape_cast %swap3A_654 : vector<1x16xi32> to vector<16xi32>
      %swap3A_656 = vector.shape_cast %add3A_650 : vector<16xi32> to vector<1x16xi32>
      tpu.vector_store %arg10[%swap3A_652, %swap3A_653], %swap3A_656 {strides = array<i32>} : memref<8x128xi32, #tpu.memory_space<vmem>>, vector<1x16xi32>,
      %get3A_657 = arith.constant 2 : i32
      %get3A_658 = arith.index_cast %get3A_657 : i32 to index
      %get3A_659 = arith.constant 112 : index
      %get3A_660 = tpu.vector_load %arg10[%get3A_658, %get3A_659] {strides = array<i32>} : memref<8x128xi32, #tpu.memory_space<vmem>>, vector<1x16xi32>,
      %get3A_661 = vector.shape_cast %get3A_660 : vector<1x16xi32> to vector<16xi32>
      %add3A_662 = vector.broadcast %mul3A_305 : i32 to vector<16xi32>
      %add3A_663 = arith.addi %get3A_661, %add3A_662 : vector<16xi32>
      %swap3A_664 = arith.constant 2 : i32
      %swap3A_665 = arith.index_cast %swap3A_664 : i32 to index
      %swap3A_666 = arith.constant 112 : index
      %swap3A_667 = tpu.vector_load %arg10[%swap3A_665, %swap3A_666] {strides = array<i32>} : memref<8x128xi32, #tpu.memory_space<vmem>>, vector<1x16xi32>,
      %swap3A_668 = vector.shape_cast %swap3A_667 : vector<1x16xi32> to vector<16xi32>
      %swap3A_669 = vector.shape_cast %add3A_663 : vector<16xi32> to vector<1x16xi32>
      tpu.vector_store %arg10[%swap3A_665, %swap3A_666], %swap3A_669 {strides = array<i32>} : memref<8x128xi32, #tpu.memory_space<vmem>>, vector<1x16xi32>,
      %get3A_670 = arith.constant 3 : i32
      %get3A_671 = arith.index_cast %get3A_670 : i32 to index
      %get3A_672 = arith.constant 0 : index
      %get3A_673 = tpu.vector_load %arg10[%get3A_671, %get3A_672] {strides = array<i32>} : memref<8x128xi32, #tpu.memory_space<vmem>>, vector<1x16xi32>,
      %get3A_674 = vector.shape_cast %get3A_673 : vector<1x16xi32> to vector<16xi32>
      %add3A_675 = vector.broadcast %mul3A_305 : i32 to vector<16xi32>
      %add3A_676 = arith.addi %get3A_674, %add3A_675 : vector<16xi32>
      %swap3A_677 = arith.constant 3 : i32
      %swap3A_678 = arith.index_cast %swap3A_677 : i32 to index
      %swap3A_679 = arith.constant 0 : index
      %swap3A_680 = tpu.vector_load %arg10[%swap3A_678, %swap3A_679] {strides = array<i32>} : memref<8x128xi32, #tpu.memory_space<vmem>>, vector<1x16xi32>,
      %swap3A_681 = vector.shape_cast %swap3A_680 : vector<1x16xi32> to vector<16xi32>
      %swap3A_682 = vector.shape_cast %add3A_676 : vector<16xi32> to vector<1x16xi32>
      tpu.vector_store %arg10[%swap3A_678, %swap3A_679], %swap3A_682 {strides = array<i32>} : memref<8x128xi32, #tpu.memory_space<vmem>>, vector<1x16xi32>,
      %get3A_683 = arith.constant 3 : i32
      %get3A_684 = arith.index_cast %get3A_683 : i32 to index
      %get3A_685 = arith.constant 16 : index
      %get3A_686 = tpu.vector_load %arg10[%get3A_684, %get3A_685] {strides = array<i32>} : memref<8x128xi32, #tpu.memory_space<vmem>>, vector<1x16xi32>,
      %get3A_687 = vector.shape_cast %get3A_686 : vector<1x16xi32> to vector<16xi32>
      %add3A_688 = vector.broadcast %mul3A_305 : i32 to vector<16xi32>
      %add3A_689 = arith.addi %get3A_687, %add3A_688 : vector<16xi32>
      %swap3A_690 = arith.constant 3 : i32
      %swap3A_691 = arith.index_cast %swap3A_690 : i32 to index
      %swap3A_692 = arith.constant 16 : index
      %swap3A_693 = tpu.vector_load %arg10[%swap3A_691, %swap3A_692] {strides = array<i32>} : memref<8x128xi32, #tpu.memory_space<vmem>>, vector<1x16xi32>,
      %swap3A_694 = vector.shape_cast %swap3A_693 : vector<1x16xi32> to vector<16xi32>
      %swap3A_695 = vector.shape_cast %add3A_689 : vector<16xi32> to vector<1x16xi32>
      tpu.vector_store %arg10[%swap3A_691, %swap3A_692], %swap3A_695 {strides = array<i32>} : memref<8x128xi32, #tpu.memory_space<vmem>>, vector<1x16xi32>,
      %get3A_696 = arith.constant 3 : i32
      %get3A_697 = arith.index_cast %get3A_696 : i32 to index
      %get3A_698 = arith.constant 32 : index
      %get3A_699 = tpu.vector_load %arg10[%get3A_697, %get3A_698] {strides = array<i32>} : memref<8x128xi32, #tpu.memory_space<vmem>>, vector<1x16xi32>,
      %get3A_700 = vector.shape_cast %get3A_699 : vector<1x16xi32> to vector<16xi32>
      %add3A_701 = vector.broadcast %mul3A_305 : i32 to vector<16xi32>
      %add3A_702 = arith.addi %get3A_700, %add3A_701 : vector<16xi32>
      %swap3A_703 = arith.constant 3 : i32
      %swap3A_704 = arith.index_cast %swap3A_703 : i32 to index
      %swap3A_705 = arith.constant 32 : index
      %swap3A_706 = tpu.vector_load %arg10[%swap3A_704, %swap3A_705] {strides = array<i32>} : memref<8x128xi32, #tpu.memory_space<vmem>>, vector<1x16xi32>,
      %swap3A_707 = vector.shape_cast %swap3A_706 : vector<1x16xi32> to vector<16xi32>
      %swap3A_708 = vector.shape_cast %add3A_702 : vector<16xi32> to vector<1x16xi32>
      tpu.vector_store %arg10[%swap3A_704, %swap3A_705], %swap3A_708 {strides = array<i32>} : memref<8x128xi32, #tpu.memory_space<vmem>>, vector<1x16xi32>,
      %get3A_709 = arith.constant 3 : i32
      %get3A_710 = arith.index_cast %get3A_709 : i32 to index
      %get3A_711 = arith.constant 48 : index
      %get3A_712 = tpu.vector_load %arg10[%get3A_710, %get3A_711] {strides = array<i32>} : memref<8x128xi32, #tpu.memory_space<vmem>>, vector<1x16xi32>,
      %get3A_713 = vector.shape_cast %get3A_712 : vector<1x16xi32> to vector<16xi32>
      %add3A_714 = vector.broadcast %mul3A_305 : i32 to vector<16xi32>
      %add3A_715 = arith.addi %get3A_713, %add3A_714 : vector<16xi32>
      %swap3A_716 = arith.constant 3 : i32
      %swap3A_717 = arith.index_cast %swap3A_716 : i32 to index
      %swap3A_718 = arith.constant 48 : index
      %swap3A_719 = tpu.vector_load %arg10[%swap3A_717, %swap3A_718] {strides = array<i32>} : memref<8x128xi32, #tpu.memory_space<vmem>>, vector<1x16xi32>,
      %swap3A_720 = vector.shape_cast %swap3A_719 : vector<1x16xi32> to vector<16xi32>
      %swap3A_721 = vector.shape_cast %add3A_715 : vector<16xi32> to vector<1x16xi32>
      tpu.vector_store %arg10[%swap3A_717, %swap3A_718], %swap3A_721 {strides = array<i32>} : memref<8x128xi32, #tpu.memory_space<vmem>>, vector<1x16xi32>,
      %get3A_722 = arith.constant 3 : i32
      %get3A_723 = arith.index_cast %get3A_722 : i32 to index
      %get3A_724 = arith.constant 64 : index
      %get3A_725 = tpu.vector_load %arg10[%get3A_723, %get3A_724] {strides = array<i32>} : memref<8x128xi32, #tpu.memory_space<vmem>>, vector<1x16xi32>,
      %get3A_726 = vector.shape_cast %get3A_725 : vector<1x16xi32> to vector<16xi32>
      %add3A_727 = vector.broadcast %mul3A_305 : i32 to vector<16xi32>
      %add3A_728 = arith.addi %get3A_726, %add3A_727 : vector<16xi32>
      %swap3A_729 = arith.constant 3 : i32
      %swap3A_730 = arith.index_cast %swap3A_729 : i32 to index
      %swap3A_731 = arith.constant 64 : index
      %swap3A_732 = tpu.vector_load %arg10[%swap3A_730, %swap3A_731] {strides = array<i32>} : memref<8x128xi32, #tpu.memory_space<vmem>>, vector<1x16xi32>,
      %swap3A_733 = vector.shape_cast %swap3A_732 : vector<1x16xi32> to vector<16xi32>
      %swap3A_734 = vector.shape_cast %add3A_728 : vector<16xi32> to vector<1x16xi32>
      tpu.vector_store %arg10[%swap3A_730, %swap3A_731], %swap3A_734 {strides = array<i32>} : memref<8x128xi32, #tpu.memory_space<vmem>>, vector<1x16xi32>,
      %get3A_735 = arith.constant 3 : i32
      %get3A_736 = arith.index_cast %get3A_735 : i32 to index
      %get3A_737 = arith.constant 80 : index
      %get3A_738 = tpu.vector_load %arg10[%get3A_736, %get3A_737] {strides = array<i32>} : memref<8x128xi32, #tpu.memory_space<vmem>>, vector<1x16xi32>,
      %get3A_739 = vector.shape_cast %get3A_738 : vector<1x16xi32> to vector<16xi32>
      %add3A_740 = vector.broadcast %mul3A_305 : i32 to vector<16xi32>
      %add3A_741 = arith.addi %get3A_739, %add3A_740 : vector<16xi32>
      %swap3A_742 = arith.constant 3 : i32
      %swap3A_743 = arith.index_cast %swap3A_742 : i32 to index
      %swap3A_744 = arith.constant 80 : index
      %swap3A_745 = tpu.vector_load %arg10[%swap3A_743, %swap3A_744] {strides = array<i32>} : memref<8x128xi32, #tpu.memory_space<vmem>>, vector<1x16xi32>,
      %swap3A_746 = vector.shape_cast %swap3A_745 : vector<1x16xi32> to vector<16xi32>
      %swap3A_747 = vector.shape_cast %add3A_741 : vector<16xi32> to vector<1x16xi32>
      tpu.vector_store %arg10[%swap3A_743, %swap3A_744], %swap3A_747 {strides = array<i32>} : memref<8x128xi32, #tpu.memory_space<vmem>>, vector<1x16xi32>,
      %get3A_748 = arith.constant 3 : i32
      %get3A_749 = arith.index_cast %get3A_748 : i32 to index
      %get3A_750 = arith.constant 96 : index
      %get3A_751 = tpu.vector_load %arg10[%get3A_749, %get3A_750] {strides = array<i32>} : memref<8x128xi32, #tpu.memory_space<vmem>>, vector<1x16xi32>,
      %get3A_752 = vector.shape_cast %get3A_751 : vector<1x16xi32> to vector<16xi32>
      %add3A_753 = vector.broadcast %mul3A_305 : i32 to vector<16xi32>
      %add3A_754 = arith.addi %get3A_752, %add3A_753 : vector<16xi32>
      %swap3A_755 = arith.constant 3 : i32
      %swap3A_756 = arith.index_cast %swap3A_755 : i32 to index
      %swap3A_757 = arith.constant 96 : index
      %swap3A_758 = tpu.vector_load %arg10[%swap3A_756, %swap3A_757] {strides = array<i32>} : memref<8x128xi32, #tpu.memory_space<vmem>>, vector<1x16xi32>,
      %swap3A_759 = vector.shape_cast %swap3A_758 : vector<1x16xi32> to vector<16xi32>
      %swap3A_760 = vector.shape_cast %add3A_754 : vector<16xi32> to vector<1x16xi32>
      tpu.vector_store %arg10[%swap3A_756, %swap3A_757], %swap3A_760 {strides = array<i32>} : memref<8x128xi32, #tpu.memory_space<vmem>>, vector<1x16xi32>,
      %get3A_761 = arith.constant 3 : i32
      %get3A_762 = arith.index_cast %get3A_761 : i32 to index
      %get3A_763 = arith.constant 112 : index
      %get3A_764 = tpu.vector_load %arg10[%get3A_762, %get3A_763] {strides = array<i32>} : memref<8x128xi32, #tpu.memory_space<vmem>>, vector<1x16xi32>,
      %get3A_765 = vector.shape_cast %get3A_764 : vector<1x16xi32> to vector<16xi32>
      %add3A_766 = vector.broadcast %mul3A_305 : i32 to vector<16xi32>
      %add3A_767 = arith.addi %get3A_765, %add3A_766 : vector<16xi32>
      %swap3A_768 = arith.constant 3 : i32
      %swap3A_769 = arith.index_cast %swap3A_768 : i32 to index
      %swap3A_770 = arith.constant 112 : index
      %swap3A_771 = tpu.vector_load %arg10[%swap3A_769, %swap3A_770] {strides = array<i32>} : memref<8x128xi32, #tpu.memory_space<vmem>>, vector<1x16xi32>,
      %swap3A_772 = vector.shape_cast %swap3A_771 : vector<1x16xi32> to vector<16xi32>
      %swap3A_773 = vector.shape_cast %add3A_767 : vector<16xi32> to vector<1x16xi32>
      tpu.vector_store %arg10[%swap3A_769, %swap3A_770], %swap3A_773 {strides = array<i32>} : memref<8x128xi32, #tpu.memory_space<vmem>>, vector<1x16xi32>,
      %get3A_774 = arith.constant 4 : i32
      %get3A_775 = arith.index_cast %get3A_774 : i32 to index
      %get3A_776 = arith.constant 0 : index
      %get3A_777 = tpu.vector_load %arg10[%get3A_775, %get3A_776] {strides = array<i32>} : memref<8x128xi32, #tpu.memory_space<vmem>>, vector<1x16xi32>,
      %get3A_778 = vector.shape_cast %get3A_777 : vector<1x16xi32> to vector<16xi32>
      %add3A_779 = vector.broadcast %mul3A_305 : i32 to vector<16xi32>
      %add3A_780 = arith.addi %get3A_778, %add3A_779 : vector<16xi32>
      %swap3A_781 = arith.constant 4 : i32
      %swap3A_782 = arith.index_cast %swap3A_781 : i32 to index
      %swap3A_783 = arith.constant 0 : index
      %swap3A_784 = tpu.vector_load %arg10[%swap3A_782, %swap3A_783] {strides = array<i32>} : memref<8x128xi32, #tpu.memory_space<vmem>>, vector<1x16xi32>,
      %swap3A_785 = vector.shape_cast %swap3A_784 : vector<1x16xi32> to vector<16xi32>
      %swap3A_786 = vector.shape_cast %add3A_780 : vector<16xi32> to vector<1x16xi32>
      tpu.vector_store %arg10[%swap3A_782, %swap3A_783], %swap3A_786 {strides = array<i32>} : memref<8x128xi32, #tpu.memory_space<vmem>>, vector<1x16xi32>,
      %get3A_787 = arith.constant 4 : i32
      %get3A_788 = arith.index_cast %get3A_787 : i32 to index
      %get3A_789 = arith.constant 16 : index
      %get3A_790 = tpu.vector_load %arg10[%get3A_788, %get3A_789] {strides = array<i32>} : memref<8x128xi32, #tpu.memory_space<vmem>>, vector<1x16xi32>,
      %get3A_791 = vector.shape_cast %get3A_790 : vector<1x16xi32> to vector<16xi32>
      %add3A_792 = vector.broadcast %mul3A_305 : i32 to vector<16xi32>
      %add3A_793 = arith.addi %get3A_791, %add3A_792 : vector<16xi32>
      %swap3A_794 = arith.constant 4 : i32
      %swap3A_795 = arith.index_cast %swap3A_794 : i32 to index
      %swap3A_796 = arith.constant 16 : index
      %swap3A_797 = tpu.vector_load %arg10[%swap3A_795, %swap3A_796] {strides = array<i32>} : memref<8x128xi32, #tpu.memory_space<vmem>>, vector<1x16xi32>,
      %swap3A_798 = vector.shape_cast %swap3A_797 : vector<1x16xi32> to vector<16xi32>
      %swap3A_799 = vector.shape_cast %add3A_793 : vector<16xi32> to vector<1x16xi32>
      tpu.vector_store %arg10[%swap3A_795, %swap3A_796], %swap3A_799 {strides = array<i32>} : memref<8x128xi32, #tpu.memory_space<vmem>>, vector<1x16xi32>,
      %get3A_800 = arith.constant 4 : i32
      %get3A_801 = arith.index_cast %get3A_800 : i32 to index
      %get3A_802 = arith.constant 32 : index
      %get3A_803 = tpu.vector_load %arg10[%get3A_801, %get3A_802] {strides = array<i32>} : memref<8x128xi32, #tpu.memory_space<vmem>>, vector<1x16xi32>,
      %get3A_804 = vector.shape_cast %get3A_803 : vector<1x16xi32> to vector<16xi32>
      %add3A_805 = vector.broadcast %mul3A_305 : i32 to vector<16xi32>
      %add3A_806 = arith.addi %get3A_804, %add3A_805 : vector<16xi32>
      %swap3A_807 = arith.constant 4 : i32
      %swap3A_808 = arith.index_cast %swap3A_807 : i32 to index
      %swap3A_809 = arith.constant 32 : index
      %swap3A_810 = tpu.vector_load %arg10[%swap3A_808, %swap3A_809] {strides = array<i32>} : memref<8x128xi32, #tpu.memory_space<vmem>>, vector<1x16xi32>,
      %swap3A_811 = vector.shape_cast %swap3A_810 : vector<1x16xi32> to vector<16xi32>
      %swap3A_812 = vector.shape_cast %add3A_806 : vector<16xi32> to vector<1x16xi32>
      tpu.vector_store %arg10[%swap3A_808, %swap3A_809], %swap3A_812 {strides = array<i32>} : memref<8x128xi32, #tpu.memory_space<vmem>>, vector<1x16xi32>,
      %get3A_813 = arith.constant 4 : i32
      %get3A_814 = arith.index_cast %get3A_813 : i32 to index
      %get3A_815 = arith.constant 48 : index
      %get3A_816 = tpu.vector_load %arg10[%get3A_814, %get3A_815] {strides = array<i32>} : memref<8x128xi32, #tpu.memory_space<vmem>>, vector<1x16xi32>,
      %get3A_817 = vector.shape_cast %get3A_816 : vector<1x16xi32> to vector<16xi32>
      %add3A_818 = vector.broadcast %mul3A_305 : i32 to vector<16xi32>
      %add3A_819 = arith.addi %get3A_817, %add3A_818 : vector<16xi32>
      %swap3A_820 = arith.constant 4 : i32
      %swap3A_821 = arith.index_cast %swap3A_820 : i32 to index
      %swap3A_822 = arith.constant 48 : index
      %swap3A_823 = tpu.vector_load %arg10[%swap3A_821, %swap3A_822] {strides = array<i32>} : memref<8x128xi32, #tpu.memory_space<vmem>>, vector<1x16xi32>,
      %swap3A_824 = vector.shape_cast %swap3A_823 : vector<1x16xi32> to vector<16xi32>
      %swap3A_825 = vector.shape_cast %add3A_819 : vector<16xi32> to vector<1x16xi32>
      tpu.vector_store %arg10[%swap3A_821, %swap3A_822], %swap3A_825 {strides = array<i32>} : memref<8x128xi32, #tpu.memory_space<vmem>>, vector<1x16xi32>,
      %get3A_826 = arith.constant 4 : i32
      %get3A_827 = arith.index_cast %get3A_826 : i32 to index
      %get3A_828 = arith.constant 64 : index
      %get3A_829 = tpu.vector_load %arg10[%get3A_827, %get3A_828] {strides = array<i32>} : memref<8x128xi32, #tpu.memory_space<vmem>>, vector<1x16xi32>,
      %get3A_830 = vector.shape_cast %get3A_829 : vector<1x16xi32> to vector<16xi32>
      %add3A_831 = vector.broadcast %mul3A_305 : i32 to vector<16xi32>
      %add3A_832 = arith.addi %get3A_830, %add3A_831 : vector<16xi32>
      %swap3A_833 = arith.constant 4 : i32
      %swap3A_834 = arith.index_cast %swap3A_833 : i32 to index
      %swap3A_835 = arith.constant 64 : index
      %swap3A_836 = tpu.vector_load %arg10[%swap3A_834, %swap3A_835] {strides = array<i32>} : memref<8x128xi32, #tpu.memory_space<vmem>>, vector<1x16xi32>,
      %swap3A_837 = vector.shape_cast %swap3A_836 : vector<1x16xi32> to vector<16xi32>
      %swap3A_838 = vector.shape_cast %add3A_832 : vector<16xi32> to vector<1x16xi32>
      tpu.vector_store %arg10[%swap3A_834, %swap3A_835], %swap3A_838 {strides = array<i32>} : memref<8x128xi32, #tpu.memory_space<vmem>>, vector<1x16xi32>,
      %get3A_839 = arith.constant 4 : i32
      %get3A_840 = arith.index_cast %get3A_839 : i32 to index
      %get3A_841 = arith.constant 80 : index
      %get3A_842 = tpu.vector_load %arg10[%get3A_840, %get3A_841] {strides = array<i32>} : memref<8x128xi32, #tpu.memory_space<vmem>>, vector<1x16xi32>,
      %get3A_843 = vector.shape_cast %get3A_842 : vector<1x16xi32> to vector<16xi32>
      %add3A_844 = vector.broadcast %mul3A_305 : i32 to vector<16xi32>
      %add3A_845 = arith.addi %get3A_843, %add3A_844 : vector<16xi32>
      %swap3A_846 = arith.constant 4 : i32
      %swap3A_847 = arith.index_cast %swap3A_846 : i32 to index
      %swap3A_848 = arith.constant 80 : index
      %swap3A_849 = tpu.vector_load %arg10[%swap3A_847, %swap3A_848] {strides = array<i32>} : memref<8x128xi32, #tpu.memory_space<vmem>>, vector<1x16xi32>,
      %swap3A_850 = vector.shape_cast %swap3A_849 : vector<1x16xi32> to vector<16xi32>
      %swap3A_851 = vector.shape_cast %add3A_845 : vector<16xi32> to vector<1x16xi32>
      tpu.vector_store %arg10[%swap3A_847, %swap3A_848], %swap3A_851 {strides = array<i32>} : memref<8x128xi32, #tpu.memory_space<vmem>>, vector<1x16xi32>,
      %get3A_852 = arith.constant 4 : i32
      %get3A_853 = arith.index_cast %get3A_852 : i32 to index
      %get3A_854 = arith.constant 96 : index
      %get3A_855 = tpu.vector_load %arg10[%get3A_853, %get3A_854] {strides = array<i32>} : memref<8x128xi32, #tpu.memory_space<vmem>>, vector<1x16xi32>,
      %get3A_856 = vector.shape_cast %get3A_855 : vector<1x16xi32> to vector<16xi32>
      %add3A_857 = vector.broadcast %mul3A_305 : i32 to vector<16xi32>
      %add3A_858 = arith.addi %get3A_856, %add3A_857 : vector<16xi32>
      %swap3A_859 = arith.constant 4 : i32
      %swap3A_860 = arith.index_cast %swap3A_859 : i32 to index
      %swap3A_861 = arith.constant 96 : index
      %swap3A_862 = tpu.vector_load %arg10[%swap3A_860, %swap3A_861] {strides = array<i32>} : memref<8x128xi32, #tpu.memory_space<vmem>>, vector<1x16xi32>,
      %swap3A_863 = vector.shape_cast %swap3A_862 : vector<1x16xi32> to vector<16xi32>
      %swap3A_864 = vector.shape_cast %add3A_858 : vector<16xi32> to vector<1x16xi32>
      tpu.vector_store %arg10[%swap3A_860, %swap3A_861], %swap3A_864 {strides = array<i32>} : memref<8x128xi32, #tpu.memory_space<vmem>>, vector<1x16xi32>,
      %get3A_865 = arith.constant 4 : i32
      %get3A_866 = arith.index_cast %get3A_865 : i32 to index
      %get3A_867 = arith.constant 112 : index
      %get3A_868 = tpu.vector_load %arg10[%get3A_866, %get3A_867] {strides = array<i32>} : memref<8x128xi32, #tpu.memory_space<vmem>>, vector<1x16xi32>,
      %get3A_869 = vector.shape_cast %get3A_868 : vector<1x16xi32> to vector<16xi32>
      %add3A_870 = vector.broadcast %mul3A_305 : i32 to vector<16xi32>
      %add3A_871 = arith.addi %get3A_869, %add3A_870 : vector<16xi32>
      %swap3A_872 = arith.constant 4 : i32
      %swap3A_873 = arith.index_cast %swap3A_872 : i32 to index
      %swap3A_874 = arith.constant 112 : index
      %swap3A_875 = tpu.vector_load %arg10[%swap3A_873, %swap3A_874] {strides = array<i32>} : memref<8x128xi32, #tpu.memory_space<vmem>>, vector<1x16xi32>,
      %swap3A_876 = vector.shape_cast %swap3A_875 : vector<1x16xi32> to vector<16xi32>
      %swap3A_877 = vector.shape_cast %add3A_871 : vector<16xi32> to vector<1x16xi32>
      tpu.vector_store %arg10[%swap3A_873, %swap3A_874], %swap3A_877 {strides = array<i32>} : memref<8x128xi32, #tpu.memory_space<vmem>>, vector<1x16xi32>,
      %get3A_878 = arith.constant 5 : i32
      %get3A_879 = arith.index_cast %get3A_878 : i32 to index
      %get3A_880 = arith.constant 0 : index
      %get3A_881 = tpu.vector_load %arg10[%get3A_879, %get3A_880] {strides = array<i32>} : memref<8x128xi32, #tpu.memory_space<vmem>>, vector<1x16xi32>,
      %get3A_882 = vector.shape_cast %get3A_881 : vector<1x16xi32> to vector<16xi32>
      %add3A_883 = vector.broadcast %mul3A_305 : i32 to vector<16xi32>
      %add3A_884 = arith.addi %get3A_882, %add3A_883 : vector<16xi32>
      %swap3A_885 = arith.constant 5 : i32
      %swap3A_886 = arith.index_cast %swap3A_885 : i32 to index
      %swap3A_887 = arith.constant 0 : index
      %swap3A_888 = tpu.vector_load %arg10[%swap3A_886, %swap3A_887] {strides = array<i32>} : memref<8x128xi32, #tpu.memory_space<vmem>>, vector<1x16xi32>,
      %swap3A_889 = vector.shape_cast %swap3A_888 : vector<1x16xi32> to vector<16xi32>
      %swap3A_890 = vector.shape_cast %add3A_884 : vector<16xi32> to vector<1x16xi32>
      tpu.vector_store %arg10[%swap3A_886, %swap3A_887], %swap3A_890 {strides = array<i32>} : memref<8x128xi32, #tpu.memory_space<vmem>>, vector<1x16xi32>,
      %get3A_891 = arith.constant 5 : i32
      %get3A_892 = arith.index_cast %get3A_891 : i32 to index
      %get3A_893 = arith.constant 16 : index
      %get3A_894 = tpu.vector_load %arg10[%get3A_892, %get3A_893] {strides = array<i32>} : memref<8x128xi32, #tpu.memory_space<vmem>>, vector<1x16xi32>,
      %get3A_895 = vector.shape_cast %get3A_894 : vector<1x16xi32> to vector<16xi32>
      %add3A_896 = vector.broadcast %mul3A_305 : i32 to vector<16xi32>
      %add3A_897 = arith.addi %get3A_895, %add3A_896 : vector<16xi32>
      %swap3A_898 = arith.constant 5 : i32
      %swap3A_899 = arith.index_cast %swap3A_898 : i32 to index
      %swap3A_900 = arith.constant 16 : index
      %swap3A_901 = tpu.vector_load %arg10[%swap3A_899, %swap3A_900] {strides = array<i32>} : memref<8x128xi32, #tpu.memory_space<vmem>>, vector<1x16xi32>,
      %swap3A_902 = vector.shape_cast %swap3A_901 : vector<1x16xi32> to vector<16xi32>
      %swap3A_903 = vector.shape_cast %add3A_897 : vector<16xi32> to vector<1x16xi32>
      tpu.vector_store %arg10[%swap3A_899, %swap3A_900], %swap3A_903 {strides = array<i32>} : memref<8x128xi32, #tpu.memory_space<vmem>>, vector<1x16xi32>,
      %get3A_904 = arith.constant 5 : i32
      %get3A_905 = arith.index_cast %get3A_904 : i32 to index
      %get3A_906 = arith.constant 32 : index
      %get3A_907 = tpu.vector_load %arg10[%get3A_905, %get3A_906] {strides = array<i32>} : memref<8x128xi32, #tpu.memory_space<vmem>>, vector<1x16xi32>,
      %get3A_908 = vector.shape_cast %get3A_907 : vector<1x16xi32> to vector<16xi32>
      %add3A_909 = vector.broadcast %mul3A_305 : i32 to vector<16xi32>
      %add3A_910 = arith.addi %get3A_908, %add3A_909 : vector<16xi32>
      %swap3A_911 = arith.constant 5 : i32
      %swap3A_912 = arith.index_cast %swap3A_911 : i32 to index
      %swap3A_913 = arith.constant 32 : index
      %swap3A_914 = tpu.vector_load %arg10[%swap3A_912, %swap3A_913] {strides = array<i32>} : memref<8x128xi32, #tpu.memory_space<vmem>>, vector<1x16xi32>,
      %swap3A_915 = vector.shape_cast %swap3A_914 : vector<1x16xi32> to vector<16xi32>
      %swap3A_916 = vector.shape_cast %add3A_910 : vector<16xi32> to vector<1x16xi32>
      tpu.vector_store %arg10[%swap3A_912, %swap3A_913], %swap3A_916 {strides = array<i32>} : memref<8x128xi32, #tpu.memory_space<vmem>>, vector<1x16xi32>,
      %get3A_917 = arith.constant 5 : i32
      %get3A_918 = arith.index_cast %get3A_917 : i32 to index
      %get3A_919 = arith.constant 48 : index
      %get3A_920 = tpu.vector_load %arg10[%get3A_918, %get3A_919] {strides = array<i32>} : memref<8x128xi32, #tpu.memory_space<vmem>>, vector<1x16xi32>,
      %get3A_921 = vector.shape_cast %get3A_920 : vector<1x16xi32> to vector<16xi32>
      %add3A_922 = vector.broadcast %mul3A_305 : i32 to vector<16xi32>
      %add3A_923 = arith.addi %get3A_921, %add3A_922 : vector<16xi32>
      %swap3A_924 = arith.constant 5 : i32
      %swap3A_925 = arith.index_cast %swap3A_924 : i32 to index
      %swap3A_926 = arith.constant 48 : index
      %swap3A_927 = tpu.vector_load %arg10[%swap3A_925, %swap3A_926] {strides = array<i32>} : memref<8x128xi32, #tpu.memory_space<vmem>>, vector<1x16xi32>,
      %swap3A_928 = vector.shape_cast %swap3A_927 : vector<1x16xi32> to vector<16xi32>
      %swap3A_929 = vector.shape_cast %add3A_923 : vector<16xi32> to vector<1x16xi32>
      tpu.vector_store %arg10[%swap3A_925, %swap3A_926], %swap3A_929 {strides = array<i32>} : memref<8x128xi32, #tpu.memory_space<vmem>>, vector<1x16xi32>,
      %get3A_930 = arith.constant 5 : i32
      %get3A_931 = arith.index_cast %get3A_930 : i32 to index
      %get3A_932 = arith.constant 64 : index
      %get3A_933 = tpu.vector_load %arg10[%get3A_931, %get3A_932] {strides = array<i32>} : memref<8x128xi32, #tpu.memory_space<vmem>>, vector<1x16xi32>,
      %get3A_934 = vector.shape_cast %get3A_933 : vector<1x16xi32> to vector<16xi32>
      %add3A_935 = vector.broadcast %mul3A_305 : i32 to vector<16xi32>
      %add3A_936 = arith.addi %get3A_934, %add3A_935 : vector<16xi32>
      %swap3A_937 = arith.constant 5 : i32
      %swap3A_938 = arith.index_cast %swap3A_937 : i32 to index
      %swap3A_939 = arith.constant 64 : index
      %swap3A_940 = tpu.vector_load %arg10[%swap3A_938, %swap3A_939] {strides = array<i32>} : memref<8x128xi32, #tpu.memory_space<vmem>>, vector<1x16xi32>,
      %swap3A_941 = vector.shape_cast %swap3A_940 : vector<1x16xi32> to vector<16xi32>
      %swap3A_942 = vector.shape_cast %add3A_936 : vector<16xi32> to vector<1x16xi32>
      tpu.vector_store %arg10[%swap3A_938, %swap3A_939], %swap3A_942 {strides = array<i32>} : memref<8x128xi32, #tpu.memory_space<vmem>>, vector<1x16xi32>,
      %get3A_943 = arith.constant 5 : i32
      %get3A_944 = arith.index_cast %get3A_943 : i32 to index
      %get3A_945 = arith.constant 80 : index
      %get3A_946 = tpu.vector_load %arg10[%get3A_944, %get3A_945] {strides = array<i32>} : memref<8x128xi32, #tpu.memory_space<vmem>>, vector<1x16xi32>,
      %get3A_947 = vector.shape_cast %get3A_946 : vector<1x16xi32> to vector<16xi32>
      %add3A_948 = vector.broadcast %mul3A_305 : i32 to vector<16xi32>
      %add3A_949 = arith.addi %get3A_947, %add3A_948 : vector<16xi32>
      %swap3A_950 = arith.constant 5 : i32
      %swap3A_951 = arith.index_cast %swap3A_950 : i32 to index
      %swap3A_952 = arith.constant 80 : index
      %swap3A_953 = tpu.vector_load %arg10[%swap3A_951, %swap3A_952] {strides = array<i32>} : memref<8x128xi32, #tpu.memory_space<vmem>>, vector<1x16xi32>,
      %swap3A_954 = vector.shape_cast %swap3A_953 : vector<1x16xi32> to vector<16xi32>
      %swap3A_955 = vector.shape_cast %add3A_949 : vector<16xi32> to vector<1x16xi32>
      tpu.vector_store %arg10[%swap3A_951, %swap3A_952], %swap3A_955 {strides = array<i32>} : memref<8x128xi32, #tpu.memory_space<vmem>>, vector<1x16xi32>,
      %get3A_956 = arith.constant 5 : i32
      %get3A_957 = arith.index_cast %get3A_956 : i32 to index
      %get3A_958 = arith.constant 96 : index
      %get3A_959 = tpu.vector_load %arg10[%get3A_957, %get3A_958] {strides = array<i32>} : memref<8x128xi32, #tpu.memory_space<vmem>>, vector<1x16xi32>,
      %get3A_960 = vector.shape_cast %get3A_959 : vector<1x16xi32> to vector<16xi32>
      %add3A_961 = vector.broadcast %mul3A_305 : i32 to vector<16xi32>
      %add3A_962 = arith.addi %get3A_960, %add3A_961 : vector<16xi32>
      %swap3A_963 = arith.constant 5 : i32
      %swap3A_964 = arith.index_cast %swap3A_963 : i32 to index
      %swap3A_965 = arith.constant 96 : index
      %swap3A_966 = tpu.vector_load %arg10[%swap3A_964, %swap3A_965] {strides = array<i32>} : memref<8x128xi32, #tpu.memory_space<vmem>>, vector<1x16xi32>,
      %swap3A_967 = vector.shape_cast %swap3A_966 : vector<1x16xi32> to vector<16xi32>
      %swap3A_968 = vector.shape_cast %add3A_962 : vector<16xi32> to vector<1x16xi32>
      tpu.vector_store %arg10[%swap3A_964, %swap3A_965], %swap3A_968 {strides = array<i32>} : memref<8x128xi32, #tpu.memory_space<vmem>>, vector<1x16xi32>,
      %get3A_969 = arith.constant 5 : i32
      %get3A_970 = arith.index_cast %get3A_969 : i32 to index
      %get3A_971 = arith.constant 112 : index
      %get3A_972 = tpu.vector_load %arg10[%get3A_970, %get3A_971] {strides = array<i32>} : memref<8x128xi32, #tpu.memory_space<vmem>>, vector<1x16xi32>,
      %get3A_973 = vector.shape_cast %get3A_972 : vector<1x16xi32> to vector<16xi32>
      %add3A_974 = vector.broadcast %mul3A_305 : i32 to vector<16xi32>
      %add3A_975 = arith.addi %get3A_973, %add3A_974 : vector<16xi32>
      %swap3A_976 = arith.constant 5 : i32
      %swap3A_977 = arith.index_cast %swap3A_976 : i32 to index
      %swap3A_978 = arith.constant 112 : index
      %swap3A_979 = tpu.vector_load %arg10[%swap3A_977, %swap3A_978] {strides = array<i32>} : memref<8x128xi32, #tpu.memory_space<vmem>>, vector<1x16xi32>,
      %swap3A_980 = vector.shape_cast %swap3A_979 : vector<1x16xi32> to vector<16xi32>
      %swap3A_981 = vector.shape_cast %add3A_975 : vector<16xi32> to vector<1x16xi32>
      tpu.vector_store %arg10[%swap3A_977, %swap3A_978], %swap3A_981 {strides = array<i32>} : memref<8x128xi32, #tpu.memory_space<vmem>>, vector<1x16xi32>,
      %get3A_982 = arith.constant 6 : i32
      %get3A_983 = arith.index_cast %get3A_982 : i32 to index
      %get3A_984 = arith.constant 0 : index
      %get3A_985 = tpu.vector_load %arg10[%get3A_983, %get3A_984] {strides = array<i32>} : memref<8x128xi32, #tpu.memory_space<vmem>>, vector<1x16xi32>,
      %get3A_986 = vector.shape_cast %get3A_985 : vector<1x16xi32> to vector<16xi32>
      %add3A_987 = vector.broadcast %mul3A_305 : i32 to vector<16xi32>
      %add3A_988 = arith.addi %get3A_986, %add3A_987 : vector<16xi32>
      %swap3A_989 = arith.constant 6 : i32
      %swap3A_990 = arith.index_cast %swap3A_989 : i32 to index
      %swap3A_991 = arith.constant 0 : index
      %swap3A_992 = tpu.vector_load %arg10[%swap3A_990, %swap3A_991] {strides = array<i32>} : memref<8x128xi32, #tpu.memory_space<vmem>>, vector<1x16xi32>,
      %swap3A_993 = vector.shape_cast %swap3A_992 : vector<1x16xi32> to vector<16xi32>
      %swap3A_994 = vector.shape_cast %add3A_988 : vector<16xi32> to vector<1x16xi32>
      tpu.vector_store %arg10[%swap3A_990, %swap3A_991], %swap3A_994 {strides = array<i32>} : memref<8x128xi32, #tpu.memory_space<vmem>>, vector<1x16xi32>,
      %get3A_995 = arith.constant 6 : i32
      %get3A_996 = arith.index_cast %get3A_995 : i32 to index
      %get3A_997 = arith.constant 16 : index
      %get3A_998 = tpu.vector_load %arg10[%get3A_996, %get3A_997] {strides = array<i32>} : memref<8x128xi32, #tpu.memory_space<vmem>>, vector<1x16xi32>,
      %get3A_999 = vector.shape_cast %get3A_998 : vector<1x16xi32> to vector<16xi32>
      %add3A_1000 = vector.broadcast %mul3A_305 : i32 to vector<16xi32>
      %add3A_1001 = arith.addi %get3A_999, %add3A_1000 : vector<16xi32>
      %swap3A_1002 = arith.constant 6 : i32
      %swap3A_1003 = arith.index_cast %swap3A_1002 : i32 to index
      %swap3A_1004 = arith.constant 16 : index
      %swap3A_1005 = tpu.vector_load %arg10[%swap3A_1003, %swap3A_1004] {strides = array<i32>} : memref<8x128xi32, #tpu.memory_space<vmem>>, vector<1x16xi32>,
      %swap3A_1006 = vector.shape_cast %swap3A_1005 : vector<1x16xi32> to vector<16xi32>
      %swap3A_1007 = vector.shape_cast %add3A_1001 : vector<16xi32> to vector<1x16xi32>
      tpu.vector_store %arg10[%swap3A_1003, %swap3A_1004], %swap3A_1007 {strides = array<i32>} : memref<8x128xi32, #tpu.memory_space<vmem>>, vector<1x16xi32>,
      %get3A_1008 = arith.constant 6 : i32
      %get3A_1009 = arith.index_cast %get3A_1008 : i32 to index
      %get3A_1010 = arith.constant 32 : index
      %get3A_1011 = tpu.vector_load %arg10[%get3A_1009, %get3A_1010] {strides = array<i32>} : memref<8x128xi32, #tpu.memory_space<vmem>>, vector<1x16xi32>,
      %get3A_1012 = vector.shape_cast %get3A_1011 : vector<1x16xi32> to vector<16xi32>
      %add3A_1013 = vector.broadcast %mul3A_305 : i32 to vector<16xi32>
      %add3A_1014 = arith.addi %get3A_1012, %add3A_1013 : vector<16xi32>
      %swap3A_1015 = arith.constant 6 : i32
      %swap3A_1016 = arith.index_cast %swap3A_1015 : i32 to index
      %swap3A_1017 = arith.constant 32 : index
      %swap3A_1018 = tpu.vector_load %arg10[%swap3A_1016, %swap3A_1017] {strides = array<i32>} : memref<8x128xi32, #tpu.memory_space<vmem>>, vector<1x16xi32>,
      %swap3A_1019 = vector.shape_cast %swap3A_1018 : vector<1x16xi32> to vector<16xi32>
      %swap3A_1020 = vector.shape_cast %add3A_1014 : vector<16xi32> to vector<1x16xi32>
      tpu.vector_store %arg10[%swap3A_1016, %swap3A_1017], %swap3A_1020 {strides = array<i32>} : memref<8x128xi32, #tpu.memory_space<vmem>>, vector<1x16xi32>,
      %get3A_1021 = arith.constant 6 : i32
      %get3A_1022 = arith.index_cast %get3A_1021 : i32 to index
      %get3A_1023 = arith.constant 48 : index
      %get3A_1024 = tpu.vector_load %arg10[%get3A_1022, %get3A_1023] {strides = array<i32>} : memref<8x128xi32, #tpu.memory_space<vmem>>, vector<1x16xi32>,
      %get3A_1025 = vector.shape_cast %get3A_1024 : vector<1x16xi32> to vector<16xi32>
      %add3A_1026 = vector.broadcast %mul3A_305 : i32 to vector<16xi32>
      %add3A_1027 = arith.addi %get3A_1025, %add3A_1026 : vector<16xi32>
      %swap3A_1028 = arith.constant 6 : i32
      %swap3A_1029 = arith.index_cast %swap3A_1028 : i32 to index
      %swap3A_1030 = arith.constant 48 : index
      %swap3A_1031 = tpu.vector_load %arg10[%swap3A_1029, %swap3A_1030] {strides = array<i32>} : memref<8x128xi32, #tpu.memory_space<vmem>>, vector<1x16xi32>,
      %swap3A_1032 = vector.shape_cast %swap3A_1031 : vector<1x16xi32> to vector<16xi32>
      %swap3A_1033 = vector.shape_cast %add3A_1027 : vector<16xi32> to vector<1x16xi32>
      tpu.vector_store %arg10[%swap3A_1029, %swap3A_1030], %swap3A_1033 {strides = array<i32>} : memref<8x128xi32, #tpu.memory_space<vmem>>, vector<1x16xi32>,
      %get3A_1034 = arith.constant 6 : i32
      %get3A_1035 = arith.index_cast %get3A_1034 : i32 to index
      %get3A_1036 = arith.constant 64 : index
      %get3A_1037 = tpu.vector_load %arg10[%get3A_1035, %get3A_1036] {strides = array<i32>} : memref<8x128xi32, #tpu.memory_space<vmem>>, vector<1x16xi32>,
      %get3A_1038 = vector.shape_cast %get3A_1037 : vector<1x16xi32> to vector<16xi32>
      %add3A_1039 = vector.broadcast %mul3A_305 : i32 to vector<16xi32>
      %add3A_1040 = arith.addi %get3A_1038, %add3A_1039 : vector<16xi32>
      %swap3A_1041 = arith.constant 6 : i32
      %swap3A_1042 = arith.index_cast %swap3A_1041 : i32 to index
      %swap3A_1043 = arith.constant 64 : index
      %swap3A_1044 = tpu.vector_load %arg10[%swap3A_1042, %swap3A_1043] {strides = array<i32>} : memref<8x128xi32, #tpu.memory_space<vmem>>, vector<1x16xi32>,
      %swap3A_1045 = vector.shape_cast %swap3A_1044 : vector<1x16xi32> to vector<16xi32>
      %swap3A_1046 = vector.shape_cast %add3A_1040 : vector<16xi32> to vector<1x16xi32>
      tpu.vector_store %arg10[%swap3A_1042, %swap3A_1043], %swap3A_1046 {strides = array<i32>} : memref<8x128xi32, #tpu.memory_space<vmem>>, vector<1x16xi32>,
      %get3A_1047 = arith.constant 6 : i32
      %get3A_1048 = arith.index_cast %get3A_1047 : i32 to index
      %get3A_1049 = arith.constant 80 : index
      %get3A_1050 = tpu.vector_load %arg10[%get3A_1048, %get3A_1049] {strides = array<i32>} : memref<8x128xi32, #tpu.memory_space<vmem>>, vector<1x16xi32>,
      %get3A_1051 = vector.shape_cast %get3A_1050 : vector<1x16xi32> to vector<16xi32>
      %add3A_1052 = vector.broadcast %mul3A_305 : i32 to vector<16xi32>
      %add3A_1053 = arith.addi %get3A_1051, %add3A_1052 : vector<16xi32>
      %swap3A_1054 = arith.constant 6 : i32
      %swap3A_1055 = arith.index_cast %swap3A_1054 : i32 to index
      %swap3A_1056 = arith.constant 80 : index
      %swap3A_1057 = tpu.vector_load %arg10[%swap3A_1055, %swap3A_1056] {strides = array<i32>} : memref<8x128xi32, #tpu.memory_space<vmem>>, vector<1x16xi32>,
      %swap3A_1058 = vector.shape_cast %swap3A_1057 : vector<1x16xi32> to vector<16xi32>
      %swap3A_1059 = vector.shape_cast %add3A_1053 : vector<16xi32> to vector<1x16xi32>
      tpu.vector_store %arg10[%swap3A_1055, %swap3A_1056], %swap3A_1059 {strides = array<i32>} : memref<8x128xi32, #tpu.memory_space<vmem>>, vector<1x16xi32>,
      %get3A_1060 = arith.constant 6 : i32
      %get3A_1061 = arith.index_cast %get3A_1060 : i32 to index
      %get3A_1062 = arith.constant 96 : index
      %get3A_1063 = tpu.vector_load %arg10[%get3A_1061, %get3A_1062] {strides = array<i32>} : memref<8x128xi32, #tpu.memory_space<vmem>>, vector<1x16xi32>,
      %get3A_1064 = vector.shape_cast %get3A_1063 : vector<1x16xi32> to vector<16xi32>
      %add3A_1065 = vector.broadcast %mul3A_305 : i32 to vector<16xi32>
      %add3A_1066 = arith.addi %get3A_1064, %add3A_1065 : vector<16xi32>
      %swap3A_1067 = arith.constant 6 : i32
      %swap3A_1068 = arith.index_cast %swap3A_1067 : i32 to index
      %swap3A_1069 = arith.constant 96 : index
      %swap3A_1070 = tpu.vector_load %arg10[%swap3A_1068, %swap3A_1069] {strides = array<i32>} : memref<8x128xi32, #tpu.memory_space<vmem>>, vector<1x16xi32>,
      %swap3A_1071 = vector.shape_cast %swap3A_1070 : vector<1x16xi32> to vector<16xi32>
      %swap3A_1072 = vector.shape_cast %add3A_1066 : vector<16xi32> to vector<1x16xi32>
      tpu.vector_store %arg10[%swap3A_1068, %swap3A_1069], %swap3A_1072 {strides = array<i32>} : memref<8x128xi32, #tpu.memory_space<vmem>>, vector<1x16xi32>,
      %get3A_1073 = arith.constant 6 : i32
      %get3A_1074 = arith.index_cast %get3A_1073 : i32 to index
      %get3A_1075 = arith.constant 112 : index
      %get3A_1076 = tpu.vector_load %arg10[%get3A_1074, %get3A_1075] {strides = array<i32>} : memref<8x128xi32, #tpu.memory_space<vmem>>, vector<1x16xi32>,
      %get3A_1077 = vector.shape_cast %get3A_1076 : vector<1x16xi32> to vector<16xi32>
      %add3A_1078 = vector.broadcast %mul3A_305 : i32 to vector<16xi32>
      %add3A_1079 = arith.addi %get3A_1077, %add3A_1078 : vector<16xi32>
      %swap3A_1080 = arith.constant 6 : i32
      %swap3A_1081 = arith.index_cast %swap3A_1080 : i32 to index
      %swap3A_1082 = arith.constant 112 : index
      %swap3A_1083 = tpu.vector_load %arg10[%swap3A_1081, %swap3A_1082] {strides = array<i32>} : memref<8x128xi32, #tpu.memory_space<vmem>>, vector<1x16xi32>,
      %swap3A_1084 = vector.shape_cast %swap3A_1083 : vector<1x16xi32> to vector<16xi32>
      %swap3A_1085 = vector.shape_cast %add3A_1079 : vector<16xi32> to vector<1x16xi32>
      tpu.vector_store %arg10[%swap3A_1081, %swap3A_1082], %swap3A_1085 {strides = array<i32>} : memref<8x128xi32, #tpu.memory_space<vmem>>, vector<1x16xi32>,
      %get3A_1086 = arith.constant 7 : i32
      %get3A_1087 = arith.index_cast %get3A_1086 : i32 to index
      %get3A_1088 = arith.constant 0 : index
      %get3A_1089 = tpu.vector_load %arg10[%get3A_1087, %get3A_1088] {strides = array<i32>} : memref<8x128xi32, #tpu.memory_space<vmem>>, vector<1x16xi32>,
      %get3A_1090 = vector.shape_cast %get3A_1089 : vector<1x16xi32> to vector<16xi32>
      %add3A_1091 = vector.broadcast %mul3A_305 : i32 to vector<16xi32>
      %add3A_1092 = arith.addi %get3A_1090, %add3A_1091 : vector<16xi32>
      %swap3A_1093 = arith.constant 7 : i32
      %swap3A_1094 = arith.index_cast %swap3A_1093 : i32 to index
      %swap3A_1095 = arith.constant 0 : index
      %swap3A_1096 = tpu.vector_load %arg10[%swap3A_1094, %swap3A_1095] {strides = array<i32>} : memref<8x128xi32, #tpu.memory_space<vmem>>, vector<1x16xi32>,
      %swap3A_1097 = vector.shape_cast %swap3A_1096 : vector<1x16xi32> to vector<16xi32>
      %swap3A_1098 = vector.shape_cast %add3A_1092 : vector<16xi32> to vector<1x16xi32>
      tpu.vector_store %arg10[%swap3A_1094, %swap3A_1095], %swap3A_1098 {strides = array<i32>} : memref<8x128xi32, #tpu.memory_space<vmem>>, vector<1x16xi32>,
      %get3A_1099 = arith.constant 7 : i32
      %get3A_1100 = arith.index_cast %get3A_1099 : i32 to index
      %get3A_1101 = arith.constant 16 : index
      %get3A_1102 = tpu.vector_load %arg10[%get3A_1100, %get3A_1101] {strides = array<i32>} : memref<8x128xi32, #tpu.memory_space<vmem>>, vector<1x16xi32>,
      %get3A_1103 = vector.shape_cast %get3A_1102 : vector<1x16xi32> to vector<16xi32>
      %add3A_1104 = vector.broadcast %mul3A_305 : i32 to vector<16xi32>
      %add3A_1105 = arith.addi %get3A_1103, %add3A_1104 : vector<16xi32>
      %swap3A_1106 = arith.constant 7 : i32
      %swap3A_1107 = arith.index_cast %swap3A_1106 : i32 to index
      %swap3A_1108 = arith.constant 16 : index
      %swap3A_1109 = tpu.vector_load %arg10[%swap3A_1107, %swap3A_1108] {strides = array<i32>} : memref<8x128xi32, #tpu.memory_space<vmem>>, vector<1x16xi32>,
      %swap3A_1110 = vector.shape_cast %swap3A_1109 : vector<1x16xi32> to vector<16xi32>
      %swap3A_1111 = vector.shape_cast %add3A_1105 : vector<16xi32> to vector<1x16xi32>
      tpu.vector_store %arg10[%swap3A_1107, %swap3A_1108], %swap3A_1111 {strides = array<i32>} : memref<8x128xi32, #tpu.memory_space<vmem>>, vector<1x16xi32>,
      %get3A_1112 = arith.constant 7 : i32
      %get3A_1113 = arith.index_cast %get3A_1112 : i32 to index
      %get3A_1114 = arith.constant 32 : index
      %get3A_1115 = tpu.vector_load %arg10[%get3A_1113, %get3A_1114] {strides = array<i32>} : memref<8x128xi32, #tpu.memory_space<vmem>>, vector<1x16xi32>,
      %get3A_1116 = vector.shape_cast %get3A_1115 : vector<1x16xi32> to vector<16xi32>
      %add3A_1117 = vector.broadcast %mul3A_305 : i32 to vector<16xi32>
      %add3A_1118 = arith.addi %get3A_1116, %add3A_1117 : vector<16xi32>
      %swap3A_1119 = arith.constant 7 : i32
      %swap3A_1120 = arith.index_cast %swap3A_1119 : i32 to index
      %swap3A_1121 = arith.constant 32 : index
      %swap3A_1122 = tpu.vector_load %arg10[%swap3A_1120, %swap3A_1121] {strides = array<i32>} : memref<8x128xi32, #tpu.memory_space<vmem>>, vector<1x16xi32>,
      %swap3A_1123 = vector.shape_cast %swap3A_1122 : vector<1x16xi32> to vector<16xi32>
      %swap3A_1124 = vector.shape_cast %add3A_1118 : vector<16xi32> to vector<1x16xi32>
      tpu.vector_store %arg10[%swap3A_1120, %swap3A_1121], %swap3A_1124 {strides = array<i32>} : memref<8x128xi32, #tpu.memory_space<vmem>>, vector<1x16xi32>,
      %get3A_1125 = arith.constant 7 : i32
      %get3A_1126 = arith.index_cast %get3A_1125 : i32 to index
      %get3A_1127 = arith.constant 48 : index
      %get3A_1128 = tpu.vector_load %arg10[%get3A_1126, %get3A_1127] {strides = array<i32>} : memref<8x128xi32, #tpu.memory_space<vmem>>, vector<1x16xi32>,
      %get3A_1129 = vector.shape_cast %get3A_1128 : vector<1x16xi32> to vector<16xi32>
      %add3A_1130 = vector.broadcast %mul3A_305 : i32 to vector<16xi32>
      %add3A_1131 = arith.addi %get3A_1129, %add3A_1130 : vector<16xi32>
      %swap3A_1132 = arith.constant 7 : i32
      %swap3A_1133 = arith.index_cast %swap3A_1132 : i32 to index
      %swap3A_1134 = arith.constant 48 : index
      %swap3A_1135 = tpu.vector_load %arg10[%swap3A_1133, %swap3A_1134] {strides = array<i32>} : memref<8x128xi32, #tpu.memory_space<vmem>>, vector<1x16xi32>,
      %swap3A_1136 = vector.shape_cast %swap3A_1135 : vector<1x16xi32> to vector<16xi32>
      %swap3A_1137 = vector.shape_cast %add3A_1131 : vector<16xi32> to vector<1x16xi32>
      tpu.vector_store %arg10[%swap3A_1133, %swap3A_1134], %swap3A_1137 {strides = array<i32>} : memref<8x128xi32, #tpu.memory_space<vmem>>, vector<1x16xi32>,
      %get3A_1138 = arith.constant 7 : i32
      %get3A_1139 = arith.index_cast %get3A_1138 : i32 to index
      %get3A_1140 = arith.constant 64 : index
      %get3A_1141 = tpu.vector_load %arg10[%get3A_1139, %get3A_1140] {strides = array<i32>} : memref<8x128xi32, #tpu.memory_space<vmem>>, vector<1x16xi32>,
      %get3A_1142 = vector.shape_cast %get3A_1141 : vector<1x16xi32> to vector<16xi32>
      %add3A_1143 = vector.broadcast %mul3A_305 : i32 to vector<16xi32>
      %add3A_1144 = arith.addi %get3A_1142, %add3A_1143 : vector<16xi32>
      %swap3A_1145 = arith.constant 7 : i32
      %swap3A_1146 = arith.index_cast %swap3A_1145 : i32 to index
      %swap3A_1147 = arith.constant 64 : index
      %swap3A_1148 = tpu.vector_load %arg10[%swap3A_1146, %swap3A_1147] {strides = array<i32>} : memref<8x128xi32, #tpu.memory_space<vmem>>, vector<1x16xi32>,
      %swap3A_1149 = vector.shape_cast %swap3A_1148 : vector<1x16xi32> to vector<16xi32>
      %swap3A_1150 = vector.shape_cast %add3A_1144 : vector<16xi32> to vector<1x16xi32>
      tpu.vector_store %arg10[%swap3A_1146, %swap3A_1147], %swap3A_1150 {strides = array<i32>} : memref<8x128xi32, #tpu.memory_space<vmem>>, vector<1x16xi32>,
      %get3A_1151 = arith.constant 7 : i32
      %get3A_1152 = arith.index_cast %get3A_1151 : i32 to index
      %get3A_1153 = arith.constant 80 : index
      %get3A_1154 = tpu.vector_load %arg10[%get3A_1152, %get3A_1153] {strides = array<i32>} : memref<8x128xi32, #tpu.memory_space<vmem>>, vector<1x16xi32>,
      %get3A_1155 = vector.shape_cast %get3A_1154 : vector<1x16xi32> to vector<16xi32>
      %add3A_1156 = vector.broadcast %mul3A_305 : i32 to vector<16xi32>
      %add3A_1157 = arith.addi %get3A_1155, %add3A_1156 : vector<16xi32>
      %swap3A_1158 = arith.constant 7 : i32
      %swap3A_1159 = arith.index_cast %swap3A_1158 : i32 to index
      %swap3A_1160 = arith.constant 80 : index
      %swap3A_1161 = tpu.vector_load %arg10[%swap3A_1159, %swap3A_1160] {strides = array<i32>} : memref<8x128xi32, #tpu.memory_space<vmem>>, vector<1x16xi32>,
      %swap3A_1162 = vector.shape_cast %swap3A_1161 : vector<1x16xi32> to vector<16xi32>
      %swap3A_1163 = vector.shape_cast %add3A_1157 : vector<16xi32> to vector<1x16xi32>
      tpu.vector_store %arg10[%swap3A_1159, %swap3A_1160], %swap3A_1163 {strides = array<i32>} : memref<8x128xi32, #tpu.memory_space<vmem>>, vector<1x16xi32>,
      %get3A_1164 = arith.constant 7 : i32
      %get3A_1165 = arith.index_cast %get3A_1164 : i32 to index
      %get3A_1166 = arith.constant 96 : index
      %get3A_1167 = tpu.vector_load %arg10[%get3A_1165, %get3A_1166] {strides = array<i32>} : memref<8x128xi32, #tpu.memory_space<vmem>>, vector<1x16xi32>,
      %get3A_1168 = vector.shape_cast %get3A_1167 : vector<1x16xi32> to vector<16xi32>
      %add3A_1169 = vector.broadcast %mul3A_305 : i32 to vector<16xi32>
      %add3A_1170 = arith.addi %get3A_1168, %add3A_1169 : vector<16xi32>
      %swap3A_1171 = arith.constant 7 : i32
      %swap3A_1172 = arith.index_cast %swap3A_1171 : i32 to index
      %swap3A_1173 = arith.constant 96 : index
      %swap3A_1174 = tpu.vector_load %arg10[%swap3A_1172, %swap3A_1173] {strides = array<i32>} : memref<8x128xi32, #tpu.memory_space<vmem>>, vector<1x16xi32>,
      %swap3A_1175 = vector.shape_cast %swap3A_1174 : vector<1x16xi32> to vector<16xi32>
      %swap3A_1176 = vector.shape_cast %add3A_1170 : vector<16xi32> to vector<1x16xi32>
      tpu.vector_store %arg10[%swap3A_1172, %swap3A_1173], %swap3A_1176 {strides = array<i32>} : memref<8x128xi32, #tpu.memory_space<vmem>>, vector<1x16xi32>,
      %get3A_1177 = arith.constant 7 : i32
      %get3A_1178 = arith.index_cast %get3A_1177 : i32 to index
      %get3A_1179 = arith.constant 112 : index
      %get3A_1180 = tpu.vector_load %arg10[%get3A_1178, %get3A_1179] {strides = array<i32>} : memref<8x128xi32, #tpu.memory_space<vmem>>, vector<1x16xi32>,
      %get3A_1181 = vector.shape_cast %get3A_1180 : vector<1x16xi32> to vector<16xi32>
      %add3A_1182 = vector.broadcast %mul3A_305 : i32 to vector<16xi32>
      %add3A_1183 = arith.addi %get3A_1181, %add3A_1182 : vector<16xi32>
      %swap3A_1184 = arith.constant 7 : i32
      %swap3A_1185 = arith.index_cast %swap3A_1184 : i32 to index
      %swap3A_1186 = arith.constant 112 : index
      %swap3A_1187 = tpu.vector_load %arg10[%swap3A_1185, %swap3A_1186] {strides = array<i32>} : memref<8x128xi32, #tpu.memory_space<vmem>>, vector<1x16xi32>,
      %swap3A_1188 = vector.shape_cast %swap3A_1187 : vector<1x16xi32> to vector<16xi32>
      %swap3A_1189 = vector.shape_cast %add3A_1183 : vector<16xi32> to vector<1x16xi32>
      tpu.vector_store %arg10[%swap3A_1185, %swap3A_1186], %swap3A_1189 {strides = array<i32>} : memref<8x128xi32, #tpu.memory_space<vmem>>, vector<1x16xi32>,
      %dma_start3A = arith.constant 0 : i32
      %dma_start3A_1190 = arith.constant 0 : i32
      %dma_start3A_1191 = tpu.memref_slice %arg10[%dma_start3A, %dma_start3A_1190] : memref<8x128xi32, #tpu.memory_space<vmem>> -> memref<1x128xi32, #tpu.memory_space<vmem>>
      %dma_start3A_1192 = tpu.memref_squeeze %dma_start3A_1191 : memref<1x128xi32, #tpu.memory_space<vmem>> -> memref<128xi32, #tpu.memory_space<vmem>>
      %dma_start3A_1193 = arith.constant 0 : i32
      %dma_start3A_1194 = arith.constant 0 : i32
      %dma_start3A_1195 = tpu.memref_slice %arg2[%dma_start3A_1193, %dma_start3A_1194] : memref<40000x128xf32, #tpu.memory_space<hbm>> -> memref<40000x128xf32, #tpu.memory_space<hbm>>
      tpu.enqueue_indirect_dma source(%dma_start3A_1195 : memref<40000x128xf32, #tpu.memory_space<hbm>>) target(%arg12 : memref<128x128xf32, #tpu.memory_space<vmem>>) offsets(%dma_start3A_1192 : memref<128xi32, #tpu.memory_space<vmem>>) semaphore(%arg20 : memref<!tpu.dma_semaphore, #tpu.memory_space<semaphore_mem>>)
      %dma_start3A_1196 = arith.constant 1 : i32
      %dma_start3A_1197 = arith.constant 0 : i32
      %dma_start3A_1198 = tpu.memref_slice %arg10[%dma_start3A_1196, %dma_start3A_1197] : memref<8x128xi32, #tpu.memory_space<vmem>> -> memref<1x128xi32, #tpu.memory_space<vmem>>
      %dma_start3A_1199 = tpu.memref_squeeze %dma_start3A_1198 : memref<1x128xi32, #tpu.memory_space<vmem>> -> memref<128xi32, #tpu.memory_space<vmem>>
      %dma_start3A_1200 = arith.constant 0 : i32
      %dma_start3A_1201 = arith.constant 0 : i32
      %dma_start3A_1202 = tpu.memref_slice %arg2[%dma_start3A_1200, %dma_start3A_1201] : memref<40000x128xf32, #tpu.memory_space<hbm>> -> memref<40000x128xf32, #tpu.memory_space<hbm>>
      tpu.enqueue_indirect_dma source(%dma_start3A_1202 : memref<40000x128xf32, #tpu.memory_space<hbm>>) target(%arg13 : memref<128x128xf32, #tpu.memory_space<vmem>>) offsets(%dma_start3A_1199 : memref<128xi32, #tpu.memory_space<vmem>>) semaphore(%arg21 : memref<!tpu.dma_semaphore, #tpu.memory_space<semaphore_mem>>)
      %dma_wait3A = arith.constant 0 : i32
      %dma_wait3A_1203 = arith.constant 0 : i32
      %dma_wait3A_1204 = tpu.memref_slice %arg10[%dma_wait3A, %dma_wait3A_1203] : memref<8x128xi32, #tpu.memory_space<vmem>> -> memref<1x128xi32, #tpu.memory_space<vmem>>
      %dma_wait3A_1205 = tpu.memref_squeeze %dma_wait3A_1204 : memref<1x128xi32, #tpu.memory_space<vmem>> -> memref<128xi32, #tpu.memory_space<vmem>>
      %dma_wait3A_1206 = arith.constant 0 : i32
      %dma_wait3A_1207 = arith.constant 0 : i32
      %dma_wait3A_1208 = tpu.memref_slice %arg2[%dma_wait3A_1206, %dma_wait3A_1207] : memref<40000x128xf32, #tpu.memory_space<hbm>> -> memref<40000x128xf32, #tpu.memory_space<hbm>>
      tpu.wait_indirect_dma semaphore(%arg20 : memref<!tpu.dma_semaphore, #tpu.memory_space<semaphore_mem>>) src(%dma_wait3A_1208 : memref<40000x128xf32, #tpu.memory_space<hbm>>) dst(%arg12 : memref<128x128xf32, #tpu.memory_space<vmem>>)
      %run_scoped3A_1209 = arith.constant 0 : i32
      "tpu.region"() ({
        %run_scoped3A_1308 = tpu.sem_alloc : memref<!tpu.dma_semaphore, #tpu.memory_space<semaphore_mem>>
        %dma_start3A_1309 = arith.constant 0 : i32
        %dma_start3A_1310 = tpu.memref_slice %arg11[%run_scoped3A_1209, %dma_start3A_1309] : memref<8x128xi32, #tpu.memory_space<vmem>> -> memref<1x128xi32, #tpu.memory_space<vmem>>
        %dma_start3A_1311 = tpu.memref_squeeze %dma_start3A_1310 : memref<1x128xi32, #tpu.memory_space<vmem>> -> memref<128xi32, #tpu.memory_space<vmem>>
        %dma_start3A_1312 = arith.constant 0 : i32
        %dma_start3A_1313 = arith.constant 0 : i32
        %dma_start3A_1314 = tpu.memref_slice %arg18[%dma_start3A_1312, %dma_start3A_1313] : memref<10240x128xf32, #tpu.memory_space<vmem_shared>> -> memref<10240x128xf32, #tpu.memory_space<vmem_shared>>
        tpu.enqueue_indirect_dma source(%arg12 : memref<128x128xf32, #tpu.memory_space<vmem>>) target(%dma_start3A_1314 : memref<10240x128xf32, #tpu.memory_space<vmem_shared>>) offsets(%dma_start3A_1311 : memref<128xi32, #tpu.memory_space<vmem>>) semaphore(%run_scoped3A_1308 : memref<!tpu.dma_semaphore, #tpu.memory_space<semaphore_mem>>) {add = true}
        %dma_wait3A_1315 = arith.constant 0 : i32
        %dma_wait3A_1316 = tpu.memref_slice %arg11[%run_scoped3A_1209, %dma_wait3A_1315] : memref<8x128xi32, #tpu.memory_space<vmem>> -> memref<1x128xi32, #tpu.memory_space<vmem>>
        %dma_wait3A_1317 = tpu.memref_squeeze %dma_wait3A_1316 : memref<1x128xi32, #tpu.memory_space<vmem>> -> memref<128xi32, #tpu.memory_space<vmem>>
        %dma_wait3A_1318 = arith.constant 0 : i32
        %dma_wait3A_1319 = arith.constant 0 : i32
        %dma_wait3A_1320 = tpu.memref_slice %arg18[%dma_wait3A_1318, %dma_wait3A_1319] : memref<10240x128xf32, #tpu.memory_space<vmem_shared>> -> memref<10240x128xf32, #tpu.memory_space<vmem_shared>>
        tpu.wait_indirect_dma semaphore(%run_scoped3A_1308 : memref<!tpu.dma_semaphore, #tpu.memory_space<semaphore_mem>>) src(%arg12 : memref<128x128xf32, #tpu.memory_space<vmem>>) dst(%dma_wait3A_1320 : memref<10240x128xf32, #tpu.memory_space<vmem_shared>>)
        tpu.yield
      }) : () -> ()
      %dma_start3A_1210 = arith.constant 2 : i32
      %dma_start3A_1211 = arith.constant 0 : i32
      %dma_start3A_1212 = tpu.memref_slice %arg10[%dma_start3A_1210, %dma_start3A_1211] : memref<8x128xi32, #tpu.memory_space<vmem>> -> memref<1x128xi32, #tpu.memory_space<vmem>>
      %dma_start3A_1213 = tpu.memref_squeeze %dma_start3A_1212 : memref<1x128xi32, #tpu.memory_space<vmem>> -> memref<128xi32, #tpu.memory_space<vmem>>
      %dma_start3A_1214 = arith.constant 0 : i32
      %dma_start3A_1215 = arith.constant 0 : i32
      %dma_start3A_1216 = tpu.memref_slice %arg2[%dma_start3A_1214, %dma_start3A_1215] : memref<40000x128xf32, #tpu.memory_space<hbm>> -> memref<40000x128xf32, #tpu.memory_space<hbm>>
      tpu.enqueue_indirect_dma source(%dma_start3A_1216 : memref<40000x128xf32, #tpu.memory_space<hbm>>) target(%arg12 : memref<128x128xf32, #tpu.memory_space<vmem>>) offsets(%dma_start3A_1213 : memref<128xi32, #tpu.memory_space<vmem>>) semaphore(%arg20 : memref<!tpu.dma_semaphore, #tpu.memory_space<semaphore_mem>>)
      %dma_wait3A_1217 = arith.constant 1 : i32
      %dma_wait3A_1218 = arith.constant 0 : i32
      %dma_wait3A_1219 = tpu.memref_slice %arg10[%dma_wait3A_1217, %dma_wait3A_1218] : memref<8x128xi32, #tpu.memory_space<vmem>> -> memref<1x128xi32, #tpu.memory_space<vmem>>
      %dma_wait3A_1220 = tpu.memref_squeeze %dma_wait3A_1219 : memref<1x128xi32, #tpu.memory_space<vmem>> -> memref<128xi32, #tpu.memory_space<vmem>>
      %dma_wait3A_1221 = arith.constant 0 : i32
      %dma_wait3A_1222 = arith.constant 0 : i32
      %dma_wait3A_1223 = tpu.memref_slice %arg2[%dma_wait3A_1221, %dma_wait3A_1222] : memref<40000x128xf32, #tpu.memory_space<hbm>> -> memref<40000x128xf32, #tpu.memory_space<hbm>>
      tpu.wait_indirect_dma semaphore(%arg21 : memref<!tpu.dma_semaphore, #tpu.memory_space<semaphore_mem>>) src(%dma_wait3A_1223 : memref<40000x128xf32, #tpu.memory_space<hbm>>) dst(%arg13 : memref<128x128xf32, #tpu.memory_space<vmem>>)
      %run_scoped3A_1224 = arith.constant 1 : i32
      "tpu.region"() ({
        %run_scoped3A_1308 = tpu.sem_alloc : memref<!tpu.dma_semaphore, #tpu.memory_space<semaphore_mem>>
        %dma_start3A_1309 = arith.constant 0 : i32
        %dma_start3A_1310 = tpu.memref_slice %arg11[%run_scoped3A_1224, %dma_start3A_1309] : memref<8x128xi32, #tpu.memory_space<vmem>> -> memref<1x128xi32, #tpu.memory_space<vmem>>
        %dma_start3A_1311 = tpu.memref_squeeze %dma_start3A_1310 : memref<1x128xi32, #tpu.memory_space<vmem>> -> memref<128xi32, #tpu.memory_space<vmem>>
        %dma_start3A_1312 = arith.constant 0 : i32
        %dma_start3A_1313 = arith.constant 0 : i32
        %dma_start3A_1314 = tpu.memref_slice %arg18[%dma_start3A_1312, %dma_start3A_1313] : memref<10240x128xf32, #tpu.memory_space<vmem_shared>> -> memref<10240x128xf32, #tpu.memory_space<vmem_shared>>
        tpu.enqueue_indirect_dma source(%arg13 : memref<128x128xf32, #tpu.memory_space<vmem>>) target(%dma_start3A_1314 : memref<10240x128xf32, #tpu.memory_space<vmem_shared>>) offsets(%dma_start3A_1311 : memref<128xi32, #tpu.memory_space<vmem>>) semaphore(%run_scoped3A_1308 : memref<!tpu.dma_semaphore, #tpu.memory_space<semaphore_mem>>) {add = true}
        %dma_wait3A_1315 = arith.constant 0 : i32
        %dma_wait3A_1316 = tpu.memref_slice %arg11[%run_scoped3A_1224, %dma_wait3A_1315] : memref<8x128xi32, #tpu.memory_space<vmem>> -> memref<1x128xi32, #tpu.memory_space<vmem>>
        %dma_wait3A_1317 = tpu.memref_squeeze %dma_wait3A_1316 : memref<1x128xi32, #tpu.memory_space<vmem>> -> memref<128xi32, #tpu.memory_space<vmem>>
        %dma_wait3A_1318 = arith.constant 0 : i32
        %dma_wait3A_1319 = arith.constant 0 : i32
        %dma_wait3A_1320 = tpu.memref_slice %arg18[%dma_wait3A_1318, %dma_wait3A_1319] : memref<10240x128xf32, #tpu.memory_space<vmem_shared>> -> memref<10240x128xf32, #tpu.memory_space<vmem_shared>>
        tpu.wait_indirect_dma semaphore(%run_scoped3A_1308 : memref<!tpu.dma_semaphore, #tpu.memory_space<semaphore_mem>>) src(%arg13 : memref<128x128xf32, #tpu.memory_space<vmem>>) dst(%dma_wait3A_1320 : memref<10240x128xf32, #tpu.memory_space<vmem_shared>>)
        tpu.yield
      }) : () -> ()
      %dma_start3A_1225 = arith.constant 3 : i32
      %dma_start3A_1226 = arith.constant 0 : i32
      %dma_start3A_1227 = tpu.memref_slice %arg10[%dma_start3A_1225, %dma_start3A_1226] : memref<8x128xi32, #tpu.memory_space<vmem>> -> memref<1x128xi32, #tpu.memory_space<vmem>>
      %dma_start3A_1228 = tpu.memref_squeeze %dma_start3A_1227 : memref<1x128xi32, #tpu.memory_space<vmem>> -> memref<128xi32, #tpu.memory_space<vmem>>
      %dma_start3A_1229 = arith.constant 0 : i32
      %dma_start3A_1230 = arith.constant 0 : i32
      %dma_start3A_1231 = tpu.memref_slice %arg2[%dma_start3A_1229, %dma_start3A_1230] : memref<40000x128xf32, #tpu.memory_space<hbm>> -> memref<40000x128xf32, #tpu.memory_space<hbm>>
      tpu.enqueue_indirect_dma source(%dma_start3A_1231 : memref<40000x128xf32, #tpu.memory_space<hbm>>) target(%arg13 : memref<128x128xf32, #tpu.memory_space<vmem>>) offsets(%dma_start3A_1228 : memref<128xi32, #tpu.memory_space<vmem>>) semaphore(%arg21 : memref<!tpu.dma_semaphore, #tpu.memory_space<semaphore_mem>>)
      %dma_wait3A_1232 = arith.constant 2 : i32
      %dma_wait3A_1233 = arith.constant 0 : i32
      %dma_wait3A_1234 = tpu.memref_slice %arg10[%dma_wait3A_1232, %dma_wait3A_1233] : memref<8x128xi32, #tpu.memory_space<vmem>> -> memref<1x128xi32, #tpu.memory_space<vmem>>
      %dma_wait3A_1235 = tpu.memref_squeeze %dma_wait3A_1234 : memref<1x128xi32, #tpu.memory_space<vmem>> -> memref<128xi32, #tpu.memory_space<vmem>>
      %dma_wait3A_1236 = arith.constant 0 : i32
      %dma_wait3A_1237 = arith.constant 0 : i32
      %dma_wait3A_1238 = tpu.memref_slice %arg2[%dma_wait3A_1236, %dma_wait3A_1237] : memref<40000x128xf32, #tpu.memory_space<hbm>> -> memref<40000x128xf32, #tpu.memory_space<hbm>>
      tpu.wait_indirect_dma semaphore(%arg20 : memref<!tpu.dma_semaphore, #tpu.memory_space<semaphore_mem>>) src(%dma_wait3A_1238 : memref<40000x128xf32, #tpu.memory_space<hbm>>) dst(%arg12 : memref<128x128xf32, #tpu.memory_space<vmem>>)
      %run_scoped3A_1239 = arith.constant 2 : i32
      "tpu.region"() ({
        %run_scoped3A_1308 = tpu.sem_alloc : memref<!tpu.dma_semaphore, #tpu.memory_space<semaphore_mem>>
        %dma_start3A_1309 = arith.constant 0 : i32
        %dma_start3A_1310 = tpu.memref_slice %arg11[%run_scoped3A_1239, %dma_start3A_1309] : memref<8x128xi32, #tpu.memory_space<vmem>> -> memref<1x128xi32, #tpu.memory_space<vmem>>
        %dma_start3A_1311 = tpu.memref_squeeze %dma_start3A_1310 : memref<1x128xi32, #tpu.memory_space<vmem>> -> memref<128xi32, #tpu.memory_space<vmem>>
        %dma_start3A_1312 = arith.constant 0 : i32
        %dma_start3A_1313 = arith.constant 0 : i32
        %dma_start3A_1314 = tpu.memref_slice %arg18[%dma_start3A_1312, %dma_start3A_1313] : memref<10240x128xf32, #tpu.memory_space<vmem_shared>> -> memref<10240x128xf32, #tpu.memory_space<vmem_shared>>
        tpu.enqueue_indirect_dma source(%arg12 : memref<128x128xf32, #tpu.memory_space<vmem>>) target(%dma_start3A_1314 : memref<10240x128xf32, #tpu.memory_space<vmem_shared>>) offsets(%dma_start3A_1311 : memref<128xi32, #tpu.memory_space<vmem>>) semaphore(%run_scoped3A_1308 : memref<!tpu.dma_semaphore, #tpu.memory_space<semaphore_mem>>) {add = true}
        %dma_wait3A_1315 = arith.constant 0 : i32
        %dma_wait3A_1316 = tpu.memref_slice %arg11[%run_scoped3A_1239, %dma_wait3A_1315] : memref<8x128xi32, #tpu.memory_space<vmem>> -> memref<1x128xi32, #tpu.memory_space<vmem>>
        %dma_wait3A_1317 = tpu.memref_squeeze %dma_wait3A_1316 : memref<1x128xi32, #tpu.memory_space<vmem>> -> memref<128xi32, #tpu.memory_space<vmem>>
        %dma_wait3A_1318 = arith.constant 0 : i32
        %dma_wait3A_1319 = arith.constant 0 : i32
        %dma_wait3A_1320 = tpu.memref_slice %arg18[%dma_wait3A_1318, %dma_wait3A_1319] : memref<10240x128xf32, #tpu.memory_space<vmem_shared>> -> memref<10240x128xf32, #tpu.memory_space<vmem_shared>>
        tpu.wait_indirect_dma semaphore(%run_scoped3A_1308 : memref<!tpu.dma_semaphore, #tpu.memory_space<semaphore_mem>>) src(%arg12 : memref<128x128xf32, #tpu.memory_space<vmem>>) dst(%dma_wait3A_1320 : memref<10240x128xf32, #tpu.memory_space<vmem_shared>>)
        tpu.yield
      }) : () -> ()
      %dma_start3A_1240 = arith.constant 4 : i32
      %dma_start3A_1241 = arith.constant 0 : i32
      %dma_start3A_1242 = tpu.memref_slice %arg10[%dma_start3A_1240, %dma_start3A_1241] : memref<8x128xi32, #tpu.memory_space<vmem>> -> memref<1x128xi32, #tpu.memory_space<vmem>>
      %dma_start3A_1243 = tpu.memref_squeeze %dma_start3A_1242 : memref<1x128xi32, #tpu.memory_space<vmem>> -> memref<128xi32, #tpu.memory_space<vmem>>
      %dma_start3A_1244 = arith.constant 0 : i32
      %dma_start3A_1245 = arith.constant 0 : i32
      %dma_start3A_1246 = tpu.memref_slice %arg2[%dma_start3A_1244, %dma_start3A_1245] : memref<40000x128xf32, #tpu.memory_space<hbm>> -> memref<40000x128xf32, #tpu.memory_space<hbm>>
      tpu.enqueue_indirect_dma source(%dma_start3A_1246 : memref<40000x128xf32, #tpu.memory_space<hbm>>) target(%arg12 : memref<128x128xf32, #tpu.memory_space<vmem>>) offsets(%dma_start3A_1243 : memref<128xi32, #tpu.memory_space<vmem>>) semaphore(%arg20 : memref<!tpu.dma_semaphore, #tpu.memory_space<semaphore_mem>>)
      %dma_wait3A_1247 = arith.constant 3 : i32
      %dma_wait3A_1248 = arith.constant 0 : i32
      %dma_wait3A_1249 = tpu.memref_slice %arg10[%dma_wait3A_1247, %dma_wait3A_1248] : memref<8x128xi32, #tpu.memory_space<vmem>> -> memref<1x128xi32, #tpu.memory_space<vmem>>
      %dma_wait3A_1250 = tpu.memref_squeeze %dma_wait3A_1249 : memref<1x128xi32, #tpu.memory_space<vmem>> -> memref<128xi32, #tpu.memory_space<vmem>>
      %dma_wait3A_1251 = arith.constant 0 : i32
      %dma_wait3A_1252 = arith.constant 0 : i32
      %dma_wait3A_1253 = tpu.memref_slice %arg2[%dma_wait3A_1251, %dma_wait3A_1252] : memref<40000x128xf32, #tpu.memory_space<hbm>> -> memref<40000x128xf32, #tpu.memory_space<hbm>>
      tpu.wait_indirect_dma semaphore(%arg21 : memref<!tpu.dma_semaphore, #tpu.memory_space<semaphore_mem>>) src(%dma_wait3A_1253 : memref<40000x128xf32, #tpu.memory_space<hbm>>) dst(%arg13 : memref<128x128xf32, #tpu.memory_space<vmem>>)
      %run_scoped3A_1254 = arith.constant 3 : i32
      "tpu.region"() ({
        %run_scoped3A_1308 = tpu.sem_alloc : memref<!tpu.dma_semaphore, #tpu.memory_space<semaphore_mem>>
        %dma_start3A_1309 = arith.constant 0 : i32
        %dma_start3A_1310 = tpu.memref_slice %arg11[%run_scoped3A_1254, %dma_start3A_1309] : memref<8x128xi32, #tpu.memory_space<vmem>> -> memref<1x128xi32, #tpu.memory_space<vmem>>
        %dma_start3A_1311 = tpu.memref_squeeze %dma_start3A_1310 : memref<1x128xi32, #tpu.memory_space<vmem>> -> memref<128xi32, #tpu.memory_space<vmem>>
        %dma_start3A_1312 = arith.constant 0 : i32
        %dma_start3A_1313 = arith.constant 0 : i32
        %dma_start3A_1314 = tpu.memref_slice %arg18[%dma_start3A_1312, %dma_start3A_1313] : memref<10240x128xf32, #tpu.memory_space<vmem_shared>> -> memref<10240x128xf32, #tpu.memory_space<vmem_shared>>
        tpu.enqueue_indirect_dma source(%arg13 : memref<128x128xf32, #tpu.memory_space<vmem>>) target(%dma_start3A_1314 : memref<10240x128xf32, #tpu.memory_space<vmem_shared>>) offsets(%dma_start3A_1311 : memref<128xi32, #tpu.memory_space<vmem>>) semaphore(%run_scoped3A_1308 : memref<!tpu.dma_semaphore, #tpu.memory_space<semaphore_mem>>) {add = true}
        %dma_wait3A_1315 = arith.constant 0 : i32
        %dma_wait3A_1316 = tpu.memref_slice %arg11[%run_scoped3A_1254, %dma_wait3A_1315] : memref<8x128xi32, #tpu.memory_space<vmem>> -> memref<1x128xi32, #tpu.memory_space<vmem>>
        %dma_wait3A_1317 = tpu.memref_squeeze %dma_wait3A_1316 : memref<1x128xi32, #tpu.memory_space<vmem>> -> memref<128xi32, #tpu.memory_space<vmem>>
        %dma_wait3A_1318 = arith.constant 0 : i32
        %dma_wait3A_1319 = arith.constant 0 : i32
        %dma_wait3A_1320 = tpu.memref_slice %arg18[%dma_wait3A_1318, %dma_wait3A_1319] : memref<10240x128xf32, #tpu.memory_space<vmem_shared>> -> memref<10240x128xf32, #tpu.memory_space<vmem_shared>>
        tpu.wait_indirect_dma semaphore(%run_scoped3A_1308 : memref<!tpu.dma_semaphore, #tpu.memory_space<semaphore_mem>>) src(%arg13 : memref<128x128xf32, #tpu.memory_space<vmem>>) dst(%dma_wait3A_1320 : memref<10240x128xf32, #tpu.memory_space<vmem_shared>>)
        tpu.yield
      }) : () -> ()
      %dma_start3A_1255 = arith.constant 5 : i32
      %dma_start3A_1256 = arith.constant 0 : i32
      %dma_start3A_1257 = tpu.memref_slice %arg10[%dma_start3A_1255, %dma_start3A_1256] : memref<8x128xi32, #tpu.memory_space<vmem>> -> memref<1x128xi32, #tpu.memory_space<vmem>>
      %dma_start3A_1258 = tpu.memref_squeeze %dma_start3A_1257 : memref<1x128xi32, #tpu.memory_space<vmem>> -> memref<128xi32, #tpu.memory_space<vmem>>
      %dma_start3A_1259 = arith.constant 0 : i32
      %dma_start3A_1260 = arith.constant 0 : i32
      %dma_start3A_1261 = tpu.memref_slice %arg2[%dma_start3A_1259, %dma_start3A_1260] : memref<40000x128xf32, #tpu.memory_space<hbm>> -> memref<40000x128xf32, #tpu.memory_space<hbm>>
      tpu.enqueue_indirect_dma source(%dma_start3A_1261 : memref<40000x128xf32, #tpu.memory_space<hbm>>) target(%arg13 : memref<128x128xf32, #tpu.memory_space<vmem>>) offsets(%dma_start3A_1258 : memref<128xi32, #tpu.memory_space<vmem>>) semaphore(%arg21 : memref<!tpu.dma_semaphore, #tpu.memory_space<semaphore_mem>>)
      %dma_wait3A_1262 = arith.constant 4 : i32
      %dma_wait3A_1263 = arith.constant 0 : i32
      %dma_wait3A_1264 = tpu.memref_slice %arg10[%dma_wait3A_1262, %dma_wait3A_1263] : memref<8x128xi32, #tpu.memory_space<vmem>> -> memref<1x128xi32, #tpu.memory_space<vmem>>
      %dma_wait3A_1265 = tpu.memref_squeeze %dma_wait3A_1264 : memref<1x128xi32, #tpu.memory_space<vmem>> -> memref<128xi32, #tpu.memory_space<vmem>>
      %dma_wait3A_1266 = arith.constant 0 : i32
      %dma_wait3A_1267 = arith.constant 0 : i32
      %dma_wait3A_1268 = tpu.memref_slice %arg2[%dma_wait3A_1266, %dma_wait3A_1267] : memref<40000x128xf32, #tpu.memory_space<hbm>> -> memref<40000x128xf32, #tpu.memory_space<hbm>>
      tpu.wait_indirect_dma semaphore(%arg20 : memref<!tpu.dma_semaphore, #tpu.memory_space<semaphore_mem>>) src(%dma_wait3A_1268 : memref<40000x128xf32, #tpu.memory_space<hbm>>) dst(%arg12 : memref<128x128xf32, #tpu.memory_space<vmem>>)
      %run_scoped3A_1269 = arith.constant 4 : i32
      "tpu.region"() ({
        %run_scoped3A_1308 = tpu.sem_alloc : memref<!tpu.dma_semaphore, #tpu.memory_space<semaphore_mem>>
        %dma_start3A_1309 = arith.constant 0 : i32
        %dma_start3A_1310 = tpu.memref_slice %arg11[%run_scoped3A_1269, %dma_start3A_1309] : memref<8x128xi32, #tpu.memory_space<vmem>> -> memref<1x128xi32, #tpu.memory_space<vmem>>
        %dma_start3A_1311 = tpu.memref_squeeze %dma_start3A_1310 : memref<1x128xi32, #tpu.memory_space<vmem>> -> memref<128xi32, #tpu.memory_space<vmem>>
        %dma_start3A_1312 = arith.constant 0 : i32
        %dma_start3A_1313 = arith.constant 0 : i32
        %dma_start3A_1314 = tpu.memref_slice %arg18[%dma_start3A_1312, %dma_start3A_1313] : memref<10240x128xf32, #tpu.memory_space<vmem_shared>> -> memref<10240x128xf32, #tpu.memory_space<vmem_shared>>
        tpu.enqueue_indirect_dma source(%arg12 : memref<128x128xf32, #tpu.memory_space<vmem>>) target(%dma_start3A_1314 : memref<10240x128xf32, #tpu.memory_space<vmem_shared>>) offsets(%dma_start3A_1311 : memref<128xi32, #tpu.memory_space<vmem>>) semaphore(%run_scoped3A_1308 : memref<!tpu.dma_semaphore, #tpu.memory_space<semaphore_mem>>) {add = true}
        %dma_wait3A_1315 = arith.constant 0 : i32
        %dma_wait3A_1316 = tpu.memref_slice %arg11[%run_scoped3A_1269, %dma_wait3A_1315] : memref<8x128xi32, #tpu.memory_space<vmem>> -> memref<1x128xi32, #tpu.memory_space<vmem>>
        %dma_wait3A_1317 = tpu.memref_squeeze %dma_wait3A_1316 : memref<1x128xi32, #tpu.memory_space<vmem>> -> memref<128xi32, #tpu.memory_space<vmem>>
        %dma_wait3A_1318 = arith.constant 0 : i32
        %dma_wait3A_1319 = arith.constant 0 : i32
        %dma_wait3A_1320 = tpu.memref_slice %arg18[%dma_wait3A_1318, %dma_wait3A_1319] : memref<10240x128xf32, #tpu.memory_space<vmem_shared>> -> memref<10240x128xf32, #tpu.memory_space<vmem_shared>>
        tpu.wait_indirect_dma semaphore(%run_scoped3A_1308 : memref<!tpu.dma_semaphore, #tpu.memory_space<semaphore_mem>>) src(%arg12 : memref<128x128xf32, #tpu.memory_space<vmem>>) dst(%dma_wait3A_1320 : memref<10240x128xf32, #tpu.memory_space<vmem_shared>>)
        tpu.yield
      }) : () -> ()
      %dma_start3A_1270 = arith.constant 6 : i32
      %dma_start3A_1271 = arith.constant 0 : i32
      %dma_start3A_1272 = tpu.memref_slice %arg10[%dma_start3A_1270, %dma_start3A_1271] : memref<8x128xi32, #tpu.memory_space<vmem>> -> memref<1x128xi32, #tpu.memory_space<vmem>>
      %dma_start3A_1273 = tpu.memref_squeeze %dma_start3A_1272 : memref<1x128xi32, #tpu.memory_space<vmem>> -> memref<128xi32, #tpu.memory_space<vmem>>
      %dma_start3A_1274 = arith.constant 0 : i32
      %dma_start3A_1275 = arith.constant 0 : i32
      %dma_start3A_1276 = tpu.memref_slice %arg2[%dma_start3A_1274, %dma_start3A_1275] : memref<40000x128xf32, #tpu.memory_space<hbm>> -> memref<40000x128xf32, #tpu.memory_space<hbm>>
      tpu.enqueue_indirect_dma source(%dma_start3A_1276 : memref<40000x128xf32, #tpu.memory_space<hbm>>) target(%arg12 : memref<128x128xf32, #tpu.memory_space<vmem>>) offsets(%dma_start3A_1273 : memref<128xi32, #tpu.memory_space<vmem>>) semaphore(%arg20 : memref<!tpu.dma_semaphore, #tpu.memory_space<semaphore_mem>>)
      %dma_wait3A_1277 = arith.constant 5 : i32
      %dma_wait3A_1278 = arith.constant 0 : i32
      %dma_wait3A_1279 = tpu.memref_slice %arg10[%dma_wait3A_1277, %dma_wait3A_1278] : memref<8x128xi32, #tpu.memory_space<vmem>> -> memref<1x128xi32, #tpu.memory_space<vmem>>
      %dma_wait3A_1280 = tpu.memref_squeeze %dma_wait3A_1279 : memref<1x128xi32, #tpu.memory_space<vmem>> -> memref<128xi32, #tpu.memory_space<vmem>>
      %dma_wait3A_1281 = arith.constant 0 : i32
      %dma_wait3A_1282 = arith.constant 0 : i32
      %dma_wait3A_1283 = tpu.memref_slice %arg2[%dma_wait3A_1281, %dma_wait3A_1282] : memref<40000x128xf32, #tpu.memory_space<hbm>> -> memref<40000x128xf32, #tpu.memory_space<hbm>>
      tpu.wait_indirect_dma semaphore(%arg21 : memref<!tpu.dma_semaphore, #tpu.memory_space<semaphore_mem>>) src(%dma_wait3A_1283 : memref<40000x128xf32, #tpu.memory_space<hbm>>) dst(%arg13 : memref<128x128xf32, #tpu.memory_space<vmem>>)
      %run_scoped3A_1284 = arith.constant 5 : i32
      "tpu.region"() ({
        %run_scoped3A_1308 = tpu.sem_alloc : memref<!tpu.dma_semaphore, #tpu.memory_space<semaphore_mem>>
        %dma_start3A_1309 = arith.constant 0 : i32
        %dma_start3A_1310 = tpu.memref_slice %arg11[%run_scoped3A_1284, %dma_start3A_1309] : memref<8x128xi32, #tpu.memory_space<vmem>> -> memref<1x128xi32, #tpu.memory_space<vmem>>
        %dma_start3A_1311 = tpu.memref_squeeze %dma_start3A_1310 : memref<1x128xi32, #tpu.memory_space<vmem>> -> memref<128xi32, #tpu.memory_space<vmem>>
        %dma_start3A_1312 = arith.constant 0 : i32
        %dma_start3A_1313 = arith.constant 0 : i32
        %dma_start3A_1314 = tpu.memref_slice %arg18[%dma_start3A_1312, %dma_start3A_1313] : memref<10240x128xf32, #tpu.memory_space<vmem_shared>> -> memref<10240x128xf32, #tpu.memory_space<vmem_shared>>
        tpu.enqueue_indirect_dma source(%arg13 : memref<128x128xf32, #tpu.memory_space<vmem>>) target(%dma_start3A_1314 : memref<10240x128xf32, #tpu.memory_space<vmem_shared>>) offsets(%dma_start3A_1311 : memref<128xi32, #tpu.memory_space<vmem>>) semaphore(%run_scoped3A_1308 : memref<!tpu.dma_semaphore, #tpu.memory_space<semaphore_mem>>) {add = true}
        %dma_wait3A_1315 = arith.constant 0 : i32
        %dma_wait3A_1316 = tpu.memref_slice %arg11[%run_scoped3A_1284, %dma_wait3A_1315] : memref<8x128xi32, #tpu.memory_space<vmem>> -> memref<1x128xi32, #tpu.memory_space<vmem>>
        %dma_wait3A_1317 = tpu.memref_squeeze %dma_wait3A_1316 : memref<1x128xi32, #tpu.memory_space<vmem>> -> memref<128xi32, #tpu.memory_space<vmem>>
        %dma_wait3A_1318 = arith.constant 0 : i32
        %dma_wait3A_1319 = arith.constant 0 : i32
        %dma_wait3A_1320 = tpu.memref_slice %arg18[%dma_wait3A_1318, %dma_wait3A_1319] : memref<10240x128xf32, #tpu.memory_space<vmem_shared>> -> memref<10240x128xf32, #tpu.memory_space<vmem_shared>>
        tpu.wait_indirect_dma semaphore(%run_scoped3A_1308 : memref<!tpu.dma_semaphore, #tpu.memory_space<semaphore_mem>>) src(%arg13 : memref<128x128xf32, #tpu.memory_space<vmem>>) dst(%dma_wait3A_1320 : memref<10240x128xf32, #tpu.memory_space<vmem_shared>>)
        tpu.yield
      }) : () -> ()
      %dma_start3A_1285 = arith.constant 7 : i32
      %dma_start3A_1286 = arith.constant 0 : i32
      %dma_start3A_1287 = tpu.memref_slice %arg10[%dma_start3A_1285, %dma_start3A_1286] : memref<8x128xi32, #tpu.memory_space<vmem>> -> memref<1x128xi32, #tpu.memory_space<vmem>>
      %dma_start3A_1288 = tpu.memref_squeeze %dma_start3A_1287 : memref<1x128xi32, #tpu.memory_space<vmem>> -> memref<128xi32, #tpu.memory_space<vmem>>
      %dma_start3A_1289 = arith.constant 0 : i32
      %dma_start3A_1290 = arith.constant 0 : i32
      %dma_start3A_1291 = tpu.memref_slice %arg2[%dma_start3A_1289, %dma_start3A_1290] : memref<40000x128xf32, #tpu.memory_space<hbm>> -> memref<40000x128xf32, #tpu.memory_space<hbm>>
      tpu.enqueue_indirect_dma source(%dma_start3A_1291 : memref<40000x128xf32, #tpu.memory_space<hbm>>) target(%arg13 : memref<128x128xf32, #tpu.memory_space<vmem>>) offsets(%dma_start3A_1288 : memref<128xi32, #tpu.memory_space<vmem>>) semaphore(%arg21 : memref<!tpu.dma_semaphore, #tpu.memory_space<semaphore_mem>>)
      %dma_wait3A_1292 = arith.constant 6 : i32
      %dma_wait3A_1293 = arith.constant 0 : i32
      %dma_wait3A_1294 = tpu.memref_slice %arg10[%dma_wait3A_1292, %dma_wait3A_1293] : memref<8x128xi32, #tpu.memory_space<vmem>> -> memref<1x128xi32, #tpu.memory_space<vmem>>
      %dma_wait3A_1295 = tpu.memref_squeeze %dma_wait3A_1294 : memref<1x128xi32, #tpu.memory_space<vmem>> -> memref<128xi32, #tpu.memory_space<vmem>>
      %dma_wait3A_1296 = arith.constant 0 : i32
      %dma_wait3A_1297 = arith.constant 0 : i32
      %dma_wait3A_1298 = tpu.memref_slice %arg2[%dma_wait3A_1296, %dma_wait3A_1297] : memref<40000x128xf32, #tpu.memory_space<hbm>> -> memref<40000x128xf32, #tpu.memory_space<hbm>>
      tpu.wait_indirect_dma semaphore(%arg20 : memref<!tpu.dma_semaphore, #tpu.memory_space<semaphore_mem>>) src(%dma_wait3A_1298 : memref<40000x128xf32, #tpu.memory_space<hbm>>) dst(%arg12 : memref<128x128xf32, #tpu.memory_space<vmem>>)
      %run_scoped3A_1299 = arith.constant 6 : i32
      "tpu.region"() ({
        %run_scoped3A_1308 = tpu.sem_alloc : memref<!tpu.dma_semaphore, #tpu.memory_space<semaphore_mem>>
        %dma_start3A_1309 = arith.constant 0 : i32
        %dma_start3A_1310 = tpu.memref_slice %arg11[%run_scoped3A_1299, %dma_start3A_1309] : memref<8x128xi32, #tpu.memory_space<vmem>> -> memref<1x128xi32, #tpu.memory_space<vmem>>
        %dma_start3A_1311 = tpu.memref_squeeze %dma_start3A_1310 : memref<1x128xi32, #tpu.memory_space<vmem>> -> memref<128xi32, #tpu.memory_space<vmem>>
        %dma_start3A_1312 = arith.constant 0 : i32
        %dma_start3A_1313 = arith.constant 0 : i32
        %dma_start3A_1314 = tpu.memref_slice %arg18[%dma_start3A_1312, %dma_start3A_1313] : memref<10240x128xf32, #tpu.memory_space<vmem_shared>> -> memref<10240x128xf32, #tpu.memory_space<vmem_shared>>
        tpu.enqueue_indirect_dma source(%arg12 : memref<128x128xf32, #tpu.memory_space<vmem>>) target(%dma_start3A_1314 : memref<10240x128xf32, #tpu.memory_space<vmem_shared>>) offsets(%dma_start3A_1311 : memref<128xi32, #tpu.memory_space<vmem>>) semaphore(%run_scoped3A_1308 : memref<!tpu.dma_semaphore, #tpu.memory_space<semaphore_mem>>) {add = true}
        %dma_wait3A_1315 = arith.constant 0 : i32
        %dma_wait3A_1316 = tpu.memref_slice %arg11[%run_scoped3A_1299, %dma_wait3A_1315] : memref<8x128xi32, #tpu.memory_space<vmem>> -> memref<1x128xi32, #tpu.memory_space<vmem>>
        %dma_wait3A_1317 = tpu.memref_squeeze %dma_wait3A_1316 : memref<1x128xi32, #tpu.memory_space<vmem>> -> memref<128xi32, #tpu.memory_space<vmem>>
        %dma_wait3A_1318 = arith.constant 0 : i32
        %dma_wait3A_1319 = arith.constant 0 : i32
        %dma_wait3A_1320 = tpu.memref_slice %arg18[%dma_wait3A_1318, %dma_wait3A_1319] : memref<10240x128xf32, #tpu.memory_space<vmem_shared>> -> memref<10240x128xf32, #tpu.memory_space<vmem_shared>>
        tpu.wait_indirect_dma semaphore(%run_scoped3A_1308 : memref<!tpu.dma_semaphore, #tpu.memory_space<semaphore_mem>>) src(%arg12 : memref<128x128xf32, #tpu.memory_space<vmem>>) dst(%dma_wait3A_1320 : memref<10240x128xf32, #tpu.memory_space<vmem_shared>>)
        tpu.yield
      }) : () -> ()
      %dma_wait3A_1300 = arith.constant 7 : i32
      %dma_wait3A_1301 = arith.constant 0 : i32
      %dma_wait3A_1302 = tpu.memref_slice %arg10[%dma_wait3A_1300, %dma_wait3A_1301] : memref<8x128xi32, #tpu.memory_space<vmem>> -> memref<1x128xi32, #tpu.memory_space<vmem>>
      %dma_wait3A_1303 = tpu.memref_squeeze %dma_wait3A_1302 : memref<1x128xi32, #tpu.memory_space<vmem>> -> memref<128xi32, #tpu.memory_space<vmem>>
      %dma_wait3A_1304 = arith.constant 0 : i32
      %dma_wait3A_1305 = arith.constant 0 : i32
      %dma_wait3A_1306 = tpu.memref_slice %arg2[%dma_wait3A_1304, %dma_wait3A_1305] : memref<40000x128xf32, #tpu.memory_space<hbm>> -> memref<40000x128xf32, #tpu.memory_space<hbm>>
      tpu.wait_indirect_dma semaphore(%arg21 : memref<!tpu.dma_semaphore, #tpu.memory_space<semaphore_mem>>) src(%dma_wait3A_1306 : memref<40000x128xf32, #tpu.memory_space<hbm>>) dst(%arg13 : memref<128x128xf32, #tpu.memory_space<vmem>>)
      %run_scoped3A_1307 = arith.constant 7 : i32
      "tpu.region"() ({
        %run_scoped3A_1308 = tpu.sem_alloc : memref<!tpu.dma_semaphore, #tpu.memory_space<semaphore_mem>>
        %dma_start3A_1309 = arith.constant 0 : i32
        %dma_start3A_1310 = tpu.memref_slice %arg11[%run_scoped3A_1307, %dma_start3A_1309] : memref<8x128xi32, #tpu.memory_space<vmem>> -> memref<1x128xi32, #tpu.memory_space<vmem>>
        %dma_start3A_1311 = tpu.memref_squeeze %dma_start3A_1310 : memref<1x128xi32, #tpu.memory_space<vmem>> -> memref<128xi32, #tpu.memory_space<vmem>>
        %dma_start3A_1312 = arith.constant 0 : i32
        %dma_start3A_1313 = arith.constant 0 : i32
        %dma_start3A_1314 = tpu.memref_slice %arg18[%dma_start3A_1312, %dma_start3A_1313] : memref<10240x128xf32, #tpu.memory_space<vmem_shared>> -> memref<10240x128xf32, #tpu.memory_space<vmem_shared>>
        tpu.enqueue_indirect_dma source(%arg13 : memref<128x128xf32, #tpu.memory_space<vmem>>) target(%dma_start3A_1314 : memref<10240x128xf32, #tpu.memory_space<vmem_shared>>) offsets(%dma_start3A_1311 : memref<128xi32, #tpu.memory_space<vmem>>) semaphore(%run_scoped3A_1308 : memref<!tpu.dma_semaphore, #tpu.memory_space<semaphore_mem>>) {add = true}
        %dma_wait3A_1315 = arith.constant 0 : i32
        %dma_wait3A_1316 = tpu.memref_slice %arg11[%run_scoped3A_1307, %dma_wait3A_1315] : memref<8x128xi32, #tpu.memory_space<vmem>> -> memref<1x128xi32, #tpu.memory_space<vmem>>
        %dma_wait3A_1317 = tpu.memref_squeeze %dma_wait3A_1316 : memref<1x128xi32, #tpu.memory_space<vmem>> -> memref<128xi32, #tpu.memory_space<vmem>>
        %dma_wait3A_1318 = arith.constant 0 : i32
        %dma_wait3A_1319 = arith.constant 0 : i32
        %dma_wait3A_1320 = tpu.memref_slice %arg18[%dma_wait3A_1318, %dma_wait3A_1319] : memref<10240x128xf32, #tpu.memory_space<vmem_shared>> -> memref<10240x128xf32, #tpu.memory_space<vmem_shared>>
        tpu.wait_indirect_dma semaphore(%run_scoped3A_1308 : memref<!tpu.dma_semaphore, #tpu.memory_space<semaphore_mem>>) src(%arg13 : memref<128x128xf32, #tpu.memory_space<vmem>>) dst(%dma_wait3A_1320 : memref<10240x128xf32, #tpu.memory_space<vmem_shared>>)
        tpu.yield
      }) : () -> ()
    }
    %scan3A_344 = arith.constant 20 : i32
    %barrier3A_345 = arith.constant 0 : index
    tpu.barrier barrier_id(%barrier3A_345)
    %mul3A_346 = arith.constant 640 : i32
    %mul3A_347 = arith.muli %arg1, %mul3A_346 : i32
    %mul3A_348 = arith.constant 640 : i32
    %mul3A_349 = arith.muli %arg1, %mul3A_348 : i32
    %add3A_350 = arith.addi %mul3A_311, %mul3A_349 : i32
    "tpu.region"() ({
      %run_scoped3A_352 = tpu.sem_alloc : memref<!tpu.dma_semaphore, #tpu.memory_space<semaphore_mem>>
      %dma_start3A = arith.constant 0 : i32
      %dma_start3A_353 = tpu.memref_slice %arg8[%add3A_350, %dma_start3A] : memref<40960x128xf32, #tpu.memory_space<hbm>> -> memref<640x128xf32, #tpu.memory_space<hbm>>
      %dma_start3A_354 = arith.constant 0 : i32
      %dma_start3A_355 = tpu.memref_slice %arg18[%mul3A_347, %dma_start3A_354] : memref<10240x128xf32, #tpu.memory_space<vmem_shared>> -> memref<640x128xf32, #tpu.memory_space<vmem_shared>>
      tpu.enqueue_dma source(%dma_start3A_355 : memref<640x128xf32, #tpu.memory_space<vmem_shared>>) target(%dma_start3A_353 : memref<640x128xf32, #tpu.memory_space<hbm>>) target_semaphore(%run_scoped3A_352 : memref<!tpu.dma_semaphore, #tpu.memory_space<semaphore_mem>>)
      %dma_wait3A = arith.constant 0 : i32
      %dma_wait3A_356 = tpu.memref_slice %arg8[%add3A_350, %dma_wait3A] : memref<40960x128xf32, #tpu.memory_space<hbm>> -> memref<640x128xf32, #tpu.memory_space<hbm>>
      %dma_wait3A_357 = arith.constant 0 : i32
      %dma_wait3A_358 = tpu.memref_slice %arg18[%mul3A_347, %dma_wait3A_357] : memref<10240x128xf32, #tpu.memory_space<vmem_shared>> -> memref<640x128xf32, #tpu.memory_space<vmem_shared>>
      tpu.wait_dma2 semaphore(%run_scoped3A_352 : memref<!tpu.dma_semaphore, #tpu.memory_space<semaphore_mem>>) src(%dma_wait3A_358 : memref<640x128xf32, #tpu.memory_space<vmem_shared>>) dst(%dma_wait3A_356 : memref<640x128xf32, #tpu.memory_space<hbm>>)
      tpu.yield
    }) : () -> ()
    %barrier3A_351 = arith.constant 0 : index
    tpu.barrier barrier_id(%barrier3A_351)
    return
  }
}

#map = affine_map<(d0, d1) -> (0, 0, 0)>
#map1 = affine_map<(d0, d1) -> (0, 0, 0, 0)>
module attributes {stable_mosaic.version = 14 : i64} {
  func.func @_count_kernel(%arg0: i32, %arg1: i32, %arg2: memref<320x8x128xi32, #tpu.memory_space<hbm>>, %arg3: memref<2x16x1x640xf32, #tpu.memory_space<hbm>>, %arg4: memref<8x128xi32, #tpu.memory_space<vmem>>, %arg5: memref<128xf32, #tpu.memory_space<vmem>>, %arg6: memref<640xf32, #tpu.memory_space<vmem>>, %arg7: memref<10240xf32, #tpu.memory_space<vmem_shared>>) attributes {dimension_semantics = [#tpu.dimension_semantics<core_parallel>, #tpu.dimension_semantics<subcore_parallel>], iteration_bounds = array<i64: 2, 16>, scalar_prefetch = 0 : i64, scratch_operands = 4 : i64, tpu.core_type = #tpu.core_type<sc_vector_subcore>, window_params = [{transform_indices = #map}, {transform_indices = #map1}]} {
    %broadcast_in_dim3A = arith.constant 1.000000e+00 : f32
    %broadcast_in_dim3A_0 = vector.broadcast %broadcast_in_dim3A : f32 to vector<16xf32>
    %swap3A = arith.constant 0 : index
    %swap3A_1 = tpu.vector_load %arg5[%swap3A] {strides = array<i32>} : memref<128xf32, #tpu.memory_space<vmem>>, vector<16xf32>,
    %swap3A_2 = vector.shape_cast %swap3A_1 : vector<16xf32> to vector<16xf32>
    %swap3A_3 = vector.shape_cast %broadcast_in_dim3A_0 : vector<16xf32> to vector<16xf32>
    tpu.vector_store %arg5[%swap3A], %swap3A_3 {strides = array<i32>} : memref<128xf32, #tpu.memory_space<vmem>>, vector<16xf32>,
    %broadcast_in_dim3A_4 = arith.constant 1.000000e+00 : f32
    %broadcast_in_dim3A_5 = vector.broadcast %broadcast_in_dim3A_4 : f32 to vector<16xf32>
    %swap3A_6 = arith.constant 16 : index
    %swap3A_7 = tpu.vector_load %arg5[%swap3A_6] {strides = array<i32>} : memref<128xf32, #tpu.memory_space<vmem>>, vector<16xf32>,
    %swap3A_8 = vector.shape_cast %swap3A_7 : vector<16xf32> to vector<16xf32>
    %swap3A_9 = vector.shape_cast %broadcast_in_dim3A_5 : vector<16xf32> to vector<16xf32>
    tpu.vector_store %arg5[%swap3A_6], %swap3A_9 {strides = array<i32>} : memref<128xf32, #tpu.memory_space<vmem>>, vector<16xf32>,
    %broadcast_in_dim3A_10 = arith.constant 1.000000e+00 : f32
    %broadcast_in_dim3A_11 = vector.broadcast %broadcast_in_dim3A_10 : f32 to vector<16xf32>
    %swap3A_12 = arith.constant 32 : index
    %swap3A_13 = tpu.vector_load %arg5[%swap3A_12] {strides = array<i32>} : memref<128xf32, #tpu.memory_space<vmem>>, vector<16xf32>,
    %swap3A_14 = vector.shape_cast %swap3A_13 : vector<16xf32> to vector<16xf32>
    %swap3A_15 = vector.shape_cast %broadcast_in_dim3A_11 : vector<16xf32> to vector<16xf32>
    tpu.vector_store %arg5[%swap3A_12], %swap3A_15 {strides = array<i32>} : memref<128xf32, #tpu.memory_space<vmem>>, vector<16xf32>,
    %broadcast_in_dim3A_16 = arith.constant 1.000000e+00 : f32
    %broadcast_in_dim3A_17 = vector.broadcast %broadcast_in_dim3A_16 : f32 to vector<16xf32>
    %swap3A_18 = arith.constant 48 : index
    %swap3A_19 = tpu.vector_load %arg5[%swap3A_18] {strides = array<i32>} : memref<128xf32, #tpu.memory_space<vmem>>, vector<16xf32>,
    %swap3A_20 = vector.shape_cast %swap3A_19 : vector<16xf32> to vector<16xf32>
    %swap3A_21 = vector.shape_cast %broadcast_in_dim3A_17 : vector<16xf32> to vector<16xf32>
    tpu.vector_store %arg5[%swap3A_18], %swap3A_21 {strides = array<i32>} : memref<128xf32, #tpu.memory_space<vmem>>, vector<16xf32>,
    %broadcast_in_dim3A_22 = arith.constant 1.000000e+00 : f32
    %broadcast_in_dim3A_23 = vector.broadcast %broadcast_in_dim3A_22 : f32 to vector<16xf32>
    %swap3A_24 = arith.constant 64 : index
    %swap3A_25 = tpu.vector_load %arg5[%swap3A_24] {strides = array<i32>} : memref<128xf32, #tpu.memory_space<vmem>>, vector<16xf32>,
    %swap3A_26 = vector.shape_cast %swap3A_25 : vector<16xf32> to vector<16xf32>
    %swap3A_27 = vector.shape_cast %broadcast_in_dim3A_23 : vector<16xf32> to vector<16xf32>
    tpu.vector_store %arg5[%swap3A_24], %swap3A_27 {strides = array<i32>} : memref<128xf32, #tpu.memory_space<vmem>>, vector<16xf32>,
    %broadcast_in_dim3A_28 = arith.constant 1.000000e+00 : f32
    %broadcast_in_dim3A_29 = vector.broadcast %broadcast_in_dim3A_28 : f32 to vector<16xf32>
    %swap3A_30 = arith.constant 80 : index
    %swap3A_31 = tpu.vector_load %arg5[%swap3A_30] {strides = array<i32>} : memref<128xf32, #tpu.memory_space<vmem>>, vector<16xf32>,
    %swap3A_32 = vector.shape_cast %swap3A_31 : vector<16xf32> to vector<16xf32>
    %swap3A_33 = vector.shape_cast %broadcast_in_dim3A_29 : vector<16xf32> to vector<16xf32>
    tpu.vector_store %arg5[%swap3A_30], %swap3A_33 {strides = array<i32>} : memref<128xf32, #tpu.memory_space<vmem>>, vector<16xf32>,
    %broadcast_in_dim3A_34 = arith.constant 1.000000e+00 : f32
    %broadcast_in_dim3A_35 = vector.broadcast %broadcast_in_dim3A_34 : f32 to vector<16xf32>
    %swap3A_36 = arith.constant 96 : index
    %swap3A_37 = tpu.vector_load %arg5[%swap3A_36] {strides = array<i32>} : memref<128xf32, #tpu.memory_space<vmem>>, vector<16xf32>,
    %swap3A_38 = vector.shape_cast %swap3A_37 : vector<16xf32> to vector<16xf32>
    %swap3A_39 = vector.shape_cast %broadcast_in_dim3A_35 : vector<16xf32> to vector<16xf32>
    tpu.vector_store %arg5[%swap3A_36], %swap3A_39 {strides = array<i32>} : memref<128xf32, #tpu.memory_space<vmem>>, vector<16xf32>,
    %broadcast_in_dim3A_40 = arith.constant 1.000000e+00 : f32
    %broadcast_in_dim3A_41 = vector.broadcast %broadcast_in_dim3A_40 : f32 to vector<16xf32>
    %swap3A_42 = arith.constant 112 : index
    %swap3A_43 = tpu.vector_load %arg5[%swap3A_42] {strides = array<i32>} : memref<128xf32, #tpu.memory_space<vmem>>, vector<16xf32>,
    %swap3A_44 = vector.shape_cast %swap3A_43 : vector<16xf32> to vector<16xf32>
    %swap3A_45 = vector.shape_cast %broadcast_in_dim3A_41 : vector<16xf32> to vector<16xf32>
    tpu.vector_store %arg5[%swap3A_42], %swap3A_45 {strides = array<i32>} : memref<128xf32, #tpu.memory_space<vmem>>, vector<16xf32>,
    %broadcast_in_dim3A_46 = arith.constant 0.000000e+00 : f32
    %broadcast_in_dim3A_47 = vector.broadcast %broadcast_in_dim3A_46 : f32 to vector<16xf32>
    %swap3A_48 = arith.constant 0 : index
    %swap3A_49 = tpu.vector_load %arg6[%swap3A_48] {strides = array<i32>} : memref<640xf32, #tpu.memory_space<vmem>>, vector<16xf32>,
    %swap3A_50 = vector.shape_cast %swap3A_49 : vector<16xf32> to vector<16xf32>
    %swap3A_51 = vector.shape_cast %broadcast_in_dim3A_47 : vector<16xf32> to vector<16xf32>
    tpu.vector_store %arg6[%swap3A_48], %swap3A_51 {strides = array<i32>} : memref<640xf32, #tpu.memory_space<vmem>>, vector<16xf32>,
    %broadcast_in_dim3A_52 = arith.constant 0.000000e+00 : f32
    %broadcast_in_dim3A_53 = vector.broadcast %broadcast_in_dim3A_52 : f32 to vector<16xf32>
    %swap3A_54 = arith.constant 16 : index
    %swap3A_55 = tpu.vector_load %arg6[%swap3A_54] {strides = array<i32>} : memref<640xf32, #tpu.memory_space<vmem>>, vector<16xf32>,
    %swap3A_56 = vector.shape_cast %swap3A_55 : vector<16xf32> to vector<16xf32>
    %swap3A_57 = vector.shape_cast %broadcast_in_dim3A_53 : vector<16xf32> to vector<16xf32>
    tpu.vector_store %arg6[%swap3A_54], %swap3A_57 {strides = array<i32>} : memref<640xf32, #tpu.memory_space<vmem>>, vector<16xf32>,
    %broadcast_in_dim3A_58 = arith.constant 0.000000e+00 : f32
    %broadcast_in_dim3A_59 = vector.broadcast %broadcast_in_dim3A_58 : f32 to vector<16xf32>
    %swap3A_60 = arith.constant 32 : index
    %swap3A_61 = tpu.vector_load %arg6[%swap3A_60] {strides = array<i32>} : memref<640xf32, #tpu.memory_space<vmem>>, vector<16xf32>,
    %swap3A_62 = vector.shape_cast %swap3A_61 : vector<16xf32> to vector<16xf32>
    %swap3A_63 = vector.shape_cast %broadcast_in_dim3A_59 : vector<16xf32> to vector<16xf32>
    tpu.vector_store %arg6[%swap3A_60], %swap3A_63 {strides = array<i32>} : memref<640xf32, #tpu.memory_space<vmem>>, vector<16xf32>,
    %broadcast_in_dim3A_64 = arith.constant 0.000000e+00 : f32
    %broadcast_in_dim3A_65 = vector.broadcast %broadcast_in_dim3A_64 : f32 to vector<16xf32>
    %swap3A_66 = arith.constant 48 : index
    %swap3A_67 = tpu.vector_load %arg6[%swap3A_66] {strides = array<i32>} : memref<640xf32, #tpu.memory_space<vmem>>, vector<16xf32>,
    %swap3A_68 = vector.shape_cast %swap3A_67 : vector<16xf32> to vector<16xf32>
    %swap3A_69 = vector.shape_cast %broadcast_in_dim3A_65 : vector<16xf32> to vector<16xf32>
    tpu.vector_store %arg6[%swap3A_66], %swap3A_69 {strides = array<i32>} : memref<640xf32, #tpu.memory_space<vmem>>, vector<16xf32>,
    %broadcast_in_dim3A_70 = arith.constant 0.000000e+00 : f32
    %broadcast_in_dim3A_71 = vector.broadcast %broadcast_in_dim3A_70 : f32 to vector<16xf32>
    %swap3A_72 = arith.constant 64 : index
    %swap3A_73 = tpu.vector_load %arg6[%swap3A_72] {strides = array<i32>} : memref<640xf32, #tpu.memory_space<vmem>>, vector<16xf32>,
    %swap3A_74 = vector.shape_cast %swap3A_73 : vector<16xf32> to vector<16xf32>
    %swap3A_75 = vector.shape_cast %broadcast_in_dim3A_71 : vector<16xf32> to vector<16xf32>
    tpu.vector_store %arg6[%swap3A_72], %swap3A_75 {strides = array<i32>} : memref<640xf32, #tpu.memory_space<vmem>>, vector<16xf32>,
    %broadcast_in_dim3A_76 = arith.constant 0.000000e+00 : f32
    %broadcast_in_dim3A_77 = vector.broadcast %broadcast_in_dim3A_76 : f32 to vector<16xf32>
    %swap3A_78 = arith.constant 80 : index
    %swap3A_79 = tpu.vector_load %arg6[%swap3A_78] {strides = array<i32>} : memref<640xf32, #tpu.memory_space<vmem>>, vector<16xf32>,
    %swap3A_80 = vector.shape_cast %swap3A_79 : vector<16xf32> to vector<16xf32>
    %swap3A_81 = vector.shape_cast %broadcast_in_dim3A_77 : vector<16xf32> to vector<16xf32>
    tpu.vector_store %arg6[%swap3A_78], %swap3A_81 {strides = array<i32>} : memref<640xf32, #tpu.memory_space<vmem>>, vector<16xf32>,
    %broadcast_in_dim3A_82 = arith.constant 0.000000e+00 : f32
    %broadcast_in_dim3A_83 = vector.broadcast %broadcast_in_dim3A_82 : f32 to vector<16xf32>
    %swap3A_84 = arith.constant 96 : index
    %swap3A_85 = tpu.vector_load %arg6[%swap3A_84] {strides = array<i32>} : memref<640xf32, #tpu.memory_space<vmem>>, vector<16xf32>,
    %swap3A_86 = vector.shape_cast %swap3A_85 : vector<16xf32> to vector<16xf32>
    %swap3A_87 = vector.shape_cast %broadcast_in_dim3A_83 : vector<16xf32> to vector<16xf32>
    tpu.vector_store %arg6[%swap3A_84], %swap3A_87 {strides = array<i32>} : memref<640xf32, #tpu.memory_space<vmem>>, vector<16xf32>,
    %broadcast_in_dim3A_88 = arith.constant 0.000000e+00 : f32
    %broadcast_in_dim3A_89 = vector.broadcast %broadcast_in_dim3A_88 : f32 to vector<16xf32>
    %swap3A_90 = arith.constant 112 : index
    %swap3A_91 = tpu.vector_load %arg6[%swap3A_90] {strides = array<i32>} : memref<640xf32, #tpu.memory_space<vmem>>, vector<16xf32>,
    %swap3A_92 = vector.shape_cast %swap3A_91 : vector<16xf32> to vector<16xf32>
    %swap3A_93 = vector.shape_cast %broadcast_in_dim3A_89 : vector<16xf32> to vector<16xf32>
    tpu.vector_store %arg6[%swap3A_90], %swap3A_93 {strides = array<i32>} : memref<640xf32, #tpu.memory_space<vmem>>, vector<16xf32>,
    %broadcast_in_dim3A_94 = arith.constant 0.000000e+00 : f32
    %broadcast_in_dim3A_95 = vector.broadcast %broadcast_in_dim3A_94 : f32 to vector<16xf32>
    %swap3A_96 = arith.constant 128 : index
    %swap3A_97 = tpu.vector_load %arg6[%swap3A_96] {strides = array<i32>} : memref<640xf32, #tpu.memory_space<vmem>>, vector<16xf32>,
    %swap3A_98 = vector.shape_cast %swap3A_97 : vector<16xf32> to vector<16xf32>
    %swap3A_99 = vector.shape_cast %broadcast_in_dim3A_95 : vector<16xf32> to vector<16xf32>
    tpu.vector_store %arg6[%swap3A_96], %swap3A_99 {strides = array<i32>} : memref<640xf32, #tpu.memory_space<vmem>>, vector<16xf32>,
    %broadcast_in_dim3A_100 = arith.constant 0.000000e+00 : f32
    %broadcast_in_dim3A_101 = vector.broadcast %broadcast_in_dim3A_100 : f32 to vector<16xf32>
    %swap3A_102 = arith.constant 144 : index
    %swap3A_103 = tpu.vector_load %arg6[%swap3A_102] {strides = array<i32>} : memref<640xf32, #tpu.memory_space<vmem>>, vector<16xf32>,
    %swap3A_104 = vector.shape_cast %swap3A_103 : vector<16xf32> to vector<16xf32>
    %swap3A_105 = vector.shape_cast %broadcast_in_dim3A_101 : vector<16xf32> to vector<16xf32>
    tpu.vector_store %arg6[%swap3A_102], %swap3A_105 {strides = array<i32>} : memref<640xf32, #tpu.memory_space<vmem>>, vector<16xf32>,
    %broadcast_in_dim3A_106 = arith.constant 0.000000e+00 : f32
    %broadcast_in_dim3A_107 = vector.broadcast %broadcast_in_dim3A_106 : f32 to vector<16xf32>
    %swap3A_108 = arith.constant 160 : index
    %swap3A_109 = tpu.vector_load %arg6[%swap3A_108] {strides = array<i32>} : memref<640xf32, #tpu.memory_space<vmem>>, vector<16xf32>,
    %swap3A_110 = vector.shape_cast %swap3A_109 : vector<16xf32> to vector<16xf32>
    %swap3A_111 = vector.shape_cast %broadcast_in_dim3A_107 : vector<16xf32> to vector<16xf32>
    tpu.vector_store %arg6[%swap3A_108], %swap3A_111 {strides = array<i32>} : memref<640xf32, #tpu.memory_space<vmem>>, vector<16xf32>,
    %broadcast_in_dim3A_112 = arith.constant 0.000000e+00 : f32
    %broadcast_in_dim3A_113 = vector.broadcast %broadcast_in_dim3A_112 : f32 to vector<16xf32>
    %swap3A_114 = arith.constant 176 : index
    %swap3A_115 = tpu.vector_load %arg6[%swap3A_114] {strides = array<i32>} : memref<640xf32, #tpu.memory_space<vmem>>, vector<16xf32>,
    %swap3A_116 = vector.shape_cast %swap3A_115 : vector<16xf32> to vector<16xf32>
    %swap3A_117 = vector.shape_cast %broadcast_in_dim3A_113 : vector<16xf32> to vector<16xf32>
    tpu.vector_store %arg6[%swap3A_114], %swap3A_117 {strides = array<i32>} : memref<640xf32, #tpu.memory_space<vmem>>, vector<16xf32>,
    %broadcast_in_dim3A_118 = arith.constant 0.000000e+00 : f32
    %broadcast_in_dim3A_119 = vector.broadcast %broadcast_in_dim3A_118 : f32 to vector<16xf32>
    %swap3A_120 = arith.constant 192 : index
    %swap3A_121 = tpu.vector_load %arg6[%swap3A_120] {strides = array<i32>} : memref<640xf32, #tpu.memory_space<vmem>>, vector<16xf32>,
    %swap3A_122 = vector.shape_cast %swap3A_121 : vector<16xf32> to vector<16xf32>
    %swap3A_123 = vector.shape_cast %broadcast_in_dim3A_119 : vector<16xf32> to vector<16xf32>
    tpu.vector_store %arg6[%swap3A_120], %swap3A_123 {strides = array<i32>} : memref<640xf32, #tpu.memory_space<vmem>>, vector<16xf32>,
    %broadcast_in_dim3A_124 = arith.constant 0.000000e+00 : f32
    %broadcast_in_dim3A_125 = vector.broadcast %broadcast_in_dim3A_124 : f32 to vector<16xf32>
    %swap3A_126 = arith.constant 208 : index
    %swap3A_127 = tpu.vector_load %arg6[%swap3A_126] {strides = array<i32>} : memref<640xf32, #tpu.memory_space<vmem>>, vector<16xf32>,
    %swap3A_128 = vector.shape_cast %swap3A_127 : vector<16xf32> to vector<16xf32>
    %swap3A_129 = vector.shape_cast %broadcast_in_dim3A_125 : vector<16xf32> to vector<16xf32>
    tpu.vector_store %arg6[%swap3A_126], %swap3A_129 {strides = array<i32>} : memref<640xf32, #tpu.memory_space<vmem>>, vector<16xf32>,
    %broadcast_in_dim3A_130 = arith.constant 0.000000e+00 : f32
    %broadcast_in_dim3A_131 = vector.broadcast %broadcast_in_dim3A_130 : f32 to vector<16xf32>
    %swap3A_132 = arith.constant 224 : index
    %swap3A_133 = tpu.vector_load %arg6[%swap3A_132] {strides = array<i32>} : memref<640xf32, #tpu.memory_space<vmem>>, vector<16xf32>,
    %swap3A_134 = vector.shape_cast %swap3A_133 : vector<16xf32> to vector<16xf32>
    %swap3A_135 = vector.shape_cast %broadcast_in_dim3A_131 : vector<16xf32> to vector<16xf32>
    tpu.vector_store %arg6[%swap3A_132], %swap3A_135 {strides = array<i32>} : memref<640xf32, #tpu.memory_space<vmem>>, vector<16xf32>,
    %broadcast_in_dim3A_136 = arith.constant 0.000000e+00 : f32
    %broadcast_in_dim3A_137 = vector.broadcast %broadcast_in_dim3A_136 : f32 to vector<16xf32>
    %swap3A_138 = arith.constant 240 : index
    %swap3A_139 = tpu.vector_load %arg6[%swap3A_138] {strides = array<i32>} : memref<640xf32, #tpu.memory_space<vmem>>, vector<16xf32>,
    %swap3A_140 = vector.shape_cast %swap3A_139 : vector<16xf32> to vector<16xf32>
    %swap3A_141 = vector.shape_cast %broadcast_in_dim3A_137 : vector<16xf32> to vector<16xf32>
    tpu.vector_store %arg6[%swap3A_138], %swap3A_141 {strides = array<i32>} : memref<640xf32, #tpu.memory_space<vmem>>, vector<16xf32>,
    %broadcast_in_dim3A_142 = arith.constant 0.000000e+00 : f32
    %broadcast_in_dim3A_143 = vector.broadcast %broadcast_in_dim3A_142 : f32 to vector<16xf32>
    %swap3A_144 = arith.constant 256 : index
    %swap3A_145 = tpu.vector_load %arg6[%swap3A_144] {strides = array<i32>} : memref<640xf32, #tpu.memory_space<vmem>>, vector<16xf32>,
    %swap3A_146 = vector.shape_cast %swap3A_145 : vector<16xf32> to vector<16xf32>
    %swap3A_147 = vector.shape_cast %broadcast_in_dim3A_143 : vector<16xf32> to vector<16xf32>
    tpu.vector_store %arg6[%swap3A_144], %swap3A_147 {strides = array<i32>} : memref<640xf32, #tpu.memory_space<vmem>>, vector<16xf32>,
    %broadcast_in_dim3A_148 = arith.constant 0.000000e+00 : f32
    %broadcast_in_dim3A_149 = vector.broadcast %broadcast_in_dim3A_148 : f32 to vector<16xf32>
    %swap3A_150 = arith.constant 272 : index
    %swap3A_151 = tpu.vector_load %arg6[%swap3A_150] {strides = array<i32>} : memref<640xf32, #tpu.memory_space<vmem>>, vector<16xf32>,
    %swap3A_152 = vector.shape_cast %swap3A_151 : vector<16xf32> to vector<16xf32>
    %swap3A_153 = vector.shape_cast %broadcast_in_dim3A_149 : vector<16xf32> to vector<16xf32>
    tpu.vector_store %arg6[%swap3A_150], %swap3A_153 {strides = array<i32>} : memref<640xf32, #tpu.memory_space<vmem>>, vector<16xf32>,
    %broadcast_in_dim3A_154 = arith.constant 0.000000e+00 : f32
    %broadcast_in_dim3A_155 = vector.broadcast %broadcast_in_dim3A_154 : f32 to vector<16xf32>
    %swap3A_156 = arith.constant 288 : index
    %swap3A_157 = tpu.vector_load %arg6[%swap3A_156] {strides = array<i32>} : memref<640xf32, #tpu.memory_space<vmem>>, vector<16xf32>,
    %swap3A_158 = vector.shape_cast %swap3A_157 : vector<16xf32> to vector<16xf32>
    %swap3A_159 = vector.shape_cast %broadcast_in_dim3A_155 : vector<16xf32> to vector<16xf32>
    tpu.vector_store %arg6[%swap3A_156], %swap3A_159 {strides = array<i32>} : memref<640xf32, #tpu.memory_space<vmem>>, vector<16xf32>,
    %broadcast_in_dim3A_160 = arith.constant 0.000000e+00 : f32
    %broadcast_in_dim3A_161 = vector.broadcast %broadcast_in_dim3A_160 : f32 to vector<16xf32>
    %swap3A_162 = arith.constant 304 : index
    %swap3A_163 = tpu.vector_load %arg6[%swap3A_162] {strides = array<i32>} : memref<640xf32, #tpu.memory_space<vmem>>, vector<16xf32>,
    %swap3A_164 = vector.shape_cast %swap3A_163 : vector<16xf32> to vector<16xf32>
    %swap3A_165 = vector.shape_cast %broadcast_in_dim3A_161 : vector<16xf32> to vector<16xf32>
    tpu.vector_store %arg6[%swap3A_162], %swap3A_165 {strides = array<i32>} : memref<640xf32, #tpu.memory_space<vmem>>, vector<16xf32>,
    %broadcast_in_dim3A_166 = arith.constant 0.000000e+00 : f32
    %broadcast_in_dim3A_167 = vector.broadcast %broadcast_in_dim3A_166 : f32 to vector<16xf32>
    %swap3A_168 = arith.constant 320 : index
    %swap3A_169 = tpu.vector_load %arg6[%swap3A_168] {strides = array<i32>} : memref<640xf32, #tpu.memory_space<vmem>>, vector<16xf32>,
    %swap3A_170 = vector.shape_cast %swap3A_169 : vector<16xf32> to vector<16xf32>
    %swap3A_171 = vector.shape_cast %broadcast_in_dim3A_167 : vector<16xf32> to vector<16xf32>
    tpu.vector_store %arg6[%swap3A_168], %swap3A_171 {strides = array<i32>} : memref<640xf32, #tpu.memory_space<vmem>>, vector<16xf32>,
    %broadcast_in_dim3A_172 = arith.constant 0.000000e+00 : f32
    %broadcast_in_dim3A_173 = vector.broadcast %broadcast_in_dim3A_172 : f32 to vector<16xf32>
    %swap3A_174 = arith.constant 336 : index
    %swap3A_175 = tpu.vector_load %arg6[%swap3A_174] {strides = array<i32>} : memref<640xf32, #tpu.memory_space<vmem>>, vector<16xf32>,
    %swap3A_176 = vector.shape_cast %swap3A_175 : vector<16xf32> to vector<16xf32>
    %swap3A_177 = vector.shape_cast %broadcast_in_dim3A_173 : vector<16xf32> to vector<16xf32>
    tpu.vector_store %arg6[%swap3A_174], %swap3A_177 {strides = array<i32>} : memref<640xf32, #tpu.memory_space<vmem>>, vector<16xf32>,
    %broadcast_in_dim3A_178 = arith.constant 0.000000e+00 : f32
    %broadcast_in_dim3A_179 = vector.broadcast %broadcast_in_dim3A_178 : f32 to vector<16xf32>
    %swap3A_180 = arith.constant 352 : index
    %swap3A_181 = tpu.vector_load %arg6[%swap3A_180] {strides = array<i32>} : memref<640xf32, #tpu.memory_space<vmem>>, vector<16xf32>,
    %swap3A_182 = vector.shape_cast %swap3A_181 : vector<16xf32> to vector<16xf32>
    %swap3A_183 = vector.shape_cast %broadcast_in_dim3A_179 : vector<16xf32> to vector<16xf32>
    tpu.vector_store %arg6[%swap3A_180], %swap3A_183 {strides = array<i32>} : memref<640xf32, #tpu.memory_space<vmem>>, vector<16xf32>,
    %broadcast_in_dim3A_184 = arith.constant 0.000000e+00 : f32
    %broadcast_in_dim3A_185 = vector.broadcast %broadcast_in_dim3A_184 : f32 to vector<16xf32>
    %swap3A_186 = arith.constant 368 : index
    %swap3A_187 = tpu.vector_load %arg6[%swap3A_186] {strides = array<i32>} : memref<640xf32, #tpu.memory_space<vmem>>, vector<16xf32>,
    %swap3A_188 = vector.shape_cast %swap3A_187 : vector<16xf32> to vector<16xf32>
    %swap3A_189 = vector.shape_cast %broadcast_in_dim3A_185 : vector<16xf32> to vector<16xf32>
    tpu.vector_store %arg6[%swap3A_186], %swap3A_189 {strides = array<i32>} : memref<640xf32, #tpu.memory_space<vmem>>, vector<16xf32>,
    %broadcast_in_dim3A_190 = arith.constant 0.000000e+00 : f32
    %broadcast_in_dim3A_191 = vector.broadcast %broadcast_in_dim3A_190 : f32 to vector<16xf32>
    %swap3A_192 = arith.constant 384 : index
    %swap3A_193 = tpu.vector_load %arg6[%swap3A_192] {strides = array<i32>} : memref<640xf32, #tpu.memory_space<vmem>>, vector<16xf32>,
    %swap3A_194 = vector.shape_cast %swap3A_193 : vector<16xf32> to vector<16xf32>
    %swap3A_195 = vector.shape_cast %broadcast_in_dim3A_191 : vector<16xf32> to vector<16xf32>
    tpu.vector_store %arg6[%swap3A_192], %swap3A_195 {strides = array<i32>} : memref<640xf32, #tpu.memory_space<vmem>>, vector<16xf32>,
    %broadcast_in_dim3A_196 = arith.constant 0.000000e+00 : f32
    %broadcast_in_dim3A_197 = vector.broadcast %broadcast_in_dim3A_196 : f32 to vector<16xf32>
    %swap3A_198 = arith.constant 400 : index
    %swap3A_199 = tpu.vector_load %arg6[%swap3A_198] {strides = array<i32>} : memref<640xf32, #tpu.memory_space<vmem>>, vector<16xf32>,
    %swap3A_200 = vector.shape_cast %swap3A_199 : vector<16xf32> to vector<16xf32>
    %swap3A_201 = vector.shape_cast %broadcast_in_dim3A_197 : vector<16xf32> to vector<16xf32>
    tpu.vector_store %arg6[%swap3A_198], %swap3A_201 {strides = array<i32>} : memref<640xf32, #tpu.memory_space<vmem>>, vector<16xf32>,
    %broadcast_in_dim3A_202 = arith.constant 0.000000e+00 : f32
    %broadcast_in_dim3A_203 = vector.broadcast %broadcast_in_dim3A_202 : f32 to vector<16xf32>
    %swap3A_204 = arith.constant 416 : index
    %swap3A_205 = tpu.vector_load %arg6[%swap3A_204] {strides = array<i32>} : memref<640xf32, #tpu.memory_space<vmem>>, vector<16xf32>,
    %swap3A_206 = vector.shape_cast %swap3A_205 : vector<16xf32> to vector<16xf32>
    %swap3A_207 = vector.shape_cast %broadcast_in_dim3A_203 : vector<16xf32> to vector<16xf32>
    tpu.vector_store %arg6[%swap3A_204], %swap3A_207 {strides = array<i32>} : memref<640xf32, #tpu.memory_space<vmem>>, vector<16xf32>,
    %broadcast_in_dim3A_208 = arith.constant 0.000000e+00 : f32
    %broadcast_in_dim3A_209 = vector.broadcast %broadcast_in_dim3A_208 : f32 to vector<16xf32>
    %swap3A_210 = arith.constant 432 : index
    %swap3A_211 = tpu.vector_load %arg6[%swap3A_210] {strides = array<i32>} : memref<640xf32, #tpu.memory_space<vmem>>, vector<16xf32>,
    %swap3A_212 = vector.shape_cast %swap3A_211 : vector<16xf32> to vector<16xf32>
    %swap3A_213 = vector.shape_cast %broadcast_in_dim3A_209 : vector<16xf32> to vector<16xf32>
    tpu.vector_store %arg6[%swap3A_210], %swap3A_213 {strides = array<i32>} : memref<640xf32, #tpu.memory_space<vmem>>, vector<16xf32>,
    %broadcast_in_dim3A_214 = arith.constant 0.000000e+00 : f32
    %broadcast_in_dim3A_215 = vector.broadcast %broadcast_in_dim3A_214 : f32 to vector<16xf32>
    %swap3A_216 = arith.constant 448 : index
    %swap3A_217 = tpu.vector_load %arg6[%swap3A_216] {strides = array<i32>} : memref<640xf32, #tpu.memory_space<vmem>>, vector<16xf32>,
    %swap3A_218 = vector.shape_cast %swap3A_217 : vector<16xf32> to vector<16xf32>
    %swap3A_219 = vector.shape_cast %broadcast_in_dim3A_215 : vector<16xf32> to vector<16xf32>
    tpu.vector_store %arg6[%swap3A_216], %swap3A_219 {strides = array<i32>} : memref<640xf32, #tpu.memory_space<vmem>>, vector<16xf32>,
    %broadcast_in_dim3A_220 = arith.constant 0.000000e+00 : f32
    %broadcast_in_dim3A_221 = vector.broadcast %broadcast_in_dim3A_220 : f32 to vector<16xf32>
    %swap3A_222 = arith.constant 464 : index
    %swap3A_223 = tpu.vector_load %arg6[%swap3A_222] {strides = array<i32>} : memref<640xf32, #tpu.memory_space<vmem>>, vector<16xf32>,
    %swap3A_224 = vector.shape_cast %swap3A_223 : vector<16xf32> to vector<16xf32>
    %swap3A_225 = vector.shape_cast %broadcast_in_dim3A_221 : vector<16xf32> to vector<16xf32>
    tpu.vector_store %arg6[%swap3A_222], %swap3A_225 {strides = array<i32>} : memref<640xf32, #tpu.memory_space<vmem>>, vector<16xf32>,
    %broadcast_in_dim3A_226 = arith.constant 0.000000e+00 : f32
    %broadcast_in_dim3A_227 = vector.broadcast %broadcast_in_dim3A_226 : f32 to vector<16xf32>
    %swap3A_228 = arith.constant 480 : index
    %swap3A_229 = tpu.vector_load %arg6[%swap3A_228] {strides = array<i32>} : memref<640xf32, #tpu.memory_space<vmem>>, vector<16xf32>,
    %swap3A_230 = vector.shape_cast %swap3A_229 : vector<16xf32> to vector<16xf32>
    %swap3A_231 = vector.shape_cast %broadcast_in_dim3A_227 : vector<16xf32> to vector<16xf32>
    tpu.vector_store %arg6[%swap3A_228], %swap3A_231 {strides = array<i32>} : memref<640xf32, #tpu.memory_space<vmem>>, vector<16xf32>,
    %broadcast_in_dim3A_232 = arith.constant 0.000000e+00 : f32
    %broadcast_in_dim3A_233 = vector.broadcast %broadcast_in_dim3A_232 : f32 to vector<16xf32>
    %swap3A_234 = arith.constant 496 : index
    %swap3A_235 = tpu.vector_load %arg6[%swap3A_234] {strides = array<i32>} : memref<640xf32, #tpu.memory_space<vmem>>, vector<16xf32>,
    %swap3A_236 = vector.shape_cast %swap3A_235 : vector<16xf32> to vector<16xf32>
    %swap3A_237 = vector.shape_cast %broadcast_in_dim3A_233 : vector<16xf32> to vector<16xf32>
    tpu.vector_store %arg6[%swap3A_234], %swap3A_237 {strides = array<i32>} : memref<640xf32, #tpu.memory_space<vmem>>, vector<16xf32>,
    %broadcast_in_dim3A_238 = arith.constant 0.000000e+00 : f32
    %broadcast_in_dim3A_239 = vector.broadcast %broadcast_in_dim3A_238 : f32 to vector<16xf32>
    %swap3A_240 = arith.constant 512 : index
    %swap3A_241 = tpu.vector_load %arg6[%swap3A_240] {strides = array<i32>} : memref<640xf32, #tpu.memory_space<vmem>>, vector<16xf32>,
    %swap3A_242 = vector.shape_cast %swap3A_241 : vector<16xf32> to vector<16xf32>
    %swap3A_243 = vector.shape_cast %broadcast_in_dim3A_239 : vector<16xf32> to vector<16xf32>
    tpu.vector_store %arg6[%swap3A_240], %swap3A_243 {strides = array<i32>} : memref<640xf32, #tpu.memory_space<vmem>>, vector<16xf32>,
    %broadcast_in_dim3A_244 = arith.constant 0.000000e+00 : f32
    %broadcast_in_dim3A_245 = vector.broadcast %broadcast_in_dim3A_244 : f32 to vector<16xf32>
    %swap3A_246 = arith.constant 528 : index
    %swap3A_247 = tpu.vector_load %arg6[%swap3A_246] {strides = array<i32>} : memref<640xf32, #tpu.memory_space<vmem>>, vector<16xf32>,
    %swap3A_248 = vector.shape_cast %swap3A_247 : vector<16xf32> to vector<16xf32>
    %swap3A_249 = vector.shape_cast %broadcast_in_dim3A_245 : vector<16xf32> to vector<16xf32>
    tpu.vector_store %arg6[%swap3A_246], %swap3A_249 {strides = array<i32>} : memref<640xf32, #tpu.memory_space<vmem>>, vector<16xf32>,
    %broadcast_in_dim3A_250 = arith.constant 0.000000e+00 : f32
    %broadcast_in_dim3A_251 = vector.broadcast %broadcast_in_dim3A_250 : f32 to vector<16xf32>
    %swap3A_252 = arith.constant 544 : index
    %swap3A_253 = tpu.vector_load %arg6[%swap3A_252] {strides = array<i32>} : memref<640xf32, #tpu.memory_space<vmem>>, vector<16xf32>,
    %swap3A_254 = vector.shape_cast %swap3A_253 : vector<16xf32> to vector<16xf32>
    %swap3A_255 = vector.shape_cast %broadcast_in_dim3A_251 : vector<16xf32> to vector<16xf32>
    tpu.vector_store %arg6[%swap3A_252], %swap3A_255 {strides = array<i32>} : memref<640xf32, #tpu.memory_space<vmem>>, vector<16xf32>,
    %broadcast_in_dim3A_256 = arith.constant 0.000000e+00 : f32
    %broadcast_in_dim3A_257 = vector.broadcast %broadcast_in_dim3A_256 : f32 to vector<16xf32>
    %swap3A_258 = arith.constant 560 : index
    %swap3A_259 = tpu.vector_load %arg6[%swap3A_258] {strides = array<i32>} : memref<640xf32, #tpu.memory_space<vmem>>, vector<16xf32>,
    %swap3A_260 = vector.shape_cast %swap3A_259 : vector<16xf32> to vector<16xf32>
    %swap3A_261 = vector.shape_cast %broadcast_in_dim3A_257 : vector<16xf32> to vector<16xf32>
    tpu.vector_store %arg6[%swap3A_258], %swap3A_261 {strides = array<i32>} : memref<640xf32, #tpu.memory_space<vmem>>, vector<16xf32>,
    %broadcast_in_dim3A_262 = arith.constant 0.000000e+00 : f32
    %broadcast_in_dim3A_263 = vector.broadcast %broadcast_in_dim3A_262 : f32 to vector<16xf32>
    %swap3A_264 = arith.constant 576 : index
    %swap3A_265 = tpu.vector_load %arg6[%swap3A_264] {strides = array<i32>} : memref<640xf32, #tpu.memory_space<vmem>>, vector<16xf32>,
    %swap3A_266 = vector.shape_cast %swap3A_265 : vector<16xf32> to vector<16xf32>
    %swap3A_267 = vector.shape_cast %broadcast_in_dim3A_263 : vector<16xf32> to vector<16xf32>
    tpu.vector_store %arg6[%swap3A_264], %swap3A_267 {strides = array<i32>} : memref<640xf32, #tpu.memory_space<vmem>>, vector<16xf32>,
    %broadcast_in_dim3A_268 = arith.constant 0.000000e+00 : f32
    %broadcast_in_dim3A_269 = vector.broadcast %broadcast_in_dim3A_268 : f32 to vector<16xf32>
    %swap3A_270 = arith.constant 592 : index
    %swap3A_271 = tpu.vector_load %arg6[%swap3A_270] {strides = array<i32>} : memref<640xf32, #tpu.memory_space<vmem>>, vector<16xf32>,
    %swap3A_272 = vector.shape_cast %swap3A_271 : vector<16xf32> to vector<16xf32>
    %swap3A_273 = vector.shape_cast %broadcast_in_dim3A_269 : vector<16xf32> to vector<16xf32>
    tpu.vector_store %arg6[%swap3A_270], %swap3A_273 {strides = array<i32>} : memref<640xf32, #tpu.memory_space<vmem>>, vector<16xf32>,
    %broadcast_in_dim3A_274 = arith.constant 0.000000e+00 : f32
    %broadcast_in_dim3A_275 = vector.broadcast %broadcast_in_dim3A_274 : f32 to vector<16xf32>
    %swap3A_276 = arith.constant 608 : index
    %swap3A_277 = tpu.vector_load %arg6[%swap3A_276] {strides = array<i32>} : memref<640xf32, #tpu.memory_space<vmem>>, vector<16xf32>,
    %swap3A_278 = vector.shape_cast %swap3A_277 : vector<16xf32> to vector<16xf32>
    %swap3A_279 = vector.shape_cast %broadcast_in_dim3A_275 : vector<16xf32> to vector<16xf32>
    tpu.vector_store %arg6[%swap3A_276], %swap3A_279 {strides = array<i32>} : memref<640xf32, #tpu.memory_space<vmem>>, vector<16xf32>,
    %broadcast_in_dim3A_280 = arith.constant 0.000000e+00 : f32
    %broadcast_in_dim3A_281 = vector.broadcast %broadcast_in_dim3A_280 : f32 to vector<16xf32>
    %swap3A_282 = arith.constant 624 : index
    %swap3A_283 = tpu.vector_load %arg6[%swap3A_282] {strides = array<i32>} : memref<640xf32, #tpu.memory_space<vmem>>, vector<16xf32>,
    %swap3A_284 = vector.shape_cast %swap3A_283 : vector<16xf32> to vector<16xf32>
    %swap3A_285 = vector.shape_cast %broadcast_in_dim3A_281 : vector<16xf32> to vector<16xf32>
    tpu.vector_store %arg6[%swap3A_282], %swap3A_285 {strides = array<i32>} : memref<640xf32, #tpu.memory_space<vmem>>, vector<16xf32>,
    %mul3A = arith.constant 640 : i32
    %mul3A_286 = arith.muli %arg1, %mul3A : i32
    "tpu.region"() ({
      %run_scoped3A_298 = tpu.sem_alloc : memref<!tpu.dma_semaphore, #tpu.memory_space<semaphore_mem>>
      %dma_start3A = tpu.memref_slice %arg7[%mul3A_286] : memref<10240xf32, #tpu.memory_space<vmem_shared>> -> memref<640xf32, #tpu.memory_space<vmem_shared>>
      %dma_start3A_299 = tpu.memref_slice %arg7[%mul3A_286] : memref<10240xf32, #tpu.memory_space<vmem_shared>> -> memref<640xf32, #tpu.memory_space<vmem_shared>>
      tpu.enqueue_dma source(%arg6 : memref<640xf32, #tpu.memory_space<vmem>>) target(%dma_start3A_299 : memref<640xf32, #tpu.memory_space<vmem_shared>>) target_semaphore(%run_scoped3A_298 : memref<!tpu.dma_semaphore, #tpu.memory_space<semaphore_mem>>)
      %dma_wait3A = tpu.memref_slice %arg7[%mul3A_286] : memref<10240xf32, #tpu.memory_space<vmem_shared>> -> memref<640xf32, #tpu.memory_space<vmem_shared>>
      %dma_wait3A_300 = tpu.memref_slice %arg7[%mul3A_286] : memref<10240xf32, #tpu.memory_space<vmem_shared>> -> memref<640xf32, #tpu.memory_space<vmem_shared>>
      tpu.wait_dma2 semaphore(%run_scoped3A_298 : memref<!tpu.dma_semaphore, #tpu.memory_space<semaphore_mem>>) src(%arg6 : memref<640xf32, #tpu.memory_space<vmem>>) dst(%dma_wait3A_300 : memref<640xf32, #tpu.memory_space<vmem_shared>>)
      tpu.yield
    }) : () -> ()
    %mul3A_287 = arith.constant 16 : i32
    %mul3A_288 = arith.muli %arg0, %mul3A_287 : i32
    %add3A = arith.addi %mul3A_288, %arg1 : i32
    %mul3A_289 = arith.constant 10 : i32
    %mul3A_290 = arith.muli %add3A, %mul3A_289 : i32
    %barrier3A = arith.constant 0 : index
    tpu.barrier barrier_id(%barrier3A)
    %scan3A = arith.constant 0 : i32
    %scan3A_291 = arith.constant 10 : i32
    %scan3A_292 = arith.addi %scan3A, %scan3A_291 : i32
    %scan3A_293 = arith.constant 1 : i32
    scf.for %scan3A_298 = %scan3A to %scan3A_292 step %scan3A_293  : i32 {
      %mul3A_299 = arith.constant 1 : i32
      %mul3A_300 = arith.muli %scan3A_298, %mul3A_299 : i32
      %add3A_301 = arith.constant 0 : i32
      %add3A_302 = arith.addi %add3A_301, %mul3A_300 : i32
      %add3A_303 = arith.addi %mul3A_290, %add3A_302 : i32
      "tpu.region"() ({
        %run_scoped3A_312 = tpu.sem_alloc : memref<!tpu.dma_semaphore, #tpu.memory_space<semaphore_mem>>
        %dma_start3A = arith.constant 0 : i32
        %dma_start3A_313 = arith.constant 0 : i32
        %dma_start3A_314 = tpu.memref_slice %arg2[%add3A_303, %dma_start3A, %dma_start3A_313] : memref<320x8x128xi32, #tpu.memory_space<hbm>> -> memref<1x8x128xi32, #tpu.memory_space<hbm>>
        %dma_start3A_315 = tpu.memref_squeeze %dma_start3A_314 : memref<1x8x128xi32, #tpu.memory_space<hbm>> -> memref<8x128xi32, #tpu.memory_space<hbm>>
        %dma_start3A_316 = arith.constant 0 : i32
        %dma_start3A_317 = arith.constant 0 : i32
        %dma_start3A_318 = tpu.memref_slice %arg2[%add3A_303, %dma_start3A_316, %dma_start3A_317] : memref<320x8x128xi32, #tpu.memory_space<hbm>> -> memref<1x8x128xi32, #tpu.memory_space<hbm>>
        %dma_start3A_319 = tpu.memref_squeeze %dma_start3A_318 : memref<1x8x128xi32, #tpu.memory_space<hbm>> -> memref<8x128xi32, #tpu.memory_space<hbm>>
        tpu.enqueue_dma source(%dma_start3A_319 : memref<8x128xi32, #tpu.memory_space<hbm>>) target(%arg4 : memref<8x128xi32, #tpu.memory_space<vmem>>) target_semaphore(%run_scoped3A_312 : memref<!tpu.dma_semaphore, #tpu.memory_space<semaphore_mem>>)
        %dma_wait3A = arith.constant 0 : i32
        %dma_wait3A_320 = arith.constant 0 : i32
        %dma_wait3A_321 = tpu.memref_slice %arg2[%add3A_303, %dma_wait3A, %dma_wait3A_320] : memref<320x8x128xi32, #tpu.memory_space<hbm>> -> memref<1x8x128xi32, #tpu.memory_space<hbm>>
        %dma_wait3A_322 = tpu.memref_squeeze %dma_wait3A_321 : memref<1x8x128xi32, #tpu.memory_space<hbm>> -> memref<8x128xi32, #tpu.memory_space<hbm>>
        %dma_wait3A_323 = arith.constant 0 : i32
        %dma_wait3A_324 = arith.constant 0 : i32
        %dma_wait3A_325 = tpu.memref_slice %arg2[%add3A_303, %dma_wait3A_323, %dma_wait3A_324] : memref<320x8x128xi32, #tpu.memory_space<hbm>> -> memref<1x8x128xi32, #tpu.memory_space<hbm>>
        %dma_wait3A_326 = tpu.memref_squeeze %dma_wait3A_325 : memref<1x8x128xi32, #tpu.memory_space<hbm>> -> memref<8x128xi32, #tpu.memory_space<hbm>>
        tpu.wait_dma2 semaphore(%run_scoped3A_312 : memref<!tpu.dma_semaphore, #tpu.memory_space<semaphore_mem>>) src(%dma_wait3A_326 : memref<8x128xi32, #tpu.memory_space<hbm>>) dst(%arg4 : memref<8x128xi32, #tpu.memory_space<vmem>>)
        tpu.yield
      }) : () -> ()
      %run_scoped3A_304 = arith.constant 0 : i32
      "tpu.region"() ({
        %run_scoped3A_312 = tpu.sem_alloc : memref<!tpu.dma_semaphore, #tpu.memory_space<semaphore_mem>>
        %dma_start3A = arith.constant 0 : i32
        %dma_start3A_313 = tpu.memref_slice %arg4[%run_scoped3A_304, %dma_start3A] : memref<8x128xi32, #tpu.memory_space<vmem>> -> memref<1x128xi32, #tpu.memory_space<vmem>>
        %dma_start3A_314 = tpu.memref_squeeze %dma_start3A_313 : memref<1x128xi32, #tpu.memory_space<vmem>> -> memref<128xi32, #tpu.memory_space<vmem>>
        %dma_start3A_315 = arith.constant 0 : i32
        %dma_start3A_316 = tpu.memref_slice %arg7[%dma_start3A_315] : memref<10240xf32, #tpu.memory_space<vmem_shared>> -> memref<10240xf32, #tpu.memory_space<vmem_shared>>
        tpu.enqueue_indirect_dma source(%arg5 : memref<128xf32, #tpu.memory_space<vmem>>) target(%dma_start3A_316 : memref<10240xf32, #tpu.memory_space<vmem_shared>>) offsets(%dma_start3A_314 : memref<128xi32, #tpu.memory_space<vmem>>) semaphore(%run_scoped3A_312 : memref<!tpu.dma_semaphore, #tpu.memory_space<semaphore_mem>>) {add = true}
        %dma_wait3A = arith.constant 0 : i32
        %dma_wait3A_317 = tpu.memref_slice %arg4[%run_scoped3A_304, %dma_wait3A] : memref<8x128xi32, #tpu.memory_space<vmem>> -> memref<1x128xi32, #tpu.memory_space<vmem>>
        %dma_wait3A_318 = tpu.memref_squeeze %dma_wait3A_317 : memref<1x128xi32, #tpu.memory_space<vmem>> -> memref<128xi32, #tpu.memory_space<vmem>>
        %dma_wait3A_319 = arith.constant 0 : i32
        %dma_wait3A_320 = tpu.memref_slice %arg7[%dma_wait3A_319] : memref<10240xf32, #tpu.memory_space<vmem_shared>> -> memref<10240xf32, #tpu.memory_space<vmem_shared>>
        tpu.wait_indirect_dma semaphore(%run_scoped3A_312 : memref<!tpu.dma_semaphore, #tpu.memory_space<semaphore_mem>>) src(%arg5 : memref<128xf32, #tpu.memory_space<vmem>>) dst(%dma_wait3A_320 : memref<10240xf32, #tpu.memory_space<vmem_shared>>)
        tpu.yield
      }) : () -> ()
      %run_scoped3A_305 = arith.constant 1 : i32
      "tpu.region"() ({
        %run_scoped3A_312 = tpu.sem_alloc : memref<!tpu.dma_semaphore, #tpu.memory_space<semaphore_mem>>
        %dma_start3A = arith.constant 0 : i32
        %dma_start3A_313 = tpu.memref_slice %arg4[%run_scoped3A_305, %dma_start3A] : memref<8x128xi32, #tpu.memory_space<vmem>> -> memref<1x128xi32, #tpu.memory_space<vmem>>
        %dma_start3A_314 = tpu.memref_squeeze %dma_start3A_313 : memref<1x128xi32, #tpu.memory_space<vmem>> -> memref<128xi32, #tpu.memory_space<vmem>>
        %dma_start3A_315 = arith.constant 0 : i32
        %dma_start3A_316 = tpu.memref_slice %arg7[%dma_start3A_315] : memref<10240xf32, #tpu.memory_space<vmem_shared>> -> memref<10240xf32, #tpu.memory_space<vmem_shared>>
        tpu.enqueue_indirect_dma source(%arg5 : memref<128xf32, #tpu.memory_space<vmem>>) target(%dma_start3A_316 : memref<10240xf32, #tpu.memory_space<vmem_shared>>) offsets(%dma_start3A_314 : memref<128xi32, #tpu.memory_space<vmem>>) semaphore(%run_scoped3A_312 : memref<!tpu.dma_semaphore, #tpu.memory_space<semaphore_mem>>) {add = true}
        %dma_wait3A = arith.constant 0 : i32
        %dma_wait3A_317 = tpu.memref_slice %arg4[%run_scoped3A_305, %dma_wait3A] : memref<8x128xi32, #tpu.memory_space<vmem>> -> memref<1x128xi32, #tpu.memory_space<vmem>>
        %dma_wait3A_318 = tpu.memref_squeeze %dma_wait3A_317 : memref<1x128xi32, #tpu.memory_space<vmem>> -> memref<128xi32, #tpu.memory_space<vmem>>
        %dma_wait3A_319 = arith.constant 0 : i32
        %dma_wait3A_320 = tpu.memref_slice %arg7[%dma_wait3A_319] : memref<10240xf32, #tpu.memory_space<vmem_shared>> -> memref<10240xf32, #tpu.memory_space<vmem_shared>>
        tpu.wait_indirect_dma semaphore(%run_scoped3A_312 : memref<!tpu.dma_semaphore, #tpu.memory_space<semaphore_mem>>) src(%arg5 : memref<128xf32, #tpu.memory_space<vmem>>) dst(%dma_wait3A_320 : memref<10240xf32, #tpu.memory_space<vmem_shared>>)
        tpu.yield
      }) : () -> ()
      %run_scoped3A_306 = arith.constant 2 : i32
      "tpu.region"() ({
        %run_scoped3A_312 = tpu.sem_alloc : memref<!tpu.dma_semaphore, #tpu.memory_space<semaphore_mem>>
        %dma_start3A = arith.constant 0 : i32
        %dma_start3A_313 = tpu.memref_slice %arg4[%run_scoped3A_306, %dma_start3A] : memref<8x128xi32, #tpu.memory_space<vmem>> -> memref<1x128xi32, #tpu.memory_space<vmem>>
        %dma_start3A_314 = tpu.memref_squeeze %dma_start3A_313 : memref<1x128xi32, #tpu.memory_space<vmem>> -> memref<128xi32, #tpu.memory_space<vmem>>
        %dma_start3A_315 = arith.constant 0 : i32
        %dma_start3A_316 = tpu.memref_slice %arg7[%dma_start3A_315] : memref<10240xf32, #tpu.memory_space<vmem_shared>> -> memref<10240xf32, #tpu.memory_space<vmem_shared>>
        tpu.enqueue_indirect_dma source(%arg5 : memref<128xf32, #tpu.memory_space<vmem>>) target(%dma_start3A_316 : memref<10240xf32, #tpu.memory_space<vmem_shared>>) offsets(%dma_start3A_314 : memref<128xi32, #tpu.memory_space<vmem>>) semaphore(%run_scoped3A_312 : memref<!tpu.dma_semaphore, #tpu.memory_space<semaphore_mem>>) {add = true}
        %dma_wait3A = arith.constant 0 : i32
        %dma_wait3A_317 = tpu.memref_slice %arg4[%run_scoped3A_306, %dma_wait3A] : memref<8x128xi32, #tpu.memory_space<vmem>> -> memref<1x128xi32, #tpu.memory_space<vmem>>
        %dma_wait3A_318 = tpu.memref_squeeze %dma_wait3A_317 : memref<1x128xi32, #tpu.memory_space<vmem>> -> memref<128xi32, #tpu.memory_space<vmem>>
        %dma_wait3A_319 = arith.constant 0 : i32
        %dma_wait3A_320 = tpu.memref_slice %arg7[%dma_wait3A_319] : memref<10240xf32, #tpu.memory_space<vmem_shared>> -> memref<10240xf32, #tpu.memory_space<vmem_shared>>
        tpu.wait_indirect_dma semaphore(%run_scoped3A_312 : memref<!tpu.dma_semaphore, #tpu.memory_space<semaphore_mem>>) src(%arg5 : memref<128xf32, #tpu.memory_space<vmem>>) dst(%dma_wait3A_320 : memref<10240xf32, #tpu.memory_space<vmem_shared>>)
        tpu.yield
      }) : () -> ()
      %run_scoped3A_307 = arith.constant 3 : i32
      "tpu.region"() ({
        %run_scoped3A_312 = tpu.sem_alloc : memref<!tpu.dma_semaphore, #tpu.memory_space<semaphore_mem>>
        %dma_start3A = arith.constant 0 : i32
        %dma_start3A_313 = tpu.memref_slice %arg4[%run_scoped3A_307, %dma_start3A] : memref<8x128xi32, #tpu.memory_space<vmem>> -> memref<1x128xi32, #tpu.memory_space<vmem>>
        %dma_start3A_314 = tpu.memref_squeeze %dma_start3A_313 : memref<1x128xi32, #tpu.memory_space<vmem>> -> memref<128xi32, #tpu.memory_space<vmem>>
        %dma_start3A_315 = arith.constant 0 : i32
        %dma_start3A_316 = tpu.memref_slice %arg7[%dma_start3A_315] : memref<10240xf32, #tpu.memory_space<vmem_shared>> -> memref<10240xf32, #tpu.memory_space<vmem_shared>>
        tpu.enqueue_indirect_dma source(%arg5 : memref<128xf32, #tpu.memory_space<vmem>>) target(%dma_start3A_316 : memref<10240xf32, #tpu.memory_space<vmem_shared>>) offsets(%dma_start3A_314 : memref<128xi32, #tpu.memory_space<vmem>>) semaphore(%run_scoped3A_312 : memref<!tpu.dma_semaphore, #tpu.memory_space<semaphore_mem>>) {add = true}
        %dma_wait3A = arith.constant 0 : i32
        %dma_wait3A_317 = tpu.memref_slice %arg4[%run_scoped3A_307, %dma_wait3A] : memref<8x128xi32, #tpu.memory_space<vmem>> -> memref<1x128xi32, #tpu.memory_space<vmem>>
        %dma_wait3A_318 = tpu.memref_squeeze %dma_wait3A_317 : memref<1x128xi32, #tpu.memory_space<vmem>> -> memref<128xi32, #tpu.memory_space<vmem>>
        %dma_wait3A_319 = arith.constant 0 : i32
        %dma_wait3A_320 = tpu.memref_slice %arg7[%dma_wait3A_319] : memref<10240xf32, #tpu.memory_space<vmem_shared>> -> memref<10240xf32, #tpu.memory_space<vmem_shared>>
        tpu.wait_indirect_dma semaphore(%run_scoped3A_312 : memref<!tpu.dma_semaphore, #tpu.memory_space<semaphore_mem>>) src(%arg5 : memref<128xf32, #tpu.memory_space<vmem>>) dst(%dma_wait3A_320 : memref<10240xf32, #tpu.memory_space<vmem_shared>>)
        tpu.yield
      }) : () -> ()
      %run_scoped3A_308 = arith.constant 4 : i32
      "tpu.region"() ({
        %run_scoped3A_312 = tpu.sem_alloc : memref<!tpu.dma_semaphore, #tpu.memory_space<semaphore_mem>>
        %dma_start3A = arith.constant 0 : i32
        %dma_start3A_313 = tpu.memref_slice %arg4[%run_scoped3A_308, %dma_start3A] : memref<8x128xi32, #tpu.memory_space<vmem>> -> memref<1x128xi32, #tpu.memory_space<vmem>>
        %dma_start3A_314 = tpu.memref_squeeze %dma_start3A_313 : memref<1x128xi32, #tpu.memory_space<vmem>> -> memref<128xi32, #tpu.memory_space<vmem>>
        %dma_start3A_315 = arith.constant 0 : i32
        %dma_start3A_316 = tpu.memref_slice %arg7[%dma_start3A_315] : memref<10240xf32, #tpu.memory_space<vmem_shared>> -> memref<10240xf32, #tpu.memory_space<vmem_shared>>
        tpu.enqueue_indirect_dma source(%arg5 : memref<128xf32, #tpu.memory_space<vmem>>) target(%dma_start3A_316 : memref<10240xf32, #tpu.memory_space<vmem_shared>>) offsets(%dma_start3A_314 : memref<128xi32, #tpu.memory_space<vmem>>) semaphore(%run_scoped3A_312 : memref<!tpu.dma_semaphore, #tpu.memory_space<semaphore_mem>>) {add = true}
        %dma_wait3A = arith.constant 0 : i32
        %dma_wait3A_317 = tpu.memref_slice %arg4[%run_scoped3A_308, %dma_wait3A] : memref<8x128xi32, #tpu.memory_space<vmem>> -> memref<1x128xi32, #tpu.memory_space<vmem>>
        %dma_wait3A_318 = tpu.memref_squeeze %dma_wait3A_317 : memref<1x128xi32, #tpu.memory_space<vmem>> -> memref<128xi32, #tpu.memory_space<vmem>>
        %dma_wait3A_319 = arith.constant 0 : i32
        %dma_wait3A_320 = tpu.memref_slice %arg7[%dma_wait3A_319] : memref<10240xf32, #tpu.memory_space<vmem_shared>> -> memref<10240xf32, #tpu.memory_space<vmem_shared>>
        tpu.wait_indirect_dma semaphore(%run_scoped3A_312 : memref<!tpu.dma_semaphore, #tpu.memory_space<semaphore_mem>>) src(%arg5 : memref<128xf32, #tpu.memory_space<vmem>>) dst(%dma_wait3A_320 : memref<10240xf32, #tpu.memory_space<vmem_shared>>)
        tpu.yield
      }) : () -> ()
      %run_scoped3A_309 = arith.constant 5 : i32
      "tpu.region"() ({
        %run_scoped3A_312 = tpu.sem_alloc : memref<!tpu.dma_semaphore, #tpu.memory_space<semaphore_mem>>
        %dma_start3A = arith.constant 0 : i32
        %dma_start3A_313 = tpu.memref_slice %arg4[%run_scoped3A_309, %dma_start3A] : memref<8x128xi32, #tpu.memory_space<vmem>> -> memref<1x128xi32, #tpu.memory_space<vmem>>
        %dma_start3A_314 = tpu.memref_squeeze %dma_start3A_313 : memref<1x128xi32, #tpu.memory_space<vmem>> -> memref<128xi32, #tpu.memory_space<vmem>>
        %dma_start3A_315 = arith.constant 0 : i32
        %dma_start3A_316 = tpu.memref_slice %arg7[%dma_start3A_315] : memref<10240xf32, #tpu.memory_space<vmem_shared>> -> memref<10240xf32, #tpu.memory_space<vmem_shared>>
        tpu.enqueue_indirect_dma source(%arg5 : memref<128xf32, #tpu.memory_space<vmem>>) target(%dma_start3A_316 : memref<10240xf32, #tpu.memory_space<vmem_shared>>) offsets(%dma_start3A_314 : memref<128xi32, #tpu.memory_space<vmem>>) semaphore(%run_scoped3A_312 : memref<!tpu.dma_semaphore, #tpu.memory_space<semaphore_mem>>) {add = true}
        %dma_wait3A = arith.constant 0 : i32
        %dma_wait3A_317 = tpu.memref_slice %arg4[%run_scoped3A_309, %dma_wait3A] : memref<8x128xi32, #tpu.memory_space<vmem>> -> memref<1x128xi32, #tpu.memory_space<vmem>>
        %dma_wait3A_318 = tpu.memref_squeeze %dma_wait3A_317 : memref<1x128xi32, #tpu.memory_space<vmem>> -> memref<128xi32, #tpu.memory_space<vmem>>
        %dma_wait3A_319 = arith.constant 0 : i32
        %dma_wait3A_320 = tpu.memref_slice %arg7[%dma_wait3A_319] : memref<10240xf32, #tpu.memory_space<vmem_shared>> -> memref<10240xf32, #tpu.memory_space<vmem_shared>>
        tpu.wait_indirect_dma semaphore(%run_scoped3A_312 : memref<!tpu.dma_semaphore, #tpu.memory_space<semaphore_mem>>) src(%arg5 : memref<128xf32, #tpu.memory_space<vmem>>) dst(%dma_wait3A_320 : memref<10240xf32, #tpu.memory_space<vmem_shared>>)
        tpu.yield
      }) : () -> ()
      %run_scoped3A_310 = arith.constant 6 : i32
      "tpu.region"() ({
        %run_scoped3A_312 = tpu.sem_alloc : memref<!tpu.dma_semaphore, #tpu.memory_space<semaphore_mem>>
        %dma_start3A = arith.constant 0 : i32
        %dma_start3A_313 = tpu.memref_slice %arg4[%run_scoped3A_310, %dma_start3A] : memref<8x128xi32, #tpu.memory_space<vmem>> -> memref<1x128xi32, #tpu.memory_space<vmem>>
        %dma_start3A_314 = tpu.memref_squeeze %dma_start3A_313 : memref<1x128xi32, #tpu.memory_space<vmem>> -> memref<128xi32, #tpu.memory_space<vmem>>
        %dma_start3A_315 = arith.constant 0 : i32
        %dma_start3A_316 = tpu.memref_slice %arg7[%dma_start3A_315] : memref<10240xf32, #tpu.memory_space<vmem_shared>> -> memref<10240xf32, #tpu.memory_space<vmem_shared>>
        tpu.enqueue_indirect_dma source(%arg5 : memref<128xf32, #tpu.memory_space<vmem>>) target(%dma_start3A_316 : memref<10240xf32, #tpu.memory_space<vmem_shared>>) offsets(%dma_start3A_314 : memref<128xi32, #tpu.memory_space<vmem>>) semaphore(%run_scoped3A_312 : memref<!tpu.dma_semaphore, #tpu.memory_space<semaphore_mem>>) {add = true}
        %dma_wait3A = arith.constant 0 : i32
        %dma_wait3A_317 = tpu.memref_slice %arg4[%run_scoped3A_310, %dma_wait3A] : memref<8x128xi32, #tpu.memory_space<vmem>> -> memref<1x128xi32, #tpu.memory_space<vmem>>
        %dma_wait3A_318 = tpu.memref_squeeze %dma_wait3A_317 : memref<1x128xi32, #tpu.memory_space<vmem>> -> memref<128xi32, #tpu.memory_space<vmem>>
        %dma_wait3A_319 = arith.constant 0 : i32
        %dma_wait3A_320 = tpu.memref_slice %arg7[%dma_wait3A_319] : memref<10240xf32, #tpu.memory_space<vmem_shared>> -> memref<10240xf32, #tpu.memory_space<vmem_shared>>
        tpu.wait_indirect_dma semaphore(%run_scoped3A_312 : memref<!tpu.dma_semaphore, #tpu.memory_space<semaphore_mem>>) src(%arg5 : memref<128xf32, #tpu.memory_space<vmem>>) dst(%dma_wait3A_320 : memref<10240xf32, #tpu.memory_space<vmem_shared>>)
        tpu.yield
      }) : () -> ()
      %run_scoped3A_311 = arith.constant 7 : i32
      "tpu.region"() ({
        %run_scoped3A_312 = tpu.sem_alloc : memref<!tpu.dma_semaphore, #tpu.memory_space<semaphore_mem>>
        %dma_start3A = arith.constant 0 : i32
        %dma_start3A_313 = tpu.memref_slice %arg4[%run_scoped3A_311, %dma_start3A] : memref<8x128xi32, #tpu.memory_space<vmem>> -> memref<1x128xi32, #tpu.memory_space<vmem>>
        %dma_start3A_314 = tpu.memref_squeeze %dma_start3A_313 : memref<1x128xi32, #tpu.memory_space<vmem>> -> memref<128xi32, #tpu.memory_space<vmem>>
        %dma_start3A_315 = arith.constant 0 : i32
        %dma_start3A_316 = tpu.memref_slice %arg7[%dma_start3A_315] : memref<10240xf32, #tpu.memory_space<vmem_shared>> -> memref<10240xf32, #tpu.memory_space<vmem_shared>>
        tpu.enqueue_indirect_dma source(%arg5 : memref<128xf32, #tpu.memory_space<vmem>>) target(%dma_start3A_316 : memref<10240xf32, #tpu.memory_space<vmem_shared>>) offsets(%dma_start3A_314 : memref<128xi32, #tpu.memory_space<vmem>>) semaphore(%run_scoped3A_312 : memref<!tpu.dma_semaphore, #tpu.memory_space<semaphore_mem>>) {add = true}
        %dma_wait3A = arith.constant 0 : i32
        %dma_wait3A_317 = tpu.memref_slice %arg4[%run_scoped3A_311, %dma_wait3A] : memref<8x128xi32, #tpu.memory_space<vmem>> -> memref<1x128xi32, #tpu.memory_space<vmem>>
        %dma_wait3A_318 = tpu.memref_squeeze %dma_wait3A_317 : memref<1x128xi32, #tpu.memory_space<vmem>> -> memref<128xi32, #tpu.memory_space<vmem>>
        %dma_wait3A_319 = arith.constant 0 : i32
        %dma_wait3A_320 = tpu.memref_slice %arg7[%dma_wait3A_319] : memref<10240xf32, #tpu.memory_space<vmem_shared>> -> memref<10240xf32, #tpu.memory_space<vmem_shared>>
        tpu.wait_indirect_dma semaphore(%run_scoped3A_312 : memref<!tpu.dma_semaphore, #tpu.memory_space<semaphore_mem>>) src(%arg5 : memref<128xf32, #tpu.memory_space<vmem>>) dst(%dma_wait3A_320 : memref<10240xf32, #tpu.memory_space<vmem_shared>>)
        tpu.yield
      }) : () -> ()
    }
    %scan3A_294 = arith.constant 10 : i32
    %barrier3A_295 = arith.constant 0 : index
    tpu.barrier barrier_id(%barrier3A_295)
    %mul3A_296 = arith.constant 640 : i32
    %mul3A_297 = arith.muli %arg1, %mul3A_296 : i32
    %run_scoped3A = arith.constant 0 : i32
    "tpu.region"() ({
      %run_scoped3A_298 = tpu.sem_alloc : memref<!tpu.dma_semaphore, #tpu.memory_space<semaphore_mem>>
      %dma_start3A = arith.constant 0 : i32
      %dma_start3A_299 = tpu.memref_slice %arg3[%arg0, %arg1, %run_scoped3A, %dma_start3A] : memref<2x16x1x640xf32, #tpu.memory_space<hbm>> -> memref<1x1x1x640xf32, #tpu.memory_space<hbm>>
      %dma_start3A_300 = tpu.memref_squeeze %dma_start3A_299 : memref<1x1x1x640xf32, #tpu.memory_space<hbm>> -> memref<640xf32, #tpu.memory_space<hbm>>
      %dma_start3A_301 = tpu.memref_slice %arg7[%mul3A_297] : memref<10240xf32, #tpu.memory_space<vmem_shared>> -> memref<640xf32, #tpu.memory_space<vmem_shared>>
      tpu.enqueue_dma source(%dma_start3A_301 : memref<640xf32, #tpu.memory_space<vmem_shared>>) target(%dma_start3A_300 : memref<640xf32, #tpu.memory_space<hbm>>) target_semaphore(%run_scoped3A_298 : memref<!tpu.dma_semaphore, #tpu.memory_space<semaphore_mem>>)
      %dma_wait3A = arith.constant 0 : i32
      %dma_wait3A_302 = tpu.memref_slice %arg3[%arg0, %arg1, %run_scoped3A, %dma_wait3A] : memref<2x16x1x640xf32, #tpu.memory_space<hbm>> -> memref<1x1x1x640xf32, #tpu.memory_space<hbm>>
      %dma_wait3A_303 = tpu.memref_squeeze %dma_wait3A_302 : memref<1x1x1x640xf32, #tpu.memory_space<hbm>> -> memref<640xf32, #tpu.memory_space<hbm>>
      %dma_wait3A_304 = tpu.memref_slice %arg7[%mul3A_297] : memref<10240xf32, #tpu.memory_space<vmem_shared>> -> memref<640xf32, #tpu.memory_space<vmem_shared>>
      tpu.wait_dma2 semaphore(%run_scoped3A_298 : memref<!tpu.dma_semaphore, #tpu.memory_space<semaphore_mem>>) src(%dma_wait3A_304 : memref<640xf32, #tpu.memory_space<vmem_shared>>) dst(%dma_wait3A_303 : memref<640xf32, #tpu.memory_space<hbm>>)
      tpu.yield
    }) : () -> ()
    return
  }
}

module attributes {stable_mosaic.version = 14 : i64} {
  func.func @_mm_body(%arg0: i32, %arg1: i32, %arg2: memref<1000x128xf32, #tpu.memory_space<vmem>>, %arg3: memref<1x128x128xf32, #tpu.memory_space<vmem>>, %arg4: memref<2x1x1x1000xf32, #tpu.memory_space<vmem>>, %arg5: memref<1000x128xf32, #tpu.memory_space<vmem>>, %arg6: memref<1x1x1000xf32, #tpu.memory_space<vmem>>) attributes {dimension_semantics = [#tpu.dimension_semantics<arbitrary>, #tpu.dimension_semantics<arbitrary>], iteration_bounds = array<i64: 10, 4>, scalar_prefetch = 0 : i64, scratch_operands = 0 : i64, tpu.core_type = #tpu.core_type<tc>, window_params = [{transform_indices = @transform_0, window_bounds = array<i64: 1000, 128>}, {transform_indices = @transform_1, window_bounds = array<i64: 1, 128, 128>}, {transform_indices = @transform_2, window_bounds = array<i64: 2, 1, 1, 1000>}, {transform_indices = @transform_3, window_bounds = array<i64: 1000, 128>}, {transform_indices = @transform_4, window_bounds = array<i64: 1, 1, 1000>}]} {
    %get3A = arith.constant 0 : index
    %get3A_0 = arith.constant 0 : index
    %get3A_1 = arith.constant 0 : index
    %get3A_2 = arith.constant 0 : index
    %get3A_3 = vector.load %arg4[%get3A, %get3A_0, %get3A_1, %get3A_2] : memref<2x1x1x1000xf32, #tpu.memory_space<vmem>>, vector<1x1x1x1000xf32>
    %get3A_4 = vector.shape_cast %get3A_3 : vector<1x1x1x1000xf32> to vector<1000xf32>
    %get3A_5 = arith.constant 1 : index
    %get3A_6 = arith.constant 0 : index
    %get3A_7 = arith.constant 0 : index
    %get3A_8 = arith.constant 0 : index
    %get3A_9 = vector.load %arg4[%get3A_5, %get3A_6, %get3A_7, %get3A_8] : memref<2x1x1x1000xf32, #tpu.memory_space<vmem>>, vector<1x1x1x1000xf32>
    %get3A_10 = vector.shape_cast %get3A_9 : vector<1x1x1x1000xf32> to vector<1000xf32>
    %add3A = arith.addf %get3A_4, %get3A_10 : vector<1000xf32>
    %add3A_11 = arith.constant 1.000000e+00 : f32
    %add3A_12 = vector.broadcast %add3A_11 : f32 to vector<1000xf32>
    %add3A_13 = arith.addf %add3A, %add3A_12 : vector<1000xf32>
    %rsqrt3A = math.rsqrt %add3A_13 : vector<1000xf32>
    %get3A_14 = arith.constant 0 : index
    %get3A_15 = arith.constant 0 : index
    %get3A_16 = vector.load %arg2[%get3A_14, %get3A_15] : memref<1000x128xf32, #tpu.memory_space<vmem>>, vector<1000x128xf32>
    %get3A_17 = arith.constant 0 : index
    %get3A_18 = arith.constant 0 : index
    %get3A_19 = arith.constant 0 : index
    %get3A_20 = vector.load %arg3[%get3A_17, %get3A_18, %get3A_19] : memref<1x128x128xf32, #tpu.memory_space<vmem>>, vector<1x128x128xf32>
    %get3A_21 = vector.shape_cast %get3A_20 : vector<1x128x128xf32> to vector<128x128xf32>
    %dot_general3A = arith.constant dense<0.000000e+00> : vector<1000x128xf32>
    %dot_general3A_22 = tpu.matmul %get3A_16, %get3A_21, %dot_general3A {dimension_numbers = #tpu.dot_dimension_numbers<[1], [0], [0], [1], [0, 0, 1, 1], [], []>, transpose_lhs_hint = false} : vector<1000x128xf32>, vector<128x128xf32>, vector<1000x128xf32> -> vector<1000x128xf32>
    %broadcast_in_dim3A = vector.shape_cast %rsqrt3A : vector<1000xf32> to vector<1000x1xf32>
    %mul3A = vector.broadcast %broadcast_in_dim3A : vector<1000x1xf32> to vector<1000x128xf32>
    %mul3A_23 = arith.mulf %dot_general3A_22, %mul3A : vector<1000x128xf32>
    %swap3A = arith.constant 0 : index
    %swap3A_24 = arith.constant 0 : index
    %swap3A_25 = vector.load %arg5[%swap3A, %swap3A_24] : memref<1000x128xf32, #tpu.memory_space<vmem>>, vector<1000x128xf32>
    tpu.vector_store %arg5[%swap3A, %swap3A_24], %mul3A_23 {strides = array<i32>} : memref<1000x128xf32, #tpu.memory_space<vmem>>, vector<1000x128xf32>,
    %swap3A_26 = arith.constant 0 : index
    %swap3A_27 = arith.constant 0 : index
    %swap3A_28 = arith.constant 0 : index
    %swap3A_29 = vector.load %arg6[%swap3A_26, %swap3A_27, %swap3A_28] : memref<1x1x1000xf32, #tpu.memory_space<vmem>>, vector<1x1x1000xf32>
    %swap3A_30 = vector.shape_cast %swap3A_29 : vector<1x1x1000xf32> to vector<1000xf32>
    %swap3A_31 = vector.shape_cast %rsqrt3A : vector<1000xf32> to vector<1x1x1000xf32>
    tpu.vector_store %arg6[%swap3A_26, %swap3A_27, %swap3A_28], %swap3A_31 {strides = array<i32>} : memref<1x1x1000xf32, #tpu.memory_space<vmem>>, vector<1x1x1000xf32>,
    return
  }
  func.func @transform_0(%arg0: i32, %arg1: i32) -> (i32, i32) {
    %c0_i32 = arith.constant 0 : i32
    %c0_i32_0 = arith.constant 0 : i32
    return %arg0, %c0_i32 : i32, i32
  }
  func.func @transform_1(%arg0: i32, %arg1: i32) -> (i32, i32, i32) {
    %c0_i32 = arith.constant 0 : i32
    %c0_i32_0 = arith.constant 0 : i32
    %c0_i32_1 = arith.constant 0 : i32
    return %arg1, %c0_i32, %c0_i32_0 : i32, i32, i32
  }
  func.func @transform_2(%arg0: i32, %arg1: i32) -> (i32, i32, i32, i32) {
    %c0_i32 = arith.constant 0 : i32
    %c0_i32_0 = arith.constant 0 : i32
    %c0_i32_1 = arith.constant 0 : i32
    %c0_i32_2 = arith.constant 0 : i32
    return %c0_i32, %arg0, %c0_i32_0, %c0_i32_1 : i32, i32, i32, i32
  }
  func.func @transform_3(%arg0: i32, %arg1: i32) -> (i32, i32) {
    %mul3A = arith.constant 10 : i32
    %mul3A_0 = arith.muli %arg1, %mul3A : i32
    %add3A = arith.addi %mul3A_0, %arg0 : i32
    %c0_i32 = arith.constant 0 : i32
    %c0_i32_1 = arith.constant 0 : i32
    return %add3A, %c0_i32 : i32, i32
  }
  func.func @transform_4(%arg0: i32, %arg1: i32) -> (i32, i32, i32) {
    %c0_i32 = arith.constant 0 : i32
    %c0_i32_0 = arith.constant 0 : i32
    %c0_i32_1 = arith.constant 0 : i32
    return %arg0, %c0_i32, %c0_i32_0 : i32, i32, i32
  }
}

module attributes {stable_mosaic.version = 14 : i64} {
  func.func @_final_body(%arg0: i32, %arg1: memref<4x1000x128xf32, #tpu.memory_space<vmem>>, %arg2: memref<4x1000x128xf32, #tpu.memory_space<vmem>>, %arg3: memref<2x1x1x1000xf32, #tpu.memory_space<vmem>>, %arg4: memref<2x1x1x1000xf32, #tpu.memory_space<vmem>>, %arg5: memref<4x128xf32, #tpu.memory_space<vmem>>, %arg6: memref<4x128x512xf32, #tpu.memory_space<vmem>>, %arg7: memref<1x512xf32, #tpu.memory_space<vmem>>, %arg8: memref<1x512xf32, #tpu.memory_space<vmem>>, %arg9: memref<4x128xf32, #tpu.memory_space<vmem>>) attributes {dimension_semantics = [#tpu.dimension_semantics<arbitrary>], iteration_bounds = array<i64: 10>, scalar_prefetch = 0 : i64, scratch_operands = 1 : i64, tpu.core_type = #tpu.core_type<tc>, window_params = [{transform_indices = @transform_0, window_bounds = array<i64: 4, 1000, 128>}, {transform_indices = @transform_1, window_bounds = array<i64: 4, 1000, 128>}, {transform_indices = @transform_2, window_bounds = array<i64: 2, 1, 1, 1000>}, {transform_indices = @transform_3, window_bounds = array<i64: 2, 1, 1, 1000>}, {pipeline_mode = #tpu.pipeline_mode<synchronous>, transform_indices = @transform_4, window_bounds = array<i64: 4, 128>}, {pipeline_mode = #tpu.pipeline_mode<synchronous>, transform_indices = @transform_5, window_bounds = array<i64: 4, 128, 512>}, {pipeline_mode = #tpu.pipeline_mode<synchronous>, transform_indices = @transform_6, window_bounds = array<i64: 1, 512>}, {pipeline_mode = #tpu.pipeline_mode<synchronous>, transform_indices = @transform_7, window_bounds = array<i64: 1, 512>}]} {
    %eq3A = arith.constant 0 : i32
    %eq3A_0 = arith.cmpi eq, %arg0, %eq3A : i32
    %convert_element_type3A = arith.extui %eq3A_0 : i1 to i32
    %cond3A = arith.constant 0 : i32
    %cond3A_1 = arith.cmpi ne, %convert_element_type3A, %cond3A : i32
    scf.if %cond3A_1 {
      %broadcast_in_dim3A_187 = arith.constant 0.000000e+00 : f32
      %broadcast_in_dim3A_188 = vector.broadcast %broadcast_in_dim3A_187 : f32 to vector<4x128xf32>
      %swap3A_189 = arith.constant 0 : index
      %swap3A_190 = arith.constant 0 : index
      %swap3A_191 = vector.load %arg9[%swap3A_189, %swap3A_190] : memref<4x128xf32, #tpu.memory_space<vmem>>, vector<4x128xf32>
      tpu.vector_store %arg9[%swap3A_189, %swap3A_190], %broadcast_in_dim3A_188 {strides = array<i32>} : memref<4x128xf32, #tpu.memory_space<vmem>>, vector<4x128xf32>,
    } else {
    }
    %get3A = arith.constant 0 : index
    %get3A_2 = arith.constant 0 : index
    %get3A_3 = arith.constant 0 : index
    %get3A_4 = arith.constant 0 : index
    %get3A_5 = vector.load %arg3[%get3A, %get3A_2, %get3A_3, %get3A_4] : memref<2x1x1x1000xf32, #tpu.memory_space<vmem>>, vector<1x1x1x1000xf32>
    %get3A_6 = vector.shape_cast %get3A_5 : vector<1x1x1x1000xf32> to vector<1000xf32>
    %get3A_7 = arith.constant 1 : index
    %get3A_8 = arith.constant 0 : index
    %get3A_9 = arith.constant 0 : index
    %get3A_10 = arith.constant 0 : index
    %get3A_11 = vector.load %arg3[%get3A_7, %get3A_8, %get3A_9, %get3A_10] : memref<2x1x1x1000xf32, #tpu.memory_space<vmem>>, vector<1x1x1x1000xf32>
    %get3A_12 = vector.shape_cast %get3A_11 : vector<1x1x1x1000xf32> to vector<1000xf32>
    %add3A = arith.addf %get3A_6, %get3A_12 : vector<1000xf32>
    %add3A_13 = arith.constant 1.000000e+00 : f32
    %add3A_14 = vector.broadcast %add3A_13 : f32 to vector<1000xf32>
    %add3A_15 = arith.addf %add3A, %add3A_14 : vector<1000xf32>
    %rsqrt3A = math.rsqrt %add3A_15 : vector<1000xf32>
    %get3A_16 = arith.constant 0 : index
    %get3A_17 = arith.constant 0 : index
    %get3A_18 = arith.constant 0 : index
    %get3A_19 = arith.constant 0 : index
    %get3A_20 = vector.load %arg4[%get3A_16, %get3A_17, %get3A_18, %get3A_19] : memref<2x1x1x1000xf32, #tpu.memory_space<vmem>>, vector<1x1x1x1000xf32>
    %get3A_21 = vector.shape_cast %get3A_20 : vector<1x1x1x1000xf32> to vector<1000xf32>
    %get3A_22 = arith.constant 1 : index
    %get3A_23 = arith.constant 0 : index
    %get3A_24 = arith.constant 0 : index
    %get3A_25 = arith.constant 0 : index
    %get3A_26 = vector.load %arg4[%get3A_22, %get3A_23, %get3A_24, %get3A_25] : memref<2x1x1x1000xf32, #tpu.memory_space<vmem>>, vector<1x1x1x1000xf32>
    %get3A_27 = vector.shape_cast %get3A_26 : vector<1x1x1x1000xf32> to vector<1000xf32>
    %add3A_28 = arith.addf %get3A_21, %get3A_27 : vector<1000xf32>
    %add3A_29 = arith.addf %add3A_28, %rsqrt3A : vector<1000xf32>
    %mul3A = arith.mulf %rsqrt3A, %add3A_29 : vector<1000xf32>
    %broadcast_in_dim3A = vector.shape_cast %rsqrt3A : vector<1000xf32> to vector<1000x1xf32>
    %get3A_30 = arith.constant 0 : index
    %get3A_31 = arith.constant 0 : index
    %get3A_32 = arith.constant 0 : index
    %get3A_33 = vector.load %arg1[%get3A_30, %get3A_31, %get3A_32] : memref<4x1000x128xf32, #tpu.memory_space<vmem>>, vector<1x1000x128xf32>
    %get3A_34 = vector.shape_cast %get3A_33 : vector<1x1000x128xf32> to vector<1000x128xf32>
    %get3A_35 = arith.constant 0 : index
    %get3A_36 = arith.constant 0 : index
    %get3A_37 = arith.constant 0 : index
    %get3A_38 = vector.load %arg2[%get3A_35, %get3A_36, %get3A_37] : memref<4x1000x128xf32, #tpu.memory_space<vmem>>, vector<1x1000x128xf32>
    %get3A_39 = vector.shape_cast %get3A_38 : vector<1x1000x128xf32> to vector<1000x128xf32>
    %add3A_40 = arith.addf %get3A_34, %get3A_39 : vector<1000x128xf32>
    %mul3A_41 = vector.broadcast %broadcast_in_dim3A : vector<1000x1xf32> to vector<1000x128xf32>
    %mul3A_42 = arith.mulf %mul3A_41, %add3A_40 : vector<1000x128xf32>
    %get3A_43 = arith.constant 0 : index
    %get3A_44 = arith.constant 0 : index
    %get3A_45 = vector.load %arg5[%get3A_43, %get3A_44] : memref<4x128xf32, #tpu.memory_space<vmem>>, vector<1x128xf32>
    %get3A_46 = vector.shape_cast %get3A_45 : vector<1x128xf32> to vector<128xf32>
    %broadcast_in_dim3A_47 = vector.shape_cast %get3A_46 : vector<128xf32> to vector<1x128xf32>
    %add3A_48 = vector.broadcast %broadcast_in_dim3A_47 : vector<1x128xf32> to vector<1000x128xf32>
    %add3A_49 = arith.addf %mul3A_42, %add3A_48 : vector<1000x128xf32>
    %max3A = arith.constant 0.000000e+00 : f32
    %max3A_50 = vector.broadcast %max3A : f32 to vector<1000x128xf32>
    %max3A_51 = arith.maximumf %add3A_49, %max3A_50 : vector<1000x128xf32>
    %get3A_52 = arith.constant 0 : index
    %get3A_53 = arith.constant 0 : index
    %get3A_54 = vector.load %arg9[%get3A_52, %get3A_53] : memref<4x128xf32, #tpu.memory_space<vmem>>, vector<1x128xf32>
    %get3A_55 = vector.shape_cast %get3A_54 : vector<1x128xf32> to vector<128xf32>
    %broadcast_in_dim3A_56 = vector.shape_cast %mul3A : vector<1000xf32> to vector<1000x1xf32>
    %mul3A_57 = vector.broadcast %broadcast_in_dim3A_56 : vector<1000x1xf32> to vector<1000x128xf32>
    %mul3A_58 = arith.mulf %max3A_51, %mul3A_57 : vector<1000x128xf32>
    %reduce_sum3A = arith.constant dense<0.000000e+00> : vector<128xf32>
    %reduce_sum3A_59 = vector.multi_reduction <add>, %mul3A_58, %reduce_sum3A [0] : vector<1000x128xf32> to vector<128xf32>
    %add3A_60 = arith.addf %get3A_55, %reduce_sum3A_59 : vector<128xf32>
    %swap3A = arith.constant 0 : index
    %swap3A_61 = arith.constant 0 : index
    %swap3A_62 = vector.load %arg9[%swap3A, %swap3A_61] : memref<4x128xf32, #tpu.memory_space<vmem>>, vector<1x128xf32>
    %swap3A_63 = vector.shape_cast %swap3A_62 : vector<1x128xf32> to vector<128xf32>
    %swap3A_64 = vector.shape_cast %add3A_60 : vector<128xf32> to vector<1x128xf32>
    tpu.vector_store %arg9[%swap3A, %swap3A_61], %swap3A_64 {strides = array<i32>} : memref<4x128xf32, #tpu.memory_space<vmem>>, vector<1x128xf32>,
    %broadcast_in_dim3A_65 = vector.shape_cast %rsqrt3A : vector<1000xf32> to vector<1000x1xf32>
    %get3A_66 = arith.constant 1 : index
    %get3A_67 = arith.constant 0 : index
    %get3A_68 = arith.constant 0 : index
    %get3A_69 = vector.load %arg1[%get3A_66, %get3A_67, %get3A_68] : memref<4x1000x128xf32, #tpu.memory_space<vmem>>, vector<1x1000x128xf32>
    %get3A_70 = vector.shape_cast %get3A_69 : vector<1x1000x128xf32> to vector<1000x128xf32>
    %get3A_71 = arith.constant 1 : index
    %get3A_72 = arith.constant 0 : index
    %get3A_73 = arith.constant 0 : index
    %get3A_74 = vector.load %arg2[%get3A_71, %get3A_72, %get3A_73] : memref<4x1000x128xf32, #tpu.memory_space<vmem>>, vector<1x1000x128xf32>
    %get3A_75 = vector.shape_cast %get3A_74 : vector<1x1000x128xf32> to vector<1000x128xf32>
    %add3A_76 = arith.addf %get3A_70, %get3A_75 : vector<1000x128xf32>
    %mul3A_77 = vector.broadcast %broadcast_in_dim3A_65 : vector<1000x1xf32> to vector<1000x128xf32>
    %mul3A_78 = arith.mulf %mul3A_77, %add3A_76 : vector<1000x128xf32>
    %get3A_79 = arith.constant 1 : index
    %get3A_80 = arith.constant 0 : index
    %get3A_81 = vector.load %arg5[%get3A_79, %get3A_80] : memref<4x128xf32, #tpu.memory_space<vmem>>, vector<1x128xf32>
    %get3A_82 = vector.shape_cast %get3A_81 : vector<1x128xf32> to vector<128xf32>
    %broadcast_in_dim3A_83 = vector.shape_cast %get3A_82 : vector<128xf32> to vector<1x128xf32>
    %add3A_84 = vector.broadcast %broadcast_in_dim3A_83 : vector<1x128xf32> to vector<1000x128xf32>
    %add3A_85 = arith.addf %mul3A_78, %add3A_84 : vector<1000x128xf32>
    %max3A_86 = arith.constant 0.000000e+00 : f32
    %max3A_87 = vector.broadcast %max3A_86 : f32 to vector<1000x128xf32>
    %max3A_88 = arith.maximumf %add3A_85, %max3A_87 : vector<1000x128xf32>
    %get3A_89 = arith.constant 1 : index
    %get3A_90 = arith.constant 0 : index
    %get3A_91 = vector.load %arg9[%get3A_89, %get3A_90] : memref<4x128xf32, #tpu.memory_space<vmem>>, vector<1x128xf32>
    %get3A_92 = vector.shape_cast %get3A_91 : vector<1x128xf32> to vector<128xf32>
    %broadcast_in_dim3A_93 = vector.shape_cast %mul3A : vector<1000xf32> to vector<1000x1xf32>
    %mul3A_94 = vector.broadcast %broadcast_in_dim3A_93 : vector<1000x1xf32> to vector<1000x128xf32>
    %mul3A_95 = arith.mulf %max3A_88, %mul3A_94 : vector<1000x128xf32>
    %reduce_sum3A_96 = arith.constant dense<0.000000e+00> : vector<128xf32>
    %reduce_sum3A_97 = vector.multi_reduction <add>, %mul3A_95, %reduce_sum3A_96 [0] : vector<1000x128xf32> to vector<128xf32>
    %add3A_98 = arith.addf %get3A_92, %reduce_sum3A_97 : vector<128xf32>
    %swap3A_99 = arith.constant 1 : index
    %swap3A_100 = arith.constant 0 : index
    %swap3A_101 = vector.load %arg9[%swap3A_99, %swap3A_100] : memref<4x128xf32, #tpu.memory_space<vmem>>, vector<1x128xf32>
    %swap3A_102 = vector.shape_cast %swap3A_101 : vector<1x128xf32> to vector<128xf32>
    %swap3A_103 = vector.shape_cast %add3A_98 : vector<128xf32> to vector<1x128xf32>
    tpu.vector_store %arg9[%swap3A_99, %swap3A_100], %swap3A_103 {strides = array<i32>} : memref<4x128xf32, #tpu.memory_space<vmem>>, vector<1x128xf32>,
    %broadcast_in_dim3A_104 = vector.shape_cast %rsqrt3A : vector<1000xf32> to vector<1000x1xf32>
    %get3A_105 = arith.constant 2 : index
    %get3A_106 = arith.constant 0 : index
    %get3A_107 = arith.constant 0 : index
    %get3A_108 = vector.load %arg1[%get3A_105, %get3A_106, %get3A_107] : memref<4x1000x128xf32, #tpu.memory_space<vmem>>, vector<1x1000x128xf32>
    %get3A_109 = vector.shape_cast %get3A_108 : vector<1x1000x128xf32> to vector<1000x128xf32>
    %get3A_110 = arith.constant 2 : index
    %get3A_111 = arith.constant 0 : index
    %get3A_112 = arith.constant 0 : index
    %get3A_113 = vector.load %arg2[%get3A_110, %get3A_111, %get3A_112] : memref<4x1000x128xf32, #tpu.memory_space<vmem>>, vector<1x1000x128xf32>
    %get3A_114 = vector.shape_cast %get3A_113 : vector<1x1000x128xf32> to vector<1000x128xf32>
    %add3A_115 = arith.addf %get3A_109, %get3A_114 : vector<1000x128xf32>
    %mul3A_116 = vector.broadcast %broadcast_in_dim3A_104 : vector<1000x1xf32> to vector<1000x128xf32>
    %mul3A_117 = arith.mulf %mul3A_116, %add3A_115 : vector<1000x128xf32>
    %get3A_118 = arith.constant 2 : index
    %get3A_119 = arith.constant 0 : index
    %get3A_120 = vector.load %arg5[%get3A_118, %get3A_119] : memref<4x128xf32, #tpu.memory_space<vmem>>, vector<1x128xf32>
    %get3A_121 = vector.shape_cast %get3A_120 : vector<1x128xf32> to vector<128xf32>
    %broadcast_in_dim3A_122 = vector.shape_cast %get3A_121 : vector<128xf32> to vector<1x128xf32>
    %add3A_123 = vector.broadcast %broadcast_in_dim3A_122 : vector<1x128xf32> to vector<1000x128xf32>
    %add3A_124 = arith.addf %mul3A_117, %add3A_123 : vector<1000x128xf32>
    %max3A_125 = arith.constant 0.000000e+00 : f32
    %max3A_126 = vector.broadcast %max3A_125 : f32 to vector<1000x128xf32>
    %max3A_127 = arith.maximumf %add3A_124, %max3A_126 : vector<1000x128xf32>
    %get3A_128 = arith.constant 2 : index
    %get3A_129 = arith.constant 0 : index
    %get3A_130 = vector.load %arg9[%get3A_128, %get3A_129] : memref<4x128xf32, #tpu.memory_space<vmem>>, vector<1x128xf32>
    %get3A_131 = vector.shape_cast %get3A_130 : vector<1x128xf32> to vector<128xf32>
    %broadcast_in_dim3A_132 = vector.shape_cast %mul3A : vector<1000xf32> to vector<1000x1xf32>
    %mul3A_133 = vector.broadcast %broadcast_in_dim3A_132 : vector<1000x1xf32> to vector<1000x128xf32>
    %mul3A_134 = arith.mulf %max3A_127, %mul3A_133 : vector<1000x128xf32>
    %reduce_sum3A_135 = arith.constant dense<0.000000e+00> : vector<128xf32>
    %reduce_sum3A_136 = vector.multi_reduction <add>, %mul3A_134, %reduce_sum3A_135 [0] : vector<1000x128xf32> to vector<128xf32>
    %add3A_137 = arith.addf %get3A_131, %reduce_sum3A_136 : vector<128xf32>
    %swap3A_138 = arith.constant 2 : index
    %swap3A_139 = arith.constant 0 : index
    %swap3A_140 = vector.load %arg9[%swap3A_138, %swap3A_139] : memref<4x128xf32, #tpu.memory_space<vmem>>, vector<1x128xf32>
    %swap3A_141 = vector.shape_cast %swap3A_140 : vector<1x128xf32> to vector<128xf32>
    %swap3A_142 = vector.shape_cast %add3A_137 : vector<128xf32> to vector<1x128xf32>
    tpu.vector_store %arg9[%swap3A_138, %swap3A_139], %swap3A_142 {strides = array<i32>} : memref<4x128xf32, #tpu.memory_space<vmem>>, vector<1x128xf32>,
    %broadcast_in_dim3A_143 = vector.shape_cast %rsqrt3A : vector<1000xf32> to vector<1000x1xf32>
    %get3A_144 = arith.constant 3 : index
    %get3A_145 = arith.constant 0 : index
    %get3A_146 = arith.constant 0 : index
    %get3A_147 = vector.load %arg1[%get3A_144, %get3A_145, %get3A_146] : memref<4x1000x128xf32, #tpu.memory_space<vmem>>, vector<1x1000x128xf32>
    %get3A_148 = vector.shape_cast %get3A_147 : vector<1x1000x128xf32> to vector<1000x128xf32>
    %get3A_149 = arith.constant 3 : index
    %get3A_150 = arith.constant 0 : index
    %get3A_151 = arith.constant 0 : index
    %get3A_152 = vector.load %arg2[%get3A_149, %get3A_150, %get3A_151] : memref<4x1000x128xf32, #tpu.memory_space<vmem>>, vector<1x1000x128xf32>
    %get3A_153 = vector.shape_cast %get3A_152 : vector<1x1000x128xf32> to vector<1000x128xf32>
    %add3A_154 = arith.addf %get3A_148, %get3A_153 : vector<1000x128xf32>
    %mul3A_155 = vector.broadcast %broadcast_in_dim3A_143 : vector<1000x1xf32> to vector<1000x128xf32>
    %mul3A_156 = arith.mulf %mul3A_155, %add3A_154 : vector<1000x128xf32>
    %get3A_157 = arith.constant 3 : index
    %get3A_158 = arith.constant 0 : index
    %get3A_159 = vector.load %arg5[%get3A_157, %get3A_158] : memref<4x128xf32, #tpu.memory_space<vmem>>, vector<1x128xf32>
    %get3A_160 = vector.shape_cast %get3A_159 : vector<1x128xf32> to vector<128xf32>
    %broadcast_in_dim3A_161 = vector.shape_cast %get3A_160 : vector<128xf32> to vector<1x128xf32>
    %add3A_162 = vector.broadcast %broadcast_in_dim3A_161 : vector<1x128xf32> to vector<1000x128xf32>
    %add3A_163 = arith.addf %mul3A_156, %add3A_162 : vector<1000x128xf32>
    %max3A_164 = arith.constant 0.000000e+00 : f32
    %max3A_165 = vector.broadcast %max3A_164 : f32 to vector<1000x128xf32>
    %max3A_166 = arith.maximumf %add3A_163, %max3A_165 : vector<1000x128xf32>
    %get3A_167 = arith.constant 3 : index
    %get3A_168 = arith.constant 0 : index
    %get3A_169 = vector.load %arg9[%get3A_167, %get3A_168] : memref<4x128xf32, #tpu.memory_space<vmem>>, vector<1x128xf32>
    %get3A_170 = vector.shape_cast %get3A_169 : vector<1x128xf32> to vector<128xf32>
    %broadcast_in_dim3A_171 = vector.shape_cast %mul3A : vector<1000xf32> to vector<1000x1xf32>
    %mul3A_172 = vector.broadcast %broadcast_in_dim3A_171 : vector<1000x1xf32> to vector<1000x128xf32>
    %mul3A_173 = arith.mulf %max3A_166, %mul3A_172 : vector<1000x128xf32>
    %reduce_sum3A_174 = arith.constant dense<0.000000e+00> : vector<128xf32>
    %reduce_sum3A_175 = vector.multi_reduction <add>, %mul3A_173, %reduce_sum3A_174 [0] : vector<1000x128xf32> to vector<128xf32>
    %add3A_176 = arith.addf %get3A_170, %reduce_sum3A_175 : vector<128xf32>
    %swap3A_177 = arith.constant 3 : index
    %swap3A_178 = arith.constant 0 : index
    %swap3A_179 = vector.load %arg9[%swap3A_177, %swap3A_178] : memref<4x128xf32, #tpu.memory_space<vmem>>, vector<1x128xf32>
    %swap3A_180 = vector.shape_cast %swap3A_179 : vector<1x128xf32> to vector<128xf32>
    %swap3A_181 = vector.shape_cast %add3A_176 : vector<128xf32> to vector<1x128xf32>
    tpu.vector_store %arg9[%swap3A_177, %swap3A_178], %swap3A_181 {strides = array<i32>} : memref<4x128xf32, #tpu.memory_space<vmem>>, vector<1x128xf32>,
    %eq3A_182 = arith.constant 9 : i32
    %eq3A_183 = arith.cmpi eq, %arg0, %eq3A_182 : i32
    %convert_element_type3A_184 = arith.extui %eq3A_183 : i1 to i32
    %cond3A_185 = arith.constant 0 : i32
    %cond3A_186 = arith.cmpi ne, %convert_element_type3A_184, %cond3A_185 : i32
    scf.if %cond3A_186 {
      %get3A_187 = arith.constant 0 : index
      %get3A_188 = arith.constant 0 : index
      %get3A_189 = vector.load %arg7[%get3A_187, %get3A_188] : memref<1x512xf32, #tpu.memory_space<vmem>>, vector<1x512xf32>
      %get3A_190 = arith.constant 0 : index
      %get3A_191 = arith.constant 0 : index
      %get3A_192 = vector.load %arg9[%get3A_190, %get3A_191] : memref<4x128xf32, #tpu.memory_space<vmem>>, vector<1x128xf32>
      %mul3A_193 = arith.constant 9.99999974E-5 : f32
      %mul3A_194 = vector.broadcast %mul3A_193 : f32 to vector<1x128xf32>
      %mul3A_195 = arith.mulf %get3A_192, %mul3A_194 : vector<1x128xf32>
      %get3A_196 = arith.constant 0 : index
      %get3A_197 = arith.constant 0 : index
      %get3A_198 = arith.constant 0 : index
      %get3A_199 = vector.load %arg6[%get3A_196, %get3A_197, %get3A_198] : memref<4x128x512xf32, #tpu.memory_space<vmem>>, vector<1x128x512xf32>
      %get3A_200 = vector.shape_cast %get3A_199 : vector<1x128x512xf32> to vector<128x512xf32>
      %dot_general3A = arith.constant dense<0.000000e+00> : vector<1x512xf32>
      %dot_general3A_201 = tpu.matmul %mul3A_195, %get3A_200, %dot_general3A {dimension_numbers = #tpu.dot_dimension_numbers<[1], [0], [0], [1], [0, 0, 1, 1], [], []>, transpose_lhs_hint = false} : vector<1x128xf32>, vector<128x512xf32>, vector<1x512xf32> -> vector<1x512xf32>
      %add3A_202 = arith.addf %get3A_189, %dot_general3A_201 : vector<1x512xf32>
      %get3A_203 = arith.constant 1 : index
      %get3A_204 = arith.constant 0 : index
      %get3A_205 = vector.load %arg9[%get3A_203, %get3A_204] : memref<4x128xf32, #tpu.memory_space<vmem>>, vector<1x128xf32>
      %mul3A_206 = arith.constant 9.99999974E-5 : f32
      %mul3A_207 = vector.broadcast %mul3A_206 : f32 to vector<1x128xf32>
      %mul3A_208 = arith.mulf %get3A_205, %mul3A_207 : vector<1x128xf32>
      %get3A_209 = arith.constant 1 : index
      %get3A_210 = arith.constant 0 : index
      %get3A_211 = arith.constant 0 : index
      %get3A_212 = vector.load %arg6[%get3A_209, %get3A_210, %get3A_211] : memref<4x128x512xf32, #tpu.memory_space<vmem>>, vector<1x128x512xf32>
      %get3A_213 = vector.shape_cast %get3A_212 : vector<1x128x512xf32> to vector<128x512xf32>
      %dot_general3A_214 = arith.constant dense<0.000000e+00> : vector<1x512xf32>
      %dot_general3A_215 = tpu.matmul %mul3A_208, %get3A_213, %dot_general3A_214 {dimension_numbers = #tpu.dot_dimension_numbers<[1], [0], [0], [1], [0, 0, 1, 1], [], []>, transpose_lhs_hint = false} : vector<1x128xf32>, vector<128x512xf32>, vector<1x512xf32> -> vector<1x512xf32>
      %add3A_216 = arith.addf %add3A_202, %dot_general3A_215 : vector<1x512xf32>
      %get3A_217 = arith.constant 2 : index
      %get3A_218 = arith.constant 0 : index
      %get3A_219 = vector.load %arg9[%get3A_217, %get3A_218] : memref<4x128xf32, #tpu.memory_space<vmem>>, vector<1x128xf32>
      %mul3A_220 = arith.constant 9.99999974E-5 : f32
      %mul3A_221 = vector.broadcast %mul3A_220 : f32 to vector<1x128xf32>
      %mul3A_222 = arith.mulf %get3A_219, %mul3A_221 : vector<1x128xf32>
      %get3A_223 = arith.constant 2 : index
      %get3A_224 = arith.constant 0 : index
      %get3A_225 = arith.constant 0 : index
      %get3A_226 = vector.load %arg6[%get3A_223, %get3A_224, %get3A_225] : memref<4x128x512xf32, #tpu.memory_space<vmem>>, vector<1x128x512xf32>
      %get3A_227 = vector.shape_cast %get3A_226 : vector<1x128x512xf32> to vector<128x512xf32>
      %dot_general3A_228 = arith.constant dense<0.000000e+00> : vector<1x512xf32>
      %dot_general3A_229 = tpu.matmul %mul3A_222, %get3A_227, %dot_general3A_228 {dimension_numbers = #tpu.dot_dimension_numbers<[1], [0], [0], [1], [0, 0, 1, 1], [], []>, transpose_lhs_hint = false} : vector<1x128xf32>, vector<128x512xf32>, vector<1x512xf32> -> vector<1x512xf32>
      %add3A_230 = arith.addf %add3A_216, %dot_general3A_229 : vector<1x512xf32>
      %get3A_231 = arith.constant 3 : index
      %get3A_232 = arith.constant 0 : index
      %get3A_233 = vector.load %arg9[%get3A_231, %get3A_232] : memref<4x128xf32, #tpu.memory_space<vmem>>, vector<1x128xf32>
      %mul3A_234 = arith.constant 9.99999974E-5 : f32
      %mul3A_235 = vector.broadcast %mul3A_234 : f32 to vector<1x128xf32>
      %mul3A_236 = arith.mulf %get3A_233, %mul3A_235 : vector<1x128xf32>
      %get3A_237 = arith.constant 3 : index
      %get3A_238 = arith.constant 0 : index
      %get3A_239 = arith.constant 0 : index
      %get3A_240 = vector.load %arg6[%get3A_237, %get3A_238, %get3A_239] : memref<4x128x512xf32, #tpu.memory_space<vmem>>, vector<1x128x512xf32>
      %get3A_241 = vector.shape_cast %get3A_240 : vector<1x128x512xf32> to vector<128x512xf32>
      %dot_general3A_242 = arith.constant dense<0.000000e+00> : vector<1x512xf32>
      %dot_general3A_243 = tpu.matmul %mul3A_236, %get3A_241, %dot_general3A_242 {dimension_numbers = #tpu.dot_dimension_numbers<[1], [0], [0], [1], [0, 0, 1, 1], [], []>, transpose_lhs_hint = false} : vector<1x128xf32>, vector<128x512xf32>, vector<1x512xf32> -> vector<1x512xf32>
      %add3A_244 = arith.addf %add3A_230, %dot_general3A_243 : vector<1x512xf32>
      %swap3A_245 = arith.constant 0 : index
      %swap3A_246 = arith.constant 0 : index
      %swap3A_247 = vector.load %arg8[%swap3A_245, %swap3A_246] : memref<1x512xf32, #tpu.memory_space<vmem>>, vector<1x512xf32>
      tpu.vector_store %arg8[%swap3A_245, %swap3A_246], %add3A_244 {strides = array<i32>} : memref<1x512xf32, #tpu.memory_space<vmem>>, vector<1x512xf32>,
    } else {
    }
    return
  }
  func.func @transform_0(%arg0: i32) -> (i32, i32, i32) {
    %c0_i32 = arith.constant 0 : i32
    %c0_i32_0 = arith.constant 0 : i32
    %c0_i32_1 = arith.constant 0 : i32
    return %c0_i32, %arg0, %c0_i32_0 : i32, i32, i32
  }
  func.func @transform_1(%arg0: i32) -> (i32, i32, i32) {
    %c0_i32 = arith.constant 0 : i32
    %c0_i32_0 = arith.constant 0 : i32
    %c0_i32_1 = arith.constant 0 : i32
    return %c0_i32, %arg0, %c0_i32_0 : i32, i32, i32
  }
  func.func @transform_2(%arg0: i32) -> (i32, i32, i32, i32) {
    %c0_i32 = arith.constant 0 : i32
    %c0_i32_0 = arith.constant 0 : i32
    %c0_i32_1 = arith.constant 0 : i32
    %c0_i32_2 = arith.constant 0 : i32
    return %c0_i32, %arg0, %c0_i32_0, %c0_i32_1 : i32, i32, i32, i32
  }
  func.func @transform_3(%arg0: i32) -> (i32, i32, i32, i32) {
    %c0_i32 = arith.constant 0 : i32
    %c0_i32_0 = arith.constant 0 : i32
    %c0_i32_1 = arith.constant 0 : i32
    %c0_i32_2 = arith.constant 0 : i32
    return %c0_i32, %arg0, %c0_i32_0, %c0_i32_1 : i32, i32, i32, i32
  }
  func.func @transform_4(%arg0: i32) -> (i32, i32) {
    %c0_i32 = arith.constant 0 : i32
    %c0_i32_0 = arith.constant 0 : i32
    %c0_i32_1 = arith.constant 0 : i32
    return %c0_i32, %c0_i32_0 : i32, i32
  }
  func.func @transform_5(%arg0: i32) -> (i32, i32, i32) {
    %c0_i32 = arith.constant 0 : i32
    %c0_i32_0 = arith.constant 0 : i32
    %c0_i32_1 = arith.constant 0 : i32
    %c0_i32_2 = arith.constant 0 : i32
    return %c0_i32, %c0_i32_0, %c0_i32_1 : i32, i32, i32
  }
  func.func @transform_6(%arg0: i32) -> (i32, i32) {
    %c0_i32 = arith.constant 0 : i32
    %c0_i32_0 = arith.constant 0 : i32
    %c0_i32_1 = arith.constant 0 : i32
    return %c0_i32, %c0_i32_0 : i32, i32
  }
  func.func @transform_7(%arg0: i32) -> (i32, i32) {
    %c0_i32 = arith.constant 0 : i32
    %c0_i32_0 = arith.constant 0 : i32
    %c0_i32_1 = arith.constant 0 : i32
    return %c0_i32, %c0_i32_0 : i32, i32
  }
}

</mosaic_0001>

<sc_bundles>
// kernel: kernel.6.cloned.1.call-start
scs
__scs_entry_jumppad:
0x0: {  	(pc) =	sbr.rel $0x88, $3  }
0x1: {  	(tag) =	ssettag $0x0;
	lr =	simm.s32 $0x1  }
0x2: {  	[smem:$0x3F9B] =	sst lr;
	_ =	strace $0xD0000000  }
0x3: {  	_ = 	snop  }
0x4: {  	_ = 	snop  }
0x5: {  	_ = 	snop  }
0x6: {  	_ = 	snop  }
0x7: {  	_ = 	snop  }
__scs_overlays_trampoline_lowered:
0x8: {  	[smem:$0x3FAA] =	sst s0  }
0x9: {  	[smem:$0x3FAB] =	sst s1  }
0xa: {  	[smem:$0x3FAC] =	sst s2  }
0xb: {  	[smem:$0x3FAD] =	sst s3  }
0xc: {  	[smem:$0x3FAE] =	sst s4  }
0xd: {  	[smem:$0x3FAF] =	sst s5  }
0xe: {  	[smem:$0x3FB0] =	sst s6  }
0xf: {  	[smem:$0x3FB1] =	sst s7  }
0x10: {  	[smem:$0x3FB2] =	sst s8  }
0x11: {  	[smem:$0x3FB3] =	sst s9;
	s0 =	simm.s32 @!p0 $0x0  }
0x12: {  	s1 =	sld [smem:$0x3F99];
	s0 =	simm.s32 @p0 $0x1  }
0x13: {  	[smem:$0x3FB4] =	sst s0;
	s0 =	simm.s32 @!p1 $0x0  }
0x14: {  	s2 =	sld [smem:$0x3F98];
	s0 =	simm.s32 @p1 $0x1  }
0x15: {  	[smem:$0x3FB5] =	sst s0;
	s0 =	simm.s32 @!p2 $0x0  }
0x16: {  	s3 =	sld [smem:$0x3FDB];
	s0 =	simm.s32 @p2 $0x1  }
0x17: {  	s4 =	simm.s32 $0x1BF5;
	[smem:$0x3FB7] =	sst s0  }
0x18: {  	s0 =	sld [smem:$0x3F9A];
	_ =	swait.ge [sflag:s4], $0x0  }
0x19: {  	s7 =	sld [smem:$0x3F9B]  }
0x1a: {  	s8 =	sadd.s32 $0xFFFFE003, lr  }
0x1b: {  	s9 =	sadd.s32 $0xFFFFFEF7, lr;
	s5 =	simm.s32 $0xFFFFFFFF;
	p2 =	slt.u32 s8, $0xFFFFF086  }
0x1c: {  	p1 =	slt.u32 s9, $0xF7A;
	s5 =	simm.s32 @!p2 $0x0  }
0x1d: {  	s5 =	simm.s32 @p1 $0x1;
	p0 =	seq.s32 s7, s2  }
0x1e: {  	s7 =	smul.u32 @!p0 $0xF7A, s2;
	p2 =	seq.s32 @!p0 s5, $0x0  }
0x1f: {  	s9 =	smul.u32 $0xF7A, s1;
	s8 =	simm.s32 @!p0 $0x1BF5;
	p2 =	por !p2, p0  }
0x20: {  	[sflag:s8] =	ssyncset.s32 @!p0 $0xFFFFF086;
	s6 =	sadd.s32 @!p0 s3, s7;
	s7 =	simm.s32 @!p0 $0x108  }
0x21: {  	s3 =	sadd.s32 s3, s9;
	s6 =	sadd.s32 @!p0 $0x88, s6;
	s7 =	simm.s32 @p2 $0x1082  }
0x22: {  	[simem:s7], [sflag:s8] =	dma.local @!p0 [hbm:s6], $0xF7A  }
0x23: {  	s9 =	sor.u32 $0xD0000000, s2;
	s6 =	simm.s32 $0x108;
	_ =	swait.ge @!p0 [sflag:s8], $0x0  }
0x24: {  	s3 =	sadd.s32 $0x88, s3;
	s6 =	simm.s32 @!p1 $0x1082;
	[sflag:s4] =	ssyncset.s32 $0xFFFFF086  }
0x25: {  	[simem:s6], [sflag:s4] =	dma.local [hbm:s3], $0xF7A  }
0x26: {  	[smem:$0x3F9B] =	sst s1;
	(tag) =	ssettag s2;
	_ =	strace s9  }
0x27: {  	s1 =	sld [smem:$0x3FAB]  }
0x28: {  	s2 =	sld [smem:$0x3FAC]  }
0x29: {  	s4 =	sld [smem:$0x3FAE]  }
0x2a: {  	p0 =	seq.s32 s5, $0x0;
	s5 =	sld [smem:$0x3FAF]  }
0x2b: {  	s6 =	sld [smem:$0x3FB0]  }
0x2c: {  	s7 =	sld [smem:$0x3FB1]  }
0x2d: {  	s3 =	simm.s32 $0x108;
	s8 =	sld [smem:$0x3FB2]  }
0x2e: {  	s3 =	simm.s32 @!p0 $0x1082;
	s9 =	sld [smem:$0x3FB3]  }
0x2f: {  	lr =	sadd.s32 s0, s3;
	s0 =	sld [smem:$0x3FAA]  }
0x30: {  	s3 =	sld [smem:$0x3FAD]  }
0x31: {  	[smem:$0x3FB6] =	sst s10  }
0x32: {  	s10 =	sld [smem:$0x3FB4];
	_ =	sdelay $0x3  }
0x33: {  	p0 =	seq.s32 s10, $0x1;
	s10 =	sld [smem:$0x3FB6];
	_ =	sdelay $0x3  }
0x34: {  	[smem:$0x3FB6] =	sst s10  }
0x35: {  	s10 =	sld [smem:$0x3FB5];
	_ =	sdelay $0x3  }
0x36: {  	p1 =	seq.s32 s10, $0x1;
	s10 =	sld [smem:$0x3FB6];
	_ =	sdelay $0x3  }
0x37: {  	[smem:$0x3FB6] =	sst s10  }
0x38: {  	s10 =	sld [smem:$0x3FB7]  }
0x39: {  	_ = 	snop;
	(pc) =	sbr.ind lr, $3  }
0x3a: {  	_ = 	snop  }
0x3b: {  	_ = 	snop  }
0x3c: {  	p2 =	seq.s32 s10, $0x1;
	s10 =	sld [smem:$0x3FB6]  }
0x3d: {  	_ =	shalt  }
0x3e: {  	_ =	shalt  }
0x3f: {  	_ =	shalt  }
0x40: {  	_ =	shalt  }
0x41: {  	_ =	shalt  }
0x42: {  	_ =	shalt  }
0x43: {  	_ =	shalt  }
0x44: {  	_ =	shalt  }
0x45: {  	_ =	shalt  }
0x46: {  	_ =	shalt  }
0x47: {  	_ =	shalt  }
0x48: {  	_ =	shalt  }
0x49: {  	_ =	shalt  }
0x4a: {  	_ =	shalt  }
0x4b: {  	_ =	shalt  }
0x4c: {  	_ =	shalt  }
0x4d: {  	_ =	shalt  }
0x4e: {  	_ =	shalt  }
0x4f: {  	_ =	shalt  }
0x50: {  	_ =	shalt  }
0x51: {  	_ =	shalt  }
0x52: {  	_ =	shalt  }
0x53: {  	_ =	shalt  }
0x54: {  	_ =	shalt  }
0x55: {  	_ =	shalt  }
0x56: {  	_ =	shalt  }
0x57: {  	_ =	shalt  }
0x58: {  	_ =	shalt  }
0x59: {  	_ =	shalt  }
0x5a: {  	_ =	shalt  }
0x5b: {  	_ =	shalt  }
0x5c: {  	_ =	shalt  }
0x5d: {  	_ =	shalt  }
0x5e: {  	_ =	shalt  }
0x5f: {  	_ =	shalt  }
0x60: {  	_ =	shalt  }
0x61: {  	_ =	shalt  }
0x62: {  	_ =	shalt  }
0x63: {  	_ =	shalt  }
0x64: {  	_ =	shalt  }
0x65: {  	_ =	shalt  }
0x66: {  	_ =	shalt  }
0x67: {  	_ =	shalt  }
0x68: {  	_ =	shalt  }
0x69: {  	_ =	shalt  }
0x6a: {  	_ =	shalt  }
0x6b: {  	_ =	shalt  }
0x6c: {  	_ =	shalt  }
0x6d: {  	_ =	shalt  }
0x6e: {  	_ =	shalt  }
0x6f: {  	_ =	shalt  }
0x70: {  	_ =	shalt  }
0x71: {  	_ =	shalt  }
0x72: {  	_ =	shalt  }
0x73: {  	_ =	shalt  }
0x74: {  	_ =	shalt  }
0x75: {  	_ =	shalt  }
0x76: {  	_ =	shalt  }
0x77: {  	_ =	shalt  }
0x78: {  	_ =	shalt  }
0x79: {  	_ =	shalt  }
0x7a: {  	_ =	shalt  }
0x7b: {  	_ =	shalt  }
0x7c: {  	_ =	shalt  }
0x7d: {  	_ =	shalt  }
0x7e: {  	_ =	shalt  }
0x7f: {  	_ =	shalt  }
0x80: {  	_ =	shalt  }
0x81: {  	_ =	shalt  }
0x82: {  	_ =	shalt  }
0x83: {  	_ =	shalt  }
0x84: {  	_ =	shalt  }
0x85: {  	_ =	shalt  }
0x86: {  	_ =	shalt  }
0x87: {  	_ =	shalt  }
.Lfunc_end0:
.L_simem_size_0:
called_computation_lowered:
.L_overlay_start_0:
0x88: {  	s2 =	sld [smem:$0x3FD9]  }
0x89: {  	s3 =	sld [smem:$0x3FFE];
	_ =	sdelay $0x1  }
0x8a: {  	s1 =	srdreg.scid  }
0x8b: {  	s0 =	sand.u32 $0x1, s1  }
0x8c: {  	s16 =	sshll.u32 s0, $0xA;
	s2 =	sadd.s32 s3, s2  }
0x8d: {  	s2 =	sadd.s32 s2, s16  }
0x8e: {  	[smem:$0x3FC2] =	sst s2  }
0x8f: {  	_ = 	snop  }
0x90: {  	(tm) =	ssettm $0x1  }
0x91: {  	s17 =	sld [smem:$0x3FFB];
	_ =	sdelay $0x3  }
0x92: {  	_ =	strace s17  }
0x93: {  	s2 =	sld [smem:$0x3FFC];
	_ =	sdelay $0x3  }
0x94: {  	_ =	strace s2  }
0x95: {  	s2 =	sld [smem:$0x3FFD];
	_ =	sdelay $0x3  }
0x96: {  	_ =	strace s2  }
0x97: {  	_ =	strace $0x8FFFFFFF  }
0x98: {  	s18 =	sld [smem:$0x3FDB];
	_ =	sdelay $0x1  }
0x99: {  	s19 =	simm.s32 $_scs_section_size  }
0x9a: {  	s4 =	simm.s32 $_size__tile_overlayer_lowered;
	s5 =	simm.s32 $_tile_overlayer_lowered  }
0x9b: {  	s22 =	simm.s32 $0x1BFF;
	s21 =	sshll.u32 s5, $0x1;
	s2 =	sadd.s32 s19, s18  }
0x9c: {  	s6 =	simm.s32 $0x0;
	s20 =	sshll.u32 s4, $0x1;
	s4 =	sadd.s32 s21, s2  }
0x9d: {  	[timem:s6], [sflag:s22] =	dma.local [hbm:s4], s20  }
0x9e: {  	_ =	swait.ge [sflag:s22], s20  }
0x9f: {  	s3 =	ssub.s32 $0x0, s20;
	[sflag:s22] =	ssyncset.done $0x0  }
0xa0: {  	[sflag:s22] =	ssyncadd.s32 s3;
	_ =	sdelay $0x1  }
0xa1: {  	s23 =	simm.s32 $0x1B8B  }
0xa2: {  	_ =	swait.ge [sflag:s23], $0x1  }
0xa3: {  	[sflag:s23] =	ssyncset.done $0x0  }
0xa4: {  	s25 =	simm.s32 $0x1B8E;
	s24 =	sld [smem:$0x3FFE];
	[sflag:s23] =	ssyncadd.s32 $0xFFFFFFFF  }
0xa5: {  	s26 =	simm.s32 $execute0_lowered;
	[smem:$0x3FD2] =	sst s25  }
0xa6: {  	s4 =	sshll.u32 s26, $0x1;
	_ =	strace $0x80000046;
	[dreg:$0x1] =	wrdreg $0xFFFFFFFF  }
0xa7: {  	s28 =	simm.s32 $_size_execute0_lowered;
	s2 =	sadd.s32 s2, s4;
	[dreg:$0x0] =	wrdreg $0x0  }
0xa8: {  	s4 =	sshll.u32 s28, $0x1;
	[dreg:$0x2] =	wrdreg s2  }
0xa9: {  	[dreg:$0x3] =	wrdreg s4  }
0xaa: {  	[dreg:$0x4] =	wrdreg $0xC0  }
0xab: {  	_ =	task [dreg:s6], $0x5FFFF  }
0xac: {  	[dreg:$0x1] =	wrdreg $0xFFFFFFFF  }
0xad: {  	[dreg:$0x0] =	wrdreg $0x60  }
0xae: {  	[dreg:$0x2] =	wrdreg s24  }
0xaf: {  	[dreg:$0x3] =	wrdreg $0x7000  }
0xb0: {  	[dreg:$0x4] =	wrdreg $0x9  }
0xb1: {  	_ =	task.clear_ibuf [dreg:s6], $0x5FFFF;
	_ =	strace $0x90000046  }
0xb2: {  	s29 =	simm.s32 $0x9;
	_ =	strace $0x80000048  }
0xb3: {  	_ =	swait.ge [sflag:s29], $0x1  }
0xb4: {  	[sflag:s29] =	ssyncadd.s32 $0xFFFFFFFF  }
0xb5: {  	_ =	strace $0x90000048  }
0xb6: {  	_ =	sfence  }
0xb7: {  	s30 =	sld [smem:$0x0];
	_ =	sdelay $0x2  }
0xb8: {  	s31 =	sshll.u32 s1, $0xD;
	s1 =	sshrl.u32 s1, $0x2  }
0xb9: {  	s3 =	sand.u32 $0x4000, s31;
	s1 =	sadd.s32 s1, s30  }
0xba: {  	s0 =	sor.u32 s3, s0;
	s1 =	sshll.u32 s1, $0x11  }
0xbb: {  	s0 =	sor.u32 s1, s0  }
0xbc: {  	s0 =	sadd.s32 $0x8F2B, s0  }
0xbd: {  	[sflag:s0] =	ssyncadd.remote.s32 $0x1  }
0xbe: {  	_ =	sfence.sel $0xFFFF  }
0xbf: {  	[dreg:$0x0] =	wrdreg $0xFFFFFFFF;
	(pc) =	sbr.abs _section_cstart, $3  }
0xc0: {  	[dreg:$0x1] =	wrdreg $0xFFFFFFFF  }
0xc1: {  	_ =	task.clear_ibuf [dreg:s6], $0x2FFFF;
	_ =	strace $0x9FFFFFFF  }
0xc2: {  	(tm) =	ssettm $0x7FFFFFFF  }
0xc3: {  	_ =	shalt  }
tec
execute0_lowered:
.L_overlay_start_1:
0x0: {  	(tag) =	ssettag $0x1  }
0x1: {  	s4 =	rddreg [dreg:$0x0]  }
0x2: {  	s0 =	srdreg.scid;
	s2 =	rddreg [dreg:$0x1]  }
0x3: {  	s1 =	stileid.u32;
	s3 =	simm.s32 $0x0;
	s11 =	simm.s32 $0x400  }
0x4: {  	s12 =	simm.s32 $0x100;
	s13 =	simm.s32 $0x180;
	s14 =	simm.s32 $0x200  }
0x5: {  	s15 =	simm.s32 $0x280;
	s16 =	simm.s32 $0x300;
	s7 =	smul.u32 $0x280, s1  }
0x6: {  	s17 =	simm.s32 $0x380;
	s5 =	sand.u32 $0x1, s0;
	s10 =	smul.u32 $0x500, s1  }
0x7: {  	s20 =	simm.s32 $0x0;
	s0 =	rddreg [dreg:$0x2];
	s6 =	smul.u32 $0x5000, s5  }
0x8: {  	[smem:$0x7FF] =	sst s3;
	s18 =	sshll.u32 s1, $0x6;
	s8 =	smul.u32 $0x2800, s5  }
0x9: {  	_ =	strace $0x80000047;
	s5 =	ssub.s32 $0x2, s5;
	s18 =	sor.u32 $0x1C01, s18  }
0xa: {  	s30 =	sshrl.u32 s5, $0x1;
	s9 =	sadd.s32 s6, s4;
	s29 =	sadd.s32 s7, s8  }
0xb: {  	s8 =	ssub.s32 s5, s30;
	s6 =	sshrl.u32 s29, $0x3;
	s31 =	sadd.s32 s10, s9  }
0xc: {  	s9 =	simm.s32 $0x1;
	s10 =	simm.s32 $0x80;
	s6 =	sadd.s32 s6, s4  }
0xd: {  	s4 =	sadd.s32 s7, s2;
	s7 =	sadd.s32 $0x1A00, s31;
	s5 =	sadd.s32 $0xBA00, s6  }
0xe: {  	v0 =	vimm.f32 $1.000000000e+00;
	v1 =	vimm.f32 $0.0e+00;
	s6 =	smax.u32 s8, $0x1;
	s8 =	simm.s32 $0x480;
	s19 =	sshrl.u32 s4, $0x3  }
.LBB2_1:
0xf: {  	[tilespmem:$0x400] =	vst v0  }
0x10: {  	[tilespmem:$0x410] =	vst v0  }
0x11: {  	[tilespmem:$0x420] =	vst v0  }
0x12: {  	[tilespmem:$0x430] =	vst v0  }
0x13: {  	[tilespmem:$0x440] =	vst v0  }
0x14: {  	[tilespmem:$0x450] =	vst v0  }
0x15: {  	[tilespmem:$0x460] =	vst v0  }
0x16: {  	[tilespmem:$0x470] =	vst v0  }
0x17: {  	[tilespmem:$0x480] =	vst v1  }
0x18: {  	[tilespmem:$0x490] =	vst v1  }
0x19: {  	[tilespmem:$0x4A0] =	vst v1  }
0x1a: {  	[tilespmem:$0x4B0] =	vst v1  }
0x1b: {  	[tilespmem:$0x4C0] =	vst v1  }
0x1c: {  	[tilespmem:$0x4D0] =	vst v1  }
0x1d: {  	[tilespmem:$0x4E0] =	vst v1  }
0x1e: {  	[tilespmem:$0x4F0] =	vst v1  }
0x1f: {  	[tilespmem:$0x500] =	vst v1  }
0x20: {  	[tilespmem:$0x510] =	vst v1  }
0x21: {  	[tilespmem:$0x520] =	vst v1  }
0x22: {  	[tilespmem:$0x530] =	vst v1  }
0x23: {  	[tilespmem:$0x540] =	vst v1  }
0x24: {  	[tilespmem:$0x550] =	vst v1  }
0x25: {  	[tilespmem:$0x560] =	vst v1  }
0x26: {  	[tilespmem:$0x570] =	vst v1  }
0x27: {  	[tilespmem:$0x580] =	vst v1  }
0x28: {  	[tilespmem:$0x590] =	vst v1  }
0x29: {  	[tilespmem:$0x5A0] =	vst v1  }
0x2a: {  	[tilespmem:$0x5B0] =	vst v1  }
0x2b: {  	[tilespmem:$0x5C0] =	vst v1  }
0x2c: {  	[tilespmem:$0x5D0] =	vst v1  }
0x2d: {  	[tilespmem:$0x5E0] =	vst v1  }
0x2e: {  	[tilespmem:$0x5F0] =	vst v1  }
0x2f: {  	[tilespmem:$0x600] =	vst v1  }
0x30: {  	[tilespmem:$0x610] =	vst v1  }
0x31: {  	[tilespmem:$0x620] =	vst v1  }
0x32: {  	[tilespmem:$0x630] =	vst v1  }
0x33: {  	[tilespmem:$0x640] =	vst v1  }
0x34: {  	[tilespmem:$0x650] =	vst v1  }
0x35: {  	[tilespmem:$0x660] =	vst v1  }
0x36: {  	[tilespmem:$0x670] =	vst v1  }
0x37: {  	[tilespmem:$0x680] =	vst v1  }
0x38: {  	[tilespmem:$0x690] =	vst v1  }
0x39: {  	[tilespmem:$0x6A0] =	vst v1  }
0x3a: {  	[tilespmem:$0x6B0] =	vst v1  }
0x3b: {  	[tilespmem:$0x6C0] =	vst v1  }
0x3c: {  	[tilespmem:$0x6D0] =	vst v1  }
0x3d: {  	[tilespmem:$0x6E0] =	vst v1  }
0x3e: {  	[tilespmem:$0x6F0] =	vst v1  }
0x3f: {  	[spmem:s4] =	stream.linear.scatter [tilespmem:s8], [sflag:$0x1], $0x280, $0x38;
	[tilespmem:$0x980] =	vst v63  }
0x40: {  	_ =	swait.ge [sflag:s9], $0x280  }
0x41: {  	[sflag:s9] =	ssyncset.done $0x0  }
0x42: {  	[sflag:s9] =	ssyncadd.s32 $0xFFFFFD80  }
0x43: {  	s21 =	sadd.s32 $0x0, s7;
	[bflag:$0x0] =	sbarrier.arrive $0xFFFF  }
0x44: {  	[tilespmem:s3], [sflag:$0x1] =	stream.linear.gather [hbm4b:s21+s3], $0x400, $0x38;
	[tilespmem:$0x980] =	vst v63  }
0x45: {  	_ =	swait.ge [sflag:s9], $0x400  }
0x46: {  	[sflag:s9] =	ssyncset.done $0x0  }
0x47: {  	[sflag:s9] =	ssyncadd.s32 $0xFFFFFC00  }
0x48: {  	[spmem:s2] =	stream.indirect.scatter.add.f32 [tilespmem:s11], [sflag:$0x1], $0x1, s3, s10, $0xb8;
	[tilespmem:$0x980] =	vst v63  }
0x49: {  	_ =	swait.ge [sflag:s9], $0x80  }
0x4a: {  	[sflag:s9] =	ssyncset.done $0x0  }
0x4b: {  	[sflag:s9] =	ssyncadd.s32 $0xFFFFFF80  }
0x4c: {  	[spmem:s2] =	stream.indirect.scatter.add.f32 [tilespmem:s11], [sflag:$0x1], $0x1, s10, s10, $0xb8;
	[tilespmem:$0x980] =	vst v63  }
0x4d: {  	_ =	swait.ge [sflag:s9], $0x80  }
0x4e: {  	[sflag:s9] =	ssyncset.done $0x0  }
0x4f: {  	[sflag:s9] =	ssyncadd.s32 $0xFFFFFF80  }
0x50: {  	[spmem:s2] =	stream.indirect.scatter.add.f32 [tilespmem:s11], [sflag:$0x1], $0x1, s12, s10, $0xb8;
	[tilespmem:$0x980] =	vst v63  }
0x51: {  	_ =	swait.ge [sflag:s9], $0x80  }
0x52: {  	[sflag:s9] =	ssyncset.done $0x0  }
0x53: {  	[sflag:s9] =	ssyncadd.s32 $0xFFFFFF80  }
0x54: {  	[spmem:s2] =	stream.indirect.scatter.add.f32 [tilespmem:s11], [sflag:$0x1], $0x1, s13, s10, $0xb8;
	[tilespmem:$0x980] =	vst v63  }
0x55: {  	_ =	swait.ge [sflag:s9], $0x80  }
0x56: {  	[sflag:s9] =	ssyncset.done $0x0  }
0x57: {  	[sflag:s9] =	ssyncadd.s32 $0xFFFFFF80  }
0x58: {  	[spmem:s2] =	stream.indirect.scatter.add.f32 [tilespmem:s11], [sflag:$0x1], $0x1, s14, s10, $0xb8;
	[tilespmem:$0x980] =	vst v63  }
0x59: {  	_ =	swait.ge [sflag:s9], $0x80  }
0x5a: {  	[sflag:s9] =	ssyncset.done $0x0  }
0x5b: {  	[sflag:s9] =	ssyncadd.s32 $0xFFFFFF80  }
0x5c: {  	[spmem:s2] =	stream.indirect.scatter.add.f32 [tilespmem:s11], [sflag:$0x1], $0x1, s15, s10, $0xb8;
	[tilespmem:$0x980] =	vst v63  }
0x5d: {  	_ =	swait.ge [sflag:s9], $0x80  }
0x5e: {  	[sflag:s9] =	ssyncset.done $0x0  }
0x5f: {  	[sflag:s9] =	ssyncadd.s32 $0xFFFFFF80  }
0x60: {  	[spmem:s2] =	stream.indirect.scatter.add.f32 [tilespmem:s11], [sflag:$0x1], $0x1, s16, s10, $0xb8;
	[tilespmem:$0x980] =	vst v63  }
0x61: {  	_ =	swait.ge [sflag:s9], $0x80  }
0x62: {  	[sflag:s9] =	ssyncset.done $0x0  }
0x63: {  	[sflag:s9] =	ssyncadd.s32 $0xFFFFFF80  }
0x64: {  	[spmem:s2] =	stream.indirect.scatter.add.f32 [tilespmem:s11], [sflag:$0x1], $0x1, s17, s10, $0xb8;
	[tilespmem:$0x980] =	vst v63  }
0x65: {  	_ =	swait.ge [sflag:s9], $0x80  }
0x66: {  	s23 =	simm.s32 $0x100;
	s21 =	simm.s32 $0x80;
	[sflag:s9] =	ssyncset.done $0x0  }
.LBB2_2:
0x67: {  	s24 =	sadd.s32 s21, s7  }
0x68: {  	[sflag:s9] =	ssyncadd.s32 $0xFFFFFF80;
	s21 =	smov.u32 s23;
	s22 =	sadd.s32 $0x80, s23  }
0x69: {  	[tilespmem:s3], [sflag:$0x1] =	stream.linear.gather [hbm4b:s24+s3], $0x400, $0x38;
	[tilespmem:$0x980] =	vst v63  }
0x6a: {  	p0 =	sne.s32 s23, $0x480;
	_ =	swait.ge [sflag:s9], $0x400  }
0x6b: {  	[sflag:s9] =	ssyncset.done $0x0  }
0x6c: {  	[sflag:s9] =	ssyncadd.s32 $0xFFFFFC00  }
0x6d: {  	[spmem:s2] =	stream.indirect.scatter.add.f32 [tilespmem:s11], [sflag:$0x1], $0x1, s3, s10, $0xb8;
	[tilespmem:$0x980] =	vst v63  }
0x6e: {  	_ =	swait.ge [sflag:s9], $0x80  }
0x6f: {  	[sflag:s9] =	ssyncset.done $0x0  }
0x70: {  	[sflag:s9] =	ssyncadd.s32 $0xFFFFFF80  }
0x71: {  	[spmem:s2] =	stream.indirect.scatter.add.f32 [tilespmem:s11], [sflag:$0x1], $0x1, s10, s10, $0xb8;
	[tilespmem:$0x980] =	vst v63  }
0x72: {  	_ =	swait.ge [sflag:s9], $0x80  }
0x73: {  	[sflag:s9] =	ssyncset.done $0x0  }
0x74: {  	[sflag:s9] =	ssyncadd.s32 $0xFFFFFF80  }
0x75: {  	[spmem:s2] =	stream.indirect.scatter.add.f32 [tilespmem:s11], [sflag:$0x1], $0x1, s12, s10, $0xb8;
	[tilespmem:$0x980] =	vst v63  }
0x76: {  	_ =	swait.ge [sflag:s9], $0x80  }
0x77: {  	[sflag:s9] =	ssyncset.done $0x0  }
0x78: {  	[sflag:s9] =	ssyncadd.s32 $0xFFFFFF80  }
0x79: {  	[spmem:s2] =	stream.indirect.scatter.add.f32 [tilespmem:s11], [sflag:$0x1], $0x1, s13, s10, $0xb8;
	[tilespmem:$0x980] =	vst v63  }
0x7a: {  	_ =	swait.ge [sflag:s9], $0x80  }
0x7b: {  	[sflag:s9] =	ssyncset.done $0x0  }
0x7c: {  	[sflag:s9] =	ssyncadd.s32 $0xFFFFFF80  }
0x7d: {  	[spmem:s2] =	stream.indirect.scatter.add.f32 [tilespmem:s11], [sflag:$0x1], $0x1, s14, s10, $0xb8;
	[tilespmem:$0x980] =	vst v63  }
0x7e: {  	_ =	swait.ge [sflag:s9], $0x80  }
0x7f: {  	[sflag:s9] =	ssyncset.done $0x0  }
0x80: {  	[sflag:s9] =	ssyncadd.s32 $0xFFFFFF80  }
0x81: {  	[spmem:s2] =	stream.indirect.scatter.add.f32 [tilespmem:s11], [sflag:$0x1], $0x1, s15, s10, $0xb8;
	[tilespmem:$0x980] =	vst v63  }
0x82: {  	_ =	swait.ge [sflag:s9], $0x80  }
0x83: {  	[sflag:s9] =	ssyncset.done $0x0  }
0x84: {  	[sflag:s9] =	ssyncadd.s32 $0xFFFFFF80  }
0x85: {  	[spmem:s2] =	stream.indirect.scatter.add.f32 [tilespmem:s11], [sflag:$0x1], $0x1, s16, s10, $0xb8;
	[tilespmem:$0x980] =	vst v63  }
0x86: {  	_ =	swait.ge [sflag:s9], $0x80  }
.Ltmp0:
0x87: {  	[sflag:s9] =	ssyncset.done $0x0;
	(pc) =	sbr.rel @p0 .LBB2_2-.Ltmp0, $4  }
0x88: {  	[sflag:s9] =	ssyncadd.s32 $0xFFFFFF80  }
0x89: {  	[spmem:s2] =	stream.indirect.scatter.add.f32 [tilespmem:s11], [sflag:$0x1], $0x1, s17, s10, $0xb8;
	[tilespmem:$0x980] =	vst v63  }
0x8a: {  	_ =	swait.ge [sflag:s9], $0x80  }
0x8b: {  	s23 =	smov.u32 s22;
	[sflag:s9] =	ssyncset.done $0x0  }
0x8c: {  	s21 =	sadd.s32 s21, s7;
	[sflag:s9] =	ssyncadd.s32 $0xFFFFFF80  }
0x8d: {  	[tilespmem:s3], [sflag:$0x1] =	stream.linear.gather [hbm4b:s21+s3], $0x400, $0x38;
	[tilespmem:$0x980] =	vst v63  }
0x8e: {  	_ =	swait.ge [sflag:s9], $0x400  }
0x8f: {  	[sflag:s9] =	ssyncset.done $0x0  }
0x90: {  	[sflag:s9] =	ssyncadd.s32 $0xFFFFFC00  }
0x91: {  	[spmem:s2] =	stream.indirect.scatter.add.f32 [tilespmem:s11], [sflag:$0x1], $0x1, s3, s10, $0xb8;
	[tilespmem:$0x980] =	vst v63  }
0x92: {  	_ =	swait.ge [sflag:s9], $0x80  }
0x93: {  	[sflag:s9] =	ssyncset.done $0x0  }
0x94: {  	[sflag:s9] =	ssyncadd.s32 $0xFFFFFF80  }
0x95: {  	[spmem:s2] =	stream.indirect.scatter.add.f32 [tilespmem:s11], [sflag:$0x1], $0x1, s10, s10, $0xb8;
	[tilespmem:$0x980] =	vst v63  }
0x96: {  	_ =	swait.ge [sflag:s9], $0x80  }
0x97: {  	[sflag:s9] =	ssyncset.done $0x0  }
0x98: {  	[sflag:s9] =	ssyncadd.s32 $0xFFFFFF80  }
0x99: {  	[spmem:s2] =	stream.indirect.scatter.add.f32 [tilespmem:s11], [sflag:$0x1], $0x1, s12, s10, $0xb8;
	[tilespmem:$0x980] =	vst v63  }
0x9a: {  	_ =	swait.ge [sflag:s9], $0x80  }
0x9b: {  	[sflag:s9] =	ssyncset.done $0x0  }
0x9c: {  	[sflag:s9] =	ssyncadd.s32 $0xFFFFFF80  }
0x9d: {  	[spmem:s2] =	stream.indirect.scatter.add.f32 [tilespmem:s11], [sflag:$0x1], $0x1, s13, s10, $0xb8;
	[tilespmem:$0x980] =	vst v63  }
0x9e: {  	_ =	swait.ge [sflag:s9], $0x80  }
0x9f: {  	[sflag:s9] =	ssyncset.done $0x0  }
0xa0: {  	[sflag:s9] =	ssyncadd.s32 $0xFFFFFF80  }
0xa1: {  	[spmem:s2] =	stream.indirect.scatter.add.f32 [tilespmem:s11], [sflag:$0x1], $0x1, s14, s10, $0xb8;
	[tilespmem:$0x980] =	vst v63  }
0xa2: {  	_ =	swait.ge [sflag:s9], $0x80  }
0xa3: {  	[sflag:s9] =	ssyncset.done $0x0  }
0xa4: {  	[sflag:s9] =	ssyncadd.s32 $0xFFFFFF80  }
0xa5: {  	[spmem:s2] =	stream.indirect.scatter.add.f32 [tilespmem:s11], [sflag:$0x1], $0x1, s15, s10, $0xb8;
	[tilespmem:$0x980] =	vst v63  }
0xa6: {  	_ =	swait.ge [sflag:s9], $0x80  }
0xa7: {  	[sflag:s9] =	ssyncset.done $0x0  }
0xa8: {  	[sflag:s9] =	ssyncadd.s32 $0xFFFFFF80  }
0xa9: {  	[spmem:s2] =	stream.indirect.scatter.add.f32 [tilespmem:s11], [sflag:$0x1], $0x1, s16, s10, $0xb8;
	[tilespmem:$0x980] =	vst v63  }
0xaa: {  	_ =	swait.ge [sflag:s9], $0x80  }
0xab: {  	[sflag:s9] =	ssyncset.done $0x0  }
0xac: {  	[sflag:s9] =	ssyncadd.s32 $0xFFFFFF80  }
0xad: {  	[spmem:s2] =	stream.indirect.scatter.add.f32 [tilespmem:s11], [sflag:$0x1], $0x1, s17, s10, $0xb8;
	[tilespmem:$0x980] =	vst v63  }
0xae: {  	_ =	swait.ge [sflag:s9], $0x80  }
0xaf: {  	s20 =	sadd.s32 $0x1, s20;
	[sflag:s9] =	ssyncset.done $0x0  }
0xb0: {  	p0 =	sne.s32 s20, s6;
	[sflag:s9] =	ssyncadd.s32 $0xFFFFFF80  }
.Ltmp1:
0xb1: {  	[bflag:$0x0] =	sbarrier.arrive $0xFFFF;
	(pc) =	sbr.rel @p0 .LBB2_1-.Ltmp1, $4  }
0xb2: {  	[hbm:s5], [sflag:s18] =	dma.local [spmem:s19], $0x50  }
0xb3: {  	_ =	swait.ge [sflag:s9], $0x50  }
0xb4: {  	[sflag:s9] =	ssyncset.done $0x0  }
0xb5: {  	[sflag:s9] =	ssyncadd.s32 $0xFFFFFFB0  }
0xb6: {  	_ =	sfence.sel $0x180000  }
0xb7: {  	[bflag:$0x0] =	sbarrier.arrive $0xFFFF  }
0xb8: {  	p0 =	sne.s32 s1, $0x0;
	_ =	strace $0x90000047  }
0xb9: {  	s0 =	sadd.s32 @!p0 $0x100000, s0;
	[bflag:$0x2] =	sbarrier.arrive $0xFFFF  }
0xba: {  	[sflag:s0] =	ssyncadd.tile.s32 @!p0 $0x1;
	_ =	shalt  }
.Lfunc_end2:
_tile_overlayer_lowered:
.L_overlay_start_2:
0xbb: {  	(tag) =	ssettag $0x2  }
0xbc: {  	s0 =	rddreg [dreg:$0x0];
	s2 =	stileid.u32  }
0xbd: {  	s1 =	rddreg [dreg:$0x1];
	p0 =	sne.s32 s2, $0x0  }
0xbe: {  	s3 =	rddreg [dreg:$0x2];
	[bflag:$0x3] =	sbarrier.arrive $0xFFFF;
	s2 =	simm.s32 @!p0 $0x1C01  }
0xbf: {  	[timem:s3], [sflag:s2] =	dma.local @!p0 [hbm:s0], s1  }
0xc0: {  	s0 =	simm.s32 @!p0 $0x1  }
0xc1: {  	_ =	swait.ge @!p0 [sflag:s0], s1  }
0xc2: {  	s1 =	ssub.s32 @!p0 $0x0, s1;
	[sflag:s0] =	ssyncset.done @!p0 $0x0  }
0xc3: {  	[sflag:s0] =	ssyncadd.s32 @!p0 s1  }
0xc4: {  	[bflag:$0x3] =	sbarrier.arrive $0xFFFF  }
0xc5: {  	_ =	shalt  }

// kernel: kernel.9.cloned.1.call-start
scs
__scs_entry_jumppad:
0x0: {  	(pc) =	sbr.rel $0x88, $3  }
0x1: {  	(tag) =	ssettag $0x0;
	lr =	simm.s32 $0x1  }
0x2: {  	[smem:$0x3F9B] =	sst lr;
	_ =	strace $0xD0000000  }
0x3: {  	_ = 	snop  }
0x4: {  	_ = 	snop  }
0x5: {  	_ = 	snop  }
0x6: {  	_ = 	snop  }
0x7: {  	_ = 	snop  }
__scs_overlays_trampoline_lowered:
0x8: {  	[smem:$0x3FAA] =	sst s0  }
0x9: {  	[smem:$0x3FAB] =	sst s1  }
0xa: {  	[smem:$0x3FAC] =	sst s2  }
0xb: {  	[smem:$0x3FAD] =	sst s3  }
0xc: {  	[smem:$0x3FAE] =	sst s4  }
0xd: {  	[smem:$0x3FAF] =	sst s5  }
0xe: {  	[smem:$0x3FB0] =	sst s6  }
0xf: {  	[smem:$0x3FB1] =	sst s7  }
0x10: {  	[smem:$0x3FB2] =	sst s8  }
0x11: {  	[smem:$0x3FB3] =	sst s9;
	s0 =	simm.s32 @!p0 $0x0  }
0x12: {  	s1 =	sld [smem:$0x3F99];
	s0 =	simm.s32 @p0 $0x1  }
0x13: {  	[smem:$0x3FB4] =	sst s0;
	s0 =	simm.s32 @!p1 $0x0  }
0x14: {  	s2 =	sld [smem:$0x3F98];
	s0 =	simm.s32 @p1 $0x1  }
0x15: {  	[smem:$0x3FB5] =	sst s0;
	s0 =	simm.s32 @!p2 $0x0  }
0x16: {  	s3 =	sld [smem:$0x3FDB];
	s0 =	simm.s32 @p2 $0x1  }
0x17: {  	s4 =	simm.s32 $0x1BF5;
	[smem:$0x3FB7] =	sst s0  }
0x18: {  	s0 =	sld [smem:$0x3F9A];
	_ =	swait.ge [sflag:s4], $0x0  }
0x19: {  	s7 =	sld [smem:$0x3F9B]  }
0x1a: {  	s8 =	sadd.s32 $0xFFFFE003, lr  }
0x1b: {  	s9 =	sadd.s32 $0xFFFFFEF7, lr;
	s5 =	simm.s32 $0xFFFFFFFF;
	p2 =	slt.u32 s8, $0xFFFFF086  }
0x1c: {  	p1 =	slt.u32 s9, $0xF7A;
	s5 =	simm.s32 @!p2 $0x0  }
0x1d: {  	s5 =	simm.s32 @p1 $0x1;
	p0 =	seq.s32 s7, s2  }
0x1e: {  	s7 =	smul.u32 @!p0 $0xF7A, s2;
	p2 =	seq.s32 @!p0 s5, $0x0  }
0x1f: {  	s9 =	smul.u32 $0xF7A, s1;
	s8 =	simm.s32 @!p0 $0x1BF5;
	p2 =	por !p2, p0  }
0x20: {  	[sflag:s8] =	ssyncset.s32 @!p0 $0xFFFFF086;
	s6 =	sadd.s32 @!p0 s3, s7;
	s7 =	simm.s32 @!p0 $0x108  }
0x21: {  	s3 =	sadd.s32 s3, s9;
	s6 =	sadd.s32 @!p0 $0x88, s6;
	s7 =	simm.s32 @p2 $0x1082  }
0x22: {  	[simem:s7], [sflag:s8] =	dma.local @!p0 [hbm:s6], $0xF7A  }
0x23: {  	s9 =	sor.u32 $0xD0000000, s2;
	s6 =	simm.s32 $0x108;
	_ =	swait.ge @!p0 [sflag:s8], $0x0  }
0x24: {  	s3 =	sadd.s32 $0x88, s3;
	s6 =	simm.s32 @!p1 $0x1082;
	[sflag:s4] =	ssyncset.s32 $0xFFFFF086  }
0x25: {  	[simem:s6], [sflag:s4] =	dma.local [hbm:s3], $0xF7A  }
0x26: {  	[smem:$0x3F9B] =	sst s1;
	(tag) =	ssettag s2;
	_ =	strace s9  }
0x27: {  	s1 =	sld [smem:$0x3FAB]  }
0x28: {  	s2 =	sld [smem:$0x3FAC]  }
0x29: {  	s4 =	sld [smem:$0x3FAE]  }
0x2a: {  	p0 =	seq.s32 s5, $0x0;
	s5 =	sld [smem:$0x3FAF]  }
0x2b: {  	s6 =	sld [smem:$0x3FB0]  }
0x2c: {  	s7 =	sld [smem:$0x3FB1]  }
0x2d: {  	s3 =	simm.s32 $0x108;
	s8 =	sld [smem:$0x3FB2]  }
0x2e: {  	s3 =	simm.s32 @!p0 $0x1082;
	s9 =	sld [smem:$0x3FB3]  }
0x2f: {  	lr =	sadd.s32 s0, s3;
	s0 =	sld [smem:$0x3FAA]  }
0x30: {  	s3 =	sld [smem:$0x3FAD]  }
0x31: {  	[smem:$0x3FB6] =	sst s10  }
0x32: {  	s10 =	sld [smem:$0x3FB4];
	_ =	sdelay $0x3  }
0x33: {  	p0 =	seq.s32 s10, $0x1;
	s10 =	sld [smem:$0x3FB6];
	_ =	sdelay $0x3  }
0x34: {  	[smem:$0x3FB6] =	sst s10  }
0x35: {  	s10 =	sld [smem:$0x3FB5];
	_ =	sdelay $0x3  }
0x36: {  	p1 =	seq.s32 s10, $0x1;
	s10 =	sld [smem:$0x3FB6];
	_ =	sdelay $0x3  }
0x37: {  	[smem:$0x3FB6] =	sst s10  }
0x38: {  	s10 =	sld [smem:$0x3FB7]  }
0x39: {  	_ = 	snop;
	(pc) =	sbr.ind lr, $3  }
0x3a: {  	_ = 	snop  }
0x3b: {  	_ = 	snop  }
0x3c: {  	p2 =	seq.s32 s10, $0x1;
	s10 =	sld [smem:$0x3FB6]  }
0x3d: {  	_ =	shalt  }
0x3e: {  	_ =	shalt  }
0x3f: {  	_ =	shalt  }
0x40: {  	_ =	shalt  }
0x41: {  	_ =	shalt  }
0x42: {  	_ =	shalt  }
0x43: {  	_ =	shalt  }
0x44: {  	_ =	shalt  }
0x45: {  	_ =	shalt  }
0x46: {  	_ =	shalt  }
0x47: {  	_ =	shalt  }
0x48: {  	_ =	shalt  }
0x49: {  	_ =	shalt  }
0x4a: {  	_ =	shalt  }
0x4b: {  	_ =	shalt  }
0x4c: {  	_ =	shalt  }
0x4d: {  	_ =	shalt  }
0x4e: {  	_ =	shalt  }
0x4f: {  	_ =	shalt  }
0x50: {  	_ =	shalt  }
0x51: {  	_ =	shalt  }
0x52: {  	_ =	shalt  }
0x53: {  	_ =	shalt  }
0x54: {  	_ =	shalt  }
0x55: {  	_ =	shalt  }
0x56: {  	_ =	shalt  }
0x57: {  	_ =	shalt  }
0x58: {  	_ =	shalt  }
0x59: {  	_ =	shalt  }
0x5a: {  	_ =	shalt  }
0x5b: {  	_ =	shalt  }
0x5c: {  	_ =	shalt  }
0x5d: {  	_ =	shalt  }
0x5e: {  	_ =	shalt  }
0x5f: {  	_ =	shalt  }
0x60: {  	_ =	shalt  }
0x61: {  	_ =	shalt  }
0x62: {  	_ =	shalt  }
0x63: {  	_ =	shalt  }
0x64: {  	_ =	shalt  }
0x65: {  	_ =	shalt  }
0x66: {  	_ =	shalt  }
0x67: {  	_ =	shalt  }
0x68: {  	_ =	shalt  }
0x69: {  	_ =	shalt  }
0x6a: {  	_ =	shalt  }
0x6b: {  	_ =	shalt  }
0x6c: {  	_ =	shalt  }
0x6d: {  	_ =	shalt  }
0x6e: {  	_ =	shalt  }
0x6f: {  	_ =	shalt  }
0x70: {  	_ =	shalt  }
0x71: {  	_ =	shalt  }
0x72: {  	_ =	shalt  }
0x73: {  	_ =	shalt  }
0x74: {  	_ =	shalt  }
0x75: {  	_ =	shalt  }
0x76: {  	_ =	shalt  }
0x77: {  	_ =	shalt  }
0x78: {  	_ =	shalt  }
0x79: {  	_ =	shalt  }
0x7a: {  	_ =	shalt  }
0x7b: {  	_ =	shalt  }
0x7c: {  	_ =	shalt  }
0x7d: {  	_ =	shalt  }
0x7e: {  	_ =	shalt  }
0x7f: {  	_ =	shalt  }
0x80: {  	_ =	shalt  }
0x81: {  	_ =	shalt  }
0x82: {  	_ =	shalt  }
0x83: {  	_ =	shalt  }
0x84: {  	_ =	shalt  }
0x85: {  	_ =	shalt  }
0x86: {  	_ =	shalt  }
0x87: {  	_ =	shalt  }
.Lfunc_end0:
.L_simem_size_0:
called_computation.1_lowered:
.L_overlay_start_0:
0x88: {  	s2 =	sld [smem:$0x3FD9]  }
0x89: {  	s3 =	sld [smem:$0x3FFE];
	_ =	sdelay $0x1  }
0x8a: {  	s1 =	srdreg.scid  }
0x8b: {  	s0 =	sand.u32 $0x1, s1  }
0x8c: {  	s16 =	sshll.u32 s0, $0xA;
	s2 =	sadd.s32 s3, s2  }
0x8d: {  	s2 =	sadd.s32 s2, s16  }
0x8e: {  	[smem:$0x3FC2] =	sst s2  }
0x8f: {  	_ = 	snop  }
0x90: {  	(tm) =	ssettm $0x1  }
0x91: {  	s17 =	sld [smem:$0x3FFB];
	_ =	sdelay $0x3  }
0x92: {  	_ =	strace s17  }
0x93: {  	s2 =	sld [smem:$0x3FFC];
	_ =	sdelay $0x3  }
0x94: {  	_ =	strace s2  }
0x95: {  	s2 =	sld [smem:$0x3FFD];
	_ =	sdelay $0x3  }
0x96: {  	_ =	strace s2  }
0x97: {  	_ =	strace $0x8FFFFFFF  }
0x98: {  	s18 =	sld [smem:$0x3FDB];
	_ =	sdelay $0x1  }
0x99: {  	s19 =	simm.s32 $_scs_section_size  }
0x9a: {  	s4 =	simm.s32 $_size__tile_overlayer_lowered;
	s5 =	simm.s32 $_tile_overlayer_lowered  }
0x9b: {  	s22 =	simm.s32 $0x1BFF;
	s21 =	sshll.u32 s5, $0x1;
	s2 =	sadd.s32 s19, s18  }
0x9c: {  	s6 =	simm.s32 $0x0;
	s20 =	sshll.u32 s4, $0x1;
	s4 =	sadd.s32 s21, s2  }
0x9d: {  	[timem:s6], [sflag:s22] =	dma.local [hbm:s4], s20  }
0x9e: {  	_ =	swait.ge [sflag:s22], s20  }
0x9f: {  	s3 =	ssub.s32 $0x0, s20;
	[sflag:s22] =	ssyncset.done $0x0  }
0xa0: {  	[sflag:s22] =	ssyncadd.s32 s3;
	_ =	sdelay $0x1  }
0xa1: {  	s23 =	simm.s32 $0x1B8B  }
0xa2: {  	_ =	swait.ge [sflag:s23], $0x1  }
0xa3: {  	[sflag:s23] =	ssyncset.done $0x0  }
0xa4: {  	s25 =	simm.s32 $0x1B8E;
	s24 =	sld [smem:$0x3FFE];
	[sflag:s23] =	ssyncadd.s32 $0xFFFFFFFF  }
0xa5: {  	s26 =	simm.s32 $execute0_lowered;
	[smem:$0x3FD2] =	sst s25  }
0xa6: {  	s4 =	sshll.u32 s26, $0x1;
	_ =	strace $0x80000049;
	[dreg:$0x1] =	wrdreg $0xFFFFFFFF  }
0xa7: {  	s28 =	simm.s32 $_size_execute0_lowered;
	s2 =	sadd.s32 s2, s4;
	[dreg:$0x0] =	wrdreg $0x0  }
0xa8: {  	s4 =	sshll.u32 s28, $0x1;
	[dreg:$0x2] =	wrdreg s2  }
0xa9: {  	[dreg:$0x3] =	wrdreg s4  }
0xaa: {  	[dreg:$0x4] =	wrdreg $0xC0  }
0xab: {  	_ =	task [dreg:s6], $0x5FFFF  }
0xac: {  	[dreg:$0x1] =	wrdreg $0xFFFFFFFF  }
0xad: {  	[dreg:$0x0] =	wrdreg $0x60  }
0xae: {  	[dreg:$0x2] =	wrdreg s24  }
0xaf: {  	[dreg:$0x3] =	wrdreg $0x93000  }
0xb0: {  	[dreg:$0x4] =	wrdreg $0x1D3000  }
0xb1: {  	[dreg:$0x5] =	wrdreg $0x9  }
0xb2: {  	_ =	task.clear_ibuf [dreg:s6], $0x6FFFF;
	_ =	strace $0x90000049  }
0xb3: {  	s29 =	simm.s32 $0x9;
	_ =	strace $0x8000004B  }
0xb4: {  	_ =	swait.ge [sflag:s29], $0x1  }
0xb5: {  	[sflag:s29] =	ssyncadd.s32 $0xFFFFFFFF  }
0xb6: {  	_ =	strace $0x9000004B  }
0xb7: {  	_ =	sfence  }
0xb8: {  	s30 =	sld [smem:$0x0];
	_ =	sdelay $0x2  }
0xb9: {  	s31 =	sshll.u32 s1, $0xD;
	s1 =	sshrl.u32 s1, $0x2  }
0xba: {  	s3 =	sand.u32 $0x4000, s31;
	s1 =	sadd.s32 s1, s30  }
0xbb: {  	s0 =	sor.u32 s3, s0;
	s1 =	sshll.u32 s1, $0x11  }
0xbc: {  	s0 =	sor.u32 s1, s0  }
0xbd: {  	s0 =	sadd.s32 $0x8F2B, s0  }
0xbe: {  	[sflag:s0] =	ssyncadd.remote.s32 $0x1  }
0xbf: {  	_ =	sfence.sel $0xFFFF  }
0xc0: {  	[dreg:$0x0] =	wrdreg $0xFFFFFFFF;
	(pc) =	sbr.abs _section_cstart, $3  }
0xc1: {  	[dreg:$0x1] =	wrdreg $0xFFFFFFFF  }
0xc2: {  	_ =	task.clear_ibuf [dreg:s6], $0x2FFFF;
	_ =	strace $0x9FFFFFFF  }
0xc3: {  	(tm) =	ssettm $0x7FFFFFFF  }
tec
execute0_lowered:
.L_overlay_start_1:
0x0: {  	(tag) =	ssettag $0x1  }
0x1: {  	s0 =	rddreg [dreg:$0x0]  }
0x2: {  	s14 =	rddreg [dreg:$0x1];
	s13 =	stileid.u32  }
0x3: {  	s1 =	srdreg.scid;
	s3 =	rddreg [dreg:$0x2]  }
0x4: {  	s5 =	simm.s32 $0x0;
	s22 =	simm.s32 $0x3;
	s2 =	smul.u32 $0xA00, s13  }
0x5: {  	s28 =	simm.s32 $0x9000;
	s29 =	simm.s32 $0x8C80;
	s7 =	smul.u32 $0x280, s13  }
0x6: {  	s30 =	simm.s32 $0x8880;
	s31 =	simm.s32 $0x8D00;
	s9 =	smul.u32 $0x50000, s13  }
0x7: {  	s1 =	sand.u32 $0x1, s1;
	[smem:$0x7FF] =	sst s5;
	s13 =	smul.u32 $0x500, s13  }
0x8: {  	s5 =	sadd.s32 $0x34400, s0;
	s6 =	sadd.s32 $0x1A00, s0;
	s4 =	smul.u32 $0x5000, s1  }
0x9: {  	s11 =	sadd.s32 $0xD0800, s0;
	_ =	strace $0x8000004A;
	s8 =	smul.u32 $0x2800, s1  }
0xa: {  	s12 =	ssub.s32 $0x2, s1;
	s2 =	sadd.s32 s2, s0;
	s9 =	sshrl.u32 s9, $0x2  }
0xb: {  	s26 =	sshrl.u32 s12, $0x1;
	s18 =	sadd.s32 s7, s3;
	s10 =	sadd.s32 s4, s0  }
0xc: {  	s8 =	sadd.s32 s7, s8;
	s19 =	sadd.s32 s9, s14;
	s4 =	sadd.s32 s7, s4  }
0xd: {  	[dreg:$0x9] =	wrdreg s18;
	s25 =	sadd.s32 $0x16400, s2;
	s8 =	sshrl.u32 s8, $0x3  }
0xe: {  	s9 =	sadd.s32 $0x4000, s19;
	s14 =	sadd.s32 $0x8000, s19;
	s15 =	sadd.s32 $0xC000, s19  }
0xf: {  	s16 =	sadd.s32 $0x10000, s19;
	s4 =	sshll.u32 s4, $0x4;
	[dreg:$0xe] =	wrdreg s25  }
0x10: {  	s23 =	sadd.s32 s13, s10;
	s25 =	simm.s32 $0x8C00;
	[dreg:$0x4] =	wrdreg s19  }
0x11: {  	s13 =	simm.s32 $0x8E00;
	s0 =	sadd.s32 s8, s0;
	[dreg:$0x5] =	wrdreg s9  }
0x12: {  	s8 =	ssub.s32 s12, s26;
	s12 =	smul.u32 $0x4E20, s1;
	[dreg:$0x6] =	wrdreg s14  }
0x13: {  	s10 =	simm.s32 $0x8F80;
	[dreg:$0x7] =	wrdreg s15;
	s1 =	sshllo.u32 s1, $0x1  }
0x14: {  	[dreg:$0x8] =	wrdreg s16;
	s4 =	sadd.s32 s11, s4;
	s18 =	sadd.s32 $0x2A400, s23  }
0x15: {  	s26 =	sadd.s32 $0xC400, s2;
	s14 =	simm.s32 $0x8A00;
	s15 =	simm.s32 $0x8E80  }
0x16: {  	s16 =	simm.s32 $0x8A80;
	s9 =	simm.s32 $0x8B00;
	s17 =	smul.u32 $0x2800, s1  }
0x17: {  	[dreg:$0xa] =	wrdreg s4;
	s0 =	sadd.s32 $0x2000, s0;
	s21 =	smul.u32 $0x2710, s1  }
0x18: {  	s24 =	smax.u32 s8, $0x1;
	[dreg:$0xf] =	wrdreg s26;
	s26 =	simm.s32 $0x80  }
0x19: {  	s1 =	simm.s32 $0x8900;
	s8 =	simm.s32 $0x8F00;
	[dreg:$0xb] =	wrdreg s0  }
0x1a: {  	s4 =	simm.s32 $0x0;
	[dreg:$0xd] =	wrdreg s24;
	s20 =	sadd.s32 s7, s17  }
0x1b: {  	s24 =	simm.s32 $0x8800;
	s17 =	sadd.s32 $0x20400, s23;
	s0 =	sshll.u32 s20, $0x4  }
0x1c: {  	s7 =	simm.s32 $0x800;
	s23 =	simm.s32 $0x8D80;
	s0 =	sadd.s32 s11, s0  }
0x1d: {  	v2 =	vimm.f32 $0.0e+00;
	v0 =	vmov s12;
	v1 =	vmov s21;
	s11 =	simm.s32 $0x8B80;
	[dreg:$0xc] =	wrdreg s0;
	s0 =	simm.s32 $0x8980  }
.LBB2_1:
0x1e: {  	[tilespmem:$0x9080] =	vst v2  }
0x1f: {  	[tilespmem:$0x9090] =	vst v2  }
0x20: {  	[tilespmem:$0x90A0] =	vst v2  }
0x21: {  	[tilespmem:$0x90B0] =	vst v2  }
0x22: {  	[tilespmem:$0x90C0] =	vst v2  }
0x23: {  	[tilespmem:$0x90D0] =	vst v2  }
0x24: {  	[tilespmem:$0x90E0] =	vst v2  }
0x25: {  	[tilespmem:$0x90F0] =	vst v2  }
0x26: {  	[tilespmem:$0x9100] =	vst v2  }
0x27: {  	[tilespmem:$0x9110] =	vst v2  }
0x28: {  	[tilespmem:$0x9120] =	vst v2  }
0x29: {  	[tilespmem:$0x9130] =	vst v2  }
0x2a: {  	[tilespmem:$0x9140] =	vst v2  }
0x2b: {  	[tilespmem:$0x9150] =	vst v2  }
0x2c: {  	[tilespmem:$0x9160] =	vst v2  }
0x2d: {  	[tilespmem:$0x9170] =	vst v2  }
0x2e: {  	[tilespmem:$0x9180] =	vst v2  }
0x2f: {  	[tilespmem:$0x9190] =	vst v2  }
0x30: {  	[tilespmem:$0x91A0] =	vst v2  }
0x31: {  	[tilespmem:$0x91B0] =	vst v2  }
0x32: {  	[tilespmem:$0x91C0] =	vst v2  }
0x33: {  	[tilespmem:$0x91D0] =	vst v2  }
0x34: {  	[tilespmem:$0x91E0] =	vst v2  }
0x35: {  	[tilespmem:$0x91F0] =	vst v2  }
0x36: {  	[tilespmem:$0x9200] =	vst v2  }
0x37: {  	[tilespmem:$0x9210] =	vst v2  }
0x38: {  	[tilespmem:$0x9220] =	vst v2  }
0x39: {  	[tilespmem:$0x9230] =	vst v2  }
0x3a: {  	[tilespmem:$0x9240] =	vst v2  }
0x3b: {  	[tilespmem:$0x9250] =	vst v2  }
0x3c: {  	[tilespmem:$0x9260] =	vst v2  }
0x3d: {  	[tilespmem:$0x9270] =	vst v2  }
0x3e: {  	[tilespmem:$0x9280] =	vst v2  }
0x3f: {  	[tilespmem:$0x9290] =	vst v2  }
0x40: {  	[tilespmem:$0x92A0] =	vst v2  }
0x41: {  	[tilespmem:$0x92B0] =	vst v2  }
0x42: {  	[tilespmem:$0x92C0] =	vst v2  }
0x43: {  	[tilespmem:$0x92D0] =	vst v2  }
0x44: {  	[tilespmem:$0x92E0] =	vst v2  }
0x45: {  	[dreg:$0x10] =	wrdreg s4;
	[tilespmem:$0x92F0] =	vst v2;
	s2 =	simm.s32 $0x0;
	s4 =	simm.s32 $0x200  }
.LBB2_2:
0x46: {  	p0 =	sne.s32 s4, $0xFE00;
	[tilespmem:s2+$0x870] =	vst v2  }
0x47: {  	[tilespmem:s2+$0x800] =	vst v2  }
0x48: {  	[tilespmem:s2+$0x810] =	vst v2  }
.Ltmp0:
0x49: {  	[tilespmem:s2+$0x820] =	vst v2;
	(pc) =	sbr.rel @p0 .LBB2_2-.Ltmp0, $4  }
0x4a: {  	[tilespmem:s2+$0x830] =	vst v2  }
0x4b: {  	[tilespmem:s2+$0x840] =	vst v2  }
0x4c: {  	[tilespmem:s2+$0x850] =	vst v2  }
0x4d: {  	[tilespmem:s2+$0x860] =	vst v2;
	s2 =	sshra.s32 s4, $0x2;
	s4 =	sadd.s32 $0x200, s4  }
0x4e: {  	[tilespmem:s2+$0x870] =	vst v2  }
0x4f: {  	[tilespmem:s2+$0x800] =	vst v2  }
0x50: {  	[tilespmem:s2+$0x810] =	vst v2  }
0x51: {  	[tilespmem:s2+$0x820] =	vst v2  }
0x52: {  	[tilespmem:s2+$0x830] =	vst v2  }
0x53: {  	[tilespmem:s2+$0x840] =	vst v2  }
0x54: {  	[tilespmem:s2+$0x850] =	vst v2  }
0x55: {  	[tilespmem:s2+$0x860] =	vst v2  }
0x56: {  	[spmem:s19] =	stream.linear.scatter [tilespmem:s7], [sflag:$0x3], $0x4000, $0x38;
	[tilespmem:$0x1D580] =	vst v63  }
0x57: {  	_ =	swait.ge [sflag:s22], $0x4000  }
0x58: {  	[sflag:s22] =	ssyncset.done $0x0  }
0x59: {  	s20 =	rddreg [dreg:$0x5];
	[sflag:s22] =	ssyncadd.s32 $0xFFFFC000  }
0x5a: {  	[spmem:s20] =	stream.linear.scatter [tilespmem:s7], [sflag:$0x3], $0x4000, $0x38;
	[tilespmem:$0x1D580] =	vst v63  }
0x5b: {  	_ =	swait.ge [sflag:s22], $0x4000  }
0x5c: {  	[sflag:s22] =	ssyncset.done $0x0  }
0x5d: {  	s21 =	rddreg [dreg:$0x6];
	[sflag:s22] =	ssyncadd.s32 $0xFFFFC000  }
0x5e: {  	[spmem:s21] =	stream.linear.scatter [tilespmem:s7], [sflag:$0x3], $0x4000, $0x38;
	[tilespmem:$0x1D580] =	vst v63  }
0x5f: {  	_ =	swait.ge [sflag:s22], $0x4000  }
0x60: {  	[sflag:s22] =	ssyncset.done $0x0  }
0x61: {  	s4 =	rddreg [dreg:$0x7];
	[sflag:s22] =	ssyncadd.s32 $0xFFFFC000  }
0x62: {  	[spmem:s4] =	stream.linear.scatter [tilespmem:s7], [sflag:$0x3], $0x4000, $0x38;
	[tilespmem:$0x1D580] =	vst v63  }
0x63: {  	_ =	swait.ge [sflag:s22], $0x4000  }
0x64: {  	[sflag:s22] =	ssyncset.done $0x0  }
0x65: {  	s12 =	rddreg [dreg:$0x8];
	[sflag:s22] =	ssyncadd.s32 $0xFFFFC000  }
0x66: {  	[spmem:s12] =	stream.linear.scatter [tilespmem:s7], [sflag:$0x3], $0x4000, $0x38;
	[tilespmem:$0x1D580] =	vst v63  }
0x67: {  	_ =	swait.ge [sflag:s22], $0x4000  }
0x68: {  	[sflag:s22] =	ssyncset.done $0x0  }
0x69: {  	s4 =	simm.s32 $0x9080;
	s19 =	rddreg [dreg:$0x9];
	[sflag:s22] =	ssyncadd.s32 $0xFFFFC000  }
0x6a: {  	[spmem:s19] =	stream.linear.scatter [tilespmem:s4], [sflag:$0x3], $0x280, $0x38;
	[tilespmem:$0x1D580] =	vst v63  }
0x6b: {  	_ =	swait.ge [sflag:s22], $0x280  }
0x6c: {  	[sflag:s22] =	ssyncset.done $0x0  }
0x6d: {  	[sflag:s22] =	ssyncadd.s32 $0xFFFFFD80  }
0x6e: {  	s20 =	sadd.s32 $0x0, s18;
	s12 =	simm.s32 $0x0;
	[bflag:$0x0] =	sbarrier.arrive $0xFFFF  }
0x6f: {  	[tilespmem:s24], [sflag:$0x3] =	stream.linear.gather [hbm4b:s20+s12], $0x400, $0x38;
	[tilespmem:$0x1D580] =	vst v63  }
0x70: {  	_ =	swait.ge [sflag:s22], $0x400  }
0x71: {  	[sflag:s22] =	ssyncset.done $0x0  }
0x72: {  	s21 =	sadd.s32 $0x0, s17;
	[sflag:s22] =	ssyncadd.s32 $0xFFFFFC00  }
0x73: {  	[tilespmem:s25], [sflag:$0x3] =	stream.linear.gather [hbm4b:s21+s12], $0x400, $0x38;
	[tilespmem:$0x1D580] =	vst v63  }
0x74: {  	_ =	swait.ge [sflag:s22], $0x400  }
0x75: {  	[sflag:s22] =	ssyncset.done $0x0  }
0x76: {  	[sflag:s22] =	ssyncadd.s32 $0xFFFFFC00  }
0x77: {  	[tilespmem:s28], [sflag:$0x3] =	stream.indirect.gather [hbm4b:s6+s26], $0x1, s25, s26, $0xb8;
	[tilespmem:$0x1D580] =	vst v63  }
0x78: {  	_ =	swait.ge [sflag:s22], $0x80  }
0x79: {  	[sflag:s22] =	ssyncset.done $0x0  }
0x7a: {  	[sflag:s22] =	ssyncadd.s32 $0xFFFFFF80  }
0x7b: {  	[spmem:s3] =	stream.indirect.scatter.add.f32 [tilespmem:s28], [sflag:$0x3], $0x1, s24, s26, $0xb8;
	[tilespmem:$0x1D580] =	vst v63  }
0x7c: {  	_ =	swait.ge [sflag:s22], $0x80  }
0x7d: {  	[sflag:s22] =	ssyncset.done $0x0  }
0x7e: {  	[sflag:s22] =	ssyncadd.s32 $0xFFFFFF80  }
0x7f: {  	[tilespmem:s28], [sflag:$0x3] =	stream.indirect.gather [hbm4b:s6+s26], $0x1, s29, s26, $0xb8;
	[tilespmem:$0x1D580] =	vst v63  }
0x80: {  	_ =	swait.ge [sflag:s22], $0x80  }
0x81: {  	[sflag:s22] =	ssyncset.done $0x0  }
0x82: {  	[sflag:s22] =	ssyncadd.s32 $0xFFFFFF80  }
0x83: {  	[spmem:s3] =	stream.indirect.scatter.add.f32 [tilespmem:s28], [sflag:$0x3], $0x1, s30, s26, $0xb8;
	[tilespmem:$0x1D580] =	vst v63  }
0x84: {  	_ =	swait.ge [sflag:s22], $0x80  }
0x85: {  	[sflag:s22] =	ssyncset.done $0x0  }
0x86: {  	[sflag:s22] =	ssyncadd.s32 $0xFFFFFF80  }
0x87: {  	[tilespmem:s28], [sflag:$0x3] =	stream.indirect.gather [hbm4b:s6+s26], $0x1, s31, s26, $0xb8;
	[tilespmem:$0x1D580] =	vst v63  }
0x88: {  	_ =	swait.ge [sflag:s22], $0x80  }
0x89: {  	[sflag:s22] =	ssyncset.done $0x0  }
0x8a: {  	[sflag:s22] =	ssyncadd.s32 $0xFFFFFF80  }
0x8b: {  	[spmem:s3] =	stream.indirect.scatter.add.f32 [tilespmem:s28], [sflag:$0x3], $0x1, s1, s26, $0xb8;
	[tilespmem:$0x1D580] =	vst v63  }
0x8c: {  	_ =	swait.ge [sflag:s22], $0x80  }
0x8d: {  	[sflag:s22] =	ssyncset.done $0x0  }
0x8e: {  	[sflag:s22] =	ssyncadd.s32 $0xFFFFFF80  }
0x8f: {  	[tilespmem:s28], [sflag:$0x3] =	stream.indirect.gather [hbm4b:s6+s26], $0x1, s23, s26, $0xb8;
	[tilespmem:$0x1D580] =	vst v63  }
0x90: {  	_ =	swait.ge [sflag:s22], $0x80  }
0x91: {  	[sflag:s22] =	ssyncset.done $0x0  }
0x92: {  	[sflag:s22] =	ssyncadd.s32 $0xFFFFFF80  }
0x93: {  	[spmem:s3] =	stream.indirect.scatter.add.f32 [tilespmem:s28], [sflag:$0x3], $0x1, s0, s26, $0xb8;
	[tilespmem:$0x1D580] =	vst v63  }
0x94: {  	_ =	swait.ge [sflag:s22], $0x80  }
0x95: {  	[sflag:s22] =	ssyncset.done $0x0  }
0x96: {  	[sflag:s22] =	ssyncadd.s32 $0xFFFFFF80  }
0x97: {  	[tilespmem:s28], [sflag:$0x3] =	stream.indirect.gather [hbm4b:s6+s26], $0x1, s13, s26, $0xb8;
	[tilespmem:$0x1D580] =	vst v63  }
0x98: {  	_ =	swait.ge [sflag:s22], $0x80  }
0x99: {  	[sflag:s22] =	ssyncset.done $0x0  }
0x9a: {  	[sflag:s22] =	ssyncadd.s32 $0xFFFFFF80  }
0x9b: {  	[spmem:s3] =	stream.indirect.scatter.add.f32 [tilespmem:s28], [sflag:$0x3], $0x1, s14, s26, $0xb8;
	[tilespmem:$0x1D580] =	vst v63  }
0x9c: {  	_ =	swait.ge [sflag:s22], $0x80  }
0x9d: {  	[sflag:s22] =	ssyncset.done $0x0  }
0x9e: {  	[sflag:s22] =	ssyncadd.s32 $0xFFFFFF80  }
0x9f: {  	[tilespmem:s28], [sflag:$0x3] =	stream.indirect.gather [hbm4b:s6+s26], $0x1, s15, s26, $0xb8;
	[tilespmem:$0x1D580] =	vst v63  }
0xa0: {  	_ =	swait.ge [sflag:s22], $0x80  }
0xa1: {  	[sflag:s22] =	ssyncset.done $0x0  }
0xa2: {  	[sflag:s22] =	ssyncadd.s32 $0xFFFFFF80  }
0xa3: {  	[spmem:s3] =	stream.indirect.scatter.add.f32 [tilespmem:s28], [sflag:$0x3], $0x1, s16, s26, $0xb8;
	[tilespmem:$0x1D580] =	vst v63  }
0xa4: {  	_ =	swait.ge [sflag:s22], $0x80  }
0xa5: {  	[sflag:s22] =	ssyncset.done $0x0  }
0xa6: {  	[sflag:s22] =	ssyncadd.s32 $0xFFFFFF80  }
0xa7: {  	[tilespmem:s28], [sflag:$0x3] =	stream.indirect.gather [hbm4b:s6+s26], $0x1, s8, s26, $0xb8;
	[tilespmem:$0x1D580] =	vst v63  }
0xa8: {  	_ =	swait.ge [sflag:s22], $0x80  }
0xa9: {  	[sflag:s22] =	ssyncset.done $0x0  }
0xaa: {  	[sflag:s22] =	ssyncadd.s32 $0xFFFFFF80  }
0xab: {  	[spmem:s3] =	stream.indirect.scatter.add.f32 [tilespmem:s28], [sflag:$0x3], $0x1, s9, s26, $0xb8;
	[tilespmem:$0x1D580] =	vst v63  }
0xac: {  	_ =	swait.ge [sflag:s22], $0x80  }
0xad: {  	[sflag:s22] =	ssyncset.done $0x0  }
0xae: {  	[sflag:s22] =	ssyncadd.s32 $0xFFFFFF80  }
0xaf: {  	[tilespmem:s28], [sflag:$0x3] =	stream.indirect.gather [hbm4b:s6+s26], $0x1, s10, s26, $0xb8;
	[tilespmem:$0x1D580] =	vst v63  }
0xb0: {  	_ =	swait.ge [sflag:s22], $0x80  }
0xb1: {  	[sflag:s22] =	ssyncset.done $0x0  }
0xb2: {  	[sflag:s22] =	ssyncadd.s32 $0xFFFFFF80  }
0xb3: {  	[spmem:s3] =	stream.indirect.scatter.add.f32 [tilespmem:s28], [sflag:$0x3], $0x1, s11, s26, $0xb8;
	[tilespmem:$0x1D580] =	vst v63  }
0xb4: {  	_ =	swait.ge [sflag:s22], $0x80  }
0xb5: {  	s2 =	simm.s32 $0x100;
	s4 =	simm.s32 $0x80;
	[sflag:s22] =	ssyncset.done $0x0  }
.LBB2_4:
0xb6: {  	s7 =	sadd.s32 s4, s18  }
0xb7: {  	[sflag:s22] =	ssyncadd.s32 $0xFFFFFF80;
	s19 =	smov.u32 s2;
	s21 =	sadd.s32 $0x80, s2  }
0xb8: {  	[tilespmem:s24], [sflag:$0x3] =	stream.linear.gather [hbm4b:s7+s12], $0x400, $0x38;
	[tilespmem:$0x1D580] =	vst v63  }
0xb9: {  	p0 =	sne.s32 s2, $0x480;
	_ =	swait.ge [sflag:s22], $0x400  }
0xba: {  	[sflag:s22] =	ssyncset.done $0x0  }
0xbb: {  	s2 =	sadd.s32 s4, s17;
	s4 =	smov.u32 s19;
	[sflag:s22] =	ssyncadd.s32 $0xFFFFFC00  }
0xbc: {  	[tilespmem:s25], [sflag:$0x3] =	stream.linear.gather [hbm4b:s2+s12], $0x400, $0x38;
	[tilespmem:$0x1D580] =	vst v63  }
0xbd: {  	_ =	swait.ge [sflag:s22], $0x400  }
0xbe: {  	[sflag:s22] =	ssyncset.done $0x0  }
0xbf: {  	[sflag:s22] =	ssyncadd.s32 $0xFFFFFC00  }
0xc0: {  	[tilespmem:s28], [sflag:$0x3] =	stream.indirect.gather [hbm4b:s6+s26], $0x1, s25, s26, $0xb8;
	[tilespmem:$0x1D580] =	vst v63  }
0xc1: {  	_ =	swait.ge [sflag:s22], $0x80  }
0xc2: {  	[sflag:s22] =	ssyncset.done $0x0  }
0xc3: {  	[sflag:s22] =	ssyncadd.s32 $0xFFFFFF80  }
0xc4: {  	[spmem:s3] =	stream.indirect.scatter.add.f32 [tilespmem:s28], [sflag:$0x3], $0x1, s24, s26, $0xb8;
	[tilespmem:$0x1D580] =	vst v63  }
0xc5: {  	_ =	swait.ge [sflag:s22], $0x80  }
0xc6: {  	[sflag:s22] =	ssyncset.done $0x0  }
0xc7: {  	[sflag:s22] =	ssyncadd.s32 $0xFFFFFF80  }
0xc8: {  	[tilespmem:s28], [sflag:$0x3] =	stream.indirect.gather [hbm4b:s6+s26], $0x1, s29, s26, $0xb8;
	[tilespmem:$0x1D580] =	vst v63  }
0xc9: {  	_ =	swait.ge [sflag:s22], $0x80  }
0xca: {  	[sflag:s22] =	ssyncset.done $0x0  }
0xcb: {  	[sflag:s22] =	ssyncadd.s32 $0xFFFFFF80  }
0xcc: {  	[spmem:s3] =	stream.indirect.scatter.add.f32 [tilespmem:s28], [sflag:$0x3], $0x1, s30, s26, $0xb8;
	[tilespmem:$0x1D580] =	vst v63  }
0xcd: {  	_ =	swait.ge [sflag:s22], $0x80  }
0xce: {  	[sflag:s22] =	ssyncset.done $0x0  }
0xcf: {  	[sflag:s22] =	ssyncadd.s32 $0xFFFFFF80  }
0xd0: {  	[tilespmem:s28], [sflag:$0x3] =	stream.indirect.gather [hbm4b:s6+s26], $0x1, s31, s26, $0xb8;
	[tilespmem:$0x1D580] =	vst v63  }
0xd1: {  	_ =	swait.ge [sflag:s22], $0x80  }
0xd2: {  	[sflag:s22] =	ssyncset.done $0x0  }
0xd3: {  	[sflag:s22] =	ssyncadd.s32 $0xFFFFFF80  }
0xd4: {  	[spmem:s3] =	stream.indirect.scatter.add.f32 [tilespmem:s28], [sflag:$0x3], $0x1, s1, s26, $0xb8;
	[tilespmem:$0x1D580] =	vst v63  }
0xd5: {  	_ =	swait.ge [sflag:s22], $0x80  }
0xd6: {  	[sflag:s22] =	ssyncset.done $0x0  }
0xd7: {  	[sflag:s22] =	ssyncadd.s32 $0xFFFFFF80  }
0xd8: {  	[tilespmem:s28], [sflag:$0x3] =	stream.indirect.gather [hbm4b:s6+s26], $0x1, s23, s26, $0xb8;
	[tilespmem:$0x1D580] =	vst v63  }
0xd9: {  	_ =	swait.ge [sflag:s22], $0x80  }
0xda: {  	[sflag:s22] =	ssyncset.done $0x0  }
0xdb: {  	[sflag:s22] =	ssyncadd.s32 $0xFFFFFF80  }
0xdc: {  	[spmem:s3] =	stream.indirect.scatter.add.f32 [tilespmem:s28], [sflag:$0x3], $0x1, s0, s26, $0xb8;
	[tilespmem:$0x1D580] =	vst v63  }
0xdd: {  	_ =	swait.ge [sflag:s22], $0x80  }
0xde: {  	[sflag:s22] =	ssyncset.done $0x0  }
0xdf: {  	[sflag:s22] =	ssyncadd.s32 $0xFFFFFF80  }
0xe0: {  	[tilespmem:s28], [sflag:$0x3] =	stream.indirect.gather [hbm4b:s6+s26], $0x1, s13, s26, $0xb8;
	[tilespmem:$0x1D580] =	vst v63  }
0xe1: {  	_ =	swait.ge [sflag:s22], $0x80  }
0xe2: {  	[sflag:s22] =	ssyncset.done $0x0  }
0xe3: {  	[sflag:s22] =	ssyncadd.s32 $0xFFFFFF80  }
0xe4: {  	[spmem:s3] =	stream.indirect.scatter.add.f32 [tilespmem:s28], [sflag:$0x3], $0x1, s14, s26, $0xb8;
	[tilespmem:$0x1D580] =	vst v63  }
0xe5: {  	_ =	swait.ge [sflag:s22], $0x80  }
0xe6: {  	[sflag:s22] =	ssyncset.done $0x0  }
0xe7: {  	[sflag:s22] =	ssyncadd.s32 $0xFFFFFF80  }
0xe8: {  	[tilespmem:s28], [sflag:$0x3] =	stream.indirect.gather [hbm4b:s6+s26], $0x1, s15, s26, $0xb8;
	[tilespmem:$0x1D580] =	vst v63  }
0xe9: {  	_ =	swait.ge [sflag:s22], $0x80  }
0xea: {  	[sflag:s22] =	ssyncset.done $0x0  }
0xeb: {  	[sflag:s22] =	ssyncadd.s32 $0xFFFFFF80  }
0xec: {  	[spmem:s3] =	stream.indirect.scatter.add.f32 [tilespmem:s28], [sflag:$0x3], $0x1, s16, s26, $0xb8;
	[tilespmem:$0x1D580] =	vst v63  }
0xed: {  	_ =	swait.ge [sflag:s22], $0x80  }
0xee: {  	[sflag:s22] =	ssyncset.done $0x0  }
0xef: {  	[sflag:s22] =	ssyncadd.s32 $0xFFFFFF80  }
0xf0: {  	[tilespmem:s28], [sflag:$0x3] =	stream.indirect.gather [hbm4b:s6+s26], $0x1, s8, s26, $0xb8;
	[tilespmem:$0x1D580] =	vst v63  }
0xf1: {  	_ =	swait.ge [sflag:s22], $0x80  }
0xf2: {  	[sflag:s22] =	ssyncset.done $0x0  }
0xf3: {  	[sflag:s22] =	ssyncadd.s32 $0xFFFFFF80  }
0xf4: {  	[spmem:s3] =	stream.indirect.scatter.add.f32 [tilespmem:s28], [sflag:$0x3], $0x1, s9, s26, $0xb8;
	[tilespmem:$0x1D580] =	vst v63  }
0xf5: {  	_ =	swait.ge [sflag:s22], $0x80  }
0xf6: {  	[sflag:s22] =	ssyncset.done $0x0  }
0xf7: {  	[sflag:s22] =	ssyncadd.s32 $0xFFFFFF80  }
0xf8: {  	[tilespmem:s28], [sflag:$0x3] =	stream.indirect.gather [hbm4b:s6+s26], $0x1, s10, s26, $0xb8;
	[tilespmem:$0x1D580] =	vst v63  }
0xf9: {  	_ =	swait.ge [sflag:s22], $0x80  }
.Ltmp1:
0xfa: {  	[sflag:s22] =	ssyncset.done $0x0;
	(pc) =	sbr.rel @p0 .LBB2_4-.Ltmp1, $4  }
0xfb: {  	[sflag:s22] =	ssyncadd.s32 $0xFFFFFF80  }
0xfc: {  	[spmem:s3] =	stream.indirect.scatter.add.f32 [tilespmem:s28], [sflag:$0x3], $0x1, s11, s26, $0xb8;
	[tilespmem:$0x1D580] =	vst v63  }
0xfd: {  	_ =	swait.ge [sflag:s22], $0x80  }
0xfe: {  	s2 =	smov.u32 s21;
	[sflag:s22] =	ssyncset.done $0x0  }
0xff: {  	s2 =	sadd.s32 s4, s18;
	[sflag:s22] =	ssyncadd.s32 $0xFFFFFF80  }
0x100: {  	[tilespmem:s24], [sflag:$0x3] =	stream.linear.gather [hbm4b:s2+s12], $0x400, $0x38;
	[tilespmem:$0x1D580] =	vst v63  }
0x101: {  	_ =	swait.ge [sflag:s22], $0x400  }
0x102: {  	[sflag:s22] =	ssyncset.done $0x0  }
0x103: {  	s21 =	sadd.s32 s4, s17;
	[sflag:s22] =	ssyncadd.s32 $0xFFFFFC00  }
0x104: {  	[tilespmem:s25], [sflag:$0x3] =	stream.linear.gather [hbm4b:s21+s12], $0x400, $0x38;
	[tilespmem:$0x1D580] =	vst v63  }
0x105: {  	_ =	swait.ge [sflag:s22], $0x400  }
0x106: {  	[sflag:s22] =	ssyncset.done $0x0  }
0x107: {  	[sflag:s22] =	ssyncadd.s32 $0xFFFFFC00  }
0x108: {  	[tilespmem:s28], [sflag:$0x3] =	stream.indirect.gather [hbm4b:s6+s26], $0x1, s25, s26, $0xb8;
	[tilespmem:$0x1D580] =	vst v63  }
0x109: {  	_ =	swait.ge [sflag:s22], $0x80  }
0x10a: {  	[sflag:s22] =	ssyncset.done $0x0  }
0x10b: {  	[sflag:s22] =	ssyncadd.s32 $0xFFFFFF80  }
0x10c: {  	[spmem:s3] =	stream.indirect.scatter.add.f32 [tilespmem:s28], [sflag:$0x3], $0x1, s24, s26, $0xb8;
	[tilespmem:$0x1D580] =	vst v63  }
0x10d: {  	_ =	swait.ge [sflag:s22], $0x80  }
0x10e: {  	[sflag:s22] =	ssyncset.done $0x0  }
0x10f: {  	[sflag:s22] =	ssyncadd.s32 $0xFFFFFF80  }
0x110: {  	[tilespmem:s28], [sflag:$0x3] =	stream.indirect.gather [hbm4b:s6+s26], $0x1, s29, s26, $0xb8;
	[tilespmem:$0x1D580] =	vst v63  }
0x111: {  	_ =	swait.ge [sflag:s22], $0x80  }
0x112: {  	[sflag:s22] =	ssyncset.done $0x0  }
0x113: {  	[sflag:s22] =	ssyncadd.s32 $0xFFFFFF80  }
0x114: {  	[spmem:s3] =	stream.indirect.scatter.add.f32 [tilespmem:s28], [sflag:$0x3], $0x1, s30, s26, $0xb8;
	[tilespmem:$0x1D580] =	vst v63  }
0x115: {  	_ =	swait.ge [sflag:s22], $0x80  }
0x116: {  	[sflag:s22] =	ssyncset.done $0x0  }
0x117: {  	[sflag:s22] =	ssyncadd.s32 $0xFFFFFF80  }
0x118: {  	[tilespmem:s28], [sflag:$0x3] =	stream.indirect.gather [hbm4b:s6+s26], $0x1, s31, s26, $0xb8;
	[tilespmem:$0x1D580] =	vst v63  }
0x119: {  	_ =	swait.ge [sflag:s22], $0x80  }
0x11a: {  	[sflag:s22] =	ssyncset.done $0x0  }
0x11b: {  	[sflag:s22] =	ssyncadd.s32 $0xFFFFFF80  }
0x11c: {  	[spmem:s3] =	stream.indirect.scatter.add.f32 [tilespmem:s28], [sflag:$0x3], $0x1, s1, s26, $0xb8;
	[tilespmem:$0x1D580] =	vst v63  }
0x11d: {  	_ =	swait.ge [sflag:s22], $0x80  }
0x11e: {  	[sflag:s22] =	ssyncset.done $0x0  }
0x11f: {  	[sflag:s22] =	ssyncadd.s32 $0xFFFFFF80  }
0x120: {  	[tilespmem:s28], [sflag:$0x3] =	stream.indirect.gather [hbm4b:s6+s26], $0x1, s23, s26, $0xb8;
	[tilespmem:$0x1D580] =	vst v63  }
0x121: {  	_ =	swait.ge [sflag:s22], $0x80  }
0x122: {  	[sflag:s22] =	ssyncset.done $0x0  }
0x123: {  	[sflag:s22] =	ssyncadd.s32 $0xFFFFFF80  }
0x124: {  	[spmem:s3] =	stream.indirect.scatter.add.f32 [tilespmem:s28], [sflag:$0x3], $0x1, s0, s26, $0xb8;
	[tilespmem:$0x1D580] =	vst v63  }
0x125: {  	_ =	swait.ge [sflag:s22], $0x80  }
0x126: {  	[sflag:s22] =	ssyncset.done $0x0  }
0x127: {  	[sflag:s22] =	ssyncadd.s32 $0xFFFFFF80  }
0x128: {  	[tilespmem:s28], [sflag:$0x3] =	stream.indirect.gather [hbm4b:s6+s26], $0x1, s13, s26, $0xb8;
	[tilespmem:$0x1D580] =	vst v63  }
0x129: {  	_ =	swait.ge [sflag:s22], $0x80  }
0x12a: {  	[sflag:s22] =	ssyncset.done $0x0  }
0x12b: {  	[sflag:s22] =	ssyncadd.s32 $0xFFFFFF80  }
0x12c: {  	[spmem:s3] =	stream.indirect.scatter.add.f32 [tilespmem:s28], [sflag:$0x3], $0x1, s14, s26, $0xb8;
	[tilespmem:$0x1D580] =	vst v63  }
0x12d: {  	_ =	swait.ge [sflag:s22], $0x80  }
0x12e: {  	[sflag:s22] =	ssyncset.done $0x0  }
0x12f: {  	[sflag:s22] =	ssyncadd.s32 $0xFFFFFF80  }
0x130: {  	[tilespmem:s28], [sflag:$0x3] =	stream.indirect.gather [hbm4b:s6+s26], $0x1, s15, s26, $0xb8;
	[tilespmem:$0x1D580] =	vst v63  }
0x131: {  	_ =	swait.ge [sflag:s22], $0x80  }
0x132: {  	[sflag:s22] =	ssyncset.done $0x0  }
0x133: {  	[sflag:s22] =	ssyncadd.s32 $0xFFFFFF80  }
0x134: {  	[spmem:s3] =	stream.indirect.scatter.add.f32 [tilespmem:s28], [sflag:$0x3], $0x1, s16, s26, $0xb8;
	[tilespmem:$0x1D580] =	vst v63  }
0x135: {  	_ =	swait.ge [sflag:s22], $0x80  }
0x136: {  	[sflag:s22] =	ssyncset.done $0x0  }
0x137: {  	[sflag:s22] =	ssyncadd.s32 $0xFFFFFF80  }
0x138: {  	[tilespmem:s28], [sflag:$0x3] =	stream.indirect.gather [hbm4b:s6+s26], $0x1, s8, s26, $0xb8;
	[tilespmem:$0x1D580] =	vst v63  }
0x139: {  	_ =	swait.ge [sflag:s22], $0x80  }
0x13a: {  	[sflag:s22] =	ssyncset.done $0x0  }
0x13b: {  	[sflag:s22] =	ssyncadd.s32 $0xFFFFFF80  }
0x13c: {  	[spmem:s3] =	stream.indirect.scatter.add.f32 [tilespmem:s28], [sflag:$0x3], $0x1, s9, s26, $0xb8;
	[tilespmem:$0x1D580] =	vst v63  }
0x13d: {  	_ =	swait.ge [sflag:s22], $0x80  }
0x13e: {  	[sflag:s22] =	ssyncset.done $0x0  }
0x13f: {  	[sflag:s22] =	ssyncadd.s32 $0xFFFFFF80  }
0x140: {  	[tilespmem:s28], [sflag:$0x3] =	stream.indirect.gather [hbm4b:s6+s26], $0x1, s10, s26, $0xb8;
	[tilespmem:$0x1D580] =	vst v63  }
0x141: {  	_ =	swait.ge [sflag:s22], $0x80  }
0x142: {  	[sflag:s22] =	ssyncset.done $0x0  }
0x143: {  	[sflag:s22] =	ssyncadd.s32 $0xFFFFFF80  }
0x144: {  	[spmem:s3] =	stream.indirect.scatter.add.f32 [tilespmem:s28], [sflag:$0x3], $0x1, s11, s26, $0xb8;
	[tilespmem:$0x1D580] =	vst v63  }
0x145: {  	_ =	swait.ge [sflag:s22], $0x80  }
0x146: {  	[sflag:s22] =	ssyncset.done $0x0  }
0x147: {  	[sflag:s22] =	ssyncadd.s32 $0xFFFFFF80  }
0x148: {  	s19 =	simm.s32 $0x1;
	s21 =	simm.s32 $0x4800;
	s7 =	rddreg [dreg:$0x1]  }
.LBB2_6:
0x149: {  	s2 =	rddreg [dreg:$0xf]  }
0x14a: {  	s20 =	simm.s32 $0x0;
	s2 =	sadd.s32 s12, s2  }
0x14b: {  	[tilespmem:s20], [sflag:$0x3] =	stream.linear.gather [hbm4b:s2+s20], $0x400, $0x38;
	[tilespmem:$0x1D580] =	vst v63  }
0x14c: {  	_ =	swait.ge [sflag:s22], $0x400  }
0x14d: {  	[sflag:s22] =	ssyncset.done $0x0;
	s4 =	rddreg [dreg:$0xe]  }
0x14e: {  	[sflag:s22] =	ssyncadd.s32 $0xFFFFFC00;
	s2 =	sadd.s32 s12, s4;
	s4 =	simm.s32 $0x400  }
0x14f: {  	[tilespmem:s4], [sflag:$0x3] =	stream.linear.gather [hbm4b:s2+s20], $0x400, $0x38;
	[tilespmem:$0x1D580] =	vst v63  }
0x150: {  	_ =	swait.ge [sflag:s22], $0x400  }
0x151: {  	[sflag:s22] =	ssyncset.done $0x0  }
0x152: {  	[sflag:s22] =	ssyncadd.s32 $0xFFFFFC00  }
0x153: {  	v3 =	vld [tilespmem:$0x0]  }
0x154: {  	v4 =	vld [tilespmem:$0x10]  }
0x155: {  	v5 =	vld [tilespmem:$0x20]  }
0x156: {  	v6 =	vld [tilespmem:$0x30]  }
0x157: {  	v7 =	vld [tilespmem:$0x40]  }
0x158: {  	v8 =	vld [tilespmem:$0x50];
	v3 =	vadd.s32 v0, v3  }
0x159: {  	v58 =	vld [tilespmem:$0x60];
	[tilespmem:$0x0] =	vst v3;
	v3 =	vadd.s32 v0, v4  }
0x15a: {  	v59 =	vld [tilespmem:$0x70];
	[tilespmem:$0x10] =	vst v3;
	v3 =	vadd.s32 v0, v5  }
0x15b: {  	v60 =	vld [tilespmem:$0x80];
	[tilespmem:$0x20] =	vst v3;
	v3 =	vadd.s32 v0, v6  }
0x15c: {  	v61 =	vld [tilespmem:$0x90];
	[tilespmem:$0x30] =	vst v3;
	v3 =	vadd.s32 v0, v7  }
0x15d: {  	v62 =	vld [tilespmem:$0xA0];
	[tilespmem:$0x40] =	vst v3;
	v3 =	vadd.s32 v0, v8  }
0x15e: {  	v63 =	vld [tilespmem:$0xB0];
	[tilespmem:$0x50] =	vst v3;
	v3 =	vadd.s32 v0, v58  }
0x15f: {  	v12 =	vld [tilespmem:$0xC0];
	[tilespmem:$0x60] =	vst v3;
	v3 =	vadd.s32 v0, v59  }
0x160: {  	v13 =	vld [tilespmem:$0xD0];
	[tilespmem:$0x70] =	vst v3;
	v3 =	vadd.s32 v0, v60  }
0x161: {  	v14 =	vld [tilespmem:$0xE0];
	[tilespmem:$0x80] =	vst v3;
	v3 =	vadd.s32 v0, v61  }
0x162: {  	v15 =	vld [tilespmem:$0xF0];
	[tilespmem:$0x90] =	vst v3;
	v3 =	vadd.s32 v0, v62  }
0x163: {  	v16 =	vld [tilespmem:$0x100];
	[tilespmem:$0xA0] =	vst v3;
	v3 =	vadd.s32 v0, v63  }
0x164: {  	v17 =	vld [tilespmem:$0x110];
	[tilespmem:$0xB0] =	vst v3;
	v3 =	vadd.s32 v0, v12  }
0x165: {  	v18 =	vld [tilespmem:$0x120];
	[tilespmem:$0xC0] =	vst v3;
	v3 =	vadd.s32 v0, v13  }
0x166: {  	v19 =	vld [tilespmem:$0x130];
	[tilespmem:$0xD0] =	vst v3;
	v3 =	vadd.s32 v0, v14  }
0x167: {  	v20 =	vld [tilespmem:$0x140];
	[tilespmem:$0xE0] =	vst v3;
	v3 =	vadd.s32 v0, v15  }
0x168: {  	v21 =	vld [tilespmem:$0x150];
	[tilespmem:$0xF0] =	vst v3;
	v3 =	vadd.s32 v0, v16  }
0x169: {  	v22 =	vld [tilespmem:$0x160];
	[tilespmem:$0x100] =	vst v3;
	v3 =	vadd.s32 v0, v17  }
0x16a: {  	v23 =	vld [tilespmem:$0x170];
	[tilespmem:$0x110] =	vst v3;
	v3 =	vadd.s32 v0, v18  }
0x16b: {  	v24 =	vld [tilespmem:$0x180];
	[tilespmem:$0x120] =	vst v3;
	v3 =	vadd.s32 v0, v19  }
0x16c: {  	v25 =	vld [tilespmem:$0x190];
	[tilespmem:$0x130] =	vst v3;
	v3 =	vadd.s32 v0, v20  }
0x16d: {  	v26 =	vld [tilespmem:$0x1A0];
	[tilespmem:$0x140] =	vst v3;
	v3 =	vadd.s32 v0, v21  }
0x16e: {  	v27 =	vld [tilespmem:$0x1B0];
	[tilespmem:$0x150] =	vst v3;
	v3 =	vadd.s32 v0, v22  }
0x16f: {  	v28 =	vld [tilespmem:$0x1C0];
	[tilespmem:$0x160] =	vst v3;
	v3 =	vadd.s32 v0, v23  }
0x170: {  	v29 =	vld [tilespmem:$0x1D0];
	[tilespmem:$0x170] =	vst v3;
	v3 =	vadd.s32 v0, v24  }
0x171: {  	v30 =	vld [tilespmem:$0x1E0];
	[tilespmem:$0x180] =	vst v3;
	v3 =	vadd.s32 v0, v25  }
0x172: {  	v31 =	vld [tilespmem:$0x1F0];
	[tilespmem:$0x190] =	vst v3;
	v3 =	vadd.s32 v0, v26  }
0x173: {  	v32 =	vld [tilespmem:$0x200];
	[tilespmem:$0x1A0] =	vst v3;
	v3 =	vadd.s32 v0, v27  }
0x174: {  	v33 =	vld [tilespmem:$0x210];
	[tilespmem:$0x1B0] =	vst v3;
	v3 =	vadd.s32 v0, v28  }
0x175: {  	v34 =	vld [tilespmem:$0x220];
	[tilespmem:$0x1C0] =	vst v3;
	v3 =	vadd.s32 v0, v29  }
0x176: {  	v35 =	vld [tilespmem:$0x230];
	[tilespmem:$0x1D0] =	vst v3;
	v3 =	vadd.s32 v0, v30  }
0x177: {  	v36 =	vld [tilespmem:$0x240];
	[tilespmem:$0x1E0] =	vst v3;
	v3 =	vadd.s32 v0, v31  }
0x178: {  	v37 =	vld [tilespmem:$0x250];
	[tilespmem:$0x1F0] =	vst v3;
	v3 =	vadd.s32 v0, v32  }
0x179: {  	v38 =	vld [tilespmem:$0x260];
	[tilespmem:$0x200] =	vst v3;
	v3 =	vadd.s32 v0, v33  }
0x17a: {  	v39 =	vld [tilespmem:$0x270];
	[tilespmem:$0x210] =	vst v3;
	v3 =	vadd.s32 v0, v34  }
0x17b: {  	v40 =	vld [tilespmem:$0x280];
	[tilespmem:$0x220] =	vst v3;
	v3 =	vadd.s32 v0, v35  }
0x17c: {  	v41 =	vld [tilespmem:$0x290];
	[tilespmem:$0x230] =	vst v3;
	v3 =	vadd.s32 v0, v36  }
0x17d: {  	v42 =	vld [tilespmem:$0x2A0];
	[tilespmem:$0x240] =	vst v3;
	v3 =	vadd.s32 v0, v37  }
0x17e: {  	v43 =	vld [tilespmem:$0x2B0];
	[tilespmem:$0x250] =	vst v3;
	v3 =	vadd.s32 v0, v38  }
0x17f: {  	v44 =	vld [tilespmem:$0x2C0];
	[tilespmem:$0x260] =	vst v3;
	v3 =	vadd.s32 v0, v39  }
0x180: {  	v45 =	vld [tilespmem:$0x2D0];
	[tilespmem:$0x270] =	vst v3;
	v3 =	vadd.s32 v0, v40  }
0x181: {  	v46 =	vld [tilespmem:$0x2E0];
	[tilespmem:$0x280] =	vst v3;
	v3 =	vadd.s32 v0, v41  }
0x182: {  	v47 =	vld [tilespmem:$0x2F0];
	[tilespmem:$0x290] =	vst v3;
	v3 =	vadd.s32 v0, v42  }
0x183: {  	v48 =	vld [tilespmem:$0x300];
	[tilespmem:$0x2A0] =	vst v3;
	v3 =	vadd.s32 v0, v43  }
0x184: {  	v49 =	vld [tilespmem:$0x310];
	[tilespmem:$0x2B0] =	vst v3;
	v3 =	vadd.s32 v0, v44  }
0x185: {  	v50 =	vld [tilespmem:$0x320];
	[tilespmem:$0x2C0] =	vst v3;
	v3 =	vadd.s32 v0, v45  }
0x186: {  	v51 =	vld [tilespmem:$0x330];
	[tilespmem:$0x2D0] =	vst v3;
	v3 =	vadd.s32 v0, v46  }
0x187: {  	v52 =	vld [tilespmem:$0x340];
	[tilespmem:$0x2E0] =	vst v3;
	v3 =	vadd.s32 v0, v47  }
0x188: {  	v53 =	vld [tilespmem:$0x350];
	[tilespmem:$0x2F0] =	vst v3;
	v3 =	vadd.s32 v0, v48  }
0x189: {  	v54 =	vld [tilespmem:$0x360];
	[tilespmem:$0x300] =	vst v3;
	v3 =	vadd.s32 v0, v49  }
0x18a: {  	v55 =	vld [tilespmem:$0x370];
	[tilespmem:$0x310] =	vst v3;
	v3 =	vadd.s32 v0, v50  }
0x18b: {  	v56 =	vld [tilespmem:$0x380];
	[tilespmem:$0x320] =	vst v3;
	v3 =	vadd.s32 v0, v51  }
0x18c: {  	v57 =	vld [tilespmem:$0x390];
	[tilespmem:$0x330] =	vst v3;
	v3 =	vadd.s32 v0, v52  }
0x18d: {  	v58 =	vld [tilespmem:$0x3A0];
	[tilespmem:$0x340] =	vst v3;
	v3 =	vadd.s32 v0, v53  }
0x18e: {  	v59 =	vld [tilespmem:$0x3B0];
	[tilespmem:$0x350] =	vst v3;
	v3 =	vadd.s32 v0, v54  }
0x18f: {  	v60 =	vld [tilespmem:$0x3C0];
	[tilespmem:$0x360] =	vst v3;
	v3 =	vadd.s32 v0, v55  }
0x190: {  	v61 =	vld [tilespmem:$0x3D0];
	[tilespmem:$0x370] =	vst v3;
	v3 =	vadd.s32 v0, v56  }
0x191: {  	v62 =	vld [tilespmem:$0x3E0];
	[tilespmem:$0x380] =	vst v3;
	v3 =	vadd.s32 v0, v57  }
0x192: {  	v63 =	vld [tilespmem:$0x3F0];
	[tilespmem:$0x390] =	vst v3;
	v3 =	vadd.s32 v0, v58  }
0x193: {  	[tilespmem:$0x3A0] =	vst v3;
	v3 =	vadd.s32 v0, v59  }
0x194: {  	[tilespmem:$0x3B0] =	vst v3;
	v3 =	vadd.s32 v0, v60  }
0x195: {  	[tilespmem:$0x3C0] =	vst v3;
	v3 =	vadd.s32 v0, v61  }
0x196: {  	[tilespmem:$0x3D0] =	vst v3;
	v3 =	vadd.s32 v0, v62  }
0x197: {  	[tilespmem:$0x3E0] =	vst v3;
	v3 =	vadd.s32 v0, v63  }
0x198: {  	s2 =	simm.s32 $0x0;
	s4 =	simm.s32 $0x800;
	[tilespmem:$0x3F0] =	vst v3  }
0x199: {  	[tilespmem:s4], [sflag:$0x1] =	stream.indirect.gather [hbm4b:s5+s26], $0x80, s2, s26, $0xb8;
	[tilespmem:$0x1D580] =	vst v63  }
0x19a: {  	_ = 	snop  }
0x19b: {  	[tilespmem:s21], [sflag:$0x2] =	stream.indirect.gather [hbm4b:s5+s26], $0x80, s26, s26, $0xb8;
	[tilespmem:$0x1D580] =	vst v63  }
0x19c: {  	_ =	swait.ge [sflag:s19], $0x4000  }
0x19d: {  	[sflag:s19] =	ssyncset.done $0x0  }
0x19e: {  	s2 =	simm.s32 $0x400;
	[sflag:s19] =	ssyncadd.s32 $0xFFFFC000  }
0x19f: {  	[spmem:s7] =	stream.indirect.scatter.add.f32 [tilespmem:s4], [sflag:$0x3], $0x80, s2, s26, $0xb8;
	[tilespmem:$0x1D580] =	vst v63  }
0x1a0: {  	_ =	swait.ge [sflag:s22], $0x4000  }
0x1a1: {  	[sflag:s22] =	ssyncset.done $0x0  }
0x1a2: {  	s20 =	simm.s32 $0x2;
	s2 =	simm.s32 $0x100;
	[sflag:s22] =	ssyncadd.s32 $0xFFFFC000  }
0x1a3: {  	[tilespmem:s4], [sflag:$0x1] =	stream.indirect.gather [hbm4b:s5+s26], $0x80, s2, s26, $0xb8;
	[tilespmem:$0x1D580] =	vst v63  }
0x1a4: {  	_ =	swait.ge [sflag:s20], $0x4000  }
0x1a5: {  	[sflag:s20] =	ssyncset.done $0x0  }
0x1a6: {  	s2 =	simm.s32 $0x480;
	[sflag:s20] =	ssyncadd.s32 $0xFFFFC000  }
0x1a7: {  	[spmem:s7] =	stream.indirect.scatter.add.f32 [tilespmem:s21], [sflag:$0x3], $0x80, s2, s26, $0xb8;
	[tilespmem:$0x1D580] =	vst v63  }
0x1a8: {  	_ =	swait.ge [sflag:s22], $0x4000  }
0x1a9: {  	[sflag:s22] =	ssyncset.done $0x0  }
0x1aa: {  	s2 =	simm.s32 $0x180;
	[sflag:s22] =	ssyncadd.s32 $0xFFFFC000  }
0x1ab: {  	[tilespmem:s21], [sflag:$0x2] =	stream.indirect.gather [hbm4b:s5+s26], $0x80, s2, s26, $0xb8;
	[tilespmem:$0x1D580] =	vst v63  }
0x1ac: {  	_ =	swait.ge [sflag:s19], $0x4000  }
0x1ad: {  	[sflag:s19] =	ssyncset.done $0x0  }
0x1ae: {  	s2 =	simm.s32 $0x500;
	[sflag:s19] =	ssyncadd.s32 $0xFFFFC000  }
0x1af: {  	[spmem:s7] =	stream.indirect.scatter.add.f32 [tilespmem:s4], [sflag:$0x3], $0x80, s2, s26, $0xb8;
	[tilespmem:$0x1D580] =	vst v63  }
0x1b0: {  	_ =	swait.ge [sflag:s22], $0x4000  }
0x1b1: {  	[sflag:s22] =	ssyncset.done $0x0  }
0x1b2: {  	s2 =	simm.s32 $0x200;
	[sflag:s22] =	ssyncadd.s32 $0xFFFFC000  }
0x1b3: {  	[tilespmem:s4], [sflag:$0x1] =	stream.indirect.gather [hbm4b:s5+s26], $0x80, s2, s26, $0xb8;
	[tilespmem:$0x1D580] =	vst v63  }
0x1b4: {  	_ =	swait.ge [sflag:s20], $0x4000  }
0x1b5: {  	[sflag:s20] =	ssyncset.done $0x0  }
0x1b6: {  	s2 =	simm.s32 $0x580;
	[sflag:s20] =	ssyncadd.s32 $0xFFFFC000  }
0x1b7: {  	[spmem:s7] =	stream.indirect.scatter.add.f32 [tilespmem:s21], [sflag:$0x3], $0x80, s2, s26, $0xb8;
	[tilespmem:$0x1D580] =	vst v63  }
0x1b8: {  	_ =	swait.ge [sflag:s22], $0x4000  }
0x1b9: {  	[sflag:s22] =	ssyncset.done $0x0  }
0x1ba: {  	s2 =	simm.s32 $0x280;
	[sflag:s22] =	ssyncadd.s32 $0xFFFFC000  }
0x1bb: {  	[tilespmem:s21], [sflag:$0x2] =	stream.indirect.gather [hbm4b:s5+s26], $0x80, s2, s26, $0xb8;
	[tilespmem:$0x1D580] =	vst v63  }
0x1bc: {  	_ =	swait.ge [sflag:s19], $0x4000  }
0x1bd: {  	[sflag:s19] =	ssyncset.done $0x0  }
0x1be: {  	s2 =	simm.s32 $0x600;
	[sflag:s19] =	ssyncadd.s32 $0xFFFFC000  }
0x1bf: {  	[spmem:s7] =	stream.indirect.scatter.add.f32 [tilespmem:s4], [sflag:$0x3], $0x80, s2, s26, $0xb8;
	[tilespmem:$0x1D580] =	vst v63  }
0x1c0: {  	_ =	swait.ge [sflag:s22], $0x4000  }
0x1c1: {  	[sflag:s22] =	ssyncset.done $0x0  }
0x1c2: {  	s2 =	simm.s32 $0x300;
	[sflag:s22] =	ssyncadd.s32 $0xFFFFC000  }
0x1c3: {  	[tilespmem:s4], [sflag:$0x1] =	stream.indirect.gather [hbm4b:s5+s26], $0x80, s2, s26, $0xb8;
	[tilespmem:$0x1D580] =	vst v63  }
0x1c4: {  	_ =	swait.ge [sflag:s20], $0x4000  }
0x1c5: {  	[sflag:s20] =	ssyncset.done $0x0  }
0x1c6: {  	s2 =	simm.s32 $0x680;
	[sflag:s20] =	ssyncadd.s32 $0xFFFFC000  }
0x1c7: {  	[spmem:s7] =	stream.indirect.scatter.add.f32 [tilespmem:s21], [sflag:$0x3], $0x80, s2, s26, $0xb8;
	[tilespmem:$0x1D580] =	vst v63  }
0x1c8: {  	_ =	swait.ge [sflag:s22], $0x4000  }
0x1c9: {  	[sflag:s22] =	ssyncset.done $0x0  }
0x1ca: {  	s2 =	simm.s32 $0x380;
	[sflag:s22] =	ssyncadd.s32 $0xFFFFC000  }
0x1cb: {  	[tilespmem:s21], [sflag:$0x2] =	stream.indirect.gather [hbm4b:s5+s26], $0x80, s2, s26, $0xb8;
	[tilespmem:$0x1D580] =	vst v63  }
0x1cc: {  	_ =	swait.ge [sflag:s19], $0x4000  }
0x1cd: {  	[sflag:s19] =	ssyncset.done $0x0  }
0x1ce: {  	s2 =	simm.s32 $0x700;
	[sflag:s19] =	ssyncadd.s32 $0xFFFFC000  }
0x1cf: {  	[spmem:s7] =	stream.indirect.scatter.add.f32 [tilespmem:s4], [sflag:$0x3], $0x80, s2, s26, $0xb8;
	[tilespmem:$0x1D580] =	vst v63  }
0x1d0: {  	_ =	swait.ge [sflag:s22], $0x4000  }
0x1d1: {  	[sflag:s22] =	ssyncset.done $0x0  }
0x1d2: {  	[sflag:s22] =	ssyncadd.s32 $0xFFFFC000  }
0x1d3: {  	_ =	swait.ge [sflag:s20], $0x4000  }
0x1d4: {  	p0 =	sne.s32 s12, $0x980;
	[sflag:s20] =	ssyncset.done $0x0  }
.Ltmp2:
0x1d5: {  	s4 =	simm.s32 $0x780;
	[sflag:s20] =	ssyncadd.s32 $0xFFFFC000;
	(pc) =	sbr.rel @p0 .LBB2_6-.Ltmp2, $4  }
0x1d6: {  	[spmem:s7] =	stream.indirect.scatter.add.f32 [tilespmem:s21], [sflag:$0x3], $0x80, s4, s26, $0xb8;
	[tilespmem:$0x1D580] =	vst v63  }
0x1d7: {  	_ =	swait.ge [sflag:s22], $0x4000  }
0x1d8: {  	[sflag:s22] =	ssyncset.done $0x0  }
0x1d9: {  	s12 =	sadd.s32 $0x80, s12;
	[sflag:s22] =	ssyncadd.s32 $0xFFFFC000  }
0x1da: {  	[bflag:$0x0] =	sbarrier.arrive $0xFFFF  }
0x1db: {  	s2 =	stileid.u32;
	s12 =	rddreg [dreg:$0x4]  }
0x1dc: {  	s2 =	sshll.u32 s2, $0x6;
	s21 =	rddreg [dreg:$0xa];
	s4 =	sshrl.u32 s12, $0x3  }
0x1dd: {  	s19 =	sor.u32 $0x1C03, s2;
	[dreg:$0x12] =	wrdreg s4  }
0x1de: {  	[hbm:s21], [sflag:s19] =	dma.local [spmem:s4], $0x2800  }
0x1df: {  	_ =	swait.ge [sflag:s22], $0x2800;
	[dreg:$0x11] =	wrdreg s19  }
0x1e0: {  	[sflag:s22] =	ssyncset.done $0x0;
	s4 =	rddreg [dreg:$0x9]  }
0x1e1: {  	s21 =	rddreg [dreg:$0xb];
	[sflag:s22] =	ssyncadd.s32 $0xFFFFD800;
	s2 =	sshrl.u32 s4, $0x3  }
0x1e2: {  	[hbm:s21], [sflag:s19] =	dma.local [spmem:s2], $0x50  }
0x1e3: {  	_ =	swait.ge [sflag:s22], $0x50  }
0x1e4: {  	[sflag:s22] =	ssyncset.done $0x0  }
0x1e5: {  	[sflag:s22] =	ssyncadd.s32 $0xFFFFFFB0  }
0x1e6: {  	s4 =	simm.s32 $0x200;
	s2 =	simm.s32 $0x0;
	[bflag:$0x0] =	sbarrier.arrive $0xFFFF  }
.LBB2_8:
0x1e7: {  	p0 =	sne.s32 s4, $0xFE00;
	[tilespmem:s2+$0x870] =	vst v2  }
0x1e8: {  	[tilespmem:s2+$0x800] =	vst v2  }
0x1e9: {  	[tilespmem:s2+$0x810] =	vst v2  }
.Ltmp3:
0x1ea: {  	[tilespmem:s2+$0x820] =	vst v2;
	(pc) =	sbr.rel @p0 .LBB2_8-.Ltmp3, $4  }
0x1eb: {  	[tilespmem:s2+$0x830] =	vst v2  }
0x1ec: {  	[tilespmem:s2+$0x840] =	vst v2  }
0x1ed: {  	[tilespmem:s2+$0x850] =	vst v2  }
0x1ee: {  	[tilespmem:s2+$0x860] =	vst v2;
	s2 =	sshra.s32 s4, $0x2;
	s4 =	sadd.s32 $0x200, s4  }
0x1ef: {  	[tilespmem:s2+$0x870] =	vst v2  }
0x1f0: {  	[tilespmem:s2+$0x800] =	vst v2  }
0x1f1: {  	[tilespmem:s2+$0x810] =	vst v2  }
0x1f2: {  	[tilespmem:s2+$0x820] =	vst v2  }
0x1f3: {  	[tilespmem:s2+$0x830] =	vst v2  }
0x1f4: {  	[tilespmem:s2+$0x840] =	vst v2  }
0x1f5: {  	[tilespmem:s2+$0x850] =	vst v2  }
0x1f6: {  	[tilespmem:s2+$0x860] =	vst v2;
	s4 =	simm.s32 $0x800  }
0x1f7: {  	[spmem:s12] =	stream.linear.scatter [tilespmem:s4], [sflag:$0x3], $0x4000, $0x38;
	[tilespmem:$0x1D580] =	vst v63  }
0x1f8: {  	_ =	swait.ge [sflag:s22], $0x4000  }
0x1f9: {  	[sflag:s22] =	ssyncset.done $0x0  }
0x1fa: {  	s21 =	rddreg [dreg:$0x5];
	[sflag:s22] =	ssyncadd.s32 $0xFFFFC000  }
0x1fb: {  	[spmem:s21] =	stream.linear.scatter [tilespmem:s4], [sflag:$0x3], $0x4000, $0x38;
	[tilespmem:$0x1D580] =	vst v63  }
0x1fc: {  	_ =	swait.ge [sflag:s22], $0x4000  }
0x1fd: {  	[sflag:s22] =	ssyncset.done $0x0  }
0x1fe: {  	s12 =	rddreg [dreg:$0x6];
	[sflag:s22] =	ssyncadd.s32 $0xFFFFC000  }
0x1ff: {  	[spmem:s12] =	stream.linear.scatter [tilespmem:s4], [sflag:$0x3], $0x4000, $0x38;
	[tilespmem:$0x1D580] =	vst v63  }
0x200: {  	_ =	swait.ge [sflag:s22], $0x4000  }
0x201: {  	[sflag:s22] =	ssyncset.done $0x0  }
0x202: {  	s19 =	rddreg [dreg:$0x7];
	[sflag:s22] =	ssyncadd.s32 $0xFFFFC000  }
0x203: {  	[spmem:s19] =	stream.linear.scatter [tilespmem:s4], [sflag:$0x3], $0x4000, $0x38;
	[tilespmem:$0x1D580] =	vst v63  }
0x204: {  	_ =	swait.ge [sflag:s22], $0x4000  }
0x205: {  	[sflag:s22] =	ssyncset.done $0x0  }
0x206: {  	s21 =	rddreg [dreg:$0x8];
	[sflag:s22] =	ssyncadd.s32 $0xFFFFC000  }
0x207: {  	[spmem:s21] =	stream.linear.scatter [tilespmem:s4], [sflag:$0x3], $0x4000, $0x38;
	[tilespmem:$0x1D580] =	vst v63  }
0x208: {  	_ =	swait.ge [sflag:s22], $0x4000  }
0x209: {  	[sflag:s22] =	ssyncset.done $0x0  }
0x20a: {  	[sflag:s22] =	ssyncadd.s32 $0xFFFFC000  }
0x20b: {  	s12 =	simm.s32 $0x0;
	s19 =	simm.s32 $0x1;
	[bflag:$0x0] =	sbarrier.arrive $0xFFFF  }
.LBB2_10:
0x20c: {  	s2 =	rddreg [dreg:$0xf]  }
0x20d: {  	s21 =	simm.s32 $0x0;
	s2 =	sadd.s32 s12, s2  }
0x20e: {  	[tilespmem:s21], [sflag:$0x3] =	stream.linear.gather [hbm4b:s2+s21], $0x400, $0x38;
	[tilespmem:$0x1D580] =	vst v63  }
0x20f: {  	_ =	swait.ge [sflag:s22], $0x400  }
0x210: {  	[sflag:s22] =	ssyncset.done $0x0;
	s4 =	rddreg [dreg:$0xe]  }
0x211: {  	[sflag:s22] =	ssyncadd.s32 $0xFFFFFC00;
	s2 =	sadd.s32 s12, s4;
	s4 =	simm.s32 $0x400  }
0x212: {  	[tilespmem:s4], [sflag:$0x3] =	stream.linear.gather [hbm4b:s2+s21], $0x400, $0x38;
	[tilespmem:$0x1D580] =	vst v63  }
0x213: {  	_ =	swait.ge [sflag:s22], $0x400  }
0x214: {  	[sflag:s22] =	ssyncset.done $0x0  }
0x215: {  	[sflag:s22] =	ssyncadd.s32 $0xFFFFFC00  }
0x216: {  	v3 =	vld [tilespmem:$0x0]  }
0x217: {  	v4 =	vld [tilespmem:$0x10]  }
0x218: {  	v5 =	vld [tilespmem:$0x20]  }
0x219: {  	v6 =	vld [tilespmem:$0x30]  }
0x21a: {  	v7 =	vld [tilespmem:$0x40]  }
0x21b: {  	v8 =	vld [tilespmem:$0x50];
	v3 =	vadd.s32 v1, v3  }
0x21c: {  	v58 =	vld [tilespmem:$0x60];
	[tilespmem:$0x0] =	vst v3;
	v3 =	vadd.s32 v1, v4  }
0x21d: {  	v59 =	vld [tilespmem:$0x70];
	[tilespmem:$0x10] =	vst v3;
	v3 =	vadd.s32 v1, v5  }
0x21e: {  	v60 =	vld [tilespmem:$0x80];
	[tilespmem:$0x20] =	vst v3;
	v3 =	vadd.s32 v1, v6  }
0x21f: {  	v61 =	vld [tilespmem:$0x90];
	[tilespmem:$0x30] =	vst v3;
	v3 =	vadd.s32 v1, v7  }
0x220: {  	v62 =	vld [tilespmem:$0xA0];
	[tilespmem:$0x40] =	vst v3;
	v3 =	vadd.s32 v1, v8  }
0x221: {  	v63 =	vld [tilespmem:$0xB0];
	[tilespmem:$0x50] =	vst v3;
	v3 =	vadd.s32 v1, v58  }
0x222: {  	v12 =	vld [tilespmem:$0xC0];
	[tilespmem:$0x60] =	vst v3;
	v3 =	vadd.s32 v1, v59  }
0x223: {  	v13 =	vld [tilespmem:$0xD0];
	[tilespmem:$0x70] =	vst v3;
	v3 =	vadd.s32 v1, v60  }
0x224: {  	v14 =	vld [tilespmem:$0xE0];
	[tilespmem:$0x80] =	vst v3;
	v3 =	vadd.s32 v1, v61  }
0x225: {  	v15 =	vld [tilespmem:$0xF0];
	[tilespmem:$0x90] =	vst v3;
	v3 =	vadd.s32 v1, v62  }
0x226: {  	v16 =	vld [tilespmem:$0x100];
	[tilespmem:$0xA0] =	vst v3;
	v3 =	vadd.s32 v1, v63  }
0x227: {  	v17 =	vld [tilespmem:$0x110];
	[tilespmem:$0xB0] =	vst v3;
	v3 =	vadd.s32 v1, v12  }
0x228: {  	v18 =	vld [tilespmem:$0x120];
	[tilespmem:$0xC0] =	vst v3;
	v3 =	vadd.s32 v1, v13  }
0x229: {  	v19 =	vld [tilespmem:$0x130];
	[tilespmem:$0xD0] =	vst v3;
	v3 =	vadd.s32 v1, v14  }
0x22a: {  	v20 =	vld [tilespmem:$0x140];
	[tilespmem:$0xE0] =	vst v3;
	v3 =	vadd.s32 v1, v15  }
0x22b: {  	v21 =	vld [tilespmem:$0x150];
	[tilespmem:$0xF0] =	vst v3;
	v3 =	vadd.s32 v1, v16  }
0x22c: {  	v22 =	vld [tilespmem:$0x160];
	[tilespmem:$0x100] =	vst v3;
	v3 =	vadd.s32 v1, v17  }
0x22d: {  	v23 =	vld [tilespmem:$0x170];
	[tilespmem:$0x110] =	vst v3;
	v3 =	vadd.s32 v1, v18  }
0x22e: {  	v24 =	vld [tilespmem:$0x180];
	[tilespmem:$0x120] =	vst v3;
	v3 =	vadd.s32 v1, v19  }
0x22f: {  	v25 =	vld [tilespmem:$0x190];
	[tilespmem:$0x130] =	vst v3;
	v3 =	vadd.s32 v1, v20  }
0x230: {  	v26 =	vld [tilespmem:$0x1A0];
	[tilespmem:$0x140] =	vst v3;
	v3 =	vadd.s32 v1, v21  }
0x231: {  	v27 =	vld [tilespmem:$0x1B0];
	[tilespmem:$0x150] =	vst v3;
	v3 =	vadd.s32 v1, v22  }
0x232: {  	v28 =	vld [tilespmem:$0x1C0];
	[tilespmem:$0x160] =	vst v3;
	v3 =	vadd.s32 v1, v23  }
0x233: {  	v29 =	vld [tilespmem:$0x1D0];
	[tilespmem:$0x170] =	vst v3;
	v3 =	vadd.s32 v1, v24  }
0x234: {  	v30 =	vld [tilespmem:$0x1E0];
	[tilespmem:$0x180] =	vst v3;
	v3 =	vadd.s32 v1, v25  }
0x235: {  	v31 =	vld [tilespmem:$0x1F0];
	[tilespmem:$0x190] =	vst v3;
	v3 =	vadd.s32 v1, v26  }
0x236: {  	v32 =	vld [tilespmem:$0x200];
	[tilespmem:$0x1A0] =	vst v3;
	v3 =	vadd.s32 v1, v27  }
0x237: {  	v33 =	vld [tilespmem:$0x210];
	[tilespmem:$0x1B0] =	vst v3;
	v3 =	vadd.s32 v1, v28  }
0x238: {  	v34 =	vld [tilespmem:$0x220];
	[tilespmem:$0x1C0] =	vst v3;
	v3 =	vadd.s32 v1, v29  }
0x239: {  	v35 =	vld [tilespmem:$0x230];
	[tilespmem:$0x1D0] =	vst v3;
	v3 =	vadd.s32 v1, v30  }
0x23a: {  	v36 =	vld [tilespmem:$0x240];
	[tilespmem:$0x1E0] =	vst v3;
	v3 =	vadd.s32 v1, v31  }
0x23b: {  	v37 =	vld [tilespmem:$0x250];
	[tilespmem:$0x1F0] =	vst v3;
	v3 =	vadd.s32 v1, v32  }
0x23c: {  	v38 =	vld [tilespmem:$0x260];
	[tilespmem:$0x200] =	vst v3;
	v3 =	vadd.s32 v1, v33  }
0x23d: {  	v39 =	vld [tilespmem:$0x270];
	[tilespmem:$0x210] =	vst v3;
	v3 =	vadd.s32 v1, v34  }
0x23e: {  	v40 =	vld [tilespmem:$0x280];
	[tilespmem:$0x220] =	vst v3;
	v3 =	vadd.s32 v1, v35  }
0x23f: {  	v41 =	vld [tilespmem:$0x290];
	[tilespmem:$0x230] =	vst v3;
	v3 =	vadd.s32 v1, v36  }
0x240: {  	v42 =	vld [tilespmem:$0x2A0];
	[tilespmem:$0x240] =	vst v3;
	v3 =	vadd.s32 v1, v37  }
0x241: {  	v43 =	vld [tilespmem:$0x2B0];
	[tilespmem:$0x250] =	vst v3;
	v3 =	vadd.s32 v1, v38  }
0x242: {  	v44 =	vld [tilespmem:$0x2C0];
	[tilespmem:$0x260] =	vst v3;
	v3 =	vadd.s32 v1, v39  }
0x243: {  	v45 =	vld [tilespmem:$0x2D0];
	[tilespmem:$0x270] =	vst v3;
	v3 =	vadd.s32 v1, v40  }
0x244: {  	v46 =	vld [tilespmem:$0x2E0];
	[tilespmem:$0x280] =	vst v3;
	v3 =	vadd.s32 v1, v41  }
0x245: {  	v47 =	vld [tilespmem:$0x2F0];
	[tilespmem:$0x290] =	vst v3;
	v3 =	vadd.s32 v1, v42  }
0x246: {  	v48 =	vld [tilespmem:$0x300];
	[tilespmem:$0x2A0] =	vst v3;
	v3 =	vadd.s32 v1, v43  }
0x247: {  	v49 =	vld [tilespmem:$0x310];
	[tilespmem:$0x2B0] =	vst v3;
	v3 =	vadd.s32 v1, v44  }
0x248: {  	v50 =	vld [tilespmem:$0x320];
	[tilespmem:$0x2C0] =	vst v3;
	v3 =	vadd.s32 v1, v45  }
0x249: {  	v51 =	vld [tilespmem:$0x330];
	[tilespmem:$0x2D0] =	vst v3;
	v3 =	vadd.s32 v1, v46  }
0x24a: {  	v52 =	vld [tilespmem:$0x340];
	[tilespmem:$0x2E0] =	vst v3;
	v3 =	vadd.s32 v1, v47  }
0x24b: {  	v53 =	vld [tilespmem:$0x350];
	[tilespmem:$0x2F0] =	vst v3;
	v3 =	vadd.s32 v1, v48  }
0x24c: {  	v54 =	vld [tilespmem:$0x360];
	[tilespmem:$0x300] =	vst v3;
	v3 =	vadd.s32 v1, v49  }
0x24d: {  	v55 =	vld [tilespmem:$0x370];
	[tilespmem:$0x310] =	vst v3;
	v3 =	vadd.s32 v1, v50  }
0x24e: {  	v56 =	vld [tilespmem:$0x380];
	[tilespmem:$0x320] =	vst v3;
	v3 =	vadd.s32 v1, v51  }
0x24f: {  	v57 =	vld [tilespmem:$0x390];
	[tilespmem:$0x330] =	vst v3;
	v3 =	vadd.s32 v1, v52  }
0x250: {  	v58 =	vld [tilespmem:$0x3A0];
	[tilespmem:$0x340] =	vst v3;
	v3 =	vadd.s32 v1, v53  }
0x251: {  	v59 =	vld [tilespmem:$0x3B0];
	[tilespmem:$0x350] =	vst v3;
	v3 =	vadd.s32 v1, v54  }
0x252: {  	v60 =	vld [tilespmem:$0x3C0];
	[tilespmem:$0x360] =	vst v3;
	v3 =	vadd.s32 v1, v55  }
0x253: {  	v61 =	vld [tilespmem:$0x3D0];
	[tilespmem:$0x370] =	vst v3;
	v3 =	vadd.s32 v1, v56  }
0x254: {  	v62 =	vld [tilespmem:$0x3E0];
	[tilespmem:$0x380] =	vst v3;
	v3 =	vadd.s32 v1, v57  }
0x255: {  	v63 =	vld [tilespmem:$0x3F0];
	[tilespmem:$0x390] =	vst v3;
	v3 =	vadd.s32 v1, v58  }
0x256: {  	[tilespmem:$0x3A0] =	vst v3;
	v3 =	vadd.s32 v1, v59  }
0x257: {  	[tilespmem:$0x3B0] =	vst v3;
	v3 =	vadd.s32 v1, v60  }
0x258: {  	[tilespmem:$0x3C0] =	vst v3;
	v3 =	vadd.s32 v1, v61  }
0x259: {  	[tilespmem:$0x3D0] =	vst v3;
	v3 =	vadd.s32 v1, v62  }
0x25a: {  	[tilespmem:$0x3E0] =	vst v3;
	v3 =	vadd.s32 v1, v63  }
0x25b: {  	s21 =	simm.s32 $0x0;
	s4 =	simm.s32 $0x800;
	[tilespmem:$0x3F0] =	vst v3  }
0x25c: {  	[tilespmem:s4], [sflag:$0x1] =	stream.indirect.gather [hbm4b:s5+s26], $0x80, s21, s26, $0xb8;
	[tilespmem:$0x1D580] =	vst v63  }
0x25d: {  	s21 =	simm.s32 $0x4800  }
0x25e: {  	[tilespmem:s21], [sflag:$0x2] =	stream.indirect.gather [hbm4b:s5+s26], $0x80, s26, s26, $0xb8;
	[tilespmem:$0x1D580] =	vst v63  }
0x25f: {  	_ =	swait.ge [sflag:s19], $0x4000  }
0x260: {  	[sflag:s19] =	ssyncset.done $0x0  }
0x261: {  	s2 =	simm.s32 $0x400;
	[sflag:s19] =	ssyncadd.s32 $0xFFFFC000  }
0x262: {  	[spmem:s7] =	stream.indirect.scatter.add.f32 [tilespmem:s4], [sflag:$0x3], $0x80, s2, s26, $0xb8;
	[tilespmem:$0x1D580] =	vst v63  }
0x263: {  	_ =	swait.ge [sflag:s22], $0x4000  }
0x264: {  	[sflag:s22] =	ssyncset.done $0x0  }
0x265: {  	s2 =	simm.s32 $0x100;
	[sflag:s22] =	ssyncadd.s32 $0xFFFFC000  }
0x266: {  	[tilespmem:s4], [sflag:$0x1] =	stream.indirect.gather [hbm4b:s5+s26], $0x80, s2, s26, $0xb8;
	[tilespmem:$0x1D580] =	vst v63  }
0x267: {  	_ =	swait.ge [sflag:s20], $0x4000  }
0x268: {  	[sflag:s20] =	ssyncset.done $0x0  }
0x269: {  	s2 =	simm.s32 $0x480;
	[sflag:s20] =	ssyncadd.s32 $0xFFFFC000  }
0x26a: {  	[spmem:s7] =	stream.indirect.scatter.add.f32 [tilespmem:s21], [sflag:$0x3], $0x80, s2, s26, $0xb8;
	[tilespmem:$0x1D580] =	vst v63  }
0x26b: {  	_ =	swait.ge [sflag:s22], $0x4000  }
0x26c: {  	[sflag:s22] =	ssyncset.done $0x0  }
0x26d: {  	s2 =	simm.s32 $0x180;
	[sflag:s22] =	ssyncadd.s32 $0xFFFFC000  }
0x26e: {  	[tilespmem:s21], [sflag:$0x2] =	stream.indirect.gather [hbm4b:s5+s26], $0x80, s2, s26, $0xb8;
	[tilespmem:$0x1D580] =	vst v63  }
0x26f: {  	_ =	swait.ge [sflag:s19], $0x4000  }
0x270: {  	[sflag:s19] =	ssyncset.done $0x0  }
0x271: {  	s2 =	simm.s32 $0x500;
	[sflag:s19] =	ssyncadd.s32 $0xFFFFC000  }
0x272: {  	[spmem:s7] =	stream.indirect.scatter.add.f32 [tilespmem:s4], [sflag:$0x3], $0x80, s2, s26, $0xb8;
	[tilespmem:$0x1D580] =	vst v63  }
0x273: {  	_ =	swait.ge [sflag:s22], $0x4000  }
0x274: {  	[sflag:s22] =	ssyncset.done $0x0  }
0x275: {  	s2 =	simm.s32 $0x200;
	[sflag:s22] =	ssyncadd.s32 $0xFFFFC000  }
0x276: {  	[tilespmem:s4], [sflag:$0x1] =	stream.indirect.gather [hbm4b:s5+s26], $0x80, s2, s26, $0xb8;
	[tilespmem:$0x1D580] =	vst v63  }
0x277: {  	_ =	swait.ge [sflag:s20], $0x4000  }
0x278: {  	[sflag:s20] =	ssyncset.done $0x0  }
0x279: {  	s2 =	simm.s32 $0x580;
	[sflag:s20] =	ssyncadd.s32 $0xFFFFC000  }
0x27a: {  	[spmem:s7] =	stream.indirect.scatter.add.f32 [tilespmem:s21], [sflag:$0x3], $0x80, s2, s26, $0xb8;
	[tilespmem:$0x1D580] =	vst v63  }
0x27b: {  	_ =	swait.ge [sflag:s22], $0x4000  }
0x27c: {  	[sflag:s22] =	ssyncset.done $0x0  }
0x27d: {  	s2 =	simm.s32 $0x280;
	[sflag:s22] =	ssyncadd.s32 $0xFFFFC000  }
0x27e: {  	[tilespmem:s21], [sflag:$0x2] =	stream.indirect.gather [hbm4b:s5+s26], $0x80, s2, s26, $0xb8;
	[tilespmem:$0x1D580] =	vst v63  }
0x27f: {  	_ =	swait.ge [sflag:s19], $0x4000  }
0x280: {  	[sflag:s19] =	ssyncset.done $0x0  }
0x281: {  	s2 =	simm.s32 $0x600;
	[sflag:s19] =	ssyncadd.s32 $0xFFFFC000  }
0x282: {  	[spmem:s7] =	stream.indirect.scatter.add.f32 [tilespmem:s4], [sflag:$0x3], $0x80, s2, s26, $0xb8;
	[tilespmem:$0x1D580] =	vst v63  }
0x283: {  	_ =	swait.ge [sflag:s22], $0x4000  }
0x284: {  	[sflag:s22] =	ssyncset.done $0x0  }
0x285: {  	s2 =	simm.s32 $0x300;
	[sflag:s22] =	ssyncadd.s32 $0xFFFFC000  }
0x286: {  	[tilespmem:s4], [sflag:$0x1] =	stream.indirect.gather [hbm4b:s5+s26], $0x80, s2, s26, $0xb8;
	[tilespmem:$0x1D580] =	vst v63  }
0x287: {  	_ =	swait.ge [sflag:s20], $0x4000  }
0x288: {  	[sflag:s20] =	ssyncset.done $0x0  }
0x289: {  	s2 =	simm.s32 $0x680;
	[sflag:s20] =	ssyncadd.s32 $0xFFFFC000  }
0x28a: {  	[spmem:s7] =	stream.indirect.scatter.add.f32 [tilespmem:s21], [sflag:$0x3], $0x80, s2, s26, $0xb8;
	[tilespmem:$0x1D580] =	vst v63  }
0x28b: {  	_ =	swait.ge [sflag:s22], $0x4000  }
0x28c: {  	[sflag:s22] =	ssyncset.done $0x0  }
0x28d: {  	s2 =	simm.s32 $0x380;
	[sflag:s22] =	ssyncadd.s32 $0xFFFFC000  }
0x28e: {  	[tilespmem:s21], [sflag:$0x2] =	stream.indirect.gather [hbm4b:s5+s26], $0x80, s2, s26, $0xb8;
	[tilespmem:$0x1D580] =	vst v63  }
0x28f: {  	_ =	swait.ge [sflag:s19], $0x4000  }
0x290: {  	[sflag:s19] =	ssyncset.done $0x0  }
0x291: {  	s2 =	simm.s32 $0x700;
	[sflag:s19] =	ssyncadd.s32 $0xFFFFC000  }
0x292: {  	[spmem:s7] =	stream.indirect.scatter.add.f32 [tilespmem:s4], [sflag:$0x3], $0x80, s2, s26, $0xb8;
	[tilespmem:$0x1D580] =	vst v63  }
0x293: {  	_ =	swait.ge [sflag:s22], $0x4000  }
0x294: {  	[sflag:s22] =	ssyncset.done $0x0  }
0x295: {  	[sflag:s22] =	ssyncadd.s32 $0xFFFFC000  }
0x296: {  	_ =	swait.ge [sflag:s20], $0x4000  }
0x297: {  	p0 =	sne.s32 s12, $0x980;
	[sflag:s20] =	ssyncset.done $0x0  }
.Ltmp4:
0x298: {  	s4 =	simm.s32 $0x780;
	[sflag:s20] =	ssyncadd.s32 $0xFFFFC000;
	(pc) =	sbr.rel @p0 .LBB2_10-.Ltmp4, $4  }
0x299: {  	[spmem:s7] =	stream.indirect.scatter.add.f32 [tilespmem:s21], [sflag:$0x3], $0x80, s4, s26, $0xb8;
	[tilespmem:$0x1D580] =	vst v63  }
0x29a: {  	_ =	swait.ge [sflag:s22], $0x4000  }
0x29b: {  	[sflag:s22] =	ssyncset.done $0x0  }
0x29c: {  	s12 =	sadd.s32 $0x80, s12;
	[sflag:s22] =	ssyncadd.s32 $0xFFFFC000  }
0x29d: {  	[bflag:$0x0] =	sbarrier.arrive $0xFFFF  }
0x29e: {  	s2 =	rddreg [dreg:$0xc]  }
0x29f: {  	s4 =	rddreg [dreg:$0x11]  }
0x2a0: {  	s7 =	rddreg [dreg:$0x12]  }
0x2a1: {  	[hbm:s2], [sflag:s4] =	dma.local [spmem:s7], $0x2800  }
0x2a2: {  	_ =	swait.ge [sflag:s22], $0x2800  }
0x2a3: {  	s20 =	rddreg [dreg:$0x10]  }
0x2a4: {  	s21 =	rddreg [dreg:$0xd];
	s4 =	sadd.s32 $0x1, s20  }
0x2a5: {  	p0 =	sne.s32 s4, s21  }
.Ltmp5:
0x2a6: {  	_ = 	snop;
	(pc) =	sbr.rel @p0 .LBB2_1-.Ltmp5, $4  }
0x2a7: {  	[sflag:s22] =	ssyncset.done $0x0  }
0x2a8: {  	[sflag:s22] =	ssyncadd.s32 $0xFFFFD800  }
0x2a9: {  	[bflag:$0x0] =	sbarrier.arrive $0xFFFF  }
0x2aa: {  	s7 =	simm.s32 $0x800;
	s19 =	rddreg [dreg:$0x4]  }
0x2ab: {  	_ =	sfence.sel $0x180000  }
0x2ac: {  	[bflag:$0x0] =	sbarrier.arrive $0xFFFF  }
0x2ad: {  	_ =	strace $0x9000004A  }
0x2ae: {  	s0 =	stileid.u32;
	[bflag:$0x2] =	sbarrier.arrive $0xFFFF  }
0x2af: {  	p0 =	sne.s32 s0, $0x0;
	s0 =	rddreg [dreg:$0x3]  }
0x2b0: {  	s0 =	sadd.s32 @!p0 $0x100000, s0  }
0x2b1: {  	[sflag:s0] =	ssyncadd.tile.s32 @!p0 $0x1;
	_ =	shalt  }
.Lfunc_end2:
_tile_overlayer_lowered:
.L_overlay_start_2:
0x2b2: {  	(tag) =	ssettag $0x2  }
0x2b3: {  	s0 =	rddreg [dreg:$0x0];
	s2 =	stileid.u32  }
0x2b4: {  	s1 =	rddreg [dreg:$0x1];
	p0 =	sne.s32 s2, $0x0  }
0x2b5: {  	s3 =	rddreg [dreg:$0x2];
	[bflag:$0x3] =	sbarrier.arrive $0xFFFF;
	s2 =	simm.s32 @!p0 $0x1C03  }
0x2b6: {  	[timem:s3], [sflag:s2] =	dma.local @!p0 [hbm:s0], s1  }
0x2b7: {  	s0 =	simm.s32 @!p0 $0x3  }
0x2b8: {  	_ =	swait.ge @!p0 [sflag:s0], s1  }
0x2b9: {  	s1 =	ssub.s32 @!p0 $0x0, s1;
	[sflag:s0] =	ssyncset.done @!p0 $0x0  }
0x2ba: {  	[sflag:s0] =	ssyncadd.s32 @!p0 s1  }
0x2bb: {  	[bflag:$0x3] =	sbarrier.arrive $0xFFFF  }
0x2bc: {  	_ =	shalt  }

</sc_bundles>
